<compile_context>
chip_gen: v7x
topology: tpu7x:2x2x1
jax: 0.10.2.dev20260603
libtpu: 0.0.44.dev20260713+nightly
codegen_flags: <defaults>
</compile_context>

<pallas_src>
import functools

import jax
import jax.numpy as jnp
from jax import lax
from jax.experimental import pallas as pl
from jax.experimental.pallas import tpu as pltpu
from jax.experimental.pallas import tpu_sc as plsc

IOU_THRESHOLD = 0.5
MAX_DET = 300
PAD_DET = 304
BATCH = 8
NUM_BOXES = 20000
L = 16
NBLK = PAD_DET // L
NVEC = NUM_BOXES // L
NO = 50
NI = 25
BAND = 1024
INT32_MAX = 2147483647
RB_KEY = 0
RB_IDX = NUM_BOXES
RA_KEY = 2 * NUM_BOXES
RA_IDX = 3 * NUM_BOXES


def _nms_body(scores_hbm, boxes_hbm, cls_hbm, thr_hbm,
              keep_out, score_out, bx1_out, by1_out, bx2_out, by2_out,
              cls_out, cnt_out,
              big_v, idx_s, scores_v, thr_v, hist,
              kx1, ky1, kx2, ky2, karea,
              st_keep, st_safe, st_score, st_cls, st_cnt,
              cnt_smem, c_smem):
    c = lax.axis_index("c")
    s = lax.axis_index("s")
    wid = s * 2 + c

    @pl.when(wid < BATCH)
    def _():
        b = wid
        lane = lax.iota(jnp.int32, L)
        lane0 = lane == 0
        ones = jnp.ones((L,), jnp.int32)
        zi = jnp.zeros((L,), jnp.int32)
        zf = jnp.zeros((L,), jnp.float32)
        neg1 = jnp.full((L,), -1, jnp.int32)
        m255 = jnp.full((L,), 255, jnp.int32)
        sh4 = jnp.full((L,), 4, jnp.int32)
        sh24 = jnp.full((L,), 24, jnp.int32)
        colfull = lane * jnp.int32(NVEC)

        pltpu.sync_copy(scores_hbm.at[b], scores_v)
        pltpu.sync_copy(thr_hbm.at[b], thr_v)
        cnt_smem[0] = jnp.int32(0)
        c_smem[0] = jnp.int32(0)
        msbv = jnp.full((L,), -2147483648, jnp.int32)

        def round_body(r, rcarry):
            need = (r == 0) | ((cnt_smem[0] < MAX_DET)
                               & (c_smem[0] < NUM_BOXES))

            @pl.when(need)
            def _():
                def mkkey(sf):
                    bits = plsc.bitcast(sf, jnp.int32)
                    ku = jnp.where(bits < 0, ~bits,
                                   bits ^ jnp.int32(-2147483648))
                    return ~ku

                def zero_body(i, cc):
                    hist[pl.ds(i * L, L)] = zi
                    return cc

                def pfx_body(i, carry_in):
                    vec = hist[pl.ds(i * L, L)]
                    inc = plsc.cumsum(vec)
                    hist[pl.ds(i * L, L)] = (
                        jnp.full((L,), carry_in) + inc - vec)
                    return carry_in + inc[L - 1]

                thrv = thr_v[...]
                rall = jnp.full((L,), r > 0)

                def compact_body(v, off):
                    p = v * L
                    k = mkkey(scores_v[pl.ds(p, L)])
                    iv = jnp.full((L,), p, jnp.int32) + lane
                    sel = ((k ^ msbv) <= thrv) | rall
                    plsc.store_compressed(
                        big_v.at[pl.ds(RB_KEY + off, L)],
                        plsc.bitcast(k, jnp.float32), mask=sel)
                    plsc.store_compressed(
                        big_v.at[pl.ds(RB_IDX + off, L)],
                        plsc.bitcast(iv, jnp.float32), mask=sel)
                    pc = plsc.all_reduce_population_count(sel)
                    return off + pc[0]

                csz = lax.fori_loop(0, NVEC, compact_body, jnp.int32(0))
                c_smem[0] = csz

                cpl = (csz + (L - 1)) // L
                cplv = jnp.full((L,), cpl)
                cv = jnp.full((L,), csz)
                colband = lane * cpl

                for p in range(4):
                    src_k = RB_KEY if p % 2 == 0 else RA_KEY
                    dst_k = RA_KEY if p % 2 == 0 else RB_KEY
                    shiftv = jnp.full((L,), p * 8, jnp.int32)

                    lax.fori_loop(0, 256, zero_body, jnp.int32(0))

                    def histb_outer(o, cc):
                        @pl.when(o * NI < cpl)
                        def _():
                            def histb_inner(vi, ci):
                                v = o * NI + vi
                                e = colband + v
                                m = (jnp.full((L,), v) < cplv) & (e < cv)
                                kf = plsc.load_gather(big_v, [e + src_k])
                                k = plsc.bitcast(kf, jnp.int32)
                                d = lax.shift_right_logical(k, shiftv) & m255
                                addr = lax.shift_left(d, sh4) | lane
                                plsc.addupdate_scatter(
                                    hist, [addr], ones, mask=m)
                                return ci

                            lax.fori_loop(0, NI, histb_inner, jnp.int32(0))

                        return cc

                    lax.fori_loop(0, NO, histb_outer, jnp.int32(0))
                    lax.fori_loop(0, 256, pfx_body, jnp.int32(0))

                    def scatb_outer(o, cc):
                        @pl.when(o * NI < cpl)
                        def _():
                            def scatb_inner(vi, ci):
                                v = o * NI + vi
                                e = colband + v
                                m = (jnp.full((L,), v) < cplv) & (e < cv)
                                kf = plsc.load_gather(big_v, [e + src_k])
                                inf = plsc.load_gather(
                                    big_v, [e + src_k + NUM_BOXES])
                                k = plsc.bitcast(kf, jnp.int32)
                                d = lax.shift_right_logical(k, shiftv) & m255
                                addr = lax.shift_left(d, sh4) | lane
                                ofs = plsc.load_gather(hist, [addr])
                                plsc.store_scatter(
                                    hist, [addr], ofs + 1, mask=m)
                                plsc.store_scatter(
                                    big_v, [ofs + dst_k], kf, mask=m)
                                plsc.store_scatter(
                                    big_v, [ofs + dst_k + NUM_BOXES], inf,
                                    mask=m)
                                return ci

                            lax.fori_loop(0, NI, scatb_inner, jnp.int32(0))

                        return cc

                    lax.fori_loop(0, NO, scatb_outer, jnp.int32(0))

                def save_outer(o, cc):
                    @pl.when(o * (NI * L) < csz + L)
                    def _():
                        def save_body(vi, ci):
                            p = (o * NI + vi) * L
                            f = big_v[pl.ds(RB_IDX + p, L)]
                            iv = plsc.bitcast(f, jnp.int32)
                            pos = jnp.full((L,), p, jnp.int32) + lane
                            idx_s[pl.ds(p, L)] = jnp.where(pos < cv, iv, 0)
                            return ci

                        lax.fori_loop(0, NI, save_body, jnp.int32(0))

                    return cc

                lax.fori_loop(0, NO, save_outer, jnp.int32(0))

                pltpu.sync_copy(boxes_hbm.at[b], big_v)

                for k in range(NBLK):
                    sl = pl.ds(k * L, L)
                    kx1[sl] = zf
                    ky1[sl] = zf
                    kx2[sl] = zf
                    ky2[sl] = zf
                    karea[sl] = zf
                    st_keep[sl] = neg1
                    st_safe[sl] = zi
                cnt_smem[0] = jnp.int32(0)

                def scan_blk(blk, carry):
                    @pl.when((cnt_smem[0] < MAX_DET) & (blk * L < csz))
                    def _():
                        pos = blk * L
                        idx16 = idx_s[pl.ds(pos, L)]
                        i4 = idx16 * 4
                        cx1 = plsc.load_gather(big_v, [i4])
                        cy1 = plsc.load_gather(big_v, [i4 + 1])
                        cx2 = plsc.load_gather(big_v, [i4 + 2])
                        cy2 = plsc.load_gather(big_v, [i4 + 3])
                        careas = (cx2 - cx1) * (cy2 - cy1)

                        for j in range(L):
                            cnt = cnt_smem[0]
                            ax1 = jnp.full((L,), cx1[j])
                            ay1 = jnp.full((L,), cy1[j])
                            ax2 = jnp.full((L,), cx2[j])
                            ay2 = jnp.full((L,), cy2[j])
                            aar = jnp.full((L,), careas[j])

                            def iou_blk(k, acc):
                                sl = pl.ds(k * L, L)
                                w = jnp.maximum(
                                    jnp.minimum(kx2[sl], ax2)
                                    - jnp.maximum(kx1[sl], ax1), 0.0)
                                h = jnp.maximum(
                                    jnp.minimum(ky2[sl], ay2)
                                    - jnp.maximum(ky1[sl], ay1), 0.0)
                                inter = w * h
                                denom = karea[sl] + aar - inter
                                return jnp.maximum(
                                    acc, inter - IOU_THRESHOLD * denom)

                            metric = lax.fori_loop(
                                0, NBLK, iou_blk,
                                jnp.full((L,), -1.0, jnp.float32))
                            mmax = lax.reduce_max_p.bind(metric, axes=(0,))
                            keep_j = ((cnt < MAX_DET)
                                      & (mmax <= 0.0)
                                      & (pos + j < csz))
                            m = lane0 & jnp.full((L,), keep_j)
                            idxv = jnp.full((L,), cnt, jnp.int32)
                            plsc.store_scatter(kx1, [idxv], ax1, mask=m)
                            plsc.store_scatter(ky1, [idxv], ay1, mask=m)
                            plsc.store_scatter(kx2, [idxv], ax2, mask=m)
                            plsc.store_scatter(ky2, [idxv], ay2, mask=m)
                            plsc.store_scatter(karea, [idxv], aar, mask=m)
                            oidx = jnp.full((L,), idx16[j], jnp.int32)
                            plsc.store_scatter(st_keep, [idxv], oidx, mask=m)
                            plsc.store_scatter(st_safe, [idxv], oidx, mask=m)
                            cnt_smem[0] = cnt + keep_j.astype(jnp.int32)

                    return carry

                lax.fori_loop(0, NVEC, scan_blk, jnp.int32(0))

            return rcarry

        lax.fori_loop(0, 2, round_body, jnp.int32(0))

        cnt = cnt_smem[0]
        st_cnt[...] = jnp.full((L,), cnt, jnp.int32)

        pltpu.sync_copy(cls_hbm.at[b], idx_s)
        for k in range(NBLK):
            sl = pl.ds(k * L, L)
            kidx = st_safe[sl]
            raw = st_keep[sl]
            valid = raw >= 0
            sc = plsc.load_gather(scores_v, [kidx])
            cl = plsc.load_gather(idx_s, [kidx])
            st_score[sl] = jnp.where(valid, sc, 0.0)
            st_cls[sl] = jnp.where(valid, cl, INT32_MAX)

        pltpu.sync_copy(st_keep, keep_out.at[b])
        pltpu.sync_copy(st_score, score_out.at[b])
        pltpu.sync_copy(kx1, bx1_out.at[b])
        pltpu.sync_copy(ky1, by1_out.at[b])
        pltpu.sync_copy(kx2, bx2_out.at[b])
        pltpu.sync_copy(ky2, by2_out.at[b])
        pltpu.sync_copy(st_cls, cls_out.at[b])
        pltpu.sync_copy(st_cnt, cnt_out.at[b])


_sc_nms = functools.partial(
    pl.kernel,
    out_type=(
        jax.ShapeDtypeStruct((BATCH, PAD_DET), jnp.int32),
        jax.ShapeDtypeStruct((BATCH, PAD_DET), jnp.float32),
        jax.ShapeDtypeStruct((BATCH, PAD_DET), jnp.float32),
        jax.ShapeDtypeStruct((BATCH, PAD_DET), jnp.float32),
        jax.ShapeDtypeStruct((BATCH, PAD_DET), jnp.float32),
        jax.ShapeDtypeStruct((BATCH, PAD_DET), jnp.float32),
        jax.ShapeDtypeStruct((BATCH, PAD_DET), jnp.int32),
        jax.ShapeDtypeStruct((BATCH, L), jnp.int32),
    ),
    mesh=plsc.VectorSubcoreMesh(core_axis_name="c", subcore_axis_name="s"),
    compiler_params=pltpu.CompilerParams(needs_layout_passes=False),
    scratch_types=[
        pltpu.VMEM((4 * NUM_BOXES,), jnp.float32),
        pltpu.VMEM((NUM_BOXES,), jnp.int32),
        pltpu.VMEM((NUM_BOXES,), jnp.float32),
        pltpu.VMEM((L,), jnp.int32),
        pltpu.VMEM((4096,), jnp.int32),
        pltpu.VMEM((PAD_DET,), jnp.float32),
        pltpu.VMEM((PAD_DET,), jnp.float32),
        pltpu.VMEM((PAD_DET,), jnp.float32),
        pltpu.VMEM((PAD_DET,), jnp.float32),
        pltpu.VMEM((PAD_DET,), jnp.float32),
        pltpu.VMEM((PAD_DET,), jnp.int32),
        pltpu.VMEM((PAD_DET,), jnp.int32),
        pltpu.VMEM((PAD_DET,), jnp.float32),
        pltpu.VMEM((PAD_DET,), jnp.int32),
        pltpu.VMEM((L,), jnp.int32),
        pltpu.SMEM((1,), jnp.int32),
        pltpu.SMEM((1,), jnp.int32),
    ],
)(_nms_body)


def kernel(scores, boxes, classes):
    B, N = scores.shape
    boxes_flat = boxes.reshape(B, 4 * N)
    sv, _ = lax.top_k(scores[:, ::16], 64)
    t = sv[:, 63]
    bits = lax.bitcast_convert_type(t, jnp.int32)
    ku = jnp.where(bits < 0, ~bits, bits ^ jnp.int32(-2147483648))
    thr = (~ku) ^ jnp.int32(-2147483648)
    thr16 = jnp.broadcast_to(thr[:, None], (B, L)).astype(jnp.int32)
    keep, osc, ox1, oy1, ox2, oy2, ocl, ocnt = _sc_nms(
        scores, boxes_flat, classes.astype(jnp.int32), thr16)
    out_boxes = jnp.stack([ox1, oy1, ox2, oy2], axis=-1)[:, :MAX_DET, :]
    return (
        keep[:, :MAX_DET],
        osc[:, :MAX_DET],
        out_boxes,
        ocl[:, :MAX_DET],
        ocnt[:, 0],
    )

# --- scband reference (transcript-rebuilt; emitter-appended) ---
"""Pipeline reference for scband-nms-9165460209921 (READ-ONLY COPY).

The authoritative reference and input builder live on the scoring server;
editing this copy changes nothing except your own understanding.
"""

import jax, jax.numpy as jnp
from jax import lax
import numpy as np

IOU_THRESHOLD = 0.5
SCORE_THRESHOLD = 0.05
MAX_DETECTIONS = 300
BATCH = 8
NUM_BOXES = 20000


def setup_inputs(seed: int = 0) -> dict:
    key = jax.random.key(seed)
    k1, k2, k3, k4 = jax.random.split(key, 4)
    scores = jax.random.uniform(k1, (BATCH, NUM_BOXES), dtype=jnp.float32)
    # Build valid (xmin, ymin, xmax, ymax) boxes: corner + positive width/height
    xy = jax.random.uniform(k2, (BATCH, NUM_BOXES, 2), dtype=jnp.float32) * 1000.0
    wh = jax.random.uniform(k3, (BATCH, NUM_BOXES, 2), dtype=jnp.float32) * 100.0 + 1.0
    boxes = jnp.concatenate([xy, xy + wh], axis=-1)
    classes = jax.random.randint(k4, (BATCH, NUM_BOXES), 0, 80)
    return {"scores": scores, "boxes": boxes, "classes": classes}


def _nms_single(boxes, scores, iou_threshold, max_detections):
    # Greedy class-agnostic NMS, identical semantics to torchvision.ops.nms
    # (keep boxes in descending score order, suppress IoU > threshold).
    x1 = boxes[:, 0]; y1 = boxes[:, 1]; x2 = boxes[:, 2]; y2 = boxes[:, 3]
    areas = (x2 - x1) * (y2 - y1)
    num_boxes = scores.shape[0]

    def body(i, state):
        suppressed, keep, count = state
        valid = jnp.any(~suppressed)
        masked = jnp.where(suppressed, -jnp.inf, scores)
        idx = jnp.argmax(masked)
        keep = keep.at[i].set(jnp.where(valid, idx.astype(jnp.int32), jnp.int32(-1)))
        count = count + valid.astype(jnp.int32)
        xx1 = jnp.maximum(x1[idx], x1)
        yy1 = jnp.maximum(y1[idx], y1)
        xx2 = jnp.minimum(x2[idx], x2)
        yy2 = jnp.minimum(y2[idx], y2)
        w = jnp.clip(xx2 - xx1, 0.0, None)
        h = jnp.clip(yy2 - yy1, 0.0, None)
        inter = w * h
        iou = inter / (areas[idx] + areas - inter)
        suppressed = suppressed | (valid & (iou > iou_threshold))
        return suppressed, keep, count

    suppressed0 = jnp.zeros((num_boxes,), dtype=bool)
    keep0 = jnp.full((max_detections,), -1, dtype=jnp.int32)
    _, keep, count = lax.fori_loop(
        0, max_detections, body, (suppressed0, keep0, jnp.int32(0))
    )
    return keep, count


def reference(scores, boxes, classes):
    # Faithful translation of Nms.cpu_nms (cpu_mode=True path).
    keep, true_max_detections = jax.vmap(
        lambda b, s: _nms_single(b, s, IOU_THRESHOLD, MAX_DETECTIONS)
    )(boxes, scores)
    valid = keep >= 0
    safe = jnp.where(valid, keep, 0)
    selected_box_indx = keep
    out_classes = jnp.where(
        valid,
        jnp.take_along_axis(classes, safe, axis=1),
        jnp.int32(np.iinfo(np.int32).max),
    ).astype(jnp.int32)
    out_scores = jnp.where(
        valid,
        jnp.take_along_axis(scores, safe, axis=1),
        jnp.float32(0.0),
    ).astype(jnp.float32)
    out_boxes = jnp.where(
        valid[..., None],
        jnp.take_along_axis(boxes, safe[..., None], axis=1),
        jnp.float32(0.0),
    ).astype(jnp.float32)
    return (
        selected_box_indx,
        out_scores,
        out_boxes,
        out_classes,
        true_max_detections,
    )

if __name__ == "__main__":
    import jax
    _d = setup_inputs()
    print(jax.jit(kernel)(*tuple(_d.values())))

</pallas_src>

<mosaic_0001>
#map = affine_map<(d0, d1) -> (0, 0)>
module attributes {stable_mosaic.version = 14 : i64} {
  func.func @_nms_body(%arg0: i32, %arg1: i32, %arg2: memref<8x20000xf32, #tpu.memory_space<hbm>>, %arg3: memref<8x80000xf32, #tpu.memory_space<hbm>>, %arg4: memref<8x20000xi32, #tpu.memory_space<hbm>>, %arg5: memref<8x16xi32, #tpu.memory_space<hbm>>, %arg6: memref<8x304xi32, #tpu.memory_space<hbm>>, %arg7: memref<8x304xf32, #tpu.memory_space<hbm>>, %arg8: memref<8x304xf32, #tpu.memory_space<hbm>>, %arg9: memref<8x304xf32, #tpu.memory_space<hbm>>, %arg10: memref<8x304xf32, #tpu.memory_space<hbm>>, %arg11: memref<8x304xf32, #tpu.memory_space<hbm>>, %arg12: memref<8x304xi32, #tpu.memory_space<hbm>>, %arg13: memref<8x16xi32, #tpu.memory_space<hbm>>, %arg14: memref<80000xf32, #tpu.memory_space<vmem>>, %arg15: memref<20000xi32, #tpu.memory_space<vmem>>, %arg16: memref<20000xf32, #tpu.memory_space<vmem>>, %arg17: memref<16xi32, #tpu.memory_space<vmem>>, %arg18: memref<4096xi32, #tpu.memory_space<vmem>>, %arg19: memref<304xf32, #tpu.memory_space<vmem>>, %arg20: memref<304xf32, #tpu.memory_space<vmem>>, %arg21: memref<304xf32, #tpu.memory_space<vmem>>, %arg22: memref<304xf32, #tpu.memory_space<vmem>>, %arg23: memref<304xf32, #tpu.memory_space<vmem>>, %arg24: memref<304xi32, #tpu.memory_space<vmem>>, %arg25: memref<304xi32, #tpu.memory_space<vmem>>, %arg26: memref<304xf32, #tpu.memory_space<vmem>>, %arg27: memref<304xi32, #tpu.memory_space<vmem>>, %arg28: memref<16xi32, #tpu.memory_space<vmem>>, %arg29: memref<1xi32, #tpu.memory_space<smem>>, %arg30: memref<1xi32, #tpu.memory_space<smem>>) attributes {dimension_semantics = [#tpu.dimension_semantics<core_parallel>, #tpu.dimension_semantics<subcore_parallel>], iteration_bounds = array<i64: 2, 16>, scalar_prefetch = 0 : i64, scratch_operands = 17 : i64, tpu.core_type = #tpu.core_type<sc_vector_subcore>, window_params = [{transform_indices = #map}, {transform_indices = #map}, {transform_indices = #map}, {transform_indices = #map}, {transform_indices = #map}, {transform_indices = #map}, {transform_indices = #map}, {transform_indices = #map}, {transform_indices = #map}, {transform_indices = #map}, {transform_indices = #map}, {transform_indices = #map}]} {
    %mul3A = arith.constant 2 : i32
    %mul3A_0 = arith.muli %arg1, %mul3A : i32
    %add3A = arith.addi %mul3A_0, %arg0 : i32
    %lt3A = arith.constant 8 : i32
    %lt3A_1 = arith.cmpi slt, %add3A, %lt3A : i32
    %convert_element_type3A = arith.extui %lt3A_1 : i1 to i32
    %cond3A = arith.constant 0 : i32
    %cond3A_2 = arith.cmpi ne, %convert_element_type3A, %cond3A : i32
    scf.if %cond3A_2 {
      %iota3A = tpu.iota {dimensions = array<i32: 0>} : vector<16xi32>
      %eq3A = arith.constant 0 : i32
      %eq3A_3 = vector.broadcast %eq3A : i32 to vector<16xi32>
      %eq3A_4 = arith.cmpi eq, %iota3A, %eq3A_3 : vector<16xi32>
      %broadcast_in_dim3A = arith.constant 1 : i32
      %broadcast_in_dim3A_5 = vector.broadcast %broadcast_in_dim3A : i32 to vector<16xi32>
      %broadcast_in_dim3A_6 = arith.constant 0 : i32
      %broadcast_in_dim3A_7 = vector.broadcast %broadcast_in_dim3A_6 : i32 to vector<16xi32>
      %broadcast_in_dim3A_8 = arith.constant 0.000000e+00 : f32
      %broadcast_in_dim3A_9 = vector.broadcast %broadcast_in_dim3A_8 : f32 to vector<16xf32>
      %broadcast_in_dim3A_10 = arith.constant -1 : i32
      %broadcast_in_dim3A_11 = vector.broadcast %broadcast_in_dim3A_10 : i32 to vector<16xi32>
      %broadcast_in_dim3A_12 = arith.constant 255 : i32
      %broadcast_in_dim3A_13 = vector.broadcast %broadcast_in_dim3A_12 : i32 to vector<16xi32>
      %broadcast_in_dim3A_14 = arith.constant 4 : i32
      %broadcast_in_dim3A_15 = vector.broadcast %broadcast_in_dim3A_14 : i32 to vector<16xi32>
      %broadcast_in_dim3A_16 = arith.constant 24 : i32
      %broadcast_in_dim3A_17 = vector.broadcast %broadcast_in_dim3A_16 : i32 to vector<16xi32>
      %mul3A_18 = arith.constant 1250 : i32
      %mul3A_19 = vector.broadcast %mul3A_18 : i32 to vector<16xi32>
      %mul3A_20 = arith.muli %iota3A, %mul3A_19 : vector<16xi32>
      "tpu.region"() ({
        %run_scoped3A = tpu.sem_alloc : memref<!tpu.dma_semaphore, #tpu.memory_space<semaphore_mem>>
        %dma_start3A = arith.constant 0 : i32
        %dma_start3A_397 = tpu.memref_slice %arg2[%add3A, %dma_start3A] : memref<8x20000xf32, #tpu.memory_space<hbm>> -> memref<1x20000xf32, #tpu.memory_space<hbm>>
        %dma_start3A_398 = tpu.memref_squeeze %dma_start3A_397 : memref<1x20000xf32, #tpu.memory_space<hbm>> -> memref<20000xf32, #tpu.memory_space<hbm>>
        %dma_start3A_399 = arith.constant 0 : i32
        %dma_start3A_400 = tpu.memref_slice %arg2[%add3A, %dma_start3A_399] : memref<8x20000xf32, #tpu.memory_space<hbm>> -> memref<1x20000xf32, #tpu.memory_space<hbm>>
        %dma_start3A_401 = tpu.memref_squeeze %dma_start3A_400 : memref<1x20000xf32, #tpu.memory_space<hbm>> -> memref<20000xf32, #tpu.memory_space<hbm>>
        tpu.enqueue_dma source(%dma_start3A_401 : memref<20000xf32, #tpu.memory_space<hbm>>) target(%arg16 : memref<20000xf32, #tpu.memory_space<vmem>>) target_semaphore(%run_scoped3A : memref<!tpu.dma_semaphore, #tpu.memory_space<semaphore_mem>>)
        %dma_wait3A = arith.constant 0 : i32
        %dma_wait3A_402 = tpu.memref_slice %arg2[%add3A, %dma_wait3A] : memref<8x20000xf32, #tpu.memory_space<hbm>> -> memref<1x20000xf32, #tpu.memory_space<hbm>>
        %dma_wait3A_403 = tpu.memref_squeeze %dma_wait3A_402 : memref<1x20000xf32, #tpu.memory_space<hbm>> -> memref<20000xf32, #tpu.memory_space<hbm>>
        %dma_wait3A_404 = arith.constant 0 : i32
        %dma_wait3A_405 = tpu.memref_slice %arg2[%add3A, %dma_wait3A_404] : memref<8x20000xf32, #tpu.memory_space<hbm>> -> memref<1x20000xf32, #tpu.memory_space<hbm>>
        %dma_wait3A_406 = tpu.memref_squeeze %dma_wait3A_405 : memref<1x20000xf32, #tpu.memory_space<hbm>> -> memref<20000xf32, #tpu.memory_space<hbm>>
        tpu.wait_dma2 semaphore(%run_scoped3A : memref<!tpu.dma_semaphore, #tpu.memory_space<semaphore_mem>>) src(%dma_wait3A_406 : memref<20000xf32, #tpu.memory_space<hbm>>) dst(%arg16 : memref<20000xf32, #tpu.memory_space<vmem>>)
        tpu.yield
      }) : () -> ()
      "tpu.region"() ({
        %run_scoped3A = tpu.sem_alloc : memref<!tpu.dma_semaphore, #tpu.memory_space<semaphore_mem>>
        %dma_start3A = arith.constant 0 : i32
        %dma_start3A_397 = tpu.memref_slice %arg5[%add3A, %dma_start3A] : memref<8x16xi32, #tpu.memory_space<hbm>> -> memref<1x16xi32, #tpu.memory_space<hbm>>
        %dma_start3A_398 = tpu.memref_squeeze %dma_start3A_397 : memref<1x16xi32, #tpu.memory_space<hbm>> -> memref<16xi32, #tpu.memory_space<hbm>>
        %dma_start3A_399 = arith.constant 0 : i32
        %dma_start3A_400 = tpu.memref_slice %arg5[%add3A, %dma_start3A_399] : memref<8x16xi32, #tpu.memory_space<hbm>> -> memref<1x16xi32, #tpu.memory_space<hbm>>
        %dma_start3A_401 = tpu.memref_squeeze %dma_start3A_400 : memref<1x16xi32, #tpu.memory_space<hbm>> -> memref<16xi32, #tpu.memory_space<hbm>>
        tpu.enqueue_dma source(%dma_start3A_401 : memref<16xi32, #tpu.memory_space<hbm>>) target(%arg17 : memref<16xi32, #tpu.memory_space<vmem>>) target_semaphore(%run_scoped3A : memref<!tpu.dma_semaphore, #tpu.memory_space<semaphore_mem>>)
        %dma_wait3A = arith.constant 0 : i32
        %dma_wait3A_402 = tpu.memref_slice %arg5[%add3A, %dma_wait3A] : memref<8x16xi32, #tpu.memory_space<hbm>> -> memref<1x16xi32, #tpu.memory_space<hbm>>
        %dma_wait3A_403 = tpu.memref_squeeze %dma_wait3A_402 : memref<1x16xi32, #tpu.memory_space<hbm>> -> memref<16xi32, #tpu.memory_space<hbm>>
        %dma_wait3A_404 = arith.constant 0 : i32
        %dma_wait3A_405 = tpu.memref_slice %arg5[%add3A, %dma_wait3A_404] : memref<8x16xi32, #tpu.memory_space<hbm>> -> memref<1x16xi32, #tpu.memory_space<hbm>>
        %dma_wait3A_406 = tpu.memref_squeeze %dma_wait3A_405 : memref<1x16xi32, #tpu.memory_space<hbm>> -> memref<16xi32, #tpu.memory_space<hbm>>
        tpu.wait_dma2 semaphore(%run_scoped3A : memref<!tpu.dma_semaphore, #tpu.memory_space<semaphore_mem>>) src(%dma_wait3A_406 : memref<16xi32, #tpu.memory_space<hbm>>) dst(%arg17 : memref<16xi32, #tpu.memory_space<vmem>>)
        tpu.yield
      }) : () -> ()
      %swap3A = arith.constant 0 : i32
      %swap3A_21 = arith.constant 0 : i32
      %swap3A_22 = arith.index_cast %swap3A_21 : i32 to index
      %swap3A_23 = memref.load %arg29[%swap3A_22] : memref<1xi32, #tpu.memory_space<smem>>
      memref.store %swap3A, %arg29[%swap3A_22] : memref<1xi32, #tpu.memory_space<smem>>
      %swap3A_24 = arith.constant 0 : i32
      %swap3A_25 = arith.constant 0 : i32
      %swap3A_26 = arith.index_cast %swap3A_25 : i32 to index
      %swap3A_27 = memref.load %arg30[%swap3A_26] : memref<1xi32, #tpu.memory_space<smem>>
      memref.store %swap3A_24, %arg30[%swap3A_26] : memref<1xi32, #tpu.memory_space<smem>>
      %broadcast_in_dim3A_28 = arith.constant -2147483648 : i32
      %broadcast_in_dim3A_29 = vector.broadcast %broadcast_in_dim3A_28 : i32 to vector<16xi32>
      %scan3A = arith.constant 0 : i32
      %scan3A_30 = arith.constant 0 : i32
      %scan3A_31 = arith.constant 2 : i32
      %scan3A_32 = arith.addi %scan3A_30, %scan3A_31 : i32
      %scan3A_33 = arith.constant 1 : i32
      scf.for %scan3A_397 = %scan3A_30 to %scan3A_32 step %scan3A_33  : i32 {
        %eq3A_398 = arith.constant 0 : i32
        %eq3A_399 = arith.cmpi eq, %scan3A_397, %eq3A_398 : i32
        %get3A_400 = arith.constant 0 : i32
        %get3A_401 = arith.index_cast %get3A_400 : i32 to index
        %get3A_402 = memref.load %arg29[%get3A_401] : memref<1xi32, #tpu.memory_space<smem>>
        %lt3A_403 = arith.constant 300 : i32
        %lt3A_404 = arith.cmpi slt, %get3A_402, %lt3A_403 : i32
        %get3A_405 = arith.constant 0 : i32
        %get3A_406 = arith.index_cast %get3A_405 : i32 to index
        %get3A_407 = memref.load %arg30[%get3A_406] : memref<1xi32, #tpu.memory_space<smem>>
        %lt3A_408 = arith.constant 20000 : i32
        %lt3A_409 = arith.cmpi slt, %get3A_407, %lt3A_408 : i32
        %and3A = arith.andi %lt3A_404, %lt3A_409 : i1
        %or3A = arith.ori %eq3A_399, %and3A : i1
        %convert_element_type3A_410 = arith.extui %or3A : i1 to i32
        %cond3A_411 = arith.constant 0 : i32
        %cond3A_412 = arith.cmpi ne, %convert_element_type3A_410, %cond3A_411 : i32
        scf.if %cond3A_412 {
          %get3A_413 = arith.constant 0 : index
          %get3A_414 = tpu.vector_load %arg17[%get3A_413] {strides = array<i32>} : memref<16xi32, #tpu.memory_space<vmem>>, vector<16xi32>,
          %gt3A = arith.constant 0 : i32
          %gt3A_415 = arith.cmpi sgt, %scan3A_397, %gt3A : i32
          %broadcast_in_dim3A_416 = vector.broadcast %gt3A_415 : i1 to vector<16xi1>
          %scan3A_417 = arith.constant 0 : i32
          %scan3A_418 = arith.constant 0 : i32
          %scan3A_419 = arith.constant 1250 : i32
          %scan3A_420 = arith.addi %scan3A_418, %scan3A_419 : i32
          %scan3A_421 = arith.constant 1 : i32
          %scan3A_422 = scf.for %scan3A_842 = %scan3A_418 to %scan3A_420 step %scan3A_421 iter_args(%scan3A_843 = %scan3A_417) -> (i32)  : i32 {
            %mul3A_844 = arith.constant 16 : i32
            %mul3A_845 = arith.muli %scan3A_842, %mul3A_844 : i32
            %get3A_846 = arith.index_cast %mul3A_845 : i32 to index
            %get3A_847 = tpu.vector_load %arg16[%get3A_846] {strides = array<i32>} : memref<20000xf32, #tpu.memory_space<vmem>>, vector<16xf32>,
            %bitcast3A = vector.bitcast %get3A_847 : vector<16xf32> to vector<16xi32>
            %lt3A_848 = arith.constant 0 : i32
            %lt3A_849 = vector.broadcast %lt3A_848 : i32 to vector<16xi32>
            %lt3A_850 = arith.cmpi slt, %bitcast3A, %lt3A_849 : vector<16xi32>
            %not3A = arith.constant dense<-1> : vector<16xi32>
            %not3A_851 = arith.xori %bitcast3A, %not3A : vector<16xi32>
            %xor3A = arith.constant -2147483648 : i32
            %xor3A_852 = vector.broadcast %xor3A : i32 to vector<16xi32>
            %xor3A_853 = arith.xori %bitcast3A, %xor3A_852 : vector<16xi32>
            %select_n3A_854 = arith.select %lt3A_850, %not3A_851, %xor3A_853 : vector<16xi1>, vector<16xi32>
            %not3A_855 = arith.constant dense<-1> : vector<16xi32>
            %not3A_856 = arith.xori %select_n3A_854, %not3A_855 : vector<16xi32>
            %broadcast_in_dim3A_857 = vector.broadcast %mul3A_845 : i32 to vector<16xi32>
            %add3A_858 = arith.addi %broadcast_in_dim3A_857, %iota3A : vector<16xi32>
            %xor3A_859 = arith.xori %not3A_856, %broadcast_in_dim3A_29 : vector<16xi32>
            %le3A = arith.cmpi sle, %xor3A_859, %get3A_414 : vector<16xi32>
            %or3A_860 = arith.ori %le3A, %broadcast_in_dim3A_416 : vector<16xi1>
            %add3A_861 = arith.constant 0 : i32
            %add3A_862 = arith.addi %add3A_861, %scan3A_843 : i32
            %bitcast3A_863 = vector.bitcast %not3A_856 : vector<16xi32> to vector<16xf32>
            %swap3A_864 = arith.index_cast %add3A_862 : i32 to index
            %swap3A_865 = tpu.vector_load %arg14[%swap3A_864] masked %or3A_860 {strides = array<i32>} : memref<80000xf32, #tpu.memory_space<vmem>>, vector<16xf32>, vector<16xi1>
            tpu.vector_store %arg14[%swap3A_864], %bitcast3A_863 masked %or3A_860 {strides = array<i32>} : memref<80000xf32, #tpu.memory_space<vmem>>, vector<16xf32>, vector<16xi1>
            %add3A_866 = arith.constant 20000 : i32
            %add3A_867 = arith.addi %add3A_866, %scan3A_843 : i32
            %bitcast3A_868 = vector.bitcast %add3A_858 : vector<16xi32> to vector<16xf32>
            %swap3A_869 = arith.index_cast %add3A_867 : i32 to index
            %swap3A_870 = tpu.vector_load %arg14[%swap3A_869] masked %or3A_860 {strides = array<i32>} : memref<80000xf32, #tpu.memory_space<vmem>>, vector<16xf32>, vector<16xi1>
            tpu.vector_store %arg14[%swap3A_869], %bitcast3A_868 masked %or3A_860 {strides = array<i32>} : memref<80000xf32, #tpu.memory_space<vmem>>, vector<16xf32>, vector<16xi1>
            %all_reduce_population_count3A = tpu.all_reduce %or3A_860 {dim = 0 : i64, kind = #tpu.reduction_kind<sum>} : vector<16xi1> -> vector<16xi32>
            %slice3A = vector.extract_strided_slice %all_reduce_population_count3A {offsets = [0], sizes = [1], strides = [1]} : vector<16xi32> to vector<1xi32>
            %squeeze3A = vector.extract %slice3A[0] : i32 from vector<1xi32>
            %add3A_871 = arith.addi %scan3A_843, %squeeze3A : i32
            scf.yield %add3A_871 : i32
          }
          %scan3A_423 = arith.constant 1250 : i32
          %swap3A_424 = arith.constant 0 : i32
          %swap3A_425 = arith.index_cast %swap3A_424 : i32 to index
          %swap3A_426 = memref.load %arg30[%swap3A_425] : memref<1xi32, #tpu.memory_space<smem>>
          memref.store %scan3A_422, %arg30[%swap3A_425] : memref<1xi32, #tpu.memory_space<smem>>
          %add3A_427 = arith.constant 15 : i32
          %add3A_428 = arith.addi %scan3A_422, %add3A_427 : i32
          %jit3A_429 = arith.constant 16 : i32
          %div3A = arith.divsi %add3A_428, %jit3A_429 : i32
          %sign3A = arith.constant 0 : i32
          %sign3A_430 = arith.cmpi sgt, %add3A_428, %sign3A : i32
          %sign3A_431 = arith.extui %sign3A_430 : i1 to i32
          %sign3A_432 = arith.constant 0 : i32
          %sign3A_433 = arith.cmpi slt, %add3A_428, %sign3A_432 : i32
          %sign3A_434 = arith.extui %sign3A_433 : i1 to i32
          %sign3A_435 = arith.subi %sign3A_431, %sign3A_434 : i32
          %sign3A_436 = arith.constant 0 : i32
          %sign3A_437 = arith.cmpi sgt, %jit3A_429, %sign3A_436 : i32
          %sign3A_438 = arith.extui %sign3A_437 : i1 to i32
          %sign3A_439 = arith.constant 0 : i32
          %sign3A_440 = arith.cmpi slt, %jit3A_429, %sign3A_439 : i32
          %sign3A_441 = arith.extui %sign3A_440 : i1 to i32
          %sign3A_442 = arith.subi %sign3A_438, %sign3A_441 : i32
          %ne3A = arith.cmpi ne, %sign3A_435, %sign3A_442 : i32
          %rem3A = arith.remsi %add3A_428, %jit3A_429 : i32
          %ne3A_443 = arith.constant 0 : i32
          %ne3A_444 = arith.cmpi ne, %rem3A, %ne3A_443 : i32
          %and3A_445 = arith.andi %ne3A, %ne3A_444 : i1
          %sub3A = arith.constant 1 : i32
          %sub3A_446 = arith.subi %div3A, %sub3A : i32
          %select_n3A_447 = arith.select %and3A_445, %sub3A_446, %div3A : i32
          %broadcast_in_dim3A_448 = vector.broadcast %select_n3A_447 : i32 to vector<16xi32>
          %broadcast_in_dim3A_449 = vector.broadcast %scan3A_422 : i32 to vector<16xi32>
          %mul3A_450 = vector.broadcast %select_n3A_447 : i32 to vector<16xi32>
          %mul3A_451 = arith.muli %iota3A, %mul3A_450 : vector<16xi32>
          %broadcast_in_dim3A_452 = arith.constant 0 : i32
          %broadcast_in_dim3A_453 = vector.broadcast %broadcast_in_dim3A_452 : i32 to vector<16xi32>
          %scan3A_454 = arith.constant 0 : i32
          %scan3A_455 = arith.constant 0 : i32
          %scan3A_456 = arith.constant 256 : i32
          %scan3A_457 = arith.addi %scan3A_455, %scan3A_456 : i32
          %scan3A_458 = arith.constant 1 : i32
          scf.for %scan3A_842 = %scan3A_455 to %scan3A_457 step %scan3A_458  : i32 {
            %mul3A_843 = arith.constant 16 : i32
            %mul3A_844 = arith.muli %scan3A_842, %mul3A_843 : i32
            %swap3A_845 = arith.index_cast %mul3A_844 : i32 to index
            %swap3A_846 = tpu.vector_load %arg18[%swap3A_845] {strides = array<i32>} : memref<4096xi32, #tpu.memory_space<vmem>>, vector<16xi32>,
            tpu.vector_store %arg18[%swap3A_845], %broadcast_in_dim3A_7 {strides = array<i32>} : memref<4096xi32, #tpu.memory_space<vmem>>, vector<16xi32>,
          }
          %scan3A_459 = arith.constant 256 : i32
          %scan3A_460 = arith.constant 0 : i32
          %scan3A_461 = arith.constant 0 : i32
          %scan3A_462 = arith.constant 50 : i32
          %scan3A_463 = arith.addi %scan3A_461, %scan3A_462 : i32
          %scan3A_464 = arith.constant 1 : i32
          scf.for %scan3A_842 = %scan3A_461 to %scan3A_463 step %scan3A_464  : i32 {
            %mul3A_843 = arith.constant 25 : i32
            %mul3A_844 = arith.muli %scan3A_842, %mul3A_843 : i32
            %lt3A_845 = arith.cmpi slt, %mul3A_844, %select_n3A_447 : i32
            %convert_element_type3A_846 = arith.extui %lt3A_845 : i1 to i32
            %cond3A_847 = arith.constant 0 : i32
            %cond3A_848 = arith.cmpi ne, %convert_element_type3A_846, %cond3A_847 : i32
            scf.if %cond3A_848 {
              %scan3A_849 = arith.constant 0 : i32
              %scan3A_850 = arith.constant 0 : i32
              %scan3A_851 = arith.constant 25 : i32
              %scan3A_852 = arith.addi %scan3A_850, %scan3A_851 : i32
              %scan3A_853 = arith.constant 1 : i32
              scf.for %scan3A_855 = %scan3A_850 to %scan3A_852 step %scan3A_853  : i32 {
                %mul3A_856 = arith.constant 25 : i32
                %mul3A_857 = arith.muli %scan3A_842, %mul3A_856 : i32
                %add3A_858 = arith.addi %mul3A_857, %scan3A_855 : i32
                %add3A_859 = vector.broadcast %add3A_858 : i32 to vector<16xi32>
                %add3A_860 = arith.addi %mul3A_451, %add3A_859 : vector<16xi32>
                %broadcast_in_dim3A_861 = vector.broadcast %add3A_858 : i32 to vector<16xi32>
                %lt3A_862 = arith.cmpi slt, %broadcast_in_dim3A_861, %broadcast_in_dim3A_448 : vector<16xi32>
                %lt3A_863 = arith.cmpi slt, %add3A_860, %broadcast_in_dim3A_449 : vector<16xi32>
                %and3A_864 = arith.andi %lt3A_862, %lt3A_863 : vector<16xi1>
                %add3A_865 = arith.constant 0 : i32
                %add3A_866 = vector.broadcast %add3A_865 : i32 to vector<16xi32>
                %add3A_867 = arith.addi %add3A_860, %add3A_866 : vector<16xi32>
                %gather3A_868 = tpu.vector_load_idx %arg14[%add3A_867] : memref<80000xf32, #tpu.memory_space<vmem>>[vector<16xi32>], vector<16xf32>,
                %bitcast3A = vector.bitcast %gather3A_868 : vector<16xf32> to vector<16xi32>
                %shift_right_logical3A = arith.shrui %bitcast3A, %broadcast_in_dim3A_453 : vector<16xi32>
                %and3A_869 = arith.andi %shift_right_logical3A, %broadcast_in_dim3A_13 : vector<16xi32>
                %shift_left3A = arith.shli %and3A_869, %broadcast_in_dim3A_15 : vector<16xi32>
                %or3A_870 = arith.ori %shift_left3A, %iota3A : vector<16xi32>
                tpu.vector_store_idx %arg18[%or3A_870], %broadcast_in_dim3A_5 masked %and3A_864 {add = true} : memref<4096xi32, #tpu.memory_space<vmem>>[vector<16xi32>], vector<16xi32>, vector<16xi1>
              }
              %scan3A_854 = arith.constant 25 : i32
            } else {
            }
          }
          %scan3A_465 = arith.constant 50 : i32
          %scan3A_466 = arith.constant 0 : i32
          %scan3A_467 = arith.constant 0 : i32
          %scan3A_468 = arith.constant 256 : i32
          %scan3A_469 = arith.addi %scan3A_467, %scan3A_468 : i32
          %scan3A_470 = arith.constant 1 : i32
          %scan3A_471 = scf.for %scan3A_842 = %scan3A_467 to %scan3A_469 step %scan3A_470 iter_args(%scan3A_843 = %scan3A_466) -> (i32)  : i32 {
            %mul3A_844 = arith.constant 16 : i32
            %mul3A_845 = arith.muli %scan3A_842, %mul3A_844 : i32
            %get3A_846 = arith.index_cast %mul3A_845 : i32 to index
            %get3A_847 = tpu.vector_load %arg18[%get3A_846] {strides = array<i32>} : memref<4096xi32, #tpu.memory_space<vmem>>, vector<16xi32>,
            %broadcast_in_dim3A_848 = arith.constant true
            %broadcast_in_dim3A_849 = vector.broadcast %broadcast_in_dim3A_848 : i1 to vector<16xi1>
            %masked_cumsum3A = tpu.scan <sum>, %get3A_847 masked %broadcast_in_dim3A_849 : vector<16xi32>, vector<16xi1> -> vector<16xi32>
            %broadcast_in_dim3A_850 = vector.broadcast %scan3A_843 : i32 to vector<16xi32>
            %add3A_851 = arith.addi %broadcast_in_dim3A_850, %masked_cumsum3A : vector<16xi32>
            %sub3A_852 = arith.subi %add3A_851, %get3A_847 : vector<16xi32>
            %mul3A_853 = arith.constant 16 : i32
            %mul3A_854 = arith.muli %scan3A_842, %mul3A_853 : i32
            %swap3A_855 = arith.index_cast %mul3A_854 : i32 to index
            %swap3A_856 = tpu.vector_load %arg18[%swap3A_855] {strides = array<i32>} : memref<4096xi32, #tpu.memory_space<vmem>>, vector<16xi32>,
            tpu.vector_store %arg18[%swap3A_855], %sub3A_852 {strides = array<i32>} : memref<4096xi32, #tpu.memory_space<vmem>>, vector<16xi32>,
            %slice3A = vector.extract_strided_slice %masked_cumsum3A {offsets = [15], sizes = [1], strides = [1]} : vector<16xi32> to vector<1xi32>
            %squeeze3A = vector.extract %slice3A[0] : i32 from vector<1xi32>
            %add3A_857 = arith.addi %scan3A_843, %squeeze3A : i32
            scf.yield %add3A_857 : i32
          }
          %scan3A_472 = arith.constant 256 : i32
          %scan3A_473 = arith.constant 0 : i32
          %scan3A_474 = arith.constant 0 : i32
          %scan3A_475 = arith.constant 50 : i32
          %scan3A_476 = arith.addi %scan3A_474, %scan3A_475 : i32
          %scan3A_477 = arith.constant 1 : i32
          scf.for %scan3A_842 = %scan3A_474 to %scan3A_476 step %scan3A_477  : i32 {
            %mul3A_843 = arith.constant 25 : i32
            %mul3A_844 = arith.muli %scan3A_842, %mul3A_843 : i32
            %lt3A_845 = arith.cmpi slt, %mul3A_844, %select_n3A_447 : i32
            %convert_element_type3A_846 = arith.extui %lt3A_845 : i1 to i32
            %cond3A_847 = arith.constant 0 : i32
            %cond3A_848 = arith.cmpi ne, %convert_element_type3A_846, %cond3A_847 : i32
            scf.if %cond3A_848 {
              %scan3A_849 = arith.constant 0 : i32
              %scan3A_850 = arith.constant 0 : i32
              %scan3A_851 = arith.constant 25 : i32
              %scan3A_852 = arith.addi %scan3A_850, %scan3A_851 : i32
              %scan3A_853 = arith.constant 1 : i32
              scf.for %scan3A_855 = %scan3A_850 to %scan3A_852 step %scan3A_853  : i32 {
                %mul3A_856 = arith.constant 25 : i32
                %mul3A_857 = arith.muli %scan3A_842, %mul3A_856 : i32
                %add3A_858 = arith.addi %mul3A_857, %scan3A_855 : i32
                %add3A_859 = vector.broadcast %add3A_858 : i32 to vector<16xi32>
                %add3A_860 = arith.addi %mul3A_451, %add3A_859 : vector<16xi32>
                %broadcast_in_dim3A_861 = vector.broadcast %add3A_858 : i32 to vector<16xi32>
                %lt3A_862 = arith.cmpi slt, %broadcast_in_dim3A_861, %broadcast_in_dim3A_448 : vector<16xi32>
                %lt3A_863 = arith.cmpi slt, %add3A_860, %broadcast_in_dim3A_449 : vector<16xi32>
                %and3A_864 = arith.andi %lt3A_862, %lt3A_863 : vector<16xi1>
                %add3A_865 = arith.constant 0 : i32
                %add3A_866 = vector.broadcast %add3A_865 : i32 to vector<16xi32>
                %add3A_867 = arith.addi %add3A_860, %add3A_866 : vector<16xi32>
                %gather3A_868 = tpu.vector_load_idx %arg14[%add3A_867] : memref<80000xf32, #tpu.memory_space<vmem>>[vector<16xi32>], vector<16xf32>,
                %add3A_869 = arith.constant 0 : i32
                %add3A_870 = vector.broadcast %add3A_869 : i32 to vector<16xi32>
                %add3A_871 = arith.addi %add3A_860, %add3A_870 : vector<16xi32>
                %add3A_872 = arith.constant 20000 : i32
                %add3A_873 = vector.broadcast %add3A_872 : i32 to vector<16xi32>
                %add3A_874 = arith.addi %add3A_871, %add3A_873 : vector<16xi32>
                %gather3A_875 = tpu.vector_load_idx %arg14[%add3A_874] : memref<80000xf32, #tpu.memory_space<vmem>>[vector<16xi32>], vector<16xf32>,
                %bitcast3A = vector.bitcast %gather3A_868 : vector<16xf32> to vector<16xi32>
                %shift_right_logical3A = arith.shrui %bitcast3A, %broadcast_in_dim3A_453 : vector<16xi32>
                %and3A_876 = arith.andi %shift_right_logical3A, %broadcast_in_dim3A_13 : vector<16xi32>
                %shift_left3A = arith.shli %and3A_876, %broadcast_in_dim3A_15 : vector<16xi32>
                %or3A_877 = arith.ori %shift_left3A, %iota3A : vector<16xi32>
                %gather3A_878 = tpu.vector_load_idx %arg18[%or3A_877] : memref<4096xi32, #tpu.memory_space<vmem>>[vector<16xi32>], vector<16xi32>,
                %add3A_879 = arith.constant 1 : i32
                %add3A_880 = vector.broadcast %add3A_879 : i32 to vector<16xi32>
                %add3A_881 = arith.addi %gather3A_878, %add3A_880 : vector<16xi32>
                tpu.vector_store_idx %arg18[%or3A_877], %add3A_881 masked %and3A_864 : memref<4096xi32, #tpu.memory_space<vmem>>[vector<16xi32>], vector<16xi32>, vector<16xi1>
                %add3A_882 = arith.constant 40000 : i32
                %add3A_883 = vector.broadcast %add3A_882 : i32 to vector<16xi32>
                %add3A_884 = arith.addi %gather3A_878, %add3A_883 : vector<16xi32>
                tpu.vector_store_idx %arg14[%add3A_884], %gather3A_868 masked %and3A_864 : memref<80000xf32, #tpu.memory_space<vmem>>[vector<16xi32>], vector<16xf32>, vector<16xi1>
                %add3A_885 = arith.constant 40000 : i32
                %add3A_886 = vector.broadcast %add3A_885 : i32 to vector<16xi32>
                %add3A_887 = arith.addi %gather3A_878, %add3A_886 : vector<16xi32>
                %add3A_888 = arith.constant 20000 : i32
                %add3A_889 = vector.broadcast %add3A_888 : i32 to vector<16xi32>
                %add3A_890 = arith.addi %add3A_887, %add3A_889 : vector<16xi32>
                tpu.vector_store_idx %arg14[%add3A_890], %gather3A_875 masked %and3A_864 : memref<80000xf32, #tpu.memory_space<vmem>>[vector<16xi32>], vector<16xf32>, vector<16xi1>
              }
              %scan3A_854 = arith.constant 25 : i32
            } else {
            }
          }
          %scan3A_478 = arith.constant 50 : i32
          %broadcast_in_dim3A_479 = arith.constant 8 : i32
          %broadcast_in_dim3A_480 = vector.broadcast %broadcast_in_dim3A_479 : i32 to vector<16xi32>
          %scan3A_481 = arith.constant 0 : i32
          %scan3A_482 = arith.constant 0 : i32
          %scan3A_483 = arith.constant 256 : i32
          %scan3A_484 = arith.addi %scan3A_482, %scan3A_483 : i32
          %scan3A_485 = arith.constant 1 : i32
          scf.for %scan3A_842 = %scan3A_482 to %scan3A_484 step %scan3A_485  : i32 {
            %mul3A_843 = arith.constant 16 : i32
            %mul3A_844 = arith.muli %scan3A_842, %mul3A_843 : i32
            %swap3A_845 = arith.index_cast %mul3A_844 : i32 to index
            %swap3A_846 = tpu.vector_load %arg18[%swap3A_845] {strides = array<i32>} : memref<4096xi32, #tpu.memory_space<vmem>>, vector<16xi32>,
            tpu.vector_store %arg18[%swap3A_845], %broadcast_in_dim3A_7 {strides = array<i32>} : memref<4096xi32, #tpu.memory_space<vmem>>, vector<16xi32>,
          }
          %scan3A_486 = arith.constant 256 : i32
          %scan3A_487 = arith.constant 0 : i32
          %scan3A_488 = arith.constant 0 : i32
          %scan3A_489 = arith.constant 50 : i32
          %scan3A_490 = arith.addi %scan3A_488, %scan3A_489 : i32
          %scan3A_491 = arith.constant 1 : i32
          scf.for %scan3A_842 = %scan3A_488 to %scan3A_490 step %scan3A_491  : i32 {
            %mul3A_843 = arith.constant 25 : i32
            %mul3A_844 = arith.muli %scan3A_842, %mul3A_843 : i32
            %lt3A_845 = arith.cmpi slt, %mul3A_844, %select_n3A_447 : i32
            %convert_element_type3A_846 = arith.extui %lt3A_845 : i1 to i32
            %cond3A_847 = arith.constant 0 : i32
            %cond3A_848 = arith.cmpi ne, %convert_element_type3A_846, %cond3A_847 : i32
            scf.if %cond3A_848 {
              %scan3A_849 = arith.constant 0 : i32
              %scan3A_850 = arith.constant 0 : i32
              %scan3A_851 = arith.constant 25 : i32
              %scan3A_852 = arith.addi %scan3A_850, %scan3A_851 : i32
              %scan3A_853 = arith.constant 1 : i32
              scf.for %scan3A_855 = %scan3A_850 to %scan3A_852 step %scan3A_853  : i32 {
                %mul3A_856 = arith.constant 25 : i32
                %mul3A_857 = arith.muli %scan3A_842, %mul3A_856 : i32
                %add3A_858 = arith.addi %mul3A_857, %scan3A_855 : i32
                %add3A_859 = vector.broadcast %add3A_858 : i32 to vector<16xi32>
                %add3A_860 = arith.addi %mul3A_451, %add3A_859 : vector<16xi32>
                %broadcast_in_dim3A_861 = vector.broadcast %add3A_858 : i32 to vector<16xi32>
                %lt3A_862 = arith.cmpi slt, %broadcast_in_dim3A_861, %broadcast_in_dim3A_448 : vector<16xi32>
                %lt3A_863 = arith.cmpi slt, %add3A_860, %broadcast_in_dim3A_449 : vector<16xi32>
                %and3A_864 = arith.andi %lt3A_862, %lt3A_863 : vector<16xi1>
                %add3A_865 = arith.constant 40000 : i32
                %add3A_866 = vector.broadcast %add3A_865 : i32 to vector<16xi32>
                %add3A_867 = arith.addi %add3A_860, %add3A_866 : vector<16xi32>
                %gather3A_868 = tpu.vector_load_idx %arg14[%add3A_867] : memref<80000xf32, #tpu.memory_space<vmem>>[vector<16xi32>], vector<16xf32>,
                %bitcast3A = vector.bitcast %gather3A_868 : vector<16xf32> to vector<16xi32>
                %shift_right_logical3A = arith.shrui %bitcast3A, %broadcast_in_dim3A_480 : vector<16xi32>
                %and3A_869 = arith.andi %shift_right_logical3A, %broadcast_in_dim3A_13 : vector<16xi32>
                %shift_left3A = arith.shli %and3A_869, %broadcast_in_dim3A_15 : vector<16xi32>
                %or3A_870 = arith.ori %shift_left3A, %iota3A : vector<16xi32>
                tpu.vector_store_idx %arg18[%or3A_870], %broadcast_in_dim3A_5 masked %and3A_864 {add = true} : memref<4096xi32, #tpu.memory_space<vmem>>[vector<16xi32>], vector<16xi32>, vector<16xi1>
              }
              %scan3A_854 = arith.constant 25 : i32
            } else {
            }
          }
          %scan3A_492 = arith.constant 50 : i32
          %scan3A_493 = arith.constant 0 : i32
          %scan3A_494 = arith.constant 0 : i32
          %scan3A_495 = arith.constant 256 : i32
          %scan3A_496 = arith.addi %scan3A_494, %scan3A_495 : i32
          %scan3A_497 = arith.constant 1 : i32
          %scan3A_498 = scf.for %scan3A_842 = %scan3A_494 to %scan3A_496 step %scan3A_497 iter_args(%scan3A_843 = %scan3A_493) -> (i32)  : i32 {
            %mul3A_844 = arith.constant 16 : i32
            %mul3A_845 = arith.muli %scan3A_842, %mul3A_844 : i32
            %get3A_846 = arith.index_cast %mul3A_845 : i32 to index
            %get3A_847 = tpu.vector_load %arg18[%get3A_846] {strides = array<i32>} : memref<4096xi32, #tpu.memory_space<vmem>>, vector<16xi32>,
            %broadcast_in_dim3A_848 = arith.constant true
            %broadcast_in_dim3A_849 = vector.broadcast %broadcast_in_dim3A_848 : i1 to vector<16xi1>
            %masked_cumsum3A = tpu.scan <sum>, %get3A_847 masked %broadcast_in_dim3A_849 : vector<16xi32>, vector<16xi1> -> vector<16xi32>
            %broadcast_in_dim3A_850 = vector.broadcast %scan3A_843 : i32 to vector<16xi32>
            %add3A_851 = arith.addi %broadcast_in_dim3A_850, %masked_cumsum3A : vector<16xi32>
            %sub3A_852 = arith.subi %add3A_851, %get3A_847 : vector<16xi32>
            %mul3A_853 = arith.constant 16 : i32
            %mul3A_854 = arith.muli %scan3A_842, %mul3A_853 : i32
            %swap3A_855 = arith.index_cast %mul3A_854 : i32 to index
            %swap3A_856 = tpu.vector_load %arg18[%swap3A_855] {strides = array<i32>} : memref<4096xi32, #tpu.memory_space<vmem>>, vector<16xi32>,
            tpu.vector_store %arg18[%swap3A_855], %sub3A_852 {strides = array<i32>} : memref<4096xi32, #tpu.memory_space<vmem>>, vector<16xi32>,
            %slice3A = vector.extract_strided_slice %masked_cumsum3A {offsets = [15], sizes = [1], strides = [1]} : vector<16xi32> to vector<1xi32>
            %squeeze3A = vector.extract %slice3A[0] : i32 from vector<1xi32>
            %add3A_857 = arith.addi %scan3A_843, %squeeze3A : i32
            scf.yield %add3A_857 : i32
          }
          %scan3A_499 = arith.constant 256 : i32
          %scan3A_500 = arith.constant 0 : i32
          %scan3A_501 = arith.constant 0 : i32
          %scan3A_502 = arith.constant 50 : i32
          %scan3A_503 = arith.addi %scan3A_501, %scan3A_502 : i32
          %scan3A_504 = arith.constant 1 : i32
          scf.for %scan3A_842 = %scan3A_501 to %scan3A_503 step %scan3A_504  : i32 {
            %mul3A_843 = arith.constant 25 : i32
            %mul3A_844 = arith.muli %scan3A_842, %mul3A_843 : i32
            %lt3A_845 = arith.cmpi slt, %mul3A_844, %select_n3A_447 : i32
            %convert_element_type3A_846 = arith.extui %lt3A_845 : i1 to i32
            %cond3A_847 = arith.constant 0 : i32
            %cond3A_848 = arith.cmpi ne, %convert_element_type3A_846, %cond3A_847 : i32
            scf.if %cond3A_848 {
              %scan3A_849 = arith.constant 0 : i32
              %scan3A_850 = arith.constant 0 : i32
              %scan3A_851 = arith.constant 25 : i32
              %scan3A_852 = arith.addi %scan3A_850, %scan3A_851 : i32
              %scan3A_853 = arith.constant 1 : i32
              scf.for %scan3A_855 = %scan3A_850 to %scan3A_852 step %scan3A_853  : i32 {
                %mul3A_856 = arith.constant 25 : i32
                %mul3A_857 = arith.muli %scan3A_842, %mul3A_856 : i32
                %add3A_858 = arith.addi %mul3A_857, %scan3A_855 : i32
                %add3A_859 = vector.broadcast %add3A_858 : i32 to vector<16xi32>
                %add3A_860 = arith.addi %mul3A_451, %add3A_859 : vector<16xi32>
                %broadcast_in_dim3A_861 = vector.broadcast %add3A_858 : i32 to vector<16xi32>
                %lt3A_862 = arith.cmpi slt, %broadcast_in_dim3A_861, %broadcast_in_dim3A_448 : vector<16xi32>
                %lt3A_863 = arith.cmpi slt, %add3A_860, %broadcast_in_dim3A_449 : vector<16xi32>
                %and3A_864 = arith.andi %lt3A_862, %lt3A_863 : vector<16xi1>
                %add3A_865 = arith.constant 40000 : i32
                %add3A_866 = vector.broadcast %add3A_865 : i32 to vector<16xi32>
                %add3A_867 = arith.addi %add3A_860, %add3A_866 : vector<16xi32>
                %gather3A_868 = tpu.vector_load_idx %arg14[%add3A_867] : memref<80000xf32, #tpu.memory_space<vmem>>[vector<16xi32>], vector<16xf32>,
                %add3A_869 = arith.constant 40000 : i32
                %add3A_870 = vector.broadcast %add3A_869 : i32 to vector<16xi32>
                %add3A_871 = arith.addi %add3A_860, %add3A_870 : vector<16xi32>
                %add3A_872 = arith.constant 20000 : i32
                %add3A_873 = vector.broadcast %add3A_872 : i32 to vector<16xi32>
                %add3A_874 = arith.addi %add3A_871, %add3A_873 : vector<16xi32>
                %gather3A_875 = tpu.vector_load_idx %arg14[%add3A_874] : memref<80000xf32, #tpu.memory_space<vmem>>[vector<16xi32>], vector<16xf32>,
                %bitcast3A = vector.bitcast %gather3A_868 : vector<16xf32> to vector<16xi32>
                %shift_right_logical3A = arith.shrui %bitcast3A, %broadcast_in_dim3A_480 : vector<16xi32>
                %and3A_876 = arith.andi %shift_right_logical3A, %broadcast_in_dim3A_13 : vector<16xi32>
                %shift_left3A = arith.shli %and3A_876, %broadcast_in_dim3A_15 : vector<16xi32>
                %or3A_877 = arith.ori %shift_left3A, %iota3A : vector<16xi32>
                %gather3A_878 = tpu.vector_load_idx %arg18[%or3A_877] : memref<4096xi32, #tpu.memory_space<vmem>>[vector<16xi32>], vector<16xi32>,
                %add3A_879 = arith.constant 1 : i32
                %add3A_880 = vector.broadcast %add3A_879 : i32 to vector<16xi32>
                %add3A_881 = arith.addi %gather3A_878, %add3A_880 : vector<16xi32>
                tpu.vector_store_idx %arg18[%or3A_877], %add3A_881 masked %and3A_864 : memref<4096xi32, #tpu.memory_space<vmem>>[vector<16xi32>], vector<16xi32>, vector<16xi1>
                %add3A_882 = arith.constant 0 : i32
                %add3A_883 = vector.broadcast %add3A_882 : i32 to vector<16xi32>
                %add3A_884 = arith.addi %gather3A_878, %add3A_883 : vector<16xi32>
                tpu.vector_store_idx %arg14[%add3A_884], %gather3A_868 masked %and3A_864 : memref<80000xf32, #tpu.memory_space<vmem>>[vector<16xi32>], vector<16xf32>, vector<16xi1>
                %add3A_885 = arith.constant 0 : i32
                %add3A_886 = vector.broadcast %add3A_885 : i32 to vector<16xi32>
                %add3A_887 = arith.addi %gather3A_878, %add3A_886 : vector<16xi32>
                %add3A_888 = arith.constant 20000 : i32
                %add3A_889 = vector.broadcast %add3A_888 : i32 to vector<16xi32>
                %add3A_890 = arith.addi %add3A_887, %add3A_889 : vector<16xi32>
                tpu.vector_store_idx %arg14[%add3A_890], %gather3A_875 masked %and3A_864 : memref<80000xf32, #tpu.memory_space<vmem>>[vector<16xi32>], vector<16xf32>, vector<16xi1>
              }
              %scan3A_854 = arith.constant 25 : i32
            } else {
            }
          }
          %scan3A_505 = arith.constant 50 : i32
          %broadcast_in_dim3A_506 = arith.constant 16 : i32
          %broadcast_in_dim3A_507 = vector.broadcast %broadcast_in_dim3A_506 : i32 to vector<16xi32>
          %scan3A_508 = arith.constant 0 : i32
          %scan3A_509 = arith.constant 0 : i32
          %scan3A_510 = arith.constant 256 : i32
          %scan3A_511 = arith.addi %scan3A_509, %scan3A_510 : i32
          %scan3A_512 = arith.constant 1 : i32
          scf.for %scan3A_842 = %scan3A_509 to %scan3A_511 step %scan3A_512  : i32 {
            %mul3A_843 = arith.constant 16 : i32
            %mul3A_844 = arith.muli %scan3A_842, %mul3A_843 : i32
            %swap3A_845 = arith.index_cast %mul3A_844 : i32 to index
            %swap3A_846 = tpu.vector_load %arg18[%swap3A_845] {strides = array<i32>} : memref<4096xi32, #tpu.memory_space<vmem>>, vector<16xi32>,
            tpu.vector_store %arg18[%swap3A_845], %broadcast_in_dim3A_7 {strides = array<i32>} : memref<4096xi32, #tpu.memory_space<vmem>>, vector<16xi32>,
          }
          %scan3A_513 = arith.constant 256 : i32
          %scan3A_514 = arith.constant 0 : i32
          %scan3A_515 = arith.constant 0 : i32
          %scan3A_516 = arith.constant 50 : i32
          %scan3A_517 = arith.addi %scan3A_515, %scan3A_516 : i32
          %scan3A_518 = arith.constant 1 : i32
          scf.for %scan3A_842 = %scan3A_515 to %scan3A_517 step %scan3A_518  : i32 {
            %mul3A_843 = arith.constant 25 : i32
            %mul3A_844 = arith.muli %scan3A_842, %mul3A_843 : i32
            %lt3A_845 = arith.cmpi slt, %mul3A_844, %select_n3A_447 : i32
            %convert_element_type3A_846 = arith.extui %lt3A_845 : i1 to i32
            %cond3A_847 = arith.constant 0 : i32
            %cond3A_848 = arith.cmpi ne, %convert_element_type3A_846, %cond3A_847 : i32
            scf.if %cond3A_848 {
              %scan3A_849 = arith.constant 0 : i32
              %scan3A_850 = arith.constant 0 : i32
              %scan3A_851 = arith.constant 25 : i32
              %scan3A_852 = arith.addi %scan3A_850, %scan3A_851 : i32
              %scan3A_853 = arith.constant 1 : i32
              scf.for %scan3A_855 = %scan3A_850 to %scan3A_852 step %scan3A_853  : i32 {
                %mul3A_856 = arith.constant 25 : i32
                %mul3A_857 = arith.muli %scan3A_842, %mul3A_856 : i32
                %add3A_858 = arith.addi %mul3A_857, %scan3A_855 : i32
                %add3A_859 = vector.broadcast %add3A_858 : i32 to vector<16xi32>
                %add3A_860 = arith.addi %mul3A_451, %add3A_859 : vector<16xi32>
                %broadcast_in_dim3A_861 = vector.broadcast %add3A_858 : i32 to vector<16xi32>
                %lt3A_862 = arith.cmpi slt, %broadcast_in_dim3A_861, %broadcast_in_dim3A_448 : vector<16xi32>
                %lt3A_863 = arith.cmpi slt, %add3A_860, %broadcast_in_dim3A_449 : vector<16xi32>
                %and3A_864 = arith.andi %lt3A_862, %lt3A_863 : vector<16xi1>
                %add3A_865 = arith.constant 0 : i32
                %add3A_866 = vector.broadcast %add3A_865 : i32 to vector<16xi32>
                %add3A_867 = arith.addi %add3A_860, %add3A_866 : vector<16xi32>
                %gather3A_868 = tpu.vector_load_idx %arg14[%add3A_867] : memref<80000xf32, #tpu.memory_space<vmem>>[vector<16xi32>], vector<16xf32>,
                %bitcast3A = vector.bitcast %gather3A_868 : vector<16xf32> to vector<16xi32>
                %shift_right_logical3A = arith.shrui %bitcast3A, %broadcast_in_dim3A_507 : vector<16xi32>
                %and3A_869 = arith.andi %shift_right_logical3A, %broadcast_in_dim3A_13 : vector<16xi32>
                %shift_left3A = arith.shli %and3A_869, %broadcast_in_dim3A_15 : vector<16xi32>
                %or3A_870 = arith.ori %shift_left3A, %iota3A : vector<16xi32>
                tpu.vector_store_idx %arg18[%or3A_870], %broadcast_in_dim3A_5 masked %and3A_864 {add = true} : memref<4096xi32, #tpu.memory_space<vmem>>[vector<16xi32>], vector<16xi32>, vector<16xi1>
              }
              %scan3A_854 = arith.constant 25 : i32
            } else {
            }
          }
          %scan3A_519 = arith.constant 50 : i32
          %scan3A_520 = arith.constant 0 : i32
          %scan3A_521 = arith.constant 0 : i32
          %scan3A_522 = arith.constant 256 : i32
          %scan3A_523 = arith.addi %scan3A_521, %scan3A_522 : i32
          %scan3A_524 = arith.constant 1 : i32
          %scan3A_525 = scf.for %scan3A_842 = %scan3A_521 to %scan3A_523 step %scan3A_524 iter_args(%scan3A_843 = %scan3A_520) -> (i32)  : i32 {
            %mul3A_844 = arith.constant 16 : i32
            %mul3A_845 = arith.muli %scan3A_842, %mul3A_844 : i32
            %get3A_846 = arith.index_cast %mul3A_845 : i32 to index
            %get3A_847 = tpu.vector_load %arg18[%get3A_846] {strides = array<i32>} : memref<4096xi32, #tpu.memory_space<vmem>>, vector<16xi32>,
            %broadcast_in_dim3A_848 = arith.constant true
            %broadcast_in_dim3A_849 = vector.broadcast %broadcast_in_dim3A_848 : i1 to vector<16xi1>
            %masked_cumsum3A = tpu.scan <sum>, %get3A_847 masked %broadcast_in_dim3A_849 : vector<16xi32>, vector<16xi1> -> vector<16xi32>
            %broadcast_in_dim3A_850 = vector.broadcast %scan3A_843 : i32 to vector<16xi32>
            %add3A_851 = arith.addi %broadcast_in_dim3A_850, %masked_cumsum3A : vector<16xi32>
            %sub3A_852 = arith.subi %add3A_851, %get3A_847 : vector<16xi32>
            %mul3A_853 = arith.constant 16 : i32
            %mul3A_854 = arith.muli %scan3A_842, %mul3A_853 : i32
            %swap3A_855 = arith.index_cast %mul3A_854 : i32 to index
            %swap3A_856 = tpu.vector_load %arg18[%swap3A_855] {strides = array<i32>} : memref<4096xi32, #tpu.memory_space<vmem>>, vector<16xi32>,
            tpu.vector_store %arg18[%swap3A_855], %sub3A_852 {strides = array<i32>} : memref<4096xi32, #tpu.memory_space<vmem>>, vector<16xi32>,
            %slice3A = vector.extract_strided_slice %masked_cumsum3A {offsets = [15], sizes = [1], strides = [1]} : vector<16xi32> to vector<1xi32>
            %squeeze3A = vector.extract %slice3A[0] : i32 from vector<1xi32>
            %add3A_857 = arith.addi %scan3A_843, %squeeze3A : i32
            scf.yield %add3A_857 : i32
          }
          %scan3A_526 = arith.constant 256 : i32
          %scan3A_527 = arith.constant 0 : i32
          %scan3A_528 = arith.constant 0 : i32
          %scan3A_529 = arith.constant 50 : i32
          %scan3A_530 = arith.addi %scan3A_528, %scan3A_529 : i32
          %scan3A_531 = arith.constant 1 : i32
          scf.for %scan3A_842 = %scan3A_528 to %scan3A_530 step %scan3A_531  : i32 {
            %mul3A_843 = arith.constant 25 : i32
            %mul3A_844 = arith.muli %scan3A_842, %mul3A_843 : i32
            %lt3A_845 = arith.cmpi slt, %mul3A_844, %select_n3A_447 : i32
            %convert_element_type3A_846 = arith.extui %lt3A_845 : i1 to i32
            %cond3A_847 = arith.constant 0 : i32
            %cond3A_848 = arith.cmpi ne, %convert_element_type3A_846, %cond3A_847 : i32
            scf.if %cond3A_848 {
              %scan3A_849 = arith.constant 0 : i32
              %scan3A_850 = arith.constant 0 : i32
              %scan3A_851 = arith.constant 25 : i32
              %scan3A_852 = arith.addi %scan3A_850, %scan3A_851 : i32
              %scan3A_853 = arith.constant 1 : i32
              scf.for %scan3A_855 = %scan3A_850 to %scan3A_852 step %scan3A_853  : i32 {
                %mul3A_856 = arith.constant 25 : i32
                %mul3A_857 = arith.muli %scan3A_842, %mul3A_856 : i32
                %add3A_858 = arith.addi %mul3A_857, %scan3A_855 : i32
                %add3A_859 = vector.broadcast %add3A_858 : i32 to vector<16xi32>
                %add3A_860 = arith.addi %mul3A_451, %add3A_859 : vector<16xi32>
                %broadcast_in_dim3A_861 = vector.broadcast %add3A_858 : i32 to vector<16xi32>
                %lt3A_862 = arith.cmpi slt, %broadcast_in_dim3A_861, %broadcast_in_dim3A_448 : vector<16xi32>
                %lt3A_863 = arith.cmpi slt, %add3A_860, %broadcast_in_dim3A_449 : vector<16xi32>
                %and3A_864 = arith.andi %lt3A_862, %lt3A_863 : vector<16xi1>
                %add3A_865 = arith.constant 0 : i32
                %add3A_866 = vector.broadcast %add3A_865 : i32 to vector<16xi32>
                %add3A_867 = arith.addi %add3A_860, %add3A_866 : vector<16xi32>
                %gather3A_868 = tpu.vector_load_idx %arg14[%add3A_867] : memref<80000xf32, #tpu.memory_space<vmem>>[vector<16xi32>], vector<16xf32>,
                %add3A_869 = arith.constant 0 : i32
                %add3A_870 = vector.broadcast %add3A_869 : i32 to vector<16xi32>
                %add3A_871 = arith.addi %add3A_860, %add3A_870 : vector<16xi32>
                %add3A_872 = arith.constant 20000 : i32
                %add3A_873 = vector.broadcast %add3A_872 : i32 to vector<16xi32>
                %add3A_874 = arith.addi %add3A_871, %add3A_873 : vector<16xi32>
                %gather3A_875 = tpu.vector_load_idx %arg14[%add3A_874] : memref<80000xf32, #tpu.memory_space<vmem>>[vector<16xi32>], vector<16xf32>,
                %bitcast3A = vector.bitcast %gather3A_868 : vector<16xf32> to vector<16xi32>
                %shift_right_logical3A = arith.shrui %bitcast3A, %broadcast_in_dim3A_507 : vector<16xi32>
                %and3A_876 = arith.andi %shift_right_logical3A, %broadcast_in_dim3A_13 : vector<16xi32>
                %shift_left3A = arith.shli %and3A_876, %broadcast_in_dim3A_15 : vector<16xi32>
                %or3A_877 = arith.ori %shift_left3A, %iota3A : vector<16xi32>
                %gather3A_878 = tpu.vector_load_idx %arg18[%or3A_877] : memref<4096xi32, #tpu.memory_space<vmem>>[vector<16xi32>], vector<16xi32>,
                %add3A_879 = arith.constant 1 : i32
                %add3A_880 = vector.broadcast %add3A_879 : i32 to vector<16xi32>
                %add3A_881 = arith.addi %gather3A_878, %add3A_880 : vector<16xi32>
                tpu.vector_store_idx %arg18[%or3A_877], %add3A_881 masked %and3A_864 : memref<4096xi32, #tpu.memory_space<vmem>>[vector<16xi32>], vector<16xi32>, vector<16xi1>
                %add3A_882 = arith.constant 40000 : i32
                %add3A_883 = vector.broadcast %add3A_882 : i32 to vector<16xi32>
                %add3A_884 = arith.addi %gather3A_878, %add3A_883 : vector<16xi32>
                tpu.vector_store_idx %arg14[%add3A_884], %gather3A_868 masked %and3A_864 : memref<80000xf32, #tpu.memory_space<vmem>>[vector<16xi32>], vector<16xf32>, vector<16xi1>
                %add3A_885 = arith.constant 40000 : i32
                %add3A_886 = vector.broadcast %add3A_885 : i32 to vector<16xi32>
                %add3A_887 = arith.addi %gather3A_878, %add3A_886 : vector<16xi32>
                %add3A_888 = arith.constant 20000 : i32
                %add3A_889 = vector.broadcast %add3A_888 : i32 to vector<16xi32>
                %add3A_890 = arith.addi %add3A_887, %add3A_889 : vector<16xi32>
                tpu.vector_store_idx %arg14[%add3A_890], %gather3A_875 masked %and3A_864 : memref<80000xf32, #tpu.memory_space<vmem>>[vector<16xi32>], vector<16xf32>, vector<16xi1>
              }
              %scan3A_854 = arith.constant 25 : i32
            } else {
            }
          }
          %scan3A_532 = arith.constant 50 : i32
          %broadcast_in_dim3A_533 = arith.constant 24 : i32
          %broadcast_in_dim3A_534 = vector.broadcast %broadcast_in_dim3A_533 : i32 to vector<16xi32>
          %scan3A_535 = arith.constant 0 : i32
          %scan3A_536 = arith.constant 0 : i32
          %scan3A_537 = arith.constant 256 : i32
          %scan3A_538 = arith.addi %scan3A_536, %scan3A_537 : i32
          %scan3A_539 = arith.constant 1 : i32
          scf.for %scan3A_842 = %scan3A_536 to %scan3A_538 step %scan3A_539  : i32 {
            %mul3A_843 = arith.constant 16 : i32
            %mul3A_844 = arith.muli %scan3A_842, %mul3A_843 : i32
            %swap3A_845 = arith.index_cast %mul3A_844 : i32 to index
            %swap3A_846 = tpu.vector_load %arg18[%swap3A_845] {strides = array<i32>} : memref<4096xi32, #tpu.memory_space<vmem>>, vector<16xi32>,
            tpu.vector_store %arg18[%swap3A_845], %broadcast_in_dim3A_7 {strides = array<i32>} : memref<4096xi32, #tpu.memory_space<vmem>>, vector<16xi32>,
          }
          %scan3A_540 = arith.constant 256 : i32
          %scan3A_541 = arith.constant 0 : i32
          %scan3A_542 = arith.constant 0 : i32
          %scan3A_543 = arith.constant 50 : i32
          %scan3A_544 = arith.addi %scan3A_542, %scan3A_543 : i32
          %scan3A_545 = arith.constant 1 : i32
          scf.for %scan3A_842 = %scan3A_542 to %scan3A_544 step %scan3A_545  : i32 {
            %mul3A_843 = arith.constant 25 : i32
            %mul3A_844 = arith.muli %scan3A_842, %mul3A_843 : i32
            %lt3A_845 = arith.cmpi slt, %mul3A_844, %select_n3A_447 : i32
            %convert_element_type3A_846 = arith.extui %lt3A_845 : i1 to i32
            %cond3A_847 = arith.constant 0 : i32
            %cond3A_848 = arith.cmpi ne, %convert_element_type3A_846, %cond3A_847 : i32
            scf.if %cond3A_848 {
              %scan3A_849 = arith.constant 0 : i32
              %scan3A_850 = arith.constant 0 : i32
              %scan3A_851 = arith.constant 25 : i32
              %scan3A_852 = arith.addi %scan3A_850, %scan3A_851 : i32
              %scan3A_853 = arith.constant 1 : i32
              scf.for %scan3A_855 = %scan3A_850 to %scan3A_852 step %scan3A_853  : i32 {
                %mul3A_856 = arith.constant 25 : i32
                %mul3A_857 = arith.muli %scan3A_842, %mul3A_856 : i32
                %add3A_858 = arith.addi %mul3A_857, %scan3A_855 : i32
                %add3A_859 = vector.broadcast %add3A_858 : i32 to vector<16xi32>
                %add3A_860 = arith.addi %mul3A_451, %add3A_859 : vector<16xi32>
                %broadcast_in_dim3A_861 = vector.broadcast %add3A_858 : i32 to vector<16xi32>
                %lt3A_862 = arith.cmpi slt, %broadcast_in_dim3A_861, %broadcast_in_dim3A_448 : vector<16xi32>
                %lt3A_863 = arith.cmpi slt, %add3A_860, %broadcast_in_dim3A_449 : vector<16xi32>
                %and3A_864 = arith.andi %lt3A_862, %lt3A_863 : vector<16xi1>
                %add3A_865 = arith.constant 40000 : i32
                %add3A_866 = vector.broadcast %add3A_865 : i32 to vector<16xi32>
                %add3A_867 = arith.addi %add3A_860, %add3A_866 : vector<16xi32>
                %gather3A_868 = tpu.vector_load_idx %arg14[%add3A_867] : memref<80000xf32, #tpu.memory_space<vmem>>[vector<16xi32>], vector<16xf32>,
                %bitcast3A = vector.bitcast %gather3A_868 : vector<16xf32> to vector<16xi32>
                %shift_right_logical3A = arith.shrui %bitcast3A, %broadcast_in_dim3A_534 : vector<16xi32>
                %and3A_869 = arith.andi %shift_right_logical3A, %broadcast_in_dim3A_13 : vector<16xi32>
                %shift_left3A = arith.shli %and3A_869, %broadcast_in_dim3A_15 : vector<16xi32>
                %or3A_870 = arith.ori %shift_left3A, %iota3A : vector<16xi32>
                tpu.vector_store_idx %arg18[%or3A_870], %broadcast_in_dim3A_5 masked %and3A_864 {add = true} : memref<4096xi32, #tpu.memory_space<vmem>>[vector<16xi32>], vector<16xi32>, vector<16xi1>
              }
              %scan3A_854 = arith.constant 25 : i32
            } else {
            }
          }
          %scan3A_546 = arith.constant 50 : i32
          %scan3A_547 = arith.constant 0 : i32
          %scan3A_548 = arith.constant 0 : i32
          %scan3A_549 = arith.constant 256 : i32
          %scan3A_550 = arith.addi %scan3A_548, %scan3A_549 : i32
          %scan3A_551 = arith.constant 1 : i32
          %scan3A_552 = scf.for %scan3A_842 = %scan3A_548 to %scan3A_550 step %scan3A_551 iter_args(%scan3A_843 = %scan3A_547) -> (i32)  : i32 {
            %mul3A_844 = arith.constant 16 : i32
            %mul3A_845 = arith.muli %scan3A_842, %mul3A_844 : i32
            %get3A_846 = arith.index_cast %mul3A_845 : i32 to index
            %get3A_847 = tpu.vector_load %arg18[%get3A_846] {strides = array<i32>} : memref<4096xi32, #tpu.memory_space<vmem>>, vector<16xi32>,
            %broadcast_in_dim3A_848 = arith.constant true
            %broadcast_in_dim3A_849 = vector.broadcast %broadcast_in_dim3A_848 : i1 to vector<16xi1>
            %masked_cumsum3A = tpu.scan <sum>, %get3A_847 masked %broadcast_in_dim3A_849 : vector<16xi32>, vector<16xi1> -> vector<16xi32>
            %broadcast_in_dim3A_850 = vector.broadcast %scan3A_843 : i32 to vector<16xi32>
            %add3A_851 = arith.addi %broadcast_in_dim3A_850, %masked_cumsum3A : vector<16xi32>
            %sub3A_852 = arith.subi %add3A_851, %get3A_847 : vector<16xi32>
            %mul3A_853 = arith.constant 16 : i32
            %mul3A_854 = arith.muli %scan3A_842, %mul3A_853 : i32
            %swap3A_855 = arith.index_cast %mul3A_854 : i32 to index
            %swap3A_856 = tpu.vector_load %arg18[%swap3A_855] {strides = array<i32>} : memref<4096xi32, #tpu.memory_space<vmem>>, vector<16xi32>,
            tpu.vector_store %arg18[%swap3A_855], %sub3A_852 {strides = array<i32>} : memref<4096xi32, #tpu.memory_space<vmem>>, vector<16xi32>,
            %slice3A = vector.extract_strided_slice %masked_cumsum3A {offsets = [15], sizes = [1], strides = [1]} : vector<16xi32> to vector<1xi32>
            %squeeze3A = vector.extract %slice3A[0] : i32 from vector<1xi32>
            %add3A_857 = arith.addi %scan3A_843, %squeeze3A : i32
            scf.yield %add3A_857 : i32
          }
          %scan3A_553 = arith.constant 256 : i32
          %scan3A_554 = arith.constant 0 : i32
          %scan3A_555 = arith.constant 0 : i32
          %scan3A_556 = arith.constant 50 : i32
          %scan3A_557 = arith.addi %scan3A_555, %scan3A_556 : i32
          %scan3A_558 = arith.constant 1 : i32
          scf.for %scan3A_842 = %scan3A_555 to %scan3A_557 step %scan3A_558  : i32 {
            %mul3A_843 = arith.constant 25 : i32
            %mul3A_844 = arith.muli %scan3A_842, %mul3A_843 : i32
            %lt3A_845 = arith.cmpi slt, %mul3A_844, %select_n3A_447 : i32
            %convert_element_type3A_846 = arith.extui %lt3A_845 : i1 to i32
            %cond3A_847 = arith.constant 0 : i32
            %cond3A_848 = arith.cmpi ne, %convert_element_type3A_846, %cond3A_847 : i32
            scf.if %cond3A_848 {
              %scan3A_849 = arith.constant 0 : i32
              %scan3A_850 = arith.constant 0 : i32
              %scan3A_851 = arith.constant 25 : i32
              %scan3A_852 = arith.addi %scan3A_850, %scan3A_851 : i32
              %scan3A_853 = arith.constant 1 : i32
              scf.for %scan3A_855 = %scan3A_850 to %scan3A_852 step %scan3A_853  : i32 {
                %mul3A_856 = arith.constant 25 : i32
                %mul3A_857 = arith.muli %scan3A_842, %mul3A_856 : i32
                %add3A_858 = arith.addi %mul3A_857, %scan3A_855 : i32
                %add3A_859 = vector.broadcast %add3A_858 : i32 to vector<16xi32>
                %add3A_860 = arith.addi %mul3A_451, %add3A_859 : vector<16xi32>
                %broadcast_in_dim3A_861 = vector.broadcast %add3A_858 : i32 to vector<16xi32>
                %lt3A_862 = arith.cmpi slt, %broadcast_in_dim3A_861, %broadcast_in_dim3A_448 : vector<16xi32>
                %lt3A_863 = arith.cmpi slt, %add3A_860, %broadcast_in_dim3A_449 : vector<16xi32>
                %and3A_864 = arith.andi %lt3A_862, %lt3A_863 : vector<16xi1>
                %add3A_865 = arith.constant 40000 : i32
                %add3A_866 = vector.broadcast %add3A_865 : i32 to vector<16xi32>
                %add3A_867 = arith.addi %add3A_860, %add3A_866 : vector<16xi32>
                %gather3A_868 = tpu.vector_load_idx %arg14[%add3A_867] : memref<80000xf32, #tpu.memory_space<vmem>>[vector<16xi32>], vector<16xf32>,
                %add3A_869 = arith.constant 40000 : i32
                %add3A_870 = vector.broadcast %add3A_869 : i32 to vector<16xi32>
                %add3A_871 = arith.addi %add3A_860, %add3A_870 : vector<16xi32>
                %add3A_872 = arith.constant 20000 : i32
                %add3A_873 = vector.broadcast %add3A_872 : i32 to vector<16xi32>
                %add3A_874 = arith.addi %add3A_871, %add3A_873 : vector<16xi32>
                %gather3A_875 = tpu.vector_load_idx %arg14[%add3A_874] : memref<80000xf32, #tpu.memory_space<vmem>>[vector<16xi32>], vector<16xf32>,
                %bitcast3A = vector.bitcast %gather3A_868 : vector<16xf32> to vector<16xi32>
                %shift_right_logical3A = arith.shrui %bitcast3A, %broadcast_in_dim3A_534 : vector<16xi32>
                %and3A_876 = arith.andi %shift_right_logical3A, %broadcast_in_dim3A_13 : vector<16xi32>
                %shift_left3A = arith.shli %and3A_876, %broadcast_in_dim3A_15 : vector<16xi32>
                %or3A_877 = arith.ori %shift_left3A, %iota3A : vector<16xi32>
                %gather3A_878 = tpu.vector_load_idx %arg18[%or3A_877] : memref<4096xi32, #tpu.memory_space<vmem>>[vector<16xi32>], vector<16xi32>,
                %add3A_879 = arith.constant 1 : i32
                %add3A_880 = vector.broadcast %add3A_879 : i32 to vector<16xi32>
                %add3A_881 = arith.addi %gather3A_878, %add3A_880 : vector<16xi32>
                tpu.vector_store_idx %arg18[%or3A_877], %add3A_881 masked %and3A_864 : memref<4096xi32, #tpu.memory_space<vmem>>[vector<16xi32>], vector<16xi32>, vector<16xi1>
                %add3A_882 = arith.constant 0 : i32
                %add3A_883 = vector.broadcast %add3A_882 : i32 to vector<16xi32>
                %add3A_884 = arith.addi %gather3A_878, %add3A_883 : vector<16xi32>
                tpu.vector_store_idx %arg14[%add3A_884], %gather3A_868 masked %and3A_864 : memref<80000xf32, #tpu.memory_space<vmem>>[vector<16xi32>], vector<16xf32>, vector<16xi1>
                %add3A_885 = arith.constant 0 : i32
                %add3A_886 = vector.broadcast %add3A_885 : i32 to vector<16xi32>
                %add3A_887 = arith.addi %gather3A_878, %add3A_886 : vector<16xi32>
                %add3A_888 = arith.constant 20000 : i32
                %add3A_889 = vector.broadcast %add3A_888 : i32 to vector<16xi32>
                %add3A_890 = arith.addi %add3A_887, %add3A_889 : vector<16xi32>
                tpu.vector_store_idx %arg14[%add3A_890], %gather3A_875 masked %and3A_864 : memref<80000xf32, #tpu.memory_space<vmem>>[vector<16xi32>], vector<16xf32>, vector<16xi1>
              }
              %scan3A_854 = arith.constant 25 : i32
            } else {
            }
          }
          %scan3A_559 = arith.constant 50 : i32
          %scan3A_560 = arith.constant 0 : i32
          %scan3A_561 = arith.constant 0 : i32
          %scan3A_562 = arith.constant 50 : i32
          %scan3A_563 = arith.addi %scan3A_561, %scan3A_562 : i32
          %scan3A_564 = arith.constant 1 : i32
          scf.for %scan3A_842 = %scan3A_561 to %scan3A_563 step %scan3A_564  : i32 {
            %mul3A_843 = arith.constant 400 : i32
            %mul3A_844 = arith.muli %scan3A_842, %mul3A_843 : i32
            %add3A_845 = arith.constant 16 : i32
            %add3A_846 = arith.addi %scan3A_422, %add3A_845 : i32
            %lt3A_847 = arith.cmpi slt, %mul3A_844, %add3A_846 : i32
            %convert_element_type3A_848 = arith.extui %lt3A_847 : i1 to i32
            %cond3A_849 = arith.constant 0 : i32
            %cond3A_850 = arith.cmpi ne, %convert_element_type3A_848, %cond3A_849 : i32
            scf.if %cond3A_850 {
              %scan3A_851 = arith.constant 0 : i32
              %scan3A_852 = arith.constant 0 : i32
              %scan3A_853 = arith.constant 25 : i32
              %scan3A_854 = arith.addi %scan3A_852, %scan3A_853 : i32
              %scan3A_855 = arith.constant 1 : i32
              scf.for %scan3A_857 = %scan3A_852 to %scan3A_854 step %scan3A_855  : i32 {
                %mul3A_858 = arith.constant 25 : i32
                %mul3A_859 = arith.muli %scan3A_842, %mul3A_858 : i32
                %add3A_860 = arith.addi %mul3A_859, %scan3A_857 : i32
                %mul3A_861 = arith.constant 16 : i32
                %mul3A_862 = arith.muli %add3A_860, %mul3A_861 : i32
                %add3A_863 = arith.constant 20000 : i32
                %add3A_864 = arith.addi %add3A_863, %mul3A_862 : i32
                %get3A_865 = arith.index_cast %add3A_864 : i32 to index
                %get3A_866 = tpu.vector_load %arg14[%get3A_865] {strides = array<i32>} : memref<80000xf32, #tpu.memory_space<vmem>>, vector<16xf32>,
                %bitcast3A = vector.bitcast %get3A_866 : vector<16xf32> to vector<16xi32>
                %broadcast_in_dim3A_867 = vector.broadcast %mul3A_862 : i32 to vector<16xi32>
                %add3A_868 = arith.addi %broadcast_in_dim3A_867, %iota3A : vector<16xi32>
                %lt3A_869 = arith.cmpi slt, %add3A_868, %broadcast_in_dim3A_449 : vector<16xi32>
                %jit3A_870 = arith.constant 0 : i32
                %broadcast_in_dim3A_871 = vector.broadcast %jit3A_870 : i32 to vector<16xi32>
                %select_n3A_872 = arith.select %lt3A_869, %bitcast3A, %broadcast_in_dim3A_871 : vector<16xi1>, vector<16xi32>
                %swap3A_873 = arith.index_cast %mul3A_862 : i32 to index
                %swap3A_874 = tpu.vector_load %arg15[%swap3A_873] {strides = array<i32>} : memref<20000xi32, #tpu.memory_space<vmem>>, vector<16xi32>,
                tpu.vector_store %arg15[%swap3A_873], %select_n3A_872 {strides = array<i32>} : memref<20000xi32, #tpu.memory_space<vmem>>, vector<16xi32>,
              }
              %scan3A_856 = arith.constant 25 : i32
            } else {
            }
          }
          %scan3A_565 = arith.constant 50 : i32
          "tpu.region"() ({
            %run_scoped3A = tpu.sem_alloc : memref<!tpu.dma_semaphore, #tpu.memory_space<semaphore_mem>>
            %dma_start3A = arith.constant 0 : i32
            %dma_start3A_842 = tpu.memref_slice %arg3[%add3A, %dma_start3A] : memref<8x80000xf32, #tpu.memory_space<hbm>> -> memref<1x80000xf32, #tpu.memory_space<hbm>>
            %dma_start3A_843 = tpu.memref_squeeze %dma_start3A_842 : memref<1x80000xf32, #tpu.memory_space<hbm>> -> memref<80000xf32, #tpu.memory_space<hbm>>
            %dma_start3A_844 = arith.constant 0 : i32
            %dma_start3A_845 = tpu.memref_slice %arg3[%add3A, %dma_start3A_844] : memref<8x80000xf32, #tpu.memory_space<hbm>> -> memref<1x80000xf32, #tpu.memory_space<hbm>>
            %dma_start3A_846 = tpu.memref_squeeze %dma_start3A_845 : memref<1x80000xf32, #tpu.memory_space<hbm>> -> memref<80000xf32, #tpu.memory_space<hbm>>
            tpu.enqueue_dma source(%dma_start3A_846 : memref<80000xf32, #tpu.memory_space<hbm>>) target(%arg14 : memref<80000xf32, #tpu.memory_space<vmem>>) target_semaphore(%run_scoped3A : memref<!tpu.dma_semaphore, #tpu.memory_space<semaphore_mem>>)
            %dma_wait3A = arith.constant 0 : i32
            %dma_wait3A_847 = tpu.memref_slice %arg3[%add3A, %dma_wait3A] : memref<8x80000xf32, #tpu.memory_space<hbm>> -> memref<1x80000xf32, #tpu.memory_space<hbm>>
            %dma_wait3A_848 = tpu.memref_squeeze %dma_wait3A_847 : memref<1x80000xf32, #tpu.memory_space<hbm>> -> memref<80000xf32, #tpu.memory_space<hbm>>
            %dma_wait3A_849 = arith.constant 0 : i32
            %dma_wait3A_850 = tpu.memref_slice %arg3[%add3A, %dma_wait3A_849] : memref<8x80000xf32, #tpu.memory_space<hbm>> -> memref<1x80000xf32, #tpu.memory_space<hbm>>
            %dma_wait3A_851 = tpu.memref_squeeze %dma_wait3A_850 : memref<1x80000xf32, #tpu.memory_space<hbm>> -> memref<80000xf32, #tpu.memory_space<hbm>>
            tpu.wait_dma2 semaphore(%run_scoped3A : memref<!tpu.dma_semaphore, #tpu.memory_space<semaphore_mem>>) src(%dma_wait3A_851 : memref<80000xf32, #tpu.memory_space<hbm>>) dst(%arg14 : memref<80000xf32, #tpu.memory_space<vmem>>)
            tpu.yield
          }) : () -> ()
          %swap3A_566 = arith.constant 0 : index
          %swap3A_567 = tpu.vector_load %arg19[%swap3A_566] {strides = array<i32>} : memref<304xf32, #tpu.memory_space<vmem>>, vector<16xf32>,
          tpu.vector_store %arg19[%swap3A_566], %broadcast_in_dim3A_9 {strides = array<i32>} : memref<304xf32, #tpu.memory_space<vmem>>, vector<16xf32>,
          %swap3A_568 = arith.constant 0 : index
          %swap3A_569 = tpu.vector_load %arg20[%swap3A_568] {strides = array<i32>} : memref<304xf32, #tpu.memory_space<vmem>>, vector<16xf32>,
          tpu.vector_store %arg20[%swap3A_568], %broadcast_in_dim3A_9 {strides = array<i32>} : memref<304xf32, #tpu.memory_space<vmem>>, vector<16xf32>,
          %swap3A_570 = arith.constant 0 : index
          %swap3A_571 = tpu.vector_load %arg21[%swap3A_570] {strides = array<i32>} : memref<304xf32, #tpu.memory_space<vmem>>, vector<16xf32>,
          tpu.vector_store %arg21[%swap3A_570], %broadcast_in_dim3A_9 {strides = array<i32>} : memref<304xf32, #tpu.memory_space<vmem>>, vector<16xf32>,
          %swap3A_572 = arith.constant 0 : index
          %swap3A_573 = tpu.vector_load %arg22[%swap3A_572] {strides = array<i32>} : memref<304xf32, #tpu.memory_space<vmem>>, vector<16xf32>,
          tpu.vector_store %arg22[%swap3A_572], %broadcast_in_dim3A_9 {strides = array<i32>} : memref<304xf32, #tpu.memory_space<vmem>>, vector<16xf32>,
          %swap3A_574 = arith.constant 0 : index
          %swap3A_575 = tpu.vector_load %arg23[%swap3A_574] {strides = array<i32>} : memref<304xf32, #tpu.memory_space<vmem>>, vector<16xf32>,
          tpu.vector_store %arg23[%swap3A_574], %broadcast_in_dim3A_9 {strides = array<i32>} : memref<304xf32, #tpu.memory_space<vmem>>, vector<16xf32>,
          %swap3A_576 = arith.constant 0 : index
          %swap3A_577 = tpu.vector_load %arg24[%swap3A_576] {strides = array<i32>} : memref<304xi32, #tpu.memory_space<vmem>>, vector<16xi32>,
          tpu.vector_store %arg24[%swap3A_576], %broadcast_in_dim3A_11 {strides = array<i32>} : memref<304xi32, #tpu.memory_space<vmem>>, vector<16xi32>,
          %swap3A_578 = arith.constant 0 : index
          %swap3A_579 = tpu.vector_load %arg25[%swap3A_578] {strides = array<i32>} : memref<304xi32, #tpu.memory_space<vmem>>, vector<16xi32>,
          tpu.vector_store %arg25[%swap3A_578], %broadcast_in_dim3A_7 {strides = array<i32>} : memref<304xi32, #tpu.memory_space<vmem>>, vector<16xi32>,
          %swap3A_580 = arith.constant 16 : index
          %swap3A_581 = tpu.vector_load %arg19[%swap3A_580] {strides = array<i32>} : memref<304xf32, #tpu.memory_space<vmem>>, vector<16xf32>,
          tpu.vector_store %arg19[%swap3A_580], %broadcast_in_dim3A_9 {strides = array<i32>} : memref<304xf32, #tpu.memory_space<vmem>>, vector<16xf32>,
          %swap3A_582 = arith.constant 16 : index
          %swap3A_583 = tpu.vector_load %arg20[%swap3A_582] {strides = array<i32>} : memref<304xf32, #tpu.memory_space<vmem>>, vector<16xf32>,
          tpu.vector_store %arg20[%swap3A_582], %broadcast_in_dim3A_9 {strides = array<i32>} : memref<304xf32, #tpu.memory_space<vmem>>, vector<16xf32>,
          %swap3A_584 = arith.constant 16 : index
          %swap3A_585 = tpu.vector_load %arg21[%swap3A_584] {strides = array<i32>} : memref<304xf32, #tpu.memory_space<vmem>>, vector<16xf32>,
          tpu.vector_store %arg21[%swap3A_584], %broadcast_in_dim3A_9 {strides = array<i32>} : memref<304xf32, #tpu.memory_space<vmem>>, vector<16xf32>,
          %swap3A_586 = arith.constant 16 : index
          %swap3A_587 = tpu.vector_load %arg22[%swap3A_586] {strides = array<i32>} : memref<304xf32, #tpu.memory_space<vmem>>, vector<16xf32>,
          tpu.vector_store %arg22[%swap3A_586], %broadcast_in_dim3A_9 {strides = array<i32>} : memref<304xf32, #tpu.memory_space<vmem>>, vector<16xf32>,
          %swap3A_588 = arith.constant 16 : index
          %swap3A_589 = tpu.vector_load %arg23[%swap3A_588] {strides = array<i32>} : memref<304xf32, #tpu.memory_space<vmem>>, vector<16xf32>,
          tpu.vector_store %arg23[%swap3A_588], %broadcast_in_dim3A_9 {strides = array<i32>} : memref<304xf32, #tpu.memory_space<vmem>>, vector<16xf32>,
          %swap3A_590 = arith.constant 16 : index
          %swap3A_591 = tpu.vector_load %arg24[%swap3A_590] {strides = array<i32>} : memref<304xi32, #tpu.memory_space<vmem>>, vector<16xi32>,
          tpu.vector_store %arg24[%swap3A_590], %broadcast_in_dim3A_11 {strides = array<i32>} : memref<304xi32, #tpu.memory_space<vmem>>, vector<16xi32>,
          %swap3A_592 = arith.constant 16 : index
          %swap3A_593 = tpu.vector_load %arg25[%swap3A_592] {strides = array<i32>} : memref<304xi32, #tpu.memory_space<vmem>>, vector<16xi32>,
          tpu.vector_store %arg25[%swap3A_592], %broadcast_in_dim3A_7 {strides = array<i32>} : memref<304xi32, #tpu.memory_space<vmem>>, vector<16xi32>,
          %swap3A_594 = arith.constant 32 : index
          %swap3A_595 = tpu.vector_load %arg19[%swap3A_594] {strides = array<i32>} : memref<304xf32, #tpu.memory_space<vmem>>, vector<16xf32>,
          tpu.vector_store %arg19[%swap3A_594], %broadcast_in_dim3A_9 {strides = array<i32>} : memref<304xf32, #tpu.memory_space<vmem>>, vector<16xf32>,
          %swap3A_596 = arith.constant 32 : index
          %swap3A_597 = tpu.vector_load %arg20[%swap3A_596] {strides = array<i32>} : memref<304xf32, #tpu.memory_space<vmem>>, vector<16xf32>,
          tpu.vector_store %arg20[%swap3A_596], %broadcast_in_dim3A_9 {strides = array<i32>} : memref<304xf32, #tpu.memory_space<vmem>>, vector<16xf32>,
          %swap3A_598 = arith.constant 32 : index
          %swap3A_599 = tpu.vector_load %arg21[%swap3A_598] {strides = array<i32>} : memref<304xf32, #tpu.memory_space<vmem>>, vector<16xf32>,
          tpu.vector_store %arg21[%swap3A_598], %broadcast_in_dim3A_9 {strides = array<i32>} : memref<304xf32, #tpu.memory_space<vmem>>, vector<16xf32>,
          %swap3A_600 = arith.constant 32 : index
          %swap3A_601 = tpu.vector_load %arg22[%swap3A_600] {strides = array<i32>} : memref<304xf32, #tpu.memory_space<vmem>>, vector<16xf32>,
          tpu.vector_store %arg22[%swap3A_600], %broadcast_in_dim3A_9 {strides = array<i32>} : memref<304xf32, #tpu.memory_space<vmem>>, vector<16xf32>,
          %swap3A_602 = arith.constant 32 : index
          %swap3A_603 = tpu.vector_load %arg23[%swap3A_602] {strides = array<i32>} : memref<304xf32, #tpu.memory_space<vmem>>, vector<16xf32>,
          tpu.vector_store %arg23[%swap3A_602], %broadcast_in_dim3A_9 {strides = array<i32>} : memref<304xf32, #tpu.memory_space<vmem>>, vector<16xf32>,
          %swap3A_604 = arith.constant 32 : index
          %swap3A_605 = tpu.vector_load %arg24[%swap3A_604] {strides = array<i32>} : memref<304xi32, #tpu.memory_space<vmem>>, vector<16xi32>,
          tpu.vector_store %arg24[%swap3A_604], %broadcast_in_dim3A_11 {strides = array<i32>} : memref<304xi32, #tpu.memory_space<vmem>>, vector<16xi32>,
          %swap3A_606 = arith.constant 32 : index
          %swap3A_607 = tpu.vector_load %arg25[%swap3A_606] {strides = array<i32>} : memref<304xi32, #tpu.memory_space<vmem>>, vector<16xi32>,
          tpu.vector_store %arg25[%swap3A_606], %broadcast_in_dim3A_7 {strides = array<i32>} : memref<304xi32, #tpu.memory_space<vmem>>, vector<16xi32>,
          %swap3A_608 = arith.constant 48 : index
          %swap3A_609 = tpu.vector_load %arg19[%swap3A_608] {strides = array<i32>} : memref<304xf32, #tpu.memory_space<vmem>>, vector<16xf32>,
          tpu.vector_store %arg19[%swap3A_608], %broadcast_in_dim3A_9 {strides = array<i32>} : memref<304xf32, #tpu.memory_space<vmem>>, vector<16xf32>,
          %swap3A_610 = arith.constant 48 : index
          %swap3A_611 = tpu.vector_load %arg20[%swap3A_610] {strides = array<i32>} : memref<304xf32, #tpu.memory_space<vmem>>, vector<16xf32>,
          tpu.vector_store %arg20[%swap3A_610], %broadcast_in_dim3A_9 {strides = array<i32>} : memref<304xf32, #tpu.memory_space<vmem>>, vector<16xf32>,
          %swap3A_612 = arith.constant 48 : index
          %swap3A_613 = tpu.vector_load %arg21[%swap3A_612] {strides = array<i32>} : memref<304xf32, #tpu.memory_space<vmem>>, vector<16xf32>,
          tpu.vector_store %arg21[%swap3A_612], %broadcast_in_dim3A_9 {strides = array<i32>} : memref<304xf32, #tpu.memory_space<vmem>>, vector<16xf32>,
          %swap3A_614 = arith.constant 48 : index
          %swap3A_615 = tpu.vector_load %arg22[%swap3A_614] {strides = array<i32>} : memref<304xf32, #tpu.memory_space<vmem>>, vector<16xf32>,
          tpu.vector_store %arg22[%swap3A_614], %broadcast_in_dim3A_9 {strides = array<i32>} : memref<304xf32, #tpu.memory_space<vmem>>, vector<16xf32>,
          %swap3A_616 = arith.constant 48 : index
          %swap3A_617 = tpu.vector_load %arg23[%swap3A_616] {strides = array<i32>} : memref<304xf32, #tpu.memory_space<vmem>>, vector<16xf32>,
          tpu.vector_store %arg23[%swap3A_616], %broadcast_in_dim3A_9 {strides = array<i32>} : memref<304xf32, #tpu.memory_space<vmem>>, vector<16xf32>,
          %swap3A_618 = arith.constant 48 : index
          %swap3A_619 = tpu.vector_load %arg24[%swap3A_618] {strides = array<i32>} : memref<304xi32, #tpu.memory_space<vmem>>, vector<16xi32>,
          tpu.vector_store %arg24[%swap3A_618], %broadcast_in_dim3A_11 {strides = array<i32>} : memref<304xi32, #tpu.memory_space<vmem>>, vector<16xi32>,
          %swap3A_620 = arith.constant 48 : index
          %swap3A_621 = tpu.vector_load %arg25[%swap3A_620] {strides = array<i32>} : memref<304xi32, #tpu.memory_space<vmem>>, vector<16xi32>,
          tpu.vector_store %arg25[%swap3A_620], %broadcast_in_dim3A_7 {strides = array<i32>} : memref<304xi32, #tpu.memory_space<vmem>>, vector<16xi32>,
          %swap3A_622 = arith.constant 64 : index
          %swap3A_623 = tpu.vector_load %arg19[%swap3A_622] {strides = array<i32>} : memref<304xf32, #tpu.memory_space<vmem>>, vector<16xf32>,
          tpu.vector_store %arg19[%swap3A_622], %broadcast_in_dim3A_9 {strides = array<i32>} : memref<304xf32, #tpu.memory_space<vmem>>, vector<16xf32>,
          %swap3A_624 = arith.constant 64 : index
          %swap3A_625 = tpu.vector_load %arg20[%swap3A_624] {strides = array<i32>} : memref<304xf32, #tpu.memory_space<vmem>>, vector<16xf32>,
          tpu.vector_store %arg20[%swap3A_624], %broadcast_in_dim3A_9 {strides = array<i32>} : memref<304xf32, #tpu.memory_space<vmem>>, vector<16xf32>,
          %swap3A_626 = arith.constant 64 : index
          %swap3A_627 = tpu.vector_load %arg21[%swap3A_626] {strides = array<i32>} : memref<304xf32, #tpu.memory_space<vmem>>, vector<16xf32>,
          tpu.vector_store %arg21[%swap3A_626], %broadcast_in_dim3A_9 {strides = array<i32>} : memref<304xf32, #tpu.memory_space<vmem>>, vector<16xf32>,
          %swap3A_628 = arith.constant 64 : index
          %swap3A_629 = tpu.vector_load %arg22[%swap3A_628] {strides = array<i32>} : memref<304xf32, #tpu.memory_space<vmem>>, vector<16xf32>,
          tpu.vector_store %arg22[%swap3A_628], %broadcast_in_dim3A_9 {strides = array<i32>} : memref<304xf32, #tpu.memory_space<vmem>>, vector<16xf32>,
          %swap3A_630 = arith.constant 64 : index
          %swap3A_631 = tpu.vector_load %arg23[%swap3A_630] {strides = array<i32>} : memref<304xf32, #tpu.memory_space<vmem>>, vector<16xf32>,
          tpu.vector_store %arg23[%swap3A_630], %broadcast_in_dim3A_9 {strides = array<i32>} : memref<304xf32, #tpu.memory_space<vmem>>, vector<16xf32>,
          %swap3A_632 = arith.constant 64 : index
          %swap3A_633 = tpu.vector_load %arg24[%swap3A_632] {strides = array<i32>} : memref<304xi32, #tpu.memory_space<vmem>>, vector<16xi32>,
          tpu.vector_store %arg24[%swap3A_632], %broadcast_in_dim3A_11 {strides = array<i32>} : memref<304xi32, #tpu.memory_space<vmem>>, vector<16xi32>,
          %swap3A_634 = arith.constant 64 : index
          %swap3A_635 = tpu.vector_load %arg25[%swap3A_634] {strides = array<i32>} : memref<304xi32, #tpu.memory_space<vmem>>, vector<16xi32>,
          tpu.vector_store %arg25[%swap3A_634], %broadcast_in_dim3A_7 {strides = array<i32>} : memref<304xi32, #tpu.memory_space<vmem>>, vector<16xi32>,
          %swap3A_636 = arith.constant 80 : index
          %swap3A_637 = tpu.vector_load %arg19[%swap3A_636] {strides = array<i32>} : memref<304xf32, #tpu.memory_space<vmem>>, vector<16xf32>,
          tpu.vector_store %arg19[%swap3A_636], %broadcast_in_dim3A_9 {strides = array<i32>} : memref<304xf32, #tpu.memory_space<vmem>>, vector<16xf32>,
          %swap3A_638 = arith.constant 80 : index
          %swap3A_639 = tpu.vector_load %arg20[%swap3A_638] {strides = array<i32>} : memref<304xf32, #tpu.memory_space<vmem>>, vector<16xf32>,
          tpu.vector_store %arg20[%swap3A_638], %broadcast_in_dim3A_9 {strides = array<i32>} : memref<304xf32, #tpu.memory_space<vmem>>, vector<16xf32>,
          %swap3A_640 = arith.constant 80 : index
          %swap3A_641 = tpu.vector_load %arg21[%swap3A_640] {strides = array<i32>} : memref<304xf32, #tpu.memory_space<vmem>>, vector<16xf32>,
          tpu.vector_store %arg21[%swap3A_640], %broadcast_in_dim3A_9 {strides = array<i32>} : memref<304xf32, #tpu.memory_space<vmem>>, vector<16xf32>,
          %swap3A_642 = arith.constant 80 : index
          %swap3A_643 = tpu.vector_load %arg22[%swap3A_642] {strides = array<i32>} : memref<304xf32, #tpu.memory_space<vmem>>, vector<16xf32>,
          tpu.vector_store %arg22[%swap3A_642], %broadcast_in_dim3A_9 {strides = array<i32>} : memref<304xf32, #tpu.memory_space<vmem>>, vector<16xf32>,
          %swap3A_644 = arith.constant 80 : index
          %swap3A_645 = tpu.vector_load %arg23[%swap3A_644] {strides = array<i32>} : memref<304xf32, #tpu.memory_space<vmem>>, vector<16xf32>,
          tpu.vector_store %arg23[%swap3A_644], %broadcast_in_dim3A_9 {strides = array<i32>} : memref<304xf32, #tpu.memory_space<vmem>>, vector<16xf32>,
          %swap3A_646 = arith.constant 80 : index
          %swap3A_647 = tpu.vector_load %arg24[%swap3A_646] {strides = array<i32>} : memref<304xi32, #tpu.memory_space<vmem>>, vector<16xi32>,
          tpu.vector_store %arg24[%swap3A_646], %broadcast_in_dim3A_11 {strides = array<i32>} : memref<304xi32, #tpu.memory_space<vmem>>, vector<16xi32>,
          %swap3A_648 = arith.constant 80 : index
          %swap3A_649 = tpu.vector_load %arg25[%swap3A_648] {strides = array<i32>} : memref<304xi32, #tpu.memory_space<vmem>>, vector<16xi32>,
          tpu.vector_store %arg25[%swap3A_648], %broadcast_in_dim3A_7 {strides = array<i32>} : memref<304xi32, #tpu.memory_space<vmem>>, vector<16xi32>,
          %swap3A_650 = arith.constant 96 : index
          %swap3A_651 = tpu.vector_load %arg19[%swap3A_650] {strides = array<i32>} : memref<304xf32, #tpu.memory_space<vmem>>, vector<16xf32>,
          tpu.vector_store %arg19[%swap3A_650], %broadcast_in_dim3A_9 {strides = array<i32>} : memref<304xf32, #tpu.memory_space<vmem>>, vector<16xf32>,
          %swap3A_652 = arith.constant 96 : index
          %swap3A_653 = tpu.vector_load %arg20[%swap3A_652] {strides = array<i32>} : memref<304xf32, #tpu.memory_space<vmem>>, vector<16xf32>,
          tpu.vector_store %arg20[%swap3A_652], %broadcast_in_dim3A_9 {strides = array<i32>} : memref<304xf32, #tpu.memory_space<vmem>>, vector<16xf32>,
          %swap3A_654 = arith.constant 96 : index
          %swap3A_655 = tpu.vector_load %arg21[%swap3A_654] {strides = array<i32>} : memref<304xf32, #tpu.memory_space<vmem>>, vector<16xf32>,
          tpu.vector_store %arg21[%swap3A_654], %broadcast_in_dim3A_9 {strides = array<i32>} : memref<304xf32, #tpu.memory_space<vmem>>, vector<16xf32>,
          %swap3A_656 = arith.constant 96 : index
          %swap3A_657 = tpu.vector_load %arg22[%swap3A_656] {strides = array<i32>} : memref<304xf32, #tpu.memory_space<vmem>>, vector<16xf32>,
          tpu.vector_store %arg22[%swap3A_656], %broadcast_in_dim3A_9 {strides = array<i32>} : memref<304xf32, #tpu.memory_space<vmem>>, vector<16xf32>,
          %swap3A_658 = arith.constant 96 : index
          %swap3A_659 = tpu.vector_load %arg23[%swap3A_658] {strides = array<i32>} : memref<304xf32, #tpu.memory_space<vmem>>, vector<16xf32>,
          tpu.vector_store %arg23[%swap3A_658], %broadcast_in_dim3A_9 {strides = array<i32>} : memref<304xf32, #tpu.memory_space<vmem>>, vector<16xf32>,
          %swap3A_660 = arith.constant 96 : index
          %swap3A_661 = tpu.vector_load %arg24[%swap3A_660] {strides = array<i32>} : memref<304xi32, #tpu.memory_space<vmem>>, vector<16xi32>,
          tpu.vector_store %arg24[%swap3A_660], %broadcast_in_dim3A_11 {strides = array<i32>} : memref<304xi32, #tpu.memory_space<vmem>>, vector<16xi32>,
          %swap3A_662 = arith.constant 96 : index
          %swap3A_663 = tpu.vector_load %arg25[%swap3A_662] {strides = array<i32>} : memref<304xi32, #tpu.memory_space<vmem>>, vector<16xi32>,
          tpu.vector_store %arg25[%swap3A_662], %broadcast_in_dim3A_7 {strides = array<i32>} : memref<304xi32, #tpu.memory_space<vmem>>, vector<16xi32>,
          %swap3A_664 = arith.constant 112 : index
          %swap3A_665 = tpu.vector_load %arg19[%swap3A_664] {strides = array<i32>} : memref<304xf32, #tpu.memory_space<vmem>>, vector<16xf32>,
          tpu.vector_store %arg19[%swap3A_664], %broadcast_in_dim3A_9 {strides = array<i32>} : memref<304xf32, #tpu.memory_space<vmem>>, vector<16xf32>,
          %swap3A_666 = arith.constant 112 : index
          %swap3A_667 = tpu.vector_load %arg20[%swap3A_666] {strides = array<i32>} : memref<304xf32, #tpu.memory_space<vmem>>, vector<16xf32>,
          tpu.vector_store %arg20[%swap3A_666], %broadcast_in_dim3A_9 {strides = array<i32>} : memref<304xf32, #tpu.memory_space<vmem>>, vector<16xf32>,
          %swap3A_668 = arith.constant 112 : index
          %swap3A_669 = tpu.vector_load %arg21[%swap3A_668] {strides = array<i32>} : memref<304xf32, #tpu.memory_space<vmem>>, vector<16xf32>,
          tpu.vector_store %arg21[%swap3A_668], %broadcast_in_dim3A_9 {strides = array<i32>} : memref<304xf32, #tpu.memory_space<vmem>>, vector<16xf32>,
          %swap3A_670 = arith.constant 112 : index
          %swap3A_671 = tpu.vector_load %arg22[%swap3A_670] {strides = array<i32>} : memref<304xf32, #tpu.memory_space<vmem>>, vector<16xf32>,
          tpu.vector_store %arg22[%swap3A_670], %broadcast_in_dim3A_9 {strides = array<i32>} : memref<304xf32, #tpu.memory_space<vmem>>, vector<16xf32>,
          %swap3A_672 = arith.constant 112 : index
          %swap3A_673 = tpu.vector_load %arg23[%swap3A_672] {strides = array<i32>} : memref<304xf32, #tpu.memory_space<vmem>>, vector<16xf32>,
          tpu.vector_store %arg23[%swap3A_672], %broadcast_in_dim3A_9 {strides = array<i32>} : memref<304xf32, #tpu.memory_space<vmem>>, vector<16xf32>,
          %swap3A_674 = arith.constant 112 : index
          %swap3A_675 = tpu.vector_load %arg24[%swap3A_674] {strides = array<i32>} : memref<304xi32, #tpu.memory_space<vmem>>, vector<16xi32>,
          tpu.vector_store %arg24[%swap3A_674], %broadcast_in_dim3A_11 {strides = array<i32>} : memref<304xi32, #tpu.memory_space<vmem>>, vector<16xi32>,
          %swap3A_676 = arith.constant 112 : index
          %swap3A_677 = tpu.vector_load %arg25[%swap3A_676] {strides = array<i32>} : memref<304xi32, #tpu.memory_space<vmem>>, vector<16xi32>,
          tpu.vector_store %arg25[%swap3A_676], %broadcast_in_dim3A_7 {strides = array<i32>} : memref<304xi32, #tpu.memory_space<vmem>>, vector<16xi32>,
          %swap3A_678 = arith.constant 128 : index
          %swap3A_679 = tpu.vector_load %arg19[%swap3A_678] {strides = array<i32>} : memref<304xf32, #tpu.memory_space<vmem>>, vector<16xf32>,
          tpu.vector_store %arg19[%swap3A_678], %broadcast_in_dim3A_9 {strides = array<i32>} : memref<304xf32, #tpu.memory_space<vmem>>, vector<16xf32>,
          %swap3A_680 = arith.constant 128 : index
          %swap3A_681 = tpu.vector_load %arg20[%swap3A_680] {strides = array<i32>} : memref<304xf32, #tpu.memory_space<vmem>>, vector<16xf32>,
          tpu.vector_store %arg20[%swap3A_680], %broadcast_in_dim3A_9 {strides = array<i32>} : memref<304xf32, #tpu.memory_space<vmem>>, vector<16xf32>,
          %swap3A_682 = arith.constant 128 : index
          %swap3A_683 = tpu.vector_load %arg21[%swap3A_682] {strides = array<i32>} : memref<304xf32, #tpu.memory_space<vmem>>, vector<16xf32>,
          tpu.vector_store %arg21[%swap3A_682], %broadcast_in_dim3A_9 {strides = array<i32>} : memref<304xf32, #tpu.memory_space<vmem>>, vector<16xf32>,
          %swap3A_684 = arith.constant 128 : index
          %swap3A_685 = tpu.vector_load %arg22[%swap3A_684] {strides = array<i32>} : memref<304xf32, #tpu.memory_space<vmem>>, vector<16xf32>,
          tpu.vector_store %arg22[%swap3A_684], %broadcast_in_dim3A_9 {strides = array<i32>} : memref<304xf32, #tpu.memory_space<vmem>>, vector<16xf32>,
          %swap3A_686 = arith.constant 128 : index
          %swap3A_687 = tpu.vector_load %arg23[%swap3A_686] {strides = array<i32>} : memref<304xf32, #tpu.memory_space<vmem>>, vector<16xf32>,
          tpu.vector_store %arg23[%swap3A_686], %broadcast_in_dim3A_9 {strides = array<i32>} : memref<304xf32, #tpu.memory_space<vmem>>, vector<16xf32>,
          %swap3A_688 = arith.constant 128 : index
          %swap3A_689 = tpu.vector_load %arg24[%swap3A_688] {strides = array<i32>} : memref<304xi32, #tpu.memory_space<vmem>>, vector<16xi32>,
          tpu.vector_store %arg24[%swap3A_688], %broadcast_in_dim3A_11 {strides = array<i32>} : memref<304xi32, #tpu.memory_space<vmem>>, vector<16xi32>,
          %swap3A_690 = arith.constant 128 : index
          %swap3A_691 = tpu.vector_load %arg25[%swap3A_690] {strides = array<i32>} : memref<304xi32, #tpu.memory_space<vmem>>, vector<16xi32>,
          tpu.vector_store %arg25[%swap3A_690], %broadcast_in_dim3A_7 {strides = array<i32>} : memref<304xi32, #tpu.memory_space<vmem>>, vector<16xi32>,
          %swap3A_692 = arith.constant 144 : index
          %swap3A_693 = tpu.vector_load %arg19[%swap3A_692] {strides = array<i32>} : memref<304xf32, #tpu.memory_space<vmem>>, vector<16xf32>,
          tpu.vector_store %arg19[%swap3A_692], %broadcast_in_dim3A_9 {strides = array<i32>} : memref<304xf32, #tpu.memory_space<vmem>>, vector<16xf32>,
          %swap3A_694 = arith.constant 144 : index
          %swap3A_695 = tpu.vector_load %arg20[%swap3A_694] {strides = array<i32>} : memref<304xf32, #tpu.memory_space<vmem>>, vector<16xf32>,
          tpu.vector_store %arg20[%swap3A_694], %broadcast_in_dim3A_9 {strides = array<i32>} : memref<304xf32, #tpu.memory_space<vmem>>, vector<16xf32>,
          %swap3A_696 = arith.constant 144 : index
          %swap3A_697 = tpu.vector_load %arg21[%swap3A_696] {strides = array<i32>} : memref<304xf32, #tpu.memory_space<vmem>>, vector<16xf32>,
          tpu.vector_store %arg21[%swap3A_696], %broadcast_in_dim3A_9 {strides = array<i32>} : memref<304xf32, #tpu.memory_space<vmem>>, vector<16xf32>,
          %swap3A_698 = arith.constant 144 : index
          %swap3A_699 = tpu.vector_load %arg22[%swap3A_698] {strides = array<i32>} : memref<304xf32, #tpu.memory_space<vmem>>, vector<16xf32>,
          tpu.vector_store %arg22[%swap3A_698], %broadcast_in_dim3A_9 {strides = array<i32>} : memref<304xf32, #tpu.memory_space<vmem>>, vector<16xf32>,
          %swap3A_700 = arith.constant 144 : index
          %swap3A_701 = tpu.vector_load %arg23[%swap3A_700] {strides = array<i32>} : memref<304xf32, #tpu.memory_space<vmem>>, vector<16xf32>,
          tpu.vector_store %arg23[%swap3A_700], %broadcast_in_dim3A_9 {strides = array<i32>} : memref<304xf32, #tpu.memory_space<vmem>>, vector<16xf32>,
          %swap3A_702 = arith.constant 144 : index
          %swap3A_703 = tpu.vector_load %arg24[%swap3A_702] {strides = array<i32>} : memref<304xi32, #tpu.memory_space<vmem>>, vector<16xi32>,
          tpu.vector_store %arg24[%swap3A_702], %broadcast_in_dim3A_11 {strides = array<i32>} : memref<304xi32, #tpu.memory_space<vmem>>, vector<16xi32>,
          %swap3A_704 = arith.constant 144 : index
          %swap3A_705 = tpu.vector_load %arg25[%swap3A_704] {strides = array<i32>} : memref<304xi32, #tpu.memory_space<vmem>>, vector<16xi32>,
          tpu.vector_store %arg25[%swap3A_704], %broadcast_in_dim3A_7 {strides = array<i32>} : memref<304xi32, #tpu.memory_space<vmem>>, vector<16xi32>,
          %swap3A_706 = arith.constant 160 : index
          %swap3A_707 = tpu.vector_load %arg19[%swap3A_706] {strides = array<i32>} : memref<304xf32, #tpu.memory_space<vmem>>, vector<16xf32>,
          tpu.vector_store %arg19[%swap3A_706], %broadcast_in_dim3A_9 {strides = array<i32>} : memref<304xf32, #tpu.memory_space<vmem>>, vector<16xf32>,
          %swap3A_708 = arith.constant 160 : index
          %swap3A_709 = tpu.vector_load %arg20[%swap3A_708] {strides = array<i32>} : memref<304xf32, #tpu.memory_space<vmem>>, vector<16xf32>,
          tpu.vector_store %arg20[%swap3A_708], %broadcast_in_dim3A_9 {strides = array<i32>} : memref<304xf32, #tpu.memory_space<vmem>>, vector<16xf32>,
          %swap3A_710 = arith.constant 160 : index
          %swap3A_711 = tpu.vector_load %arg21[%swap3A_710] {strides = array<i32>} : memref<304xf32, #tpu.memory_space<vmem>>, vector<16xf32>,
          tpu.vector_store %arg21[%swap3A_710], %broadcast_in_dim3A_9 {strides = array<i32>} : memref<304xf32, #tpu.memory_space<vmem>>, vector<16xf32>,
          %swap3A_712 = arith.constant 160 : index
          %swap3A_713 = tpu.vector_load %arg22[%swap3A_712] {strides = array<i32>} : memref<304xf32, #tpu.memory_space<vmem>>, vector<16xf32>,
          tpu.vector_store %arg22[%swap3A_712], %broadcast_in_dim3A_9 {strides = array<i32>} : memref<304xf32, #tpu.memory_space<vmem>>, vector<16xf32>,
          %swap3A_714 = arith.constant 160 : index
          %swap3A_715 = tpu.vector_load %arg23[%swap3A_714] {strides = array<i32>} : memref<304xf32, #tpu.memory_space<vmem>>, vector<16xf32>,
          tpu.vector_store %arg23[%swap3A_714], %broadcast_in_dim3A_9 {strides = array<i32>} : memref<304xf32, #tpu.memory_space<vmem>>, vector<16xf32>,
          %swap3A_716 = arith.constant 160 : index
          %swap3A_717 = tpu.vector_load %arg24[%swap3A_716] {strides = array<i32>} : memref<304xi32, #tpu.memory_space<vmem>>, vector<16xi32>,
          tpu.vector_store %arg24[%swap3A_716], %broadcast_in_dim3A_11 {strides = array<i32>} : memref<304xi32, #tpu.memory_space<vmem>>, vector<16xi32>,
          %swap3A_718 = arith.constant 160 : index
          %swap3A_719 = tpu.vector_load %arg25[%swap3A_718] {strides = array<i32>} : memref<304xi32, #tpu.memory_space<vmem>>, vector<16xi32>,
          tpu.vector_store %arg25[%swap3A_718], %broadcast_in_dim3A_7 {strides = array<i32>} : memref<304xi32, #tpu.memory_space<vmem>>, vector<16xi32>,
          %swap3A_720 = arith.constant 176 : index
          %swap3A_721 = tpu.vector_load %arg19[%swap3A_720] {strides = array<i32>} : memref<304xf32, #tpu.memory_space<vmem>>, vector<16xf32>,
          tpu.vector_store %arg19[%swap3A_720], %broadcast_in_dim3A_9 {strides = array<i32>} : memref<304xf32, #tpu.memory_space<vmem>>, vector<16xf32>,
          %swap3A_722 = arith.constant 176 : index
          %swap3A_723 = tpu.vector_load %arg20[%swap3A_722] {strides = array<i32>} : memref<304xf32, #tpu.memory_space<vmem>>, vector<16xf32>,
          tpu.vector_store %arg20[%swap3A_722], %broadcast_in_dim3A_9 {strides = array<i32>} : memref<304xf32, #tpu.memory_space<vmem>>, vector<16xf32>,
          %swap3A_724 = arith.constant 176 : index
          %swap3A_725 = tpu.vector_load %arg21[%swap3A_724] {strides = array<i32>} : memref<304xf32, #tpu.memory_space<vmem>>, vector<16xf32>,
          tpu.vector_store %arg21[%swap3A_724], %broadcast_in_dim3A_9 {strides = array<i32>} : memref<304xf32, #tpu.memory_space<vmem>>, vector<16xf32>,
          %swap3A_726 = arith.constant 176 : index
          %swap3A_727 = tpu.vector_load %arg22[%swap3A_726] {strides = array<i32>} : memref<304xf32, #tpu.memory_space<vmem>>, vector<16xf32>,
          tpu.vector_store %arg22[%swap3A_726], %broadcast_in_dim3A_9 {strides = array<i32>} : memref<304xf32, #tpu.memory_space<vmem>>, vector<16xf32>,
          %swap3A_728 = arith.constant 176 : index
          %swap3A_729 = tpu.vector_load %arg23[%swap3A_728] {strides = array<i32>} : memref<304xf32, #tpu.memory_space<vmem>>, vector<16xf32>,
          tpu.vector_store %arg23[%swap3A_728], %broadcast_in_dim3A_9 {strides = array<i32>} : memref<304xf32, #tpu.memory_space<vmem>>, vector<16xf32>,
          %swap3A_730 = arith.constant 176 : index
          %swap3A_731 = tpu.vector_load %arg24[%swap3A_730] {strides = array<i32>} : memref<304xi32, #tpu.memory_space<vmem>>, vector<16xi32>,
          tpu.vector_store %arg24[%swap3A_730], %broadcast_in_dim3A_11 {strides = array<i32>} : memref<304xi32, #tpu.memory_space<vmem>>, vector<16xi32>,
          %swap3A_732 = arith.constant 176 : index
          %swap3A_733 = tpu.vector_load %arg25[%swap3A_732] {strides = array<i32>} : memref<304xi32, #tpu.memory_space<vmem>>, vector<16xi32>,
          tpu.vector_store %arg25[%swap3A_732], %broadcast_in_dim3A_7 {strides = array<i32>} : memref<304xi32, #tpu.memory_space<vmem>>, vector<16xi32>,
          %swap3A_734 = arith.constant 192 : index
          %swap3A_735 = tpu.vector_load %arg19[%swap3A_734] {strides = array<i32>} : memref<304xf32, #tpu.memory_space<vmem>>, vector<16xf32>,
          tpu.vector_store %arg19[%swap3A_734], %broadcast_in_dim3A_9 {strides = array<i32>} : memref<304xf32, #tpu.memory_space<vmem>>, vector<16xf32>,
          %swap3A_736 = arith.constant 192 : index
          %swap3A_737 = tpu.vector_load %arg20[%swap3A_736] {strides = array<i32>} : memref<304xf32, #tpu.memory_space<vmem>>, vector<16xf32>,
          tpu.vector_store %arg20[%swap3A_736], %broadcast_in_dim3A_9 {strides = array<i32>} : memref<304xf32, #tpu.memory_space<vmem>>, vector<16xf32>,
          %swap3A_738 = arith.constant 192 : index
          %swap3A_739 = tpu.vector_load %arg21[%swap3A_738] {strides = array<i32>} : memref<304xf32, #tpu.memory_space<vmem>>, vector<16xf32>,
          tpu.vector_store %arg21[%swap3A_738], %broadcast_in_dim3A_9 {strides = array<i32>} : memref<304xf32, #tpu.memory_space<vmem>>, vector<16xf32>,
          %swap3A_740 = arith.constant 192 : index
          %swap3A_741 = tpu.vector_load %arg22[%swap3A_740] {strides = array<i32>} : memref<304xf32, #tpu.memory_space<vmem>>, vector<16xf32>,
          tpu.vector_store %arg22[%swap3A_740], %broadcast_in_dim3A_9 {strides = array<i32>} : memref<304xf32, #tpu.memory_space<vmem>>, vector<16xf32>,
          %swap3A_742 = arith.constant 192 : index
          %swap3A_743 = tpu.vector_load %arg23[%swap3A_742] {strides = array<i32>} : memref<304xf32, #tpu.memory_space<vmem>>, vector<16xf32>,
          tpu.vector_store %arg23[%swap3A_742], %broadcast_in_dim3A_9 {strides = array<i32>} : memref<304xf32, #tpu.memory_space<vmem>>, vector<16xf32>,
          %swap3A_744 = arith.constant 192 : index
          %swap3A_745 = tpu.vector_load %arg24[%swap3A_744] {strides = array<i32>} : memref<304xi32, #tpu.memory_space<vmem>>, vector<16xi32>,
          tpu.vector_store %arg24[%swap3A_744], %broadcast_in_dim3A_11 {strides = array<i32>} : memref<304xi32, #tpu.memory_space<vmem>>, vector<16xi32>,
          %swap3A_746 = arith.constant 192 : index
          %swap3A_747 = tpu.vector_load %arg25[%swap3A_746] {strides = array<i32>} : memref<304xi32, #tpu.memory_space<vmem>>, vector<16xi32>,
          tpu.vector_store %arg25[%swap3A_746], %broadcast_in_dim3A_7 {strides = array<i32>} : memref<304xi32, #tpu.memory_space<vmem>>, vector<16xi32>,
          %swap3A_748 = arith.constant 208 : index
          %swap3A_749 = tpu.vector_load %arg19[%swap3A_748] {strides = array<i32>} : memref<304xf32, #tpu.memory_space<vmem>>, vector<16xf32>,
          tpu.vector_store %arg19[%swap3A_748], %broadcast_in_dim3A_9 {strides = array<i32>} : memref<304xf32, #tpu.memory_space<vmem>>, vector<16xf32>,
          %swap3A_750 = arith.constant 208 : index
          %swap3A_751 = tpu.vector_load %arg20[%swap3A_750] {strides = array<i32>} : memref<304xf32, #tpu.memory_space<vmem>>, vector<16xf32>,
          tpu.vector_store %arg20[%swap3A_750], %broadcast_in_dim3A_9 {strides = array<i32>} : memref<304xf32, #tpu.memory_space<vmem>>, vector<16xf32>,
          %swap3A_752 = arith.constant 208 : index
          %swap3A_753 = tpu.vector_load %arg21[%swap3A_752] {strides = array<i32>} : memref<304xf32, #tpu.memory_space<vmem>>, vector<16xf32>,
          tpu.vector_store %arg21[%swap3A_752], %broadcast_in_dim3A_9 {strides = array<i32>} : memref<304xf32, #tpu.memory_space<vmem>>, vector<16xf32>,
          %swap3A_754 = arith.constant 208 : index
          %swap3A_755 = tpu.vector_load %arg22[%swap3A_754] {strides = array<i32>} : memref<304xf32, #tpu.memory_space<vmem>>, vector<16xf32>,
          tpu.vector_store %arg22[%swap3A_754], %broadcast_in_dim3A_9 {strides = array<i32>} : memref<304xf32, #tpu.memory_space<vmem>>, vector<16xf32>,
          %swap3A_756 = arith.constant 208 : index
          %swap3A_757 = tpu.vector_load %arg23[%swap3A_756] {strides = array<i32>} : memref<304xf32, #tpu.memory_space<vmem>>, vector<16xf32>,
          tpu.vector_store %arg23[%swap3A_756], %broadcast_in_dim3A_9 {strides = array<i32>} : memref<304xf32, #tpu.memory_space<vmem>>, vector<16xf32>,
          %swap3A_758 = arith.constant 208 : index
          %swap3A_759 = tpu.vector_load %arg24[%swap3A_758] {strides = array<i32>} : memref<304xi32, #tpu.memory_space<vmem>>, vector<16xi32>,
          tpu.vector_store %arg24[%swap3A_758], %broadcast_in_dim3A_11 {strides = array<i32>} : memref<304xi32, #tpu.memory_space<vmem>>, vector<16xi32>,
          %swap3A_760 = arith.constant 208 : index
          %swap3A_761 = tpu.vector_load %arg25[%swap3A_760] {strides = array<i32>} : memref<304xi32, #tpu.memory_space<vmem>>, vector<16xi32>,
          tpu.vector_store %arg25[%swap3A_760], %broadcast_in_dim3A_7 {strides = array<i32>} : memref<304xi32, #tpu.memory_space<vmem>>, vector<16xi32>,
          %swap3A_762 = arith.constant 224 : index
          %swap3A_763 = tpu.vector_load %arg19[%swap3A_762] {strides = array<i32>} : memref<304xf32, #tpu.memory_space<vmem>>, vector<16xf32>,
          tpu.vector_store %arg19[%swap3A_762], %broadcast_in_dim3A_9 {strides = array<i32>} : memref<304xf32, #tpu.memory_space<vmem>>, vector<16xf32>,
          %swap3A_764 = arith.constant 224 : index
          %swap3A_765 = tpu.vector_load %arg20[%swap3A_764] {strides = array<i32>} : memref<304xf32, #tpu.memory_space<vmem>>, vector<16xf32>,
          tpu.vector_store %arg20[%swap3A_764], %broadcast_in_dim3A_9 {strides = array<i32>} : memref<304xf32, #tpu.memory_space<vmem>>, vector<16xf32>,
          %swap3A_766 = arith.constant 224 : index
          %swap3A_767 = tpu.vector_load %arg21[%swap3A_766] {strides = array<i32>} : memref<304xf32, #tpu.memory_space<vmem>>, vector<16xf32>,
          tpu.vector_store %arg21[%swap3A_766], %broadcast_in_dim3A_9 {strides = array<i32>} : memref<304xf32, #tpu.memory_space<vmem>>, vector<16xf32>,
          %swap3A_768 = arith.constant 224 : index
          %swap3A_769 = tpu.vector_load %arg22[%swap3A_768] {strides = array<i32>} : memref<304xf32, #tpu.memory_space<vmem>>, vector<16xf32>,
          tpu.vector_store %arg22[%swap3A_768], %broadcast_in_dim3A_9 {strides = array<i32>} : memref<304xf32, #tpu.memory_space<vmem>>, vector<16xf32>,
          %swap3A_770 = arith.constant 224 : index
          %swap3A_771 = tpu.vector_load %arg23[%swap3A_770] {strides = array<i32>} : memref<304xf32, #tpu.memory_space<vmem>>, vector<16xf32>,
          tpu.vector_store %arg23[%swap3A_770], %broadcast_in_dim3A_9 {strides = array<i32>} : memref<304xf32, #tpu.memory_space<vmem>>, vector<16xf32>,
          %swap3A_772 = arith.constant 224 : index
          %swap3A_773 = tpu.vector_load %arg24[%swap3A_772] {strides = array<i32>} : memref<304xi32, #tpu.memory_space<vmem>>, vector<16xi32>,
          tpu.vector_store %arg24[%swap3A_772], %broadcast_in_dim3A_11 {strides = array<i32>} : memref<304xi32, #tpu.memory_space<vmem>>, vector<16xi32>,
          %swap3A_774 = arith.constant 224 : index
          %swap3A_775 = tpu.vector_load %arg25[%swap3A_774] {strides = array<i32>} : memref<304xi32, #tpu.memory_space<vmem>>, vector<16xi32>,
          tpu.vector_store %arg25[%swap3A_774], %broadcast_in_dim3A_7 {strides = array<i32>} : memref<304xi32, #tpu.memory_space<vmem>>, vector<16xi32>,
          %swap3A_776 = arith.constant 240 : index
          %swap3A_777 = tpu.vector_load %arg19[%swap3A_776] {strides = array<i32>} : memref<304xf32, #tpu.memory_space<vmem>>, vector<16xf32>,
          tpu.vector_store %arg19[%swap3A_776], %broadcast_in_dim3A_9 {strides = array<i32>} : memref<304xf32, #tpu.memory_space<vmem>>, vector<16xf32>,
          %swap3A_778 = arith.constant 240 : index
          %swap3A_779 = tpu.vector_load %arg20[%swap3A_778] {strides = array<i32>} : memref<304xf32, #tpu.memory_space<vmem>>, vector<16xf32>,
          tpu.vector_store %arg20[%swap3A_778], %broadcast_in_dim3A_9 {strides = array<i32>} : memref<304xf32, #tpu.memory_space<vmem>>, vector<16xf32>,
          %swap3A_780 = arith.constant 240 : index
          %swap3A_781 = tpu.vector_load %arg21[%swap3A_780] {strides = array<i32>} : memref<304xf32, #tpu.memory_space<vmem>>, vector<16xf32>,
          tpu.vector_store %arg21[%swap3A_780], %broadcast_in_dim3A_9 {strides = array<i32>} : memref<304xf32, #tpu.memory_space<vmem>>, vector<16xf32>,
          %swap3A_782 = arith.constant 240 : index
          %swap3A_783 = tpu.vector_load %arg22[%swap3A_782] {strides = array<i32>} : memref<304xf32, #tpu.memory_space<vmem>>, vector<16xf32>,
          tpu.vector_store %arg22[%swap3A_782], %broadcast_in_dim3A_9 {strides = array<i32>} : memref<304xf32, #tpu.memory_space<vmem>>, vector<16xf32>,
          %swap3A_784 = arith.constant 240 : index
          %swap3A_785 = tpu.vector_load %arg23[%swap3A_784] {strides = array<i32>} : memref<304xf32, #tpu.memory_space<vmem>>, vector<16xf32>,
          tpu.vector_store %arg23[%swap3A_784], %broadcast_in_dim3A_9 {strides = array<i32>} : memref<304xf32, #tpu.memory_space<vmem>>, vector<16xf32>,
          %swap3A_786 = arith.constant 240 : index
          %swap3A_787 = tpu.vector_load %arg24[%swap3A_786] {strides = array<i32>} : memref<304xi32, #tpu.memory_space<vmem>>, vector<16xi32>,
          tpu.vector_store %arg24[%swap3A_786], %broadcast_in_dim3A_11 {strides = array<i32>} : memref<304xi32, #tpu.memory_space<vmem>>, vector<16xi32>,
          %swap3A_788 = arith.constant 240 : index
          %swap3A_789 = tpu.vector_load %arg25[%swap3A_788] {strides = array<i32>} : memref<304xi32, #tpu.memory_space<vmem>>, vector<16xi32>,
          tpu.vector_store %arg25[%swap3A_788], %broadcast_in_dim3A_7 {strides = array<i32>} : memref<304xi32, #tpu.memory_space<vmem>>, vector<16xi32>,
          %swap3A_790 = arith.constant 256 : index
          %swap3A_791 = tpu.vector_load %arg19[%swap3A_790] {strides = array<i32>} : memref<304xf32, #tpu.memory_space<vmem>>, vector<16xf32>,
          tpu.vector_store %arg19[%swap3A_790], %broadcast_in_dim3A_9 {strides = array<i32>} : memref<304xf32, #tpu.memory_space<vmem>>, vector<16xf32>,
          %swap3A_792 = arith.constant 256 : index
          %swap3A_793 = tpu.vector_load %arg20[%swap3A_792] {strides = array<i32>} : memref<304xf32, #tpu.memory_space<vmem>>, vector<16xf32>,
          tpu.vector_store %arg20[%swap3A_792], %broadcast_in_dim3A_9 {strides = array<i32>} : memref<304xf32, #tpu.memory_space<vmem>>, vector<16xf32>,
          %swap3A_794 = arith.constant 256 : index
          %swap3A_795 = tpu.vector_load %arg21[%swap3A_794] {strides = array<i32>} : memref<304xf32, #tpu.memory_space<vmem>>, vector<16xf32>,
          tpu.vector_store %arg21[%swap3A_794], %broadcast_in_dim3A_9 {strides = array<i32>} : memref<304xf32, #tpu.memory_space<vmem>>, vector<16xf32>,
          %swap3A_796 = arith.constant 256 : index
          %swap3A_797 = tpu.vector_load %arg22[%swap3A_796] {strides = array<i32>} : memref<304xf32, #tpu.memory_space<vmem>>, vector<16xf32>,
          tpu.vector_store %arg22[%swap3A_796], %broadcast_in_dim3A_9 {strides = array<i32>} : memref<304xf32, #tpu.memory_space<vmem>>, vector<16xf32>,
          %swap3A_798 = arith.constant 256 : index
          %swap3A_799 = tpu.vector_load %arg23[%swap3A_798] {strides = array<i32>} : memref<304xf32, #tpu.memory_space<vmem>>, vector<16xf32>,
          tpu.vector_store %arg23[%swap3A_798], %broadcast_in_dim3A_9 {strides = array<i32>} : memref<304xf32, #tpu.memory_space<vmem>>, vector<16xf32>,
          %swap3A_800 = arith.constant 256 : index
          %swap3A_801 = tpu.vector_load %arg24[%swap3A_800] {strides = array<i32>} : memref<304xi32, #tpu.memory_space<vmem>>, vector<16xi32>,
          tpu.vector_store %arg24[%swap3A_800], %broadcast_in_dim3A_11 {strides = array<i32>} : memref<304xi32, #tpu.memory_space<vmem>>, vector<16xi32>,
          %swap3A_802 = arith.constant 256 : index
          %swap3A_803 = tpu.vector_load %arg25[%swap3A_802] {strides = array<i32>} : memref<304xi32, #tpu.memory_space<vmem>>, vector<16xi32>,
          tpu.vector_store %arg25[%swap3A_802], %broadcast_in_dim3A_7 {strides = array<i32>} : memref<304xi32, #tpu.memory_space<vmem>>, vector<16xi32>,
          %swap3A_804 = arith.constant 272 : index
          %swap3A_805 = tpu.vector_load %arg19[%swap3A_804] {strides = array<i32>} : memref<304xf32, #tpu.memory_space<vmem>>, vector<16xf32>,
          tpu.vector_store %arg19[%swap3A_804], %broadcast_in_dim3A_9 {strides = array<i32>} : memref<304xf32, #tpu.memory_space<vmem>>, vector<16xf32>,
          %swap3A_806 = arith.constant 272 : index
          %swap3A_807 = tpu.vector_load %arg20[%swap3A_806] {strides = array<i32>} : memref<304xf32, #tpu.memory_space<vmem>>, vector<16xf32>,
          tpu.vector_store %arg20[%swap3A_806], %broadcast_in_dim3A_9 {strides = array<i32>} : memref<304xf32, #tpu.memory_space<vmem>>, vector<16xf32>,
          %swap3A_808 = arith.constant 272 : index
          %swap3A_809 = tpu.vector_load %arg21[%swap3A_808] {strides = array<i32>} : memref<304xf32, #tpu.memory_space<vmem>>, vector<16xf32>,
          tpu.vector_store %arg21[%swap3A_808], %broadcast_in_dim3A_9 {strides = array<i32>} : memref<304xf32, #tpu.memory_space<vmem>>, vector<16xf32>,
          %swap3A_810 = arith.constant 272 : index
          %swap3A_811 = tpu.vector_load %arg22[%swap3A_810] {strides = array<i32>} : memref<304xf32, #tpu.memory_space<vmem>>, vector<16xf32>,
          tpu.vector_store %arg22[%swap3A_810], %broadcast_in_dim3A_9 {strides = array<i32>} : memref<304xf32, #tpu.memory_space<vmem>>, vector<16xf32>,
          %swap3A_812 = arith.constant 272 : index
          %swap3A_813 = tpu.vector_load %arg23[%swap3A_812] {strides = array<i32>} : memref<304xf32, #tpu.memory_space<vmem>>, vector<16xf32>,
          tpu.vector_store %arg23[%swap3A_812], %broadcast_in_dim3A_9 {strides = array<i32>} : memref<304xf32, #tpu.memory_space<vmem>>, vector<16xf32>,
          %swap3A_814 = arith.constant 272 : index
          %swap3A_815 = tpu.vector_load %arg24[%swap3A_814] {strides = array<i32>} : memref<304xi32, #tpu.memory_space<vmem>>, vector<16xi32>,
          tpu.vector_store %arg24[%swap3A_814], %broadcast_in_dim3A_11 {strides = array<i32>} : memref<304xi32, #tpu.memory_space<vmem>>, vector<16xi32>,
          %swap3A_816 = arith.constant 272 : index
          %swap3A_817 = tpu.vector_load %arg25[%swap3A_816] {strides = array<i32>} : memref<304xi32, #tpu.memory_space<vmem>>, vector<16xi32>,
          tpu.vector_store %arg25[%swap3A_816], %broadcast_in_dim3A_7 {strides = array<i32>} : memref<304xi32, #tpu.memory_space<vmem>>, vector<16xi32>,
          %swap3A_818 = arith.constant 288 : index
          %swap3A_819 = tpu.vector_load %arg19[%swap3A_818] {strides = array<i32>} : memref<304xf32, #tpu.memory_space<vmem>>, vector<16xf32>,
          tpu.vector_store %arg19[%swap3A_818], %broadcast_in_dim3A_9 {strides = array<i32>} : memref<304xf32, #tpu.memory_space<vmem>>, vector<16xf32>,
          %swap3A_820 = arith.constant 288 : index
          %swap3A_821 = tpu.vector_load %arg20[%swap3A_820] {strides = array<i32>} : memref<304xf32, #tpu.memory_space<vmem>>, vector<16xf32>,
          tpu.vector_store %arg20[%swap3A_820], %broadcast_in_dim3A_9 {strides = array<i32>} : memref<304xf32, #tpu.memory_space<vmem>>, vector<16xf32>,
          %swap3A_822 = arith.constant 288 : index
          %swap3A_823 = tpu.vector_load %arg21[%swap3A_822] {strides = array<i32>} : memref<304xf32, #tpu.memory_space<vmem>>, vector<16xf32>,
          tpu.vector_store %arg21[%swap3A_822], %broadcast_in_dim3A_9 {strides = array<i32>} : memref<304xf32, #tpu.memory_space<vmem>>, vector<16xf32>,
          %swap3A_824 = arith.constant 288 : index
          %swap3A_825 = tpu.vector_load %arg22[%swap3A_824] {strides = array<i32>} : memref<304xf32, #tpu.memory_space<vmem>>, vector<16xf32>,
          tpu.vector_store %arg22[%swap3A_824], %broadcast_in_dim3A_9 {strides = array<i32>} : memref<304xf32, #tpu.memory_space<vmem>>, vector<16xf32>,
          %swap3A_826 = arith.constant 288 : index
          %swap3A_827 = tpu.vector_load %arg23[%swap3A_826] {strides = array<i32>} : memref<304xf32, #tpu.memory_space<vmem>>, vector<16xf32>,
          tpu.vector_store %arg23[%swap3A_826], %broadcast_in_dim3A_9 {strides = array<i32>} : memref<304xf32, #tpu.memory_space<vmem>>, vector<16xf32>,
          %swap3A_828 = arith.constant 288 : index
          %swap3A_829 = tpu.vector_load %arg24[%swap3A_828] {strides = array<i32>} : memref<304xi32, #tpu.memory_space<vmem>>, vector<16xi32>,
          tpu.vector_store %arg24[%swap3A_828], %broadcast_in_dim3A_11 {strides = array<i32>} : memref<304xi32, #tpu.memory_space<vmem>>, vector<16xi32>,
          %swap3A_830 = arith.constant 288 : index
          %swap3A_831 = tpu.vector_load %arg25[%swap3A_830] {strides = array<i32>} : memref<304xi32, #tpu.memory_space<vmem>>, vector<16xi32>,
          tpu.vector_store %arg25[%swap3A_830], %broadcast_in_dim3A_7 {strides = array<i32>} : memref<304xi32, #tpu.memory_space<vmem>>, vector<16xi32>,
          %swap3A_832 = arith.constant 0 : i32
          %swap3A_833 = arith.constant 0 : i32
          %swap3A_834 = arith.index_cast %swap3A_833 : i32 to index
          %swap3A_835 = memref.load %arg29[%swap3A_834] : memref<1xi32, #tpu.memory_space<smem>>
          memref.store %swap3A_832, %arg29[%swap3A_834] : memref<1xi32, #tpu.memory_space<smem>>
          %scan3A_836 = arith.constant 0 : i32
          %scan3A_837 = arith.constant 0 : i32
          %scan3A_838 = arith.constant 1250 : i32
          %scan3A_839 = arith.addi %scan3A_837, %scan3A_838 : i32
          %scan3A_840 = arith.constant 1 : i32
          scf.for %scan3A_842 = %scan3A_837 to %scan3A_839 step %scan3A_840  : i32 {
            %get3A_843 = arith.constant 0 : i32
            %get3A_844 = arith.index_cast %get3A_843 : i32 to index
            %get3A_845 = memref.load %arg29[%get3A_844] : memref<1xi32, #tpu.memory_space<smem>>
            %lt3A_846 = arith.constant 300 : i32
            %lt3A_847 = arith.cmpi slt, %get3A_845, %lt3A_846 : i32
            %mul3A_848 = arith.constant 16 : i32
            %mul3A_849 = arith.muli %scan3A_842, %mul3A_848 : i32
            %lt3A_850 = arith.cmpi slt, %mul3A_849, %scan3A_422 : i32
            %and3A_851 = arith.andi %lt3A_847, %lt3A_850 : i1
            %convert_element_type3A_852 = arith.extui %and3A_851 : i1 to i32
            %cond3A_853 = arith.constant 0 : i32
            %cond3A_854 = arith.cmpi ne, %convert_element_type3A_852, %cond3A_853 : i32
            scf.if %cond3A_854 {
              %mul3A_855 = arith.constant 16 : i32
              %mul3A_856 = arith.muli %scan3A_842, %mul3A_855 : i32
              %get3A_857 = arith.index_cast %mul3A_856 : i32 to index
              %get3A_858 = tpu.vector_load %arg15[%get3A_857] {strides = array<i32>} : memref<20000xi32, #tpu.memory_space<vmem>>, vector<16xi32>,
              %mul3A_859 = arith.constant 4 : i32
              %mul3A_860 = vector.broadcast %mul3A_859 : i32 to vector<16xi32>
              %mul3A_861 = arith.muli %get3A_858, %mul3A_860 : vector<16xi32>
              %gather3A_862 = tpu.vector_load_idx %arg14[%mul3A_861] : memref<80000xf32, #tpu.memory_space<vmem>>[vector<16xi32>], vector<16xf32>,
              %add3A_863 = arith.constant 1 : i32
              %add3A_864 = vector.broadcast %add3A_863 : i32 to vector<16xi32>
              %add3A_865 = arith.addi %mul3A_861, %add3A_864 : vector<16xi32>
              %gather3A_866 = tpu.vector_load_idx %arg14[%add3A_865] : memref<80000xf32, #tpu.memory_space<vmem>>[vector<16xi32>], vector<16xf32>,
              %add3A_867 = arith.constant 2 : i32
              %add3A_868 = vector.broadcast %add3A_867 : i32 to vector<16xi32>
              %add3A_869 = arith.addi %mul3A_861, %add3A_868 : vector<16xi32>
              %gather3A_870 = tpu.vector_load_idx %arg14[%add3A_869] : memref<80000xf32, #tpu.memory_space<vmem>>[vector<16xi32>], vector<16xf32>,
              %add3A_871 = arith.constant 3 : i32
              %add3A_872 = vector.broadcast %add3A_871 : i32 to vector<16xi32>
              %add3A_873 = arith.addi %mul3A_861, %add3A_872 : vector<16xi32>
              %gather3A_874 = tpu.vector_load_idx %arg14[%add3A_873] : memref<80000xf32, #tpu.memory_space<vmem>>[vector<16xi32>], vector<16xf32>,
              %sub3A_875 = arith.subf %gather3A_870, %gather3A_862 : vector<16xf32>
              %sub3A_876 = arith.subf %gather3A_874, %gather3A_866 : vector<16xf32>
              %mul3A_877 = arith.mulf %sub3A_875, %sub3A_876 : vector<16xf32>
              %get3A_878 = arith.constant 0 : i32
              %get3A_879 = arith.index_cast %get3A_878 : i32 to index
              %get3A_880 = memref.load %arg29[%get3A_879] : memref<1xi32, #tpu.memory_space<smem>>
              %slice3A = vector.extract_strided_slice %gather3A_862 {offsets = [0], sizes = [1], strides = [1]} : vector<16xf32> to vector<1xf32>
              %squeeze3A = vector.extract %slice3A[0] : f32 from vector<1xf32>
              %broadcast_in_dim3A_881 = vector.broadcast %squeeze3A : f32 to vector<16xf32>
              %slice3A_882 = vector.extract_strided_slice %gather3A_866 {offsets = [0], sizes = [1], strides = [1]} : vector<16xf32> to vector<1xf32>
              %squeeze3A_883 = vector.extract %slice3A_882[0] : f32 from vector<1xf32>
              %broadcast_in_dim3A_884 = vector.broadcast %squeeze3A_883 : f32 to vector<16xf32>
              %slice3A_885 = vector.extract_strided_slice %gather3A_870 {offsets = [0], sizes = [1], strides = [1]} : vector<16xf32> to vector<1xf32>
              %squeeze3A_886 = vector.extract %slice3A_885[0] : f32 from vector<1xf32>
              %broadcast_in_dim3A_887 = vector.broadcast %squeeze3A_886 : f32 to vector<16xf32>
              %slice3A_888 = vector.extract_strided_slice %gather3A_874 {offsets = [0], sizes = [1], strides = [1]} : vector<16xf32> to vector<1xf32>
              %squeeze3A_889 = vector.extract %slice3A_888[0] : f32 from vector<1xf32>
              %broadcast_in_dim3A_890 = vector.broadcast %squeeze3A_889 : f32 to vector<16xf32>
              %slice3A_891 = vector.extract_strided_slice %mul3A_877 {offsets = [0], sizes = [1], strides = [1]} : vector<16xf32> to vector<1xf32>
              %squeeze3A_892 = vector.extract %slice3A_891[0] : f32 from vector<1xf32>
              %broadcast_in_dim3A_893 = vector.broadcast %squeeze3A_892 : f32 to vector<16xf32>
              %broadcast_in_dim3A_894 = arith.constant -1.000000e+00 : f32
              %broadcast_in_dim3A_895 = vector.broadcast %broadcast_in_dim3A_894 : f32 to vector<16xf32>
              %scan3A_896 = arith.constant 0 : i32
              %scan3A_897 = arith.constant 19 : i32
              %scan3A_898 = arith.addi %scan3A_896, %scan3A_897 : i32
              %scan3A_899 = arith.constant 1 : i32
              %scan3A_900 = scf.for %scan3A_1674 = %scan3A_896 to %scan3A_898 step %scan3A_899 iter_args(%scan3A_1675 = %broadcast_in_dim3A_895) -> (vector<16xf32>)  : i32 {
                %mul3A_1676 = arith.constant 16 : i32
                %mul3A_1677 = arith.muli %scan3A_1674, %mul3A_1676 : i32
                %get3A_1678 = arith.index_cast %mul3A_1677 : i32 to index
                %get3A_1679 = tpu.vector_load %arg21[%get3A_1678] {strides = array<i32>} : memref<304xf32, #tpu.memory_space<vmem>>, vector<16xf32>,
                %min3A = arith.minimumf %get3A_1679, %broadcast_in_dim3A_887 : vector<16xf32>
                %get3A_1680 = arith.index_cast %mul3A_1677 : i32 to index
                %get3A_1681 = tpu.vector_load %arg19[%get3A_1680] {strides = array<i32>} : memref<304xf32, #tpu.memory_space<vmem>>, vector<16xf32>,
                %max3A = arith.maximumf %get3A_1681, %broadcast_in_dim3A_881 : vector<16xf32>
                %sub3A_1682 = arith.subf %min3A, %max3A : vector<16xf32>
                %max3A_1683 = arith.constant 0.000000e+00 : f32
                %max3A_1684 = vector.broadcast %max3A_1683 : f32 to vector<16xf32>
                %max3A_1685 = arith.maximumf %sub3A_1682, %max3A_1684 : vector<16xf32>
                %get3A_1686 = arith.index_cast %mul3A_1677 : i32 to index
                %get3A_1687 = tpu.vector_load %arg22[%get3A_1686] {strides = array<i32>} : memref<304xf32, #tpu.memory_space<vmem>>, vector<16xf32>,
                %min3A_1688 = arith.minimumf %get3A_1687, %broadcast_in_dim3A_890 : vector<16xf32>
                %get3A_1689 = arith.index_cast %mul3A_1677 : i32 to index
                %get3A_1690 = tpu.vector_load %arg20[%get3A_1689] {strides = array<i32>} : memref<304xf32, #tpu.memory_space<vmem>>, vector<16xf32>,
                %max3A_1691 = arith.maximumf %get3A_1690, %broadcast_in_dim3A_884 : vector<16xf32>
                %sub3A_1692 = arith.subf %min3A_1688, %max3A_1691 : vector<16xf32>
                %max3A_1693 = arith.constant 0.000000e+00 : f32
                %max3A_1694 = vector.broadcast %max3A_1693 : f32 to vector<16xf32>
                %max3A_1695 = arith.maximumf %sub3A_1692, %max3A_1694 : vector<16xf32>
                %mul3A_1696 = arith.mulf %max3A_1685, %max3A_1695 : vector<16xf32>
                %get3A_1697 = arith.index_cast %mul3A_1677 : i32 to index
                %get3A_1698 = tpu.vector_load %arg23[%get3A_1697] {strides = array<i32>} : memref<304xf32, #tpu.memory_space<vmem>>, vector<16xf32>,
                %add3A_1699 = arith.addf %get3A_1698, %broadcast_in_dim3A_893 : vector<16xf32>
                %sub3A_1700 = arith.subf %add3A_1699, %mul3A_1696 : vector<16xf32>
                %mul3A_1701 = arith.constant 5.000000e-01 : f32
                %mul3A_1702 = vector.broadcast %mul3A_1701 : f32 to vector<16xf32>
                %mul3A_1703 = arith.mulf %mul3A_1702, %sub3A_1700 : vector<16xf32>
                %sub3A_1704 = arith.subf %mul3A_1696, %mul3A_1703 : vector<16xf32>
                %max3A_1705 = arith.maximumf %scan3A_1675, %sub3A_1704 : vector<16xf32>
                scf.yield %max3A_1705 : vector<16xf32>
              }
              %scan3A_901 = arith.constant 19 : i32
              %reduce_max3A = arith.constant true
              %reduce_max3A_902 = vector.broadcast %reduce_max3A : i1 to vector<16xi1>
              %reduce_max3A_903 = tpu.scan <max>, %scan3A_900 masked %reduce_max3A_902 : vector<16xf32>, vector<16xi1> -> vector<16xf32>
              %reduce_max3A_904 = vector.extract %reduce_max3A_903[15] : f32 from vector<16xf32>
              %lt3A_905 = arith.constant 300 : i32
              %lt3A_906 = arith.cmpi slt, %get3A_880, %lt3A_905 : i32
              %le3A = arith.constant 0.000000e+00 : f32
              %le3A_907 = arith.cmpf ole, %reduce_max3A_904, %le3A : f32
              %and3A_908 = arith.andi %lt3A_906, %le3A_907 : i1
              %add3A_909 = arith.constant 0 : i32
              %add3A_910 = arith.addi %mul3A_856, %add3A_909 : i32
              %lt3A_911 = arith.cmpi slt, %add3A_910, %scan3A_422 : i32
              %and3A_912 = arith.andi %and3A_908, %lt3A_911 : i1
              %broadcast_in_dim3A_913 = vector.broadcast %and3A_912 : i1 to vector<16xi1>
              %and3A_914 = arith.andi %eq3A_4, %broadcast_in_dim3A_913 : vector<16xi1>
              %broadcast_in_dim3A_915 = vector.broadcast %get3A_880 : i32 to vector<16xi32>
              tpu.vector_store_idx %arg19[%broadcast_in_dim3A_915], %broadcast_in_dim3A_881 masked %and3A_914 : memref<304xf32, #tpu.memory_space<vmem>>[vector<16xi32>], vector<16xf32>, vector<16xi1>
              tpu.vector_store_idx %arg20[%broadcast_in_dim3A_915], %broadcast_in_dim3A_884 masked %and3A_914 : memref<304xf32, #tpu.memory_space<vmem>>[vector<16xi32>], vector<16xf32>, vector<16xi1>
              tpu.vector_store_idx %arg21[%broadcast_in_dim3A_915], %broadcast_in_dim3A_887 masked %and3A_914 : memref<304xf32, #tpu.memory_space<vmem>>[vector<16xi32>], vector<16xf32>, vector<16xi1>
              tpu.vector_store_idx %arg22[%broadcast_in_dim3A_915], %broadcast_in_dim3A_890 masked %and3A_914 : memref<304xf32, #tpu.memory_space<vmem>>[vector<16xi32>], vector<16xf32>, vector<16xi1>
              tpu.vector_store_idx %arg23[%broadcast_in_dim3A_915], %broadcast_in_dim3A_893 masked %and3A_914 : memref<304xf32, #tpu.memory_space<vmem>>[vector<16xi32>], vector<16xf32>, vector<16xi1>
              %slice3A_916 = vector.extract_strided_slice %get3A_858 {offsets = [0], sizes = [1], strides = [1]} : vector<16xi32> to vector<1xi32>
              %squeeze3A_917 = vector.extract %slice3A_916[0] : i32 from vector<1xi32>
              %broadcast_in_dim3A_918 = vector.broadcast %squeeze3A_917 : i32 to vector<16xi32>
              tpu.vector_store_idx %arg24[%broadcast_in_dim3A_915], %broadcast_in_dim3A_918 masked %and3A_914 : memref<304xi32, #tpu.memory_space<vmem>>[vector<16xi32>], vector<16xi32>, vector<16xi1>
              tpu.vector_store_idx %arg25[%broadcast_in_dim3A_915], %broadcast_in_dim3A_918 masked %and3A_914 : memref<304xi32, #tpu.memory_space<vmem>>[vector<16xi32>], vector<16xi32>, vector<16xi1>
              %convert_element_type3A_919 = arith.extui %and3A_912 : i1 to i32
              %add3A_920 = arith.addi %get3A_880, %convert_element_type3A_919 : i32
              %swap3A_921 = arith.constant 0 : i32
              %swap3A_922 = arith.index_cast %swap3A_921 : i32 to index
              %swap3A_923 = memref.load %arg29[%swap3A_922] : memref<1xi32, #tpu.memory_space<smem>>
              memref.store %add3A_920, %arg29[%swap3A_922] : memref<1xi32, #tpu.memory_space<smem>>
              %get3A_924 = arith.constant 0 : i32
              %get3A_925 = arith.index_cast %get3A_924 : i32 to index
              %get3A_926 = memref.load %arg29[%get3A_925] : memref<1xi32, #tpu.memory_space<smem>>
              %slice3A_927 = vector.extract_strided_slice %gather3A_862 {offsets = [1], sizes = [1], strides = [1]} : vector<16xf32> to vector<1xf32>
              %squeeze3A_928 = vector.extract %slice3A_927[0] : f32 from vector<1xf32>
              %broadcast_in_dim3A_929 = vector.broadcast %squeeze3A_928 : f32 to vector<16xf32>
              %slice3A_930 = vector.extract_strided_slice %gather3A_866 {offsets = [1], sizes = [1], strides = [1]} : vector<16xf32> to vector<1xf32>
              %squeeze3A_931 = vector.extract %slice3A_930[0] : f32 from vector<1xf32>
              %broadcast_in_dim3A_932 = vector.broadcast %squeeze3A_931 : f32 to vector<16xf32>
              %slice3A_933 = vector.extract_strided_slice %gather3A_870 {offsets = [1], sizes = [1], strides = [1]} : vector<16xf32> to vector<1xf32>
              %squeeze3A_934 = vector.extract %slice3A_933[0] : f32 from vector<1xf32>
              %broadcast_in_dim3A_935 = vector.broadcast %squeeze3A_934 : f32 to vector<16xf32>
              %slice3A_936 = vector.extract_strided_slice %gather3A_874 {offsets = [1], sizes = [1], strides = [1]} : vector<16xf32> to vector<1xf32>
              %squeeze3A_937 = vector.extract %slice3A_936[0] : f32 from vector<1xf32>
              %broadcast_in_dim3A_938 = vector.broadcast %squeeze3A_937 : f32 to vector<16xf32>
              %slice3A_939 = vector.extract_strided_slice %mul3A_877 {offsets = [1], sizes = [1], strides = [1]} : vector<16xf32> to vector<1xf32>
              %squeeze3A_940 = vector.extract %slice3A_939[0] : f32 from vector<1xf32>
              %broadcast_in_dim3A_941 = vector.broadcast %squeeze3A_940 : f32 to vector<16xf32>
              %broadcast_in_dim3A_942 = arith.constant -1.000000e+00 : f32
              %broadcast_in_dim3A_943 = vector.broadcast %broadcast_in_dim3A_942 : f32 to vector<16xf32>
              %scan3A_944 = arith.constant 0 : i32
              %scan3A_945 = arith.constant 19 : i32
              %scan3A_946 = arith.addi %scan3A_944, %scan3A_945 : i32
              %scan3A_947 = arith.constant 1 : i32
              %scan3A_948 = scf.for %scan3A_1674 = %scan3A_944 to %scan3A_946 step %scan3A_947 iter_args(%scan3A_1675 = %broadcast_in_dim3A_943) -> (vector<16xf32>)  : i32 {
                %mul3A_1676 = arith.constant 16 : i32
                %mul3A_1677 = arith.muli %scan3A_1674, %mul3A_1676 : i32
                %get3A_1678 = arith.index_cast %mul3A_1677 : i32 to index
                %get3A_1679 = tpu.vector_load %arg21[%get3A_1678] {strides = array<i32>} : memref<304xf32, #tpu.memory_space<vmem>>, vector<16xf32>,
                %min3A = arith.minimumf %get3A_1679, %broadcast_in_dim3A_935 : vector<16xf32>
                %get3A_1680 = arith.index_cast %mul3A_1677 : i32 to index
                %get3A_1681 = tpu.vector_load %arg19[%get3A_1680] {strides = array<i32>} : memref<304xf32, #tpu.memory_space<vmem>>, vector<16xf32>,
                %max3A = arith.maximumf %get3A_1681, %broadcast_in_dim3A_929 : vector<16xf32>
                %sub3A_1682 = arith.subf %min3A, %max3A : vector<16xf32>
                %max3A_1683 = arith.constant 0.000000e+00 : f32
                %max3A_1684 = vector.broadcast %max3A_1683 : f32 to vector<16xf32>
                %max3A_1685 = arith.maximumf %sub3A_1682, %max3A_1684 : vector<16xf32>
                %get3A_1686 = arith.index_cast %mul3A_1677 : i32 to index
                %get3A_1687 = tpu.vector_load %arg22[%get3A_1686] {strides = array<i32>} : memref<304xf32, #tpu.memory_space<vmem>>, vector<16xf32>,
                %min3A_1688 = arith.minimumf %get3A_1687, %broadcast_in_dim3A_938 : vector<16xf32>
                %get3A_1689 = arith.index_cast %mul3A_1677 : i32 to index
                %get3A_1690 = tpu.vector_load %arg20[%get3A_1689] {strides = array<i32>} : memref<304xf32, #tpu.memory_space<vmem>>, vector<16xf32>,
                %max3A_1691 = arith.maximumf %get3A_1690, %broadcast_in_dim3A_932 : vector<16xf32>
                %sub3A_1692 = arith.subf %min3A_1688, %max3A_1691 : vector<16xf32>
                %max3A_1693 = arith.constant 0.000000e+00 : f32
                %max3A_1694 = vector.broadcast %max3A_1693 : f32 to vector<16xf32>
                %max3A_1695 = arith.maximumf %sub3A_1692, %max3A_1694 : vector<16xf32>
                %mul3A_1696 = arith.mulf %max3A_1685, %max3A_1695 : vector<16xf32>
                %get3A_1697 = arith.index_cast %mul3A_1677 : i32 to index
                %get3A_1698 = tpu.vector_load %arg23[%get3A_1697] {strides = array<i32>} : memref<304xf32, #tpu.memory_space<vmem>>, vector<16xf32>,
                %add3A_1699 = arith.addf %get3A_1698, %broadcast_in_dim3A_941 : vector<16xf32>
                %sub3A_1700 = arith.subf %add3A_1699, %mul3A_1696 : vector<16xf32>
                %mul3A_1701 = arith.constant 5.000000e-01 : f32
                %mul3A_1702 = vector.broadcast %mul3A_1701 : f32 to vector<16xf32>
                %mul3A_1703 = arith.mulf %mul3A_1702, %sub3A_1700 : vector<16xf32>
                %sub3A_1704 = arith.subf %mul3A_1696, %mul3A_1703 : vector<16xf32>
                %max3A_1705 = arith.maximumf %scan3A_1675, %sub3A_1704 : vector<16xf32>
                scf.yield %max3A_1705 : vector<16xf32>
              }
              %scan3A_949 = arith.constant 19 : i32
              %reduce_max3A_950 = arith.constant true
              %reduce_max3A_951 = vector.broadcast %reduce_max3A_950 : i1 to vector<16xi1>
              %reduce_max3A_952 = tpu.scan <max>, %scan3A_948 masked %reduce_max3A_951 : vector<16xf32>, vector<16xi1> -> vector<16xf32>
              %reduce_max3A_953 = vector.extract %reduce_max3A_952[15] : f32 from vector<16xf32>
              %lt3A_954 = arith.constant 300 : i32
              %lt3A_955 = arith.cmpi slt, %get3A_926, %lt3A_954 : i32
              %le3A_956 = arith.constant 0.000000e+00 : f32
              %le3A_957 = arith.cmpf ole, %reduce_max3A_953, %le3A_956 : f32
              %and3A_958 = arith.andi %lt3A_955, %le3A_957 : i1
              %add3A_959 = arith.constant 1 : i32
              %add3A_960 = arith.addi %mul3A_856, %add3A_959 : i32
              %lt3A_961 = arith.cmpi slt, %add3A_960, %scan3A_422 : i32
              %and3A_962 = arith.andi %and3A_958, %lt3A_961 : i1
              %broadcast_in_dim3A_963 = vector.broadcast %and3A_962 : i1 to vector<16xi1>
              %and3A_964 = arith.andi %eq3A_4, %broadcast_in_dim3A_963 : vector<16xi1>
              %broadcast_in_dim3A_965 = vector.broadcast %get3A_926 : i32 to vector<16xi32>
              tpu.vector_store_idx %arg19[%broadcast_in_dim3A_965], %broadcast_in_dim3A_929 masked %and3A_964 : memref<304xf32, #tpu.memory_space<vmem>>[vector<16xi32>], vector<16xf32>, vector<16xi1>
              tpu.vector_store_idx %arg20[%broadcast_in_dim3A_965], %broadcast_in_dim3A_932 masked %and3A_964 : memref<304xf32, #tpu.memory_space<vmem>>[vector<16xi32>], vector<16xf32>, vector<16xi1>
              tpu.vector_store_idx %arg21[%broadcast_in_dim3A_965], %broadcast_in_dim3A_935 masked %and3A_964 : memref<304xf32, #tpu.memory_space<vmem>>[vector<16xi32>], vector<16xf32>, vector<16xi1>
              tpu.vector_store_idx %arg22[%broadcast_in_dim3A_965], %broadcast_in_dim3A_938 masked %and3A_964 : memref<304xf32, #tpu.memory_space<vmem>>[vector<16xi32>], vector<16xf32>, vector<16xi1>
              tpu.vector_store_idx %arg23[%broadcast_in_dim3A_965], %broadcast_in_dim3A_941 masked %and3A_964 : memref<304xf32, #tpu.memory_space<vmem>>[vector<16xi32>], vector<16xf32>, vector<16xi1>
              %slice3A_966 = vector.extract_strided_slice %get3A_858 {offsets = [1], sizes = [1], strides = [1]} : vector<16xi32> to vector<1xi32>
              %squeeze3A_967 = vector.extract %slice3A_966[0] : i32 from vector<1xi32>
              %broadcast_in_dim3A_968 = vector.broadcast %squeeze3A_967 : i32 to vector<16xi32>
              tpu.vector_store_idx %arg24[%broadcast_in_dim3A_965], %broadcast_in_dim3A_968 masked %and3A_964 : memref<304xi32, #tpu.memory_space<vmem>>[vector<16xi32>], vector<16xi32>, vector<16xi1>
              tpu.vector_store_idx %arg25[%broadcast_in_dim3A_965], %broadcast_in_dim3A_968 masked %and3A_964 : memref<304xi32, #tpu.memory_space<vmem>>[vector<16xi32>], vector<16xi32>, vector<16xi1>
              %convert_element_type3A_969 = arith.extui %and3A_962 : i1 to i32
              %add3A_970 = arith.addi %get3A_926, %convert_element_type3A_969 : i32
              %swap3A_971 = arith.constant 0 : i32
              %swap3A_972 = arith.index_cast %swap3A_971 : i32 to index
              %swap3A_973 = memref.load %arg29[%swap3A_972] : memref<1xi32, #tpu.memory_space<smem>>
              memref.store %add3A_970, %arg29[%swap3A_972] : memref<1xi32, #tpu.memory_space<smem>>
              %get3A_974 = arith.constant 0 : i32
              %get3A_975 = arith.index_cast %get3A_974 : i32 to index
              %get3A_976 = memref.load %arg29[%get3A_975] : memref<1xi32, #tpu.memory_space<smem>>
              %slice3A_977 = vector.extract_strided_slice %gather3A_862 {offsets = [2], sizes = [1], strides = [1]} : vector<16xf32> to vector<1xf32>
              %squeeze3A_978 = vector.extract %slice3A_977[0] : f32 from vector<1xf32>
              %broadcast_in_dim3A_979 = vector.broadcast %squeeze3A_978 : f32 to vector<16xf32>
              %slice3A_980 = vector.extract_strided_slice %gather3A_866 {offsets = [2], sizes = [1], strides = [1]} : vector<16xf32> to vector<1xf32>
              %squeeze3A_981 = vector.extract %slice3A_980[0] : f32 from vector<1xf32>
              %broadcast_in_dim3A_982 = vector.broadcast %squeeze3A_981 : f32 to vector<16xf32>
              %slice3A_983 = vector.extract_strided_slice %gather3A_870 {offsets = [2], sizes = [1], strides = [1]} : vector<16xf32> to vector<1xf32>
              %squeeze3A_984 = vector.extract %slice3A_983[0] : f32 from vector<1xf32>
              %broadcast_in_dim3A_985 = vector.broadcast %squeeze3A_984 : f32 to vector<16xf32>
              %slice3A_986 = vector.extract_strided_slice %gather3A_874 {offsets = [2], sizes = [1], strides = [1]} : vector<16xf32> to vector<1xf32>
              %squeeze3A_987 = vector.extract %slice3A_986[0] : f32 from vector<1xf32>
              %broadcast_in_dim3A_988 = vector.broadcast %squeeze3A_987 : f32 to vector<16xf32>
              %slice3A_989 = vector.extract_strided_slice %mul3A_877 {offsets = [2], sizes = [1], strides = [1]} : vector<16xf32> to vector<1xf32>
              %squeeze3A_990 = vector.extract %slice3A_989[0] : f32 from vector<1xf32>
              %broadcast_in_dim3A_991 = vector.broadcast %squeeze3A_990 : f32 to vector<16xf32>
              %broadcast_in_dim3A_992 = arith.constant -1.000000e+00 : f32
              %broadcast_in_dim3A_993 = vector.broadcast %broadcast_in_dim3A_992 : f32 to vector<16xf32>
              %scan3A_994 = arith.constant 0 : i32
              %scan3A_995 = arith.constant 19 : i32
              %scan3A_996 = arith.addi %scan3A_994, %scan3A_995 : i32
              %scan3A_997 = arith.constant 1 : i32
              %scan3A_998 = scf.for %scan3A_1674 = %scan3A_994 to %scan3A_996 step %scan3A_997 iter_args(%scan3A_1675 = %broadcast_in_dim3A_993) -> (vector<16xf32>)  : i32 {
                %mul3A_1676 = arith.constant 16 : i32
                %mul3A_1677 = arith.muli %scan3A_1674, %mul3A_1676 : i32
                %get3A_1678 = arith.index_cast %mul3A_1677 : i32 to index
                %get3A_1679 = tpu.vector_load %arg21[%get3A_1678] {strides = array<i32>} : memref<304xf32, #tpu.memory_space<vmem>>, vector<16xf32>,
                %min3A = arith.minimumf %get3A_1679, %broadcast_in_dim3A_985 : vector<16xf32>
                %get3A_1680 = arith.index_cast %mul3A_1677 : i32 to index
                %get3A_1681 = tpu.vector_load %arg19[%get3A_1680] {strides = array<i32>} : memref<304xf32, #tpu.memory_space<vmem>>, vector<16xf32>,
                %max3A = arith.maximumf %get3A_1681, %broadcast_in_dim3A_979 : vector<16xf32>
                %sub3A_1682 = arith.subf %min3A, %max3A : vector<16xf32>
                %max3A_1683 = arith.constant 0.000000e+00 : f32
                %max3A_1684 = vector.broadcast %max3A_1683 : f32 to vector<16xf32>
                %max3A_1685 = arith.maximumf %sub3A_1682, %max3A_1684 : vector<16xf32>
                %get3A_1686 = arith.index_cast %mul3A_1677 : i32 to index
                %get3A_1687 = tpu.vector_load %arg22[%get3A_1686] {strides = array<i32>} : memref<304xf32, #tpu.memory_space<vmem>>, vector<16xf32>,
                %min3A_1688 = arith.minimumf %get3A_1687, %broadcast_in_dim3A_988 : vector<16xf32>
                %get3A_1689 = arith.index_cast %mul3A_1677 : i32 to index
                %get3A_1690 = tpu.vector_load %arg20[%get3A_1689] {strides = array<i32>} : memref<304xf32, #tpu.memory_space<vmem>>, vector<16xf32>,
                %max3A_1691 = arith.maximumf %get3A_1690, %broadcast_in_dim3A_982 : vector<16xf32>
                %sub3A_1692 = arith.subf %min3A_1688, %max3A_1691 : vector<16xf32>
                %max3A_1693 = arith.constant 0.000000e+00 : f32
                %max3A_1694 = vector.broadcast %max3A_1693 : f32 to vector<16xf32>
                %max3A_1695 = arith.maximumf %sub3A_1692, %max3A_1694 : vector<16xf32>
                %mul3A_1696 = arith.mulf %max3A_1685, %max3A_1695 : vector<16xf32>
                %get3A_1697 = arith.index_cast %mul3A_1677 : i32 to index
                %get3A_1698 = tpu.vector_load %arg23[%get3A_1697] {strides = array<i32>} : memref<304xf32, #tpu.memory_space<vmem>>, vector<16xf32>,
                %add3A_1699 = arith.addf %get3A_1698, %broadcast_in_dim3A_991 : vector<16xf32>
                %sub3A_1700 = arith.subf %add3A_1699, %mul3A_1696 : vector<16xf32>
                %mul3A_1701 = arith.constant 5.000000e-01 : f32
                %mul3A_1702 = vector.broadcast %mul3A_1701 : f32 to vector<16xf32>
                %mul3A_1703 = arith.mulf %mul3A_1702, %sub3A_1700 : vector<16xf32>
                %sub3A_1704 = arith.subf %mul3A_1696, %mul3A_1703 : vector<16xf32>
                %max3A_1705 = arith.maximumf %scan3A_1675, %sub3A_1704 : vector<16xf32>
                scf.yield %max3A_1705 : vector<16xf32>
              }
              %scan3A_999 = arith.constant 19 : i32
              %reduce_max3A_1000 = arith.constant true
              %reduce_max3A_1001 = vector.broadcast %reduce_max3A_1000 : i1 to vector<16xi1>
              %reduce_max3A_1002 = tpu.scan <max>, %scan3A_998 masked %reduce_max3A_1001 : vector<16xf32>, vector<16xi1> -> vector<16xf32>
              %reduce_max3A_1003 = vector.extract %reduce_max3A_1002[15] : f32 from vector<16xf32>
              %lt3A_1004 = arith.constant 300 : i32
              %lt3A_1005 = arith.cmpi slt, %get3A_976, %lt3A_1004 : i32
              %le3A_1006 = arith.constant 0.000000e+00 : f32
              %le3A_1007 = arith.cmpf ole, %reduce_max3A_1003, %le3A_1006 : f32
              %and3A_1008 = arith.andi %lt3A_1005, %le3A_1007 : i1
              %add3A_1009 = arith.constant 2 : i32
              %add3A_1010 = arith.addi %mul3A_856, %add3A_1009 : i32
              %lt3A_1011 = arith.cmpi slt, %add3A_1010, %scan3A_422 : i32
              %and3A_1012 = arith.andi %and3A_1008, %lt3A_1011 : i1
              %broadcast_in_dim3A_1013 = vector.broadcast %and3A_1012 : i1 to vector<16xi1>
              %and3A_1014 = arith.andi %eq3A_4, %broadcast_in_dim3A_1013 : vector<16xi1>
              %broadcast_in_dim3A_1015 = vector.broadcast %get3A_976 : i32 to vector<16xi32>
              tpu.vector_store_idx %arg19[%broadcast_in_dim3A_1015], %broadcast_in_dim3A_979 masked %and3A_1014 : memref<304xf32, #tpu.memory_space<vmem>>[vector<16xi32>], vector<16xf32>, vector<16xi1>
              tpu.vector_store_idx %arg20[%broadcast_in_dim3A_1015], %broadcast_in_dim3A_982 masked %and3A_1014 : memref<304xf32, #tpu.memory_space<vmem>>[vector<16xi32>], vector<16xf32>, vector<16xi1>
              tpu.vector_store_idx %arg21[%broadcast_in_dim3A_1015], %broadcast_in_dim3A_985 masked %and3A_1014 : memref<304xf32, #tpu.memory_space<vmem>>[vector<16xi32>], vector<16xf32>, vector<16xi1>
              tpu.vector_store_idx %arg22[%broadcast_in_dim3A_1015], %broadcast_in_dim3A_988 masked %and3A_1014 : memref<304xf32, #tpu.memory_space<vmem>>[vector<16xi32>], vector<16xf32>, vector<16xi1>
              tpu.vector_store_idx %arg23[%broadcast_in_dim3A_1015], %broadcast_in_dim3A_991 masked %and3A_1014 : memref<304xf32, #tpu.memory_space<vmem>>[vector<16xi32>], vector<16xf32>, vector<16xi1>
              %slice3A_1016 = vector.extract_strided_slice %get3A_858 {offsets = [2], sizes = [1], strides = [1]} : vector<16xi32> to vector<1xi32>
              %squeeze3A_1017 = vector.extract %slice3A_1016[0] : i32 from vector<1xi32>
              %broadcast_in_dim3A_1018 = vector.broadcast %squeeze3A_1017 : i32 to vector<16xi32>
              tpu.vector_store_idx %arg24[%broadcast_in_dim3A_1015], %broadcast_in_dim3A_1018 masked %and3A_1014 : memref<304xi32, #tpu.memory_space<vmem>>[vector<16xi32>], vector<16xi32>, vector<16xi1>
              tpu.vector_store_idx %arg25[%broadcast_in_dim3A_1015], %broadcast_in_dim3A_1018 masked %and3A_1014 : memref<304xi32, #tpu.memory_space<vmem>>[vector<16xi32>], vector<16xi32>, vector<16xi1>
              %convert_element_type3A_1019 = arith.extui %and3A_1012 : i1 to i32
              %add3A_1020 = arith.addi %get3A_976, %convert_element_type3A_1019 : i32
              %swap3A_1021 = arith.constant 0 : i32
              %swap3A_1022 = arith.index_cast %swap3A_1021 : i32 to index
              %swap3A_1023 = memref.load %arg29[%swap3A_1022] : memref<1xi32, #tpu.memory_space<smem>>
              memref.store %add3A_1020, %arg29[%swap3A_1022] : memref<1xi32, #tpu.memory_space<smem>>
              %get3A_1024 = arith.constant 0 : i32
              %get3A_1025 = arith.index_cast %get3A_1024 : i32 to index
              %get3A_1026 = memref.load %arg29[%get3A_1025] : memref<1xi32, #tpu.memory_space<smem>>
              %slice3A_1027 = vector.extract_strided_slice %gather3A_862 {offsets = [3], sizes = [1], strides = [1]} : vector<16xf32> to vector<1xf32>
              %squeeze3A_1028 = vector.extract %slice3A_1027[0] : f32 from vector<1xf32>
              %broadcast_in_dim3A_1029 = vector.broadcast %squeeze3A_1028 : f32 to vector<16xf32>
              %slice3A_1030 = vector.extract_strided_slice %gather3A_866 {offsets = [3], sizes = [1], strides = [1]} : vector<16xf32> to vector<1xf32>
              %squeeze3A_1031 = vector.extract %slice3A_1030[0] : f32 from vector<1xf32>
              %broadcast_in_dim3A_1032 = vector.broadcast %squeeze3A_1031 : f32 to vector<16xf32>
              %slice3A_1033 = vector.extract_strided_slice %gather3A_870 {offsets = [3], sizes = [1], strides = [1]} : vector<16xf32> to vector<1xf32>
              %squeeze3A_1034 = vector.extract %slice3A_1033[0] : f32 from vector<1xf32>
              %broadcast_in_dim3A_1035 = vector.broadcast %squeeze3A_1034 : f32 to vector<16xf32>
              %slice3A_1036 = vector.extract_strided_slice %gather3A_874 {offsets = [3], sizes = [1], strides = [1]} : vector<16xf32> to vector<1xf32>
              %squeeze3A_1037 = vector.extract %slice3A_1036[0] : f32 from vector<1xf32>
              %broadcast_in_dim3A_1038 = vector.broadcast %squeeze3A_1037 : f32 to vector<16xf32>
              %slice3A_1039 = vector.extract_strided_slice %mul3A_877 {offsets = [3], sizes = [1], strides = [1]} : vector<16xf32> to vector<1xf32>
              %squeeze3A_1040 = vector.extract %slice3A_1039[0] : f32 from vector<1xf32>
              %broadcast_in_dim3A_1041 = vector.broadcast %squeeze3A_1040 : f32 to vector<16xf32>
              %broadcast_in_dim3A_1042 = arith.constant -1.000000e+00 : f32
              %broadcast_in_dim3A_1043 = vector.broadcast %broadcast_in_dim3A_1042 : f32 to vector<16xf32>
              %scan3A_1044 = arith.constant 0 : i32
              %scan3A_1045 = arith.constant 19 : i32
              %scan3A_1046 = arith.addi %scan3A_1044, %scan3A_1045 : i32
              %scan3A_1047 = arith.constant 1 : i32
              %scan3A_1048 = scf.for %scan3A_1674 = %scan3A_1044 to %scan3A_1046 step %scan3A_1047 iter_args(%scan3A_1675 = %broadcast_in_dim3A_1043) -> (vector<16xf32>)  : i32 {
                %mul3A_1676 = arith.constant 16 : i32
                %mul3A_1677 = arith.muli %scan3A_1674, %mul3A_1676 : i32
                %get3A_1678 = arith.index_cast %mul3A_1677 : i32 to index
                %get3A_1679 = tpu.vector_load %arg21[%get3A_1678] {strides = array<i32>} : memref<304xf32, #tpu.memory_space<vmem>>, vector<16xf32>,
                %min3A = arith.minimumf %get3A_1679, %broadcast_in_dim3A_1035 : vector<16xf32>
                %get3A_1680 = arith.index_cast %mul3A_1677 : i32 to index
                %get3A_1681 = tpu.vector_load %arg19[%get3A_1680] {strides = array<i32>} : memref<304xf32, #tpu.memory_space<vmem>>, vector<16xf32>,
                %max3A = arith.maximumf %get3A_1681, %broadcast_in_dim3A_1029 : vector<16xf32>
                %sub3A_1682 = arith.subf %min3A, %max3A : vector<16xf32>
                %max3A_1683 = arith.constant 0.000000e+00 : f32
                %max3A_1684 = vector.broadcast %max3A_1683 : f32 to vector<16xf32>
                %max3A_1685 = arith.maximumf %sub3A_1682, %max3A_1684 : vector<16xf32>
                %get3A_1686 = arith.index_cast %mul3A_1677 : i32 to index
                %get3A_1687 = tpu.vector_load %arg22[%get3A_1686] {strides = array<i32>} : memref<304xf32, #tpu.memory_space<vmem>>, vector<16xf32>,
                %min3A_1688 = arith.minimumf %get3A_1687, %broadcast_in_dim3A_1038 : vector<16xf32>
                %get3A_1689 = arith.index_cast %mul3A_1677 : i32 to index
                %get3A_1690 = tpu.vector_load %arg20[%get3A_1689] {strides = array<i32>} : memref<304xf32, #tpu.memory_space<vmem>>, vector<16xf32>,
                %max3A_1691 = arith.maximumf %get3A_1690, %broadcast_in_dim3A_1032 : vector<16xf32>
                %sub3A_1692 = arith.subf %min3A_1688, %max3A_1691 : vector<16xf32>
                %max3A_1693 = arith.constant 0.000000e+00 : f32
                %max3A_1694 = vector.broadcast %max3A_1693 : f32 to vector<16xf32>
                %max3A_1695 = arith.maximumf %sub3A_1692, %max3A_1694 : vector<16xf32>
                %mul3A_1696 = arith.mulf %max3A_1685, %max3A_1695 : vector<16xf32>
                %get3A_1697 = arith.index_cast %mul3A_1677 : i32 to index
                %get3A_1698 = tpu.vector_load %arg23[%get3A_1697] {strides = array<i32>} : memref<304xf32, #tpu.memory_space<vmem>>, vector<16xf32>,
                %add3A_1699 = arith.addf %get3A_1698, %broadcast_in_dim3A_1041 : vector<16xf32>
                %sub3A_1700 = arith.subf %add3A_1699, %mul3A_1696 : vector<16xf32>
                %mul3A_1701 = arith.constant 5.000000e-01 : f32
                %mul3A_1702 = vector.broadcast %mul3A_1701 : f32 to vector<16xf32>
                %mul3A_1703 = arith.mulf %mul3A_1702, %sub3A_1700 : vector<16xf32>
                %sub3A_1704 = arith.subf %mul3A_1696, %mul3A_1703 : vector<16xf32>
                %max3A_1705 = arith.maximumf %scan3A_1675, %sub3A_1704 : vector<16xf32>
                scf.yield %max3A_1705 : vector<16xf32>
              }
              %scan3A_1049 = arith.constant 19 : i32
              %reduce_max3A_1050 = arith.constant true
              %reduce_max3A_1051 = vector.broadcast %reduce_max3A_1050 : i1 to vector<16xi1>
              %reduce_max3A_1052 = tpu.scan <max>, %scan3A_1048 masked %reduce_max3A_1051 : vector<16xf32>, vector<16xi1> -> vector<16xf32>
              %reduce_max3A_1053 = vector.extract %reduce_max3A_1052[15] : f32 from vector<16xf32>
              %lt3A_1054 = arith.constant 300 : i32
              %lt3A_1055 = arith.cmpi slt, %get3A_1026, %lt3A_1054 : i32
              %le3A_1056 = arith.constant 0.000000e+00 : f32
              %le3A_1057 = arith.cmpf ole, %reduce_max3A_1053, %le3A_1056 : f32
              %and3A_1058 = arith.andi %lt3A_1055, %le3A_1057 : i1
              %add3A_1059 = arith.constant 3 : i32
              %add3A_1060 = arith.addi %mul3A_856, %add3A_1059 : i32
              %lt3A_1061 = arith.cmpi slt, %add3A_1060, %scan3A_422 : i32
              %and3A_1062 = arith.andi %and3A_1058, %lt3A_1061 : i1
              %broadcast_in_dim3A_1063 = vector.broadcast %and3A_1062 : i1 to vector<16xi1>
              %and3A_1064 = arith.andi %eq3A_4, %broadcast_in_dim3A_1063 : vector<16xi1>
              %broadcast_in_dim3A_1065 = vector.broadcast %get3A_1026 : i32 to vector<16xi32>
              tpu.vector_store_idx %arg19[%broadcast_in_dim3A_1065], %broadcast_in_dim3A_1029 masked %and3A_1064 : memref<304xf32, #tpu.memory_space<vmem>>[vector<16xi32>], vector<16xf32>, vector<16xi1>
              tpu.vector_store_idx %arg20[%broadcast_in_dim3A_1065], %broadcast_in_dim3A_1032 masked %and3A_1064 : memref<304xf32, #tpu.memory_space<vmem>>[vector<16xi32>], vector<16xf32>, vector<16xi1>
              tpu.vector_store_idx %arg21[%broadcast_in_dim3A_1065], %broadcast_in_dim3A_1035 masked %and3A_1064 : memref<304xf32, #tpu.memory_space<vmem>>[vector<16xi32>], vector<16xf32>, vector<16xi1>
              tpu.vector_store_idx %arg22[%broadcast_in_dim3A_1065], %broadcast_in_dim3A_1038 masked %and3A_1064 : memref<304xf32, #tpu.memory_space<vmem>>[vector<16xi32>], vector<16xf32>, vector<16xi1>
              tpu.vector_store_idx %arg23[%broadcast_in_dim3A_1065], %broadcast_in_dim3A_1041 masked %and3A_1064 : memref<304xf32, #tpu.memory_space<vmem>>[vector<16xi32>], vector<16xf32>, vector<16xi1>
              %slice3A_1066 = vector.extract_strided_slice %get3A_858 {offsets = [3], sizes = [1], strides = [1]} : vector<16xi32> to vector<1xi32>
              %squeeze3A_1067 = vector.extract %slice3A_1066[0] : i32 from vector<1xi32>
              %broadcast_in_dim3A_1068 = vector.broadcast %squeeze3A_1067 : i32 to vector<16xi32>
              tpu.vector_store_idx %arg24[%broadcast_in_dim3A_1065], %broadcast_in_dim3A_1068 masked %and3A_1064 : memref<304xi32, #tpu.memory_space<vmem>>[vector<16xi32>], vector<16xi32>, vector<16xi1>
              tpu.vector_store_idx %arg25[%broadcast_in_dim3A_1065], %broadcast_in_dim3A_1068 masked %and3A_1064 : memref<304xi32, #tpu.memory_space<vmem>>[vector<16xi32>], vector<16xi32>, vector<16xi1>
              %convert_element_type3A_1069 = arith.extui %and3A_1062 : i1 to i32
              %add3A_1070 = arith.addi %get3A_1026, %convert_element_type3A_1069 : i32
              %swap3A_1071 = arith.constant 0 : i32
              %swap3A_1072 = arith.index_cast %swap3A_1071 : i32 to index
              %swap3A_1073 = memref.load %arg29[%swap3A_1072] : memref<1xi32, #tpu.memory_space<smem>>
              memref.store %add3A_1070, %arg29[%swap3A_1072] : memref<1xi32, #tpu.memory_space<smem>>
              %get3A_1074 = arith.constant 0 : i32
              %get3A_1075 = arith.index_cast %get3A_1074 : i32 to index
              %get3A_1076 = memref.load %arg29[%get3A_1075] : memref<1xi32, #tpu.memory_space<smem>>
              %slice3A_1077 = vector.extract_strided_slice %gather3A_862 {offsets = [4], sizes = [1], strides = [1]} : vector<16xf32> to vector<1xf32>
              %squeeze3A_1078 = vector.extract %slice3A_1077[0] : f32 from vector<1xf32>
              %broadcast_in_dim3A_1079 = vector.broadcast %squeeze3A_1078 : f32 to vector<16xf32>
              %slice3A_1080 = vector.extract_strided_slice %gather3A_866 {offsets = [4], sizes = [1], strides = [1]} : vector<16xf32> to vector<1xf32>
              %squeeze3A_1081 = vector.extract %slice3A_1080[0] : f32 from vector<1xf32>
              %broadcast_in_dim3A_1082 = vector.broadcast %squeeze3A_1081 : f32 to vector<16xf32>
              %slice3A_1083 = vector.extract_strided_slice %gather3A_870 {offsets = [4], sizes = [1], strides = [1]} : vector<16xf32> to vector<1xf32>
              %squeeze3A_1084 = vector.extract %slice3A_1083[0] : f32 from vector<1xf32>
              %broadcast_in_dim3A_1085 = vector.broadcast %squeeze3A_1084 : f32 to vector<16xf32>
              %slice3A_1086 = vector.extract_strided_slice %gather3A_874 {offsets = [4], sizes = [1], strides = [1]} : vector<16xf32> to vector<1xf32>
              %squeeze3A_1087 = vector.extract %slice3A_1086[0] : f32 from vector<1xf32>
              %broadcast_in_dim3A_1088 = vector.broadcast %squeeze3A_1087 : f32 to vector<16xf32>
              %slice3A_1089 = vector.extract_strided_slice %mul3A_877 {offsets = [4], sizes = [1], strides = [1]} : vector<16xf32> to vector<1xf32>
              %squeeze3A_1090 = vector.extract %slice3A_1089[0] : f32 from vector<1xf32>
              %broadcast_in_dim3A_1091 = vector.broadcast %squeeze3A_1090 : f32 to vector<16xf32>
              %broadcast_in_dim3A_1092 = arith.constant -1.000000e+00 : f32
              %broadcast_in_dim3A_1093 = vector.broadcast %broadcast_in_dim3A_1092 : f32 to vector<16xf32>
              %scan3A_1094 = arith.constant 0 : i32
              %scan3A_1095 = arith.constant 19 : i32
              %scan3A_1096 = arith.addi %scan3A_1094, %scan3A_1095 : i32
              %scan3A_1097 = arith.constant 1 : i32
              %scan3A_1098 = scf.for %scan3A_1674 = %scan3A_1094 to %scan3A_1096 step %scan3A_1097 iter_args(%scan3A_1675 = %broadcast_in_dim3A_1093) -> (vector<16xf32>)  : i32 {
                %mul3A_1676 = arith.constant 16 : i32
                %mul3A_1677 = arith.muli %scan3A_1674, %mul3A_1676 : i32
                %get3A_1678 = arith.index_cast %mul3A_1677 : i32 to index
                %get3A_1679 = tpu.vector_load %arg21[%get3A_1678] {strides = array<i32>} : memref<304xf32, #tpu.memory_space<vmem>>, vector<16xf32>,
                %min3A = arith.minimumf %get3A_1679, %broadcast_in_dim3A_1085 : vector<16xf32>
                %get3A_1680 = arith.index_cast %mul3A_1677 : i32 to index
                %get3A_1681 = tpu.vector_load %arg19[%get3A_1680] {strides = array<i32>} : memref<304xf32, #tpu.memory_space<vmem>>, vector<16xf32>,
                %max3A = arith.maximumf %get3A_1681, %broadcast_in_dim3A_1079 : vector<16xf32>
                %sub3A_1682 = arith.subf %min3A, %max3A : vector<16xf32>
                %max3A_1683 = arith.constant 0.000000e+00 : f32
                %max3A_1684 = vector.broadcast %max3A_1683 : f32 to vector<16xf32>
                %max3A_1685 = arith.maximumf %sub3A_1682, %max3A_1684 : vector<16xf32>
                %get3A_1686 = arith.index_cast %mul3A_1677 : i32 to index
                %get3A_1687 = tpu.vector_load %arg22[%get3A_1686] {strides = array<i32>} : memref<304xf32, #tpu.memory_space<vmem>>, vector<16xf32>,
                %min3A_1688 = arith.minimumf %get3A_1687, %broadcast_in_dim3A_1088 : vector<16xf32>
                %get3A_1689 = arith.index_cast %mul3A_1677 : i32 to index
                %get3A_1690 = tpu.vector_load %arg20[%get3A_1689] {strides = array<i32>} : memref<304xf32, #tpu.memory_space<vmem>>, vector<16xf32>,
                %max3A_1691 = arith.maximumf %get3A_1690, %broadcast_in_dim3A_1082 : vector<16xf32>
                %sub3A_1692 = arith.subf %min3A_1688, %max3A_1691 : vector<16xf32>
                %max3A_1693 = arith.constant 0.000000e+00 : f32
                %max3A_1694 = vector.broadcast %max3A_1693 : f32 to vector<16xf32>
                %max3A_1695 = arith.maximumf %sub3A_1692, %max3A_1694 : vector<16xf32>
                %mul3A_1696 = arith.mulf %max3A_1685, %max3A_1695 : vector<16xf32>
                %get3A_1697 = arith.index_cast %mul3A_1677 : i32 to index
                %get3A_1698 = tpu.vector_load %arg23[%get3A_1697] {strides = array<i32>} : memref<304xf32, #tpu.memory_space<vmem>>, vector<16xf32>,
                %add3A_1699 = arith.addf %get3A_1698, %broadcast_in_dim3A_1091 : vector<16xf32>
                %sub3A_1700 = arith.subf %add3A_1699, %mul3A_1696 : vector<16xf32>
                %mul3A_1701 = arith.constant 5.000000e-01 : f32
                %mul3A_1702 = vector.broadcast %mul3A_1701 : f32 to vector<16xf32>
                %mul3A_1703 = arith.mulf %mul3A_1702, %sub3A_1700 : vector<16xf32>
                %sub3A_1704 = arith.subf %mul3A_1696, %mul3A_1703 : vector<16xf32>
                %max3A_1705 = arith.maximumf %scan3A_1675, %sub3A_1704 : vector<16xf32>
                scf.yield %max3A_1705 : vector<16xf32>
              }
              %scan3A_1099 = arith.constant 19 : i32
              %reduce_max3A_1100 = arith.constant true
              %reduce_max3A_1101 = vector.broadcast %reduce_max3A_1100 : i1 to vector<16xi1>
              %reduce_max3A_1102 = tpu.scan <max>, %scan3A_1098 masked %reduce_max3A_1101 : vector<16xf32>, vector<16xi1> -> vector<16xf32>
              %reduce_max3A_1103 = vector.extract %reduce_max3A_1102[15] : f32 from vector<16xf32>
              %lt3A_1104 = arith.constant 300 : i32
              %lt3A_1105 = arith.cmpi slt, %get3A_1076, %lt3A_1104 : i32
              %le3A_1106 = arith.constant 0.000000e+00 : f32
              %le3A_1107 = arith.cmpf ole, %reduce_max3A_1103, %le3A_1106 : f32
              %and3A_1108 = arith.andi %lt3A_1105, %le3A_1107 : i1
              %add3A_1109 = arith.constant 4 : i32
              %add3A_1110 = arith.addi %mul3A_856, %add3A_1109 : i32
              %lt3A_1111 = arith.cmpi slt, %add3A_1110, %scan3A_422 : i32
              %and3A_1112 = arith.andi %and3A_1108, %lt3A_1111 : i1
              %broadcast_in_dim3A_1113 = vector.broadcast %and3A_1112 : i1 to vector<16xi1>
              %and3A_1114 = arith.andi %eq3A_4, %broadcast_in_dim3A_1113 : vector<16xi1>
              %broadcast_in_dim3A_1115 = vector.broadcast %get3A_1076 : i32 to vector<16xi32>
              tpu.vector_store_idx %arg19[%broadcast_in_dim3A_1115], %broadcast_in_dim3A_1079 masked %and3A_1114 : memref<304xf32, #tpu.memory_space<vmem>>[vector<16xi32>], vector<16xf32>, vector<16xi1>
              tpu.vector_store_idx %arg20[%broadcast_in_dim3A_1115], %broadcast_in_dim3A_1082 masked %and3A_1114 : memref<304xf32, #tpu.memory_space<vmem>>[vector<16xi32>], vector<16xf32>, vector<16xi1>
              tpu.vector_store_idx %arg21[%broadcast_in_dim3A_1115], %broadcast_in_dim3A_1085 masked %and3A_1114 : memref<304xf32, #tpu.memory_space<vmem>>[vector<16xi32>], vector<16xf32>, vector<16xi1>
              tpu.vector_store_idx %arg22[%broadcast_in_dim3A_1115], %broadcast_in_dim3A_1088 masked %and3A_1114 : memref<304xf32, #tpu.memory_space<vmem>>[vector<16xi32>], vector<16xf32>, vector<16xi1>
              tpu.vector_store_idx %arg23[%broadcast_in_dim3A_1115], %broadcast_in_dim3A_1091 masked %and3A_1114 : memref<304xf32, #tpu.memory_space<vmem>>[vector<16xi32>], vector<16xf32>, vector<16xi1>
              %slice3A_1116 = vector.extract_strided_slice %get3A_858 {offsets = [4], sizes = [1], strides = [1]} : vector<16xi32> to vector<1xi32>
              %squeeze3A_1117 = vector.extract %slice3A_1116[0] : i32 from vector<1xi32>
              %broadcast_in_dim3A_1118 = vector.broadcast %squeeze3A_1117 : i32 to vector<16xi32>
              tpu.vector_store_idx %arg24[%broadcast_in_dim3A_1115], %broadcast_in_dim3A_1118 masked %and3A_1114 : memref<304xi32, #tpu.memory_space<vmem>>[vector<16xi32>], vector<16xi32>, vector<16xi1>
              tpu.vector_store_idx %arg25[%broadcast_in_dim3A_1115], %broadcast_in_dim3A_1118 masked %and3A_1114 : memref<304xi32, #tpu.memory_space<vmem>>[vector<16xi32>], vector<16xi32>, vector<16xi1>
              %convert_element_type3A_1119 = arith.extui %and3A_1112 : i1 to i32
              %add3A_1120 = arith.addi %get3A_1076, %convert_element_type3A_1119 : i32
              %swap3A_1121 = arith.constant 0 : i32
              %swap3A_1122 = arith.index_cast %swap3A_1121 : i32 to index
              %swap3A_1123 = memref.load %arg29[%swap3A_1122] : memref<1xi32, #tpu.memory_space<smem>>
              memref.store %add3A_1120, %arg29[%swap3A_1122] : memref<1xi32, #tpu.memory_space<smem>>
              %get3A_1124 = arith.constant 0 : i32
              %get3A_1125 = arith.index_cast %get3A_1124 : i32 to index
              %get3A_1126 = memref.load %arg29[%get3A_1125] : memref<1xi32, #tpu.memory_space<smem>>
              %slice3A_1127 = vector.extract_strided_slice %gather3A_862 {offsets = [5], sizes = [1], strides = [1]} : vector<16xf32> to vector<1xf32>
              %squeeze3A_1128 = vector.extract %slice3A_1127[0] : f32 from vector<1xf32>
              %broadcast_in_dim3A_1129 = vector.broadcast %squeeze3A_1128 : f32 to vector<16xf32>
              %slice3A_1130 = vector.extract_strided_slice %gather3A_866 {offsets = [5], sizes = [1], strides = [1]} : vector<16xf32> to vector<1xf32>
              %squeeze3A_1131 = vector.extract %slice3A_1130[0] : f32 from vector<1xf32>
              %broadcast_in_dim3A_1132 = vector.broadcast %squeeze3A_1131 : f32 to vector<16xf32>
              %slice3A_1133 = vector.extract_strided_slice %gather3A_870 {offsets = [5], sizes = [1], strides = [1]} : vector<16xf32> to vector<1xf32>
              %squeeze3A_1134 = vector.extract %slice3A_1133[0] : f32 from vector<1xf32>
              %broadcast_in_dim3A_1135 = vector.broadcast %squeeze3A_1134 : f32 to vector<16xf32>
              %slice3A_1136 = vector.extract_strided_slice %gather3A_874 {offsets = [5], sizes = [1], strides = [1]} : vector<16xf32> to vector<1xf32>
              %squeeze3A_1137 = vector.extract %slice3A_1136[0] : f32 from vector<1xf32>
              %broadcast_in_dim3A_1138 = vector.broadcast %squeeze3A_1137 : f32 to vector<16xf32>
              %slice3A_1139 = vector.extract_strided_slice %mul3A_877 {offsets = [5], sizes = [1], strides = [1]} : vector<16xf32> to vector<1xf32>
              %squeeze3A_1140 = vector.extract %slice3A_1139[0] : f32 from vector<1xf32>
              %broadcast_in_dim3A_1141 = vector.broadcast %squeeze3A_1140 : f32 to vector<16xf32>
              %broadcast_in_dim3A_1142 = arith.constant -1.000000e+00 : f32
              %broadcast_in_dim3A_1143 = vector.broadcast %broadcast_in_dim3A_1142 : f32 to vector<16xf32>
              %scan3A_1144 = arith.constant 0 : i32
              %scan3A_1145 = arith.constant 19 : i32
              %scan3A_1146 = arith.addi %scan3A_1144, %scan3A_1145 : i32
              %scan3A_1147 = arith.constant 1 : i32
              %scan3A_1148 = scf.for %scan3A_1674 = %scan3A_1144 to %scan3A_1146 step %scan3A_1147 iter_args(%scan3A_1675 = %broadcast_in_dim3A_1143) -> (vector<16xf32>)  : i32 {
                %mul3A_1676 = arith.constant 16 : i32
                %mul3A_1677 = arith.muli %scan3A_1674, %mul3A_1676 : i32
                %get3A_1678 = arith.index_cast %mul3A_1677 : i32 to index
                %get3A_1679 = tpu.vector_load %arg21[%get3A_1678] {strides = array<i32>} : memref<304xf32, #tpu.memory_space<vmem>>, vector<16xf32>,
                %min3A = arith.minimumf %get3A_1679, %broadcast_in_dim3A_1135 : vector<16xf32>
                %get3A_1680 = arith.index_cast %mul3A_1677 : i32 to index
                %get3A_1681 = tpu.vector_load %arg19[%get3A_1680] {strides = array<i32>} : memref<304xf32, #tpu.memory_space<vmem>>, vector<16xf32>,
                %max3A = arith.maximumf %get3A_1681, %broadcast_in_dim3A_1129 : vector<16xf32>
                %sub3A_1682 = arith.subf %min3A, %max3A : vector<16xf32>
                %max3A_1683 = arith.constant 0.000000e+00 : f32
                %max3A_1684 = vector.broadcast %max3A_1683 : f32 to vector<16xf32>
                %max3A_1685 = arith.maximumf %sub3A_1682, %max3A_1684 : vector<16xf32>
                %get3A_1686 = arith.index_cast %mul3A_1677 : i32 to index
                %get3A_1687 = tpu.vector_load %arg22[%get3A_1686] {strides = array<i32>} : memref<304xf32, #tpu.memory_space<vmem>>, vector<16xf32>,
                %min3A_1688 = arith.minimumf %get3A_1687, %broadcast_in_dim3A_1138 : vector<16xf32>
                %get3A_1689 = arith.index_cast %mul3A_1677 : i32 to index
                %get3A_1690 = tpu.vector_load %arg20[%get3A_1689] {strides = array<i32>} : memref<304xf32, #tpu.memory_space<vmem>>, vector<16xf32>,
                %max3A_1691 = arith.maximumf %get3A_1690, %broadcast_in_dim3A_1132 : vector<16xf32>
                %sub3A_1692 = arith.subf %min3A_1688, %max3A_1691 : vector<16xf32>
                %max3A_1693 = arith.constant 0.000000e+00 : f32
                %max3A_1694 = vector.broadcast %max3A_1693 : f32 to vector<16xf32>
                %max3A_1695 = arith.maximumf %sub3A_1692, %max3A_1694 : vector<16xf32>
                %mul3A_1696 = arith.mulf %max3A_1685, %max3A_1695 : vector<16xf32>
                %get3A_1697 = arith.index_cast %mul3A_1677 : i32 to index
                %get3A_1698 = tpu.vector_load %arg23[%get3A_1697] {strides = array<i32>} : memref<304xf32, #tpu.memory_space<vmem>>, vector<16xf32>,
                %add3A_1699 = arith.addf %get3A_1698, %broadcast_in_dim3A_1141 : vector<16xf32>
                %sub3A_1700 = arith.subf %add3A_1699, %mul3A_1696 : vector<16xf32>
                %mul3A_1701 = arith.constant 5.000000e-01 : f32
                %mul3A_1702 = vector.broadcast %mul3A_1701 : f32 to vector<16xf32>
                %mul3A_1703 = arith.mulf %mul3A_1702, %sub3A_1700 : vector<16xf32>
                %sub3A_1704 = arith.subf %mul3A_1696, %mul3A_1703 : vector<16xf32>
                %max3A_1705 = arith.maximumf %scan3A_1675, %sub3A_1704 : vector<16xf32>
                scf.yield %max3A_1705 : vector<16xf32>
              }
              %scan3A_1149 = arith.constant 19 : i32
              %reduce_max3A_1150 = arith.constant true
              %reduce_max3A_1151 = vector.broadcast %reduce_max3A_1150 : i1 to vector<16xi1>
              %reduce_max3A_1152 = tpu.scan <max>, %scan3A_1148 masked %reduce_max3A_1151 : vector<16xf32>, vector<16xi1> -> vector<16xf32>
              %reduce_max3A_1153 = vector.extract %reduce_max3A_1152[15] : f32 from vector<16xf32>
              %lt3A_1154 = arith.constant 300 : i32
              %lt3A_1155 = arith.cmpi slt, %get3A_1126, %lt3A_1154 : i32
              %le3A_1156 = arith.constant 0.000000e+00 : f32
              %le3A_1157 = arith.cmpf ole, %reduce_max3A_1153, %le3A_1156 : f32
              %and3A_1158 = arith.andi %lt3A_1155, %le3A_1157 : i1
              %add3A_1159 = arith.constant 5 : i32
              %add3A_1160 = arith.addi %mul3A_856, %add3A_1159 : i32
              %lt3A_1161 = arith.cmpi slt, %add3A_1160, %scan3A_422 : i32
              %and3A_1162 = arith.andi %and3A_1158, %lt3A_1161 : i1
              %broadcast_in_dim3A_1163 = vector.broadcast %and3A_1162 : i1 to vector<16xi1>
              %and3A_1164 = arith.andi %eq3A_4, %broadcast_in_dim3A_1163 : vector<16xi1>
              %broadcast_in_dim3A_1165 = vector.broadcast %get3A_1126 : i32 to vector<16xi32>
              tpu.vector_store_idx %arg19[%broadcast_in_dim3A_1165], %broadcast_in_dim3A_1129 masked %and3A_1164 : memref<304xf32, #tpu.memory_space<vmem>>[vector<16xi32>], vector<16xf32>, vector<16xi1>
              tpu.vector_store_idx %arg20[%broadcast_in_dim3A_1165], %broadcast_in_dim3A_1132 masked %and3A_1164 : memref<304xf32, #tpu.memory_space<vmem>>[vector<16xi32>], vector<16xf32>, vector<16xi1>
              tpu.vector_store_idx %arg21[%broadcast_in_dim3A_1165], %broadcast_in_dim3A_1135 masked %and3A_1164 : memref<304xf32, #tpu.memory_space<vmem>>[vector<16xi32>], vector<16xf32>, vector<16xi1>
              tpu.vector_store_idx %arg22[%broadcast_in_dim3A_1165], %broadcast_in_dim3A_1138 masked %and3A_1164 : memref<304xf32, #tpu.memory_space<vmem>>[vector<16xi32>], vector<16xf32>, vector<16xi1>
              tpu.vector_store_idx %arg23[%broadcast_in_dim3A_1165], %broadcast_in_dim3A_1141 masked %and3A_1164 : memref<304xf32, #tpu.memory_space<vmem>>[vector<16xi32>], vector<16xf32>, vector<16xi1>
              %slice3A_1166 = vector.extract_strided_slice %get3A_858 {offsets = [5], sizes = [1], strides = [1]} : vector<16xi32> to vector<1xi32>
              %squeeze3A_1167 = vector.extract %slice3A_1166[0] : i32 from vector<1xi32>
              %broadcast_in_dim3A_1168 = vector.broadcast %squeeze3A_1167 : i32 to vector<16xi32>
              tpu.vector_store_idx %arg24[%broadcast_in_dim3A_1165], %broadcast_in_dim3A_1168 masked %and3A_1164 : memref<304xi32, #tpu.memory_space<vmem>>[vector<16xi32>], vector<16xi32>, vector<16xi1>
              tpu.vector_store_idx %arg25[%broadcast_in_dim3A_1165], %broadcast_in_dim3A_1168 masked %and3A_1164 : memref<304xi32, #tpu.memory_space<vmem>>[vector<16xi32>], vector<16xi32>, vector<16xi1>
              %convert_element_type3A_1169 = arith.extui %and3A_1162 : i1 to i32
              %add3A_1170 = arith.addi %get3A_1126, %convert_element_type3A_1169 : i32
              %swap3A_1171 = arith.constant 0 : i32
              %swap3A_1172 = arith.index_cast %swap3A_1171 : i32 to index
              %swap3A_1173 = memref.load %arg29[%swap3A_1172] : memref<1xi32, #tpu.memory_space<smem>>
              memref.store %add3A_1170, %arg29[%swap3A_1172] : memref<1xi32, #tpu.memory_space<smem>>
              %get3A_1174 = arith.constant 0 : i32
              %get3A_1175 = arith.index_cast %get3A_1174 : i32 to index
              %get3A_1176 = memref.load %arg29[%get3A_1175] : memref<1xi32, #tpu.memory_space<smem>>
              %slice3A_1177 = vector.extract_strided_slice %gather3A_862 {offsets = [6], sizes = [1], strides = [1]} : vector<16xf32> to vector<1xf32>
              %squeeze3A_1178 = vector.extract %slice3A_1177[0] : f32 from vector<1xf32>
              %broadcast_in_dim3A_1179 = vector.broadcast %squeeze3A_1178 : f32 to vector<16xf32>
              %slice3A_1180 = vector.extract_strided_slice %gather3A_866 {offsets = [6], sizes = [1], strides = [1]} : vector<16xf32> to vector<1xf32>
              %squeeze3A_1181 = vector.extract %slice3A_1180[0] : f32 from vector<1xf32>
              %broadcast_in_dim3A_1182 = vector.broadcast %squeeze3A_1181 : f32 to vector<16xf32>
              %slice3A_1183 = vector.extract_strided_slice %gather3A_870 {offsets = [6], sizes = [1], strides = [1]} : vector<16xf32> to vector<1xf32>
              %squeeze3A_1184 = vector.extract %slice3A_1183[0] : f32 from vector<1xf32>
              %broadcast_in_dim3A_1185 = vector.broadcast %squeeze3A_1184 : f32 to vector<16xf32>
              %slice3A_1186 = vector.extract_strided_slice %gather3A_874 {offsets = [6], sizes = [1], strides = [1]} : vector<16xf32> to vector<1xf32>
              %squeeze3A_1187 = vector.extract %slice3A_1186[0] : f32 from vector<1xf32>
              %broadcast_in_dim3A_1188 = vector.broadcast %squeeze3A_1187 : f32 to vector<16xf32>
              %slice3A_1189 = vector.extract_strided_slice %mul3A_877 {offsets = [6], sizes = [1], strides = [1]} : vector<16xf32> to vector<1xf32>
              %squeeze3A_1190 = vector.extract %slice3A_1189[0] : f32 from vector<1xf32>
              %broadcast_in_dim3A_1191 = vector.broadcast %squeeze3A_1190 : f32 to vector<16xf32>
              %broadcast_in_dim3A_1192 = arith.constant -1.000000e+00 : f32
              %broadcast_in_dim3A_1193 = vector.broadcast %broadcast_in_dim3A_1192 : f32 to vector<16xf32>
              %scan3A_1194 = arith.constant 0 : i32
              %scan3A_1195 = arith.constant 19 : i32
              %scan3A_1196 = arith.addi %scan3A_1194, %scan3A_1195 : i32
              %scan3A_1197 = arith.constant 1 : i32
              %scan3A_1198 = scf.for %scan3A_1674 = %scan3A_1194 to %scan3A_1196 step %scan3A_1197 iter_args(%scan3A_1675 = %broadcast_in_dim3A_1193) -> (vector<16xf32>)  : i32 {
                %mul3A_1676 = arith.constant 16 : i32
                %mul3A_1677 = arith.muli %scan3A_1674, %mul3A_1676 : i32
                %get3A_1678 = arith.index_cast %mul3A_1677 : i32 to index
                %get3A_1679 = tpu.vector_load %arg21[%get3A_1678] {strides = array<i32>} : memref<304xf32, #tpu.memory_space<vmem>>, vector<16xf32>,
                %min3A = arith.minimumf %get3A_1679, %broadcast_in_dim3A_1185 : vector<16xf32>
                %get3A_1680 = arith.index_cast %mul3A_1677 : i32 to index
                %get3A_1681 = tpu.vector_load %arg19[%get3A_1680] {strides = array<i32>} : memref<304xf32, #tpu.memory_space<vmem>>, vector<16xf32>,
                %max3A = arith.maximumf %get3A_1681, %broadcast_in_dim3A_1179 : vector<16xf32>
                %sub3A_1682 = arith.subf %min3A, %max3A : vector<16xf32>
                %max3A_1683 = arith.constant 0.000000e+00 : f32
                %max3A_1684 = vector.broadcast %max3A_1683 : f32 to vector<16xf32>
                %max3A_1685 = arith.maximumf %sub3A_1682, %max3A_1684 : vector<16xf32>
                %get3A_1686 = arith.index_cast %mul3A_1677 : i32 to index
                %get3A_1687 = tpu.vector_load %arg22[%get3A_1686] {strides = array<i32>} : memref<304xf32, #tpu.memory_space<vmem>>, vector<16xf32>,
                %min3A_1688 = arith.minimumf %get3A_1687, %broadcast_in_dim3A_1188 : vector<16xf32>
                %get3A_1689 = arith.index_cast %mul3A_1677 : i32 to index
                %get3A_1690 = tpu.vector_load %arg20[%get3A_1689] {strides = array<i32>} : memref<304xf32, #tpu.memory_space<vmem>>, vector<16xf32>,
                %max3A_1691 = arith.maximumf %get3A_1690, %broadcast_in_dim3A_1182 : vector<16xf32>
                %sub3A_1692 = arith.subf %min3A_1688, %max3A_1691 : vector<16xf32>
                %max3A_1693 = arith.constant 0.000000e+00 : f32
                %max3A_1694 = vector.broadcast %max3A_1693 : f32 to vector<16xf32>
                %max3A_1695 = arith.maximumf %sub3A_1692, %max3A_1694 : vector<16xf32>
                %mul3A_1696 = arith.mulf %max3A_1685, %max3A_1695 : vector<16xf32>
                %get3A_1697 = arith.index_cast %mul3A_1677 : i32 to index
                %get3A_1698 = tpu.vector_load %arg23[%get3A_1697] {strides = array<i32>} : memref<304xf32, #tpu.memory_space<vmem>>, vector<16xf32>,
                %add3A_1699 = arith.addf %get3A_1698, %broadcast_in_dim3A_1191 : vector<16xf32>
                %sub3A_1700 = arith.subf %add3A_1699, %mul3A_1696 : vector<16xf32>
                %mul3A_1701 = arith.constant 5.000000e-01 : f32
                %mul3A_1702 = vector.broadcast %mul3A_1701 : f32 to vector<16xf32>
                %mul3A_1703 = arith.mulf %mul3A_1702, %sub3A_1700 : vector<16xf32>
                %sub3A_1704 = arith.subf %mul3A_1696, %mul3A_1703 : vector<16xf32>
                %max3A_1705 = arith.maximumf %scan3A_1675, %sub3A_1704 : vector<16xf32>
                scf.yield %max3A_1705 : vector<16xf32>
              }
              %scan3A_1199 = arith.constant 19 : i32
              %reduce_max3A_1200 = arith.constant true
              %reduce_max3A_1201 = vector.broadcast %reduce_max3A_1200 : i1 to vector<16xi1>
              %reduce_max3A_1202 = tpu.scan <max>, %scan3A_1198 masked %reduce_max3A_1201 : vector<16xf32>, vector<16xi1> -> vector<16xf32>
              %reduce_max3A_1203 = vector.extract %reduce_max3A_1202[15] : f32 from vector<16xf32>
              %lt3A_1204 = arith.constant 300 : i32
              %lt3A_1205 = arith.cmpi slt, %get3A_1176, %lt3A_1204 : i32
              %le3A_1206 = arith.constant 0.000000e+00 : f32
              %le3A_1207 = arith.cmpf ole, %reduce_max3A_1203, %le3A_1206 : f32
              %and3A_1208 = arith.andi %lt3A_1205, %le3A_1207 : i1
              %add3A_1209 = arith.constant 6 : i32
              %add3A_1210 = arith.addi %mul3A_856, %add3A_1209 : i32
              %lt3A_1211 = arith.cmpi slt, %add3A_1210, %scan3A_422 : i32
              %and3A_1212 = arith.andi %and3A_1208, %lt3A_1211 : i1
              %broadcast_in_dim3A_1213 = vector.broadcast %and3A_1212 : i1 to vector<16xi1>
              %and3A_1214 = arith.andi %eq3A_4, %broadcast_in_dim3A_1213 : vector<16xi1>
              %broadcast_in_dim3A_1215 = vector.broadcast %get3A_1176 : i32 to vector<16xi32>
              tpu.vector_store_idx %arg19[%broadcast_in_dim3A_1215], %broadcast_in_dim3A_1179 masked %and3A_1214 : memref<304xf32, #tpu.memory_space<vmem>>[vector<16xi32>], vector<16xf32>, vector<16xi1>
              tpu.vector_store_idx %arg20[%broadcast_in_dim3A_1215], %broadcast_in_dim3A_1182 masked %and3A_1214 : memref<304xf32, #tpu.memory_space<vmem>>[vector<16xi32>], vector<16xf32>, vector<16xi1>
              tpu.vector_store_idx %arg21[%broadcast_in_dim3A_1215], %broadcast_in_dim3A_1185 masked %and3A_1214 : memref<304xf32, #tpu.memory_space<vmem>>[vector<16xi32>], vector<16xf32>, vector<16xi1>
              tpu.vector_store_idx %arg22[%broadcast_in_dim3A_1215], %broadcast_in_dim3A_1188 masked %and3A_1214 : memref<304xf32, #tpu.memory_space<vmem>>[vector<16xi32>], vector<16xf32>, vector<16xi1>
              tpu.vector_store_idx %arg23[%broadcast_in_dim3A_1215], %broadcast_in_dim3A_1191 masked %and3A_1214 : memref<304xf32, #tpu.memory_space<vmem>>[vector<16xi32>], vector<16xf32>, vector<16xi1>
              %slice3A_1216 = vector.extract_strided_slice %get3A_858 {offsets = [6], sizes = [1], strides = [1]} : vector<16xi32> to vector<1xi32>
              %squeeze3A_1217 = vector.extract %slice3A_1216[0] : i32 from vector<1xi32>
              %broadcast_in_dim3A_1218 = vector.broadcast %squeeze3A_1217 : i32 to vector<16xi32>
              tpu.vector_store_idx %arg24[%broadcast_in_dim3A_1215], %broadcast_in_dim3A_1218 masked %and3A_1214 : memref<304xi32, #tpu.memory_space<vmem>>[vector<16xi32>], vector<16xi32>, vector<16xi1>
              tpu.vector_store_idx %arg25[%broadcast_in_dim3A_1215], %broadcast_in_dim3A_1218 masked %and3A_1214 : memref<304xi32, #tpu.memory_space<vmem>>[vector<16xi32>], vector<16xi32>, vector<16xi1>
              %convert_element_type3A_1219 = arith.extui %and3A_1212 : i1 to i32
              %add3A_1220 = arith.addi %get3A_1176, %convert_element_type3A_1219 : i32
              %swap3A_1221 = arith.constant 0 : i32
              %swap3A_1222 = arith.index_cast %swap3A_1221 : i32 to index
              %swap3A_1223 = memref.load %arg29[%swap3A_1222] : memref<1xi32, #tpu.memory_space<smem>>
              memref.store %add3A_1220, %arg29[%swap3A_1222] : memref<1xi32, #tpu.memory_space<smem>>
              %get3A_1224 = arith.constant 0 : i32
              %get3A_1225 = arith.index_cast %get3A_1224 : i32 to index
              %get3A_1226 = memref.load %arg29[%get3A_1225] : memref<1xi32, #tpu.memory_space<smem>>
              %slice3A_1227 = vector.extract_strided_slice %gather3A_862 {offsets = [7], sizes = [1], strides = [1]} : vector<16xf32> to vector<1xf32>
              %squeeze3A_1228 = vector.extract %slice3A_1227[0] : f32 from vector<1xf32>
              %broadcast_in_dim3A_1229 = vector.broadcast %squeeze3A_1228 : f32 to vector<16xf32>
              %slice3A_1230 = vector.extract_strided_slice %gather3A_866 {offsets = [7], sizes = [1], strides = [1]} : vector<16xf32> to vector<1xf32>
              %squeeze3A_1231 = vector.extract %slice3A_1230[0] : f32 from vector<1xf32>
              %broadcast_in_dim3A_1232 = vector.broadcast %squeeze3A_1231 : f32 to vector<16xf32>
              %slice3A_1233 = vector.extract_strided_slice %gather3A_870 {offsets = [7], sizes = [1], strides = [1]} : vector<16xf32> to vector<1xf32>
              %squeeze3A_1234 = vector.extract %slice3A_1233[0] : f32 from vector<1xf32>
              %broadcast_in_dim3A_1235 = vector.broadcast %squeeze3A_1234 : f32 to vector<16xf32>
              %slice3A_1236 = vector.extract_strided_slice %gather3A_874 {offsets = [7], sizes = [1], strides = [1]} : vector<16xf32> to vector<1xf32>
              %squeeze3A_1237 = vector.extract %slice3A_1236[0] : f32 from vector<1xf32>
              %broadcast_in_dim3A_1238 = vector.broadcast %squeeze3A_1237 : f32 to vector<16xf32>
              %slice3A_1239 = vector.extract_strided_slice %mul3A_877 {offsets = [7], sizes = [1], strides = [1]} : vector<16xf32> to vector<1xf32>
              %squeeze3A_1240 = vector.extract %slice3A_1239[0] : f32 from vector<1xf32>
              %broadcast_in_dim3A_1241 = vector.broadcast %squeeze3A_1240 : f32 to vector<16xf32>
              %broadcast_in_dim3A_1242 = arith.constant -1.000000e+00 : f32
              %broadcast_in_dim3A_1243 = vector.broadcast %broadcast_in_dim3A_1242 : f32 to vector<16xf32>
              %scan3A_1244 = arith.constant 0 : i32
              %scan3A_1245 = arith.constant 19 : i32
              %scan3A_1246 = arith.addi %scan3A_1244, %scan3A_1245 : i32
              %scan3A_1247 = arith.constant 1 : i32
              %scan3A_1248 = scf.for %scan3A_1674 = %scan3A_1244 to %scan3A_1246 step %scan3A_1247 iter_args(%scan3A_1675 = %broadcast_in_dim3A_1243) -> (vector<16xf32>)  : i32 {
                %mul3A_1676 = arith.constant 16 : i32
                %mul3A_1677 = arith.muli %scan3A_1674, %mul3A_1676 : i32
                %get3A_1678 = arith.index_cast %mul3A_1677 : i32 to index
                %get3A_1679 = tpu.vector_load %arg21[%get3A_1678] {strides = array<i32>} : memref<304xf32, #tpu.memory_space<vmem>>, vector<16xf32>,
                %min3A = arith.minimumf %get3A_1679, %broadcast_in_dim3A_1235 : vector<16xf32>
                %get3A_1680 = arith.index_cast %mul3A_1677 : i32 to index
                %get3A_1681 = tpu.vector_load %arg19[%get3A_1680] {strides = array<i32>} : memref<304xf32, #tpu.memory_space<vmem>>, vector<16xf32>,
                %max3A = arith.maximumf %get3A_1681, %broadcast_in_dim3A_1229 : vector<16xf32>
                %sub3A_1682 = arith.subf %min3A, %max3A : vector<16xf32>
                %max3A_1683 = arith.constant 0.000000e+00 : f32
                %max3A_1684 = vector.broadcast %max3A_1683 : f32 to vector<16xf32>
                %max3A_1685 = arith.maximumf %sub3A_1682, %max3A_1684 : vector<16xf32>
                %get3A_1686 = arith.index_cast %mul3A_1677 : i32 to index
                %get3A_1687 = tpu.vector_load %arg22[%get3A_1686] {strides = array<i32>} : memref<304xf32, #tpu.memory_space<vmem>>, vector<16xf32>,
                %min3A_1688 = arith.minimumf %get3A_1687, %broadcast_in_dim3A_1238 : vector<16xf32>
                %get3A_1689 = arith.index_cast %mul3A_1677 : i32 to index
                %get3A_1690 = tpu.vector_load %arg20[%get3A_1689] {strides = array<i32>} : memref<304xf32, #tpu.memory_space<vmem>>, vector<16xf32>,
                %max3A_1691 = arith.maximumf %get3A_1690, %broadcast_in_dim3A_1232 : vector<16xf32>
                %sub3A_1692 = arith.subf %min3A_1688, %max3A_1691 : vector<16xf32>
                %max3A_1693 = arith.constant 0.000000e+00 : f32
                %max3A_1694 = vector.broadcast %max3A_1693 : f32 to vector<16xf32>
                %max3A_1695 = arith.maximumf %sub3A_1692, %max3A_1694 : vector<16xf32>
                %mul3A_1696 = arith.mulf %max3A_1685, %max3A_1695 : vector<16xf32>
                %get3A_1697 = arith.index_cast %mul3A_1677 : i32 to index
                %get3A_1698 = tpu.vector_load %arg23[%get3A_1697] {strides = array<i32>} : memref<304xf32, #tpu.memory_space<vmem>>, vector<16xf32>,
                %add3A_1699 = arith.addf %get3A_1698, %broadcast_in_dim3A_1241 : vector<16xf32>
                %sub3A_1700 = arith.subf %add3A_1699, %mul3A_1696 : vector<16xf32>
                %mul3A_1701 = arith.constant 5.000000e-01 : f32
                %mul3A_1702 = vector.broadcast %mul3A_1701 : f32 to vector<16xf32>
                %mul3A_1703 = arith.mulf %mul3A_1702, %sub3A_1700 : vector<16xf32>
                %sub3A_1704 = arith.subf %mul3A_1696, %mul3A_1703 : vector<16xf32>
                %max3A_1705 = arith.maximumf %scan3A_1675, %sub3A_1704 : vector<16xf32>
                scf.yield %max3A_1705 : vector<16xf32>
              }
              %scan3A_1249 = arith.constant 19 : i32
              %reduce_max3A_1250 = arith.constant true
              %reduce_max3A_1251 = vector.broadcast %reduce_max3A_1250 : i1 to vector<16xi1>
              %reduce_max3A_1252 = tpu.scan <max>, %scan3A_1248 masked %reduce_max3A_1251 : vector<16xf32>, vector<16xi1> -> vector<16xf32>
              %reduce_max3A_1253 = vector.extract %reduce_max3A_1252[15] : f32 from vector<16xf32>
              %lt3A_1254 = arith.constant 300 : i32
              %lt3A_1255 = arith.cmpi slt, %get3A_1226, %lt3A_1254 : i32
              %le3A_1256 = arith.constant 0.000000e+00 : f32
              %le3A_1257 = arith.cmpf ole, %reduce_max3A_1253, %le3A_1256 : f32
              %and3A_1258 = arith.andi %lt3A_1255, %le3A_1257 : i1
              %add3A_1259 = arith.constant 7 : i32
              %add3A_1260 = arith.addi %mul3A_856, %add3A_1259 : i32
              %lt3A_1261 = arith.cmpi slt, %add3A_1260, %scan3A_422 : i32
              %and3A_1262 = arith.andi %and3A_1258, %lt3A_1261 : i1
              %broadcast_in_dim3A_1263 = vector.broadcast %and3A_1262 : i1 to vector<16xi1>
              %and3A_1264 = arith.andi %eq3A_4, %broadcast_in_dim3A_1263 : vector<16xi1>
              %broadcast_in_dim3A_1265 = vector.broadcast %get3A_1226 : i32 to vector<16xi32>
              tpu.vector_store_idx %arg19[%broadcast_in_dim3A_1265], %broadcast_in_dim3A_1229 masked %and3A_1264 : memref<304xf32, #tpu.memory_space<vmem>>[vector<16xi32>], vector<16xf32>, vector<16xi1>
              tpu.vector_store_idx %arg20[%broadcast_in_dim3A_1265], %broadcast_in_dim3A_1232 masked %and3A_1264 : memref<304xf32, #tpu.memory_space<vmem>>[vector<16xi32>], vector<16xf32>, vector<16xi1>
              tpu.vector_store_idx %arg21[%broadcast_in_dim3A_1265], %broadcast_in_dim3A_1235 masked %and3A_1264 : memref<304xf32, #tpu.memory_space<vmem>>[vector<16xi32>], vector<16xf32>, vector<16xi1>
              tpu.vector_store_idx %arg22[%broadcast_in_dim3A_1265], %broadcast_in_dim3A_1238 masked %and3A_1264 : memref<304xf32, #tpu.memory_space<vmem>>[vector<16xi32>], vector<16xf32>, vector<16xi1>
              tpu.vector_store_idx %arg23[%broadcast_in_dim3A_1265], %broadcast_in_dim3A_1241 masked %and3A_1264 : memref<304xf32, #tpu.memory_space<vmem>>[vector<16xi32>], vector<16xf32>, vector<16xi1>
              %slice3A_1266 = vector.extract_strided_slice %get3A_858 {offsets = [7], sizes = [1], strides = [1]} : vector<16xi32> to vector<1xi32>
              %squeeze3A_1267 = vector.extract %slice3A_1266[0] : i32 from vector<1xi32>
              %broadcast_in_dim3A_1268 = vector.broadcast %squeeze3A_1267 : i32 to vector<16xi32>
              tpu.vector_store_idx %arg24[%broadcast_in_dim3A_1265], %broadcast_in_dim3A_1268 masked %and3A_1264 : memref<304xi32, #tpu.memory_space<vmem>>[vector<16xi32>], vector<16xi32>, vector<16xi1>
              tpu.vector_store_idx %arg25[%broadcast_in_dim3A_1265], %broadcast_in_dim3A_1268 masked %and3A_1264 : memref<304xi32, #tpu.memory_space<vmem>>[vector<16xi32>], vector<16xi32>, vector<16xi1>
              %convert_element_type3A_1269 = arith.extui %and3A_1262 : i1 to i32
              %add3A_1270 = arith.addi %get3A_1226, %convert_element_type3A_1269 : i32
              %swap3A_1271 = arith.constant 0 : i32
              %swap3A_1272 = arith.index_cast %swap3A_1271 : i32 to index
              %swap3A_1273 = memref.load %arg29[%swap3A_1272] : memref<1xi32, #tpu.memory_space<smem>>
              memref.store %add3A_1270, %arg29[%swap3A_1272] : memref<1xi32, #tpu.memory_space<smem>>
              %get3A_1274 = arith.constant 0 : i32
              %get3A_1275 = arith.index_cast %get3A_1274 : i32 to index
              %get3A_1276 = memref.load %arg29[%get3A_1275] : memref<1xi32, #tpu.memory_space<smem>>
              %slice3A_1277 = vector.extract_strided_slice %gather3A_862 {offsets = [8], sizes = [1], strides = [1]} : vector<16xf32> to vector<1xf32>
              %squeeze3A_1278 = vector.extract %slice3A_1277[0] : f32 from vector<1xf32>
              %broadcast_in_dim3A_1279 = vector.broadcast %squeeze3A_1278 : f32 to vector<16xf32>
              %slice3A_1280 = vector.extract_strided_slice %gather3A_866 {offsets = [8], sizes = [1], strides = [1]} : vector<16xf32> to vector<1xf32>
              %squeeze3A_1281 = vector.extract %slice3A_1280[0] : f32 from vector<1xf32>
              %broadcast_in_dim3A_1282 = vector.broadcast %squeeze3A_1281 : f32 to vector<16xf32>
              %slice3A_1283 = vector.extract_strided_slice %gather3A_870 {offsets = [8], sizes = [1], strides = [1]} : vector<16xf32> to vector<1xf32>
              %squeeze3A_1284 = vector.extract %slice3A_1283[0] : f32 from vector<1xf32>
              %broadcast_in_dim3A_1285 = vector.broadcast %squeeze3A_1284 : f32 to vector<16xf32>
              %slice3A_1286 = vector.extract_strided_slice %gather3A_874 {offsets = [8], sizes = [1], strides = [1]} : vector<16xf32> to vector<1xf32>
              %squeeze3A_1287 = vector.extract %slice3A_1286[0] : f32 from vector<1xf32>
              %broadcast_in_dim3A_1288 = vector.broadcast %squeeze3A_1287 : f32 to vector<16xf32>
              %slice3A_1289 = vector.extract_strided_slice %mul3A_877 {offsets = [8], sizes = [1], strides = [1]} : vector<16xf32> to vector<1xf32>
              %squeeze3A_1290 = vector.extract %slice3A_1289[0] : f32 from vector<1xf32>
              %broadcast_in_dim3A_1291 = vector.broadcast %squeeze3A_1290 : f32 to vector<16xf32>
              %broadcast_in_dim3A_1292 = arith.constant -1.000000e+00 : f32
              %broadcast_in_dim3A_1293 = vector.broadcast %broadcast_in_dim3A_1292 : f32 to vector<16xf32>
              %scan3A_1294 = arith.constant 0 : i32
              %scan3A_1295 = arith.constant 19 : i32
              %scan3A_1296 = arith.addi %scan3A_1294, %scan3A_1295 : i32
              %scan3A_1297 = arith.constant 1 : i32
              %scan3A_1298 = scf.for %scan3A_1674 = %scan3A_1294 to %scan3A_1296 step %scan3A_1297 iter_args(%scan3A_1675 = %broadcast_in_dim3A_1293) -> (vector<16xf32>)  : i32 {
                %mul3A_1676 = arith.constant 16 : i32
                %mul3A_1677 = arith.muli %scan3A_1674, %mul3A_1676 : i32
                %get3A_1678 = arith.index_cast %mul3A_1677 : i32 to index
                %get3A_1679 = tpu.vector_load %arg21[%get3A_1678] {strides = array<i32>} : memref<304xf32, #tpu.memory_space<vmem>>, vector<16xf32>,
                %min3A = arith.minimumf %get3A_1679, %broadcast_in_dim3A_1285 : vector<16xf32>
                %get3A_1680 = arith.index_cast %mul3A_1677 : i32 to index
                %get3A_1681 = tpu.vector_load %arg19[%get3A_1680] {strides = array<i32>} : memref<304xf32, #tpu.memory_space<vmem>>, vector<16xf32>,
                %max3A = arith.maximumf %get3A_1681, %broadcast_in_dim3A_1279 : vector<16xf32>
                %sub3A_1682 = arith.subf %min3A, %max3A : vector<16xf32>
                %max3A_1683 = arith.constant 0.000000e+00 : f32
                %max3A_1684 = vector.broadcast %max3A_1683 : f32 to vector<16xf32>
                %max3A_1685 = arith.maximumf %sub3A_1682, %max3A_1684 : vector<16xf32>
                %get3A_1686 = arith.index_cast %mul3A_1677 : i32 to index
                %get3A_1687 = tpu.vector_load %arg22[%get3A_1686] {strides = array<i32>} : memref<304xf32, #tpu.memory_space<vmem>>, vector<16xf32>,
                %min3A_1688 = arith.minimumf %get3A_1687, %broadcast_in_dim3A_1288 : vector<16xf32>
                %get3A_1689 = arith.index_cast %mul3A_1677 : i32 to index
                %get3A_1690 = tpu.vector_load %arg20[%get3A_1689] {strides = array<i32>} : memref<304xf32, #tpu.memory_space<vmem>>, vector<16xf32>,
                %max3A_1691 = arith.maximumf %get3A_1690, %broadcast_in_dim3A_1282 : vector<16xf32>
                %sub3A_1692 = arith.subf %min3A_1688, %max3A_1691 : vector<16xf32>
                %max3A_1693 = arith.constant 0.000000e+00 : f32
                %max3A_1694 = vector.broadcast %max3A_1693 : f32 to vector<16xf32>
                %max3A_1695 = arith.maximumf %sub3A_1692, %max3A_1694 : vector<16xf32>
                %mul3A_1696 = arith.mulf %max3A_1685, %max3A_1695 : vector<16xf32>
                %get3A_1697 = arith.index_cast %mul3A_1677 : i32 to index
                %get3A_1698 = tpu.vector_load %arg23[%get3A_1697] {strides = array<i32>} : memref<304xf32, #tpu.memory_space<vmem>>, vector<16xf32>,
                %add3A_1699 = arith.addf %get3A_1698, %broadcast_in_dim3A_1291 : vector<16xf32>
                %sub3A_1700 = arith.subf %add3A_1699, %mul3A_1696 : vector<16xf32>
                %mul3A_1701 = arith.constant 5.000000e-01 : f32
                %mul3A_1702 = vector.broadcast %mul3A_1701 : f32 to vector<16xf32>
                %mul3A_1703 = arith.mulf %mul3A_1702, %sub3A_1700 : vector<16xf32>
                %sub3A_1704 = arith.subf %mul3A_1696, %mul3A_1703 : vector<16xf32>
                %max3A_1705 = arith.maximumf %scan3A_1675, %sub3A_1704 : vector<16xf32>
                scf.yield %max3A_1705 : vector<16xf32>
              }
              %scan3A_1299 = arith.constant 19 : i32
              %reduce_max3A_1300 = arith.constant true
              %reduce_max3A_1301 = vector.broadcast %reduce_max3A_1300 : i1 to vector<16xi1>
              %reduce_max3A_1302 = tpu.scan <max>, %scan3A_1298 masked %reduce_max3A_1301 : vector<16xf32>, vector<16xi1> -> vector<16xf32>
              %reduce_max3A_1303 = vector.extract %reduce_max3A_1302[15] : f32 from vector<16xf32>
              %lt3A_1304 = arith.constant 300 : i32
              %lt3A_1305 = arith.cmpi slt, %get3A_1276, %lt3A_1304 : i32
              %le3A_1306 = arith.constant 0.000000e+00 : f32
              %le3A_1307 = arith.cmpf ole, %reduce_max3A_1303, %le3A_1306 : f32
              %and3A_1308 = arith.andi %lt3A_1305, %le3A_1307 : i1
              %add3A_1309 = arith.constant 8 : i32
              %add3A_1310 = arith.addi %mul3A_856, %add3A_1309 : i32
              %lt3A_1311 = arith.cmpi slt, %add3A_1310, %scan3A_422 : i32
              %and3A_1312 = arith.andi %and3A_1308, %lt3A_1311 : i1
              %broadcast_in_dim3A_1313 = vector.broadcast %and3A_1312 : i1 to vector<16xi1>
              %and3A_1314 = arith.andi %eq3A_4, %broadcast_in_dim3A_1313 : vector<16xi1>
              %broadcast_in_dim3A_1315 = vector.broadcast %get3A_1276 : i32 to vector<16xi32>
              tpu.vector_store_idx %arg19[%broadcast_in_dim3A_1315], %broadcast_in_dim3A_1279 masked %and3A_1314 : memref<304xf32, #tpu.memory_space<vmem>>[vector<16xi32>], vector<16xf32>, vector<16xi1>
              tpu.vector_store_idx %arg20[%broadcast_in_dim3A_1315], %broadcast_in_dim3A_1282 masked %and3A_1314 : memref<304xf32, #tpu.memory_space<vmem>>[vector<16xi32>], vector<16xf32>, vector<16xi1>
              tpu.vector_store_idx %arg21[%broadcast_in_dim3A_1315], %broadcast_in_dim3A_1285 masked %and3A_1314 : memref<304xf32, #tpu.memory_space<vmem>>[vector<16xi32>], vector<16xf32>, vector<16xi1>
              tpu.vector_store_idx %arg22[%broadcast_in_dim3A_1315], %broadcast_in_dim3A_1288 masked %and3A_1314 : memref<304xf32, #tpu.memory_space<vmem>>[vector<16xi32>], vector<16xf32>, vector<16xi1>
              tpu.vector_store_idx %arg23[%broadcast_in_dim3A_1315], %broadcast_in_dim3A_1291 masked %and3A_1314 : memref<304xf32, #tpu.memory_space<vmem>>[vector<16xi32>], vector<16xf32>, vector<16xi1>
              %slice3A_1316 = vector.extract_strided_slice %get3A_858 {offsets = [8], sizes = [1], strides = [1]} : vector<16xi32> to vector<1xi32>
              %squeeze3A_1317 = vector.extract %slice3A_1316[0] : i32 from vector<1xi32>
              %broadcast_in_dim3A_1318 = vector.broadcast %squeeze3A_1317 : i32 to vector<16xi32>
              tpu.vector_store_idx %arg24[%broadcast_in_dim3A_1315], %broadcast_in_dim3A_1318 masked %and3A_1314 : memref<304xi32, #tpu.memory_space<vmem>>[vector<16xi32>], vector<16xi32>, vector<16xi1>
              tpu.vector_store_idx %arg25[%broadcast_in_dim3A_1315], %broadcast_in_dim3A_1318 masked %and3A_1314 : memref<304xi32, #tpu.memory_space<vmem>>[vector<16xi32>], vector<16xi32>, vector<16xi1>
              %convert_element_type3A_1319 = arith.extui %and3A_1312 : i1 to i32
              %add3A_1320 = arith.addi %get3A_1276, %convert_element_type3A_1319 : i32
              %swap3A_1321 = arith.constant 0 : i32
              %swap3A_1322 = arith.index_cast %swap3A_1321 : i32 to index
              %swap3A_1323 = memref.load %arg29[%swap3A_1322] : memref<1xi32, #tpu.memory_space<smem>>
              memref.store %add3A_1320, %arg29[%swap3A_1322] : memref<1xi32, #tpu.memory_space<smem>>
              %get3A_1324 = arith.constant 0 : i32
              %get3A_1325 = arith.index_cast %get3A_1324 : i32 to index
              %get3A_1326 = memref.load %arg29[%get3A_1325] : memref<1xi32, #tpu.memory_space<smem>>
              %slice3A_1327 = vector.extract_strided_slice %gather3A_862 {offsets = [9], sizes = [1], strides = [1]} : vector<16xf32> to vector<1xf32>
              %squeeze3A_1328 = vector.extract %slice3A_1327[0] : f32 from vector<1xf32>
              %broadcast_in_dim3A_1329 = vector.broadcast %squeeze3A_1328 : f32 to vector<16xf32>
              %slice3A_1330 = vector.extract_strided_slice %gather3A_866 {offsets = [9], sizes = [1], strides = [1]} : vector<16xf32> to vector<1xf32>
              %squeeze3A_1331 = vector.extract %slice3A_1330[0] : f32 from vector<1xf32>
              %broadcast_in_dim3A_1332 = vector.broadcast %squeeze3A_1331 : f32 to vector<16xf32>
              %slice3A_1333 = vector.extract_strided_slice %gather3A_870 {offsets = [9], sizes = [1], strides = [1]} : vector<16xf32> to vector<1xf32>
              %squeeze3A_1334 = vector.extract %slice3A_1333[0] : f32 from vector<1xf32>
              %broadcast_in_dim3A_1335 = vector.broadcast %squeeze3A_1334 : f32 to vector<16xf32>
              %slice3A_1336 = vector.extract_strided_slice %gather3A_874 {offsets = [9], sizes = [1], strides = [1]} : vector<16xf32> to vector<1xf32>
              %squeeze3A_1337 = vector.extract %slice3A_1336[0] : f32 from vector<1xf32>
              %broadcast_in_dim3A_1338 = vector.broadcast %squeeze3A_1337 : f32 to vector<16xf32>
              %slice3A_1339 = vector.extract_strided_slice %mul3A_877 {offsets = [9], sizes = [1], strides = [1]} : vector<16xf32> to vector<1xf32>
              %squeeze3A_1340 = vector.extract %slice3A_1339[0] : f32 from vector<1xf32>
              %broadcast_in_dim3A_1341 = vector.broadcast %squeeze3A_1340 : f32 to vector<16xf32>
              %broadcast_in_dim3A_1342 = arith.constant -1.000000e+00 : f32
              %broadcast_in_dim3A_1343 = vector.broadcast %broadcast_in_dim3A_1342 : f32 to vector<16xf32>
              %scan3A_1344 = arith.constant 0 : i32
              %scan3A_1345 = arith.constant 19 : i32
              %scan3A_1346 = arith.addi %scan3A_1344, %scan3A_1345 : i32
              %scan3A_1347 = arith.constant 1 : i32
              %scan3A_1348 = scf.for %scan3A_1674 = %scan3A_1344 to %scan3A_1346 step %scan3A_1347 iter_args(%scan3A_1675 = %broadcast_in_dim3A_1343) -> (vector<16xf32>)  : i32 {
                %mul3A_1676 = arith.constant 16 : i32
                %mul3A_1677 = arith.muli %scan3A_1674, %mul3A_1676 : i32
                %get3A_1678 = arith.index_cast %mul3A_1677 : i32 to index
                %get3A_1679 = tpu.vector_load %arg21[%get3A_1678] {strides = array<i32>} : memref<304xf32, #tpu.memory_space<vmem>>, vector<16xf32>,
                %min3A = arith.minimumf %get3A_1679, %broadcast_in_dim3A_1335 : vector<16xf32>
                %get3A_1680 = arith.index_cast %mul3A_1677 : i32 to index
                %get3A_1681 = tpu.vector_load %arg19[%get3A_1680] {strides = array<i32>} : memref<304xf32, #tpu.memory_space<vmem>>, vector<16xf32>,
                %max3A = arith.maximumf %get3A_1681, %broadcast_in_dim3A_1329 : vector<16xf32>
                %sub3A_1682 = arith.subf %min3A, %max3A : vector<16xf32>
                %max3A_1683 = arith.constant 0.000000e+00 : f32
                %max3A_1684 = vector.broadcast %max3A_1683 : f32 to vector<16xf32>
                %max3A_1685 = arith.maximumf %sub3A_1682, %max3A_1684 : vector<16xf32>
                %get3A_1686 = arith.index_cast %mul3A_1677 : i32 to index
                %get3A_1687 = tpu.vector_load %arg22[%get3A_1686] {strides = array<i32>} : memref<304xf32, #tpu.memory_space<vmem>>, vector<16xf32>,
                %min3A_1688 = arith.minimumf %get3A_1687, %broadcast_in_dim3A_1338 : vector<16xf32>
                %get3A_1689 = arith.index_cast %mul3A_1677 : i32 to index
                %get3A_1690 = tpu.vector_load %arg20[%get3A_1689] {strides = array<i32>} : memref<304xf32, #tpu.memory_space<vmem>>, vector<16xf32>,
                %max3A_1691 = arith.maximumf %get3A_1690, %broadcast_in_dim3A_1332 : vector<16xf32>
                %sub3A_1692 = arith.subf %min3A_1688, %max3A_1691 : vector<16xf32>
                %max3A_1693 = arith.constant 0.000000e+00 : f32
                %max3A_1694 = vector.broadcast %max3A_1693 : f32 to vector<16xf32>
                %max3A_1695 = arith.maximumf %sub3A_1692, %max3A_1694 : vector<16xf32>
                %mul3A_1696 = arith.mulf %max3A_1685, %max3A_1695 : vector<16xf32>
                %get3A_1697 = arith.index_cast %mul3A_1677 : i32 to index
                %get3A_1698 = tpu.vector_load %arg23[%get3A_1697] {strides = array<i32>} : memref<304xf32, #tpu.memory_space<vmem>>, vector<16xf32>,
                %add3A_1699 = arith.addf %get3A_1698, %broadcast_in_dim3A_1341 : vector<16xf32>
                %sub3A_1700 = arith.subf %add3A_1699, %mul3A_1696 : vector<16xf32>
                %mul3A_1701 = arith.constant 5.000000e-01 : f32
                %mul3A_1702 = vector.broadcast %mul3A_1701 : f32 to vector<16xf32>
                %mul3A_1703 = arith.mulf %mul3A_1702, %sub3A_1700 : vector<16xf32>
                %sub3A_1704 = arith.subf %mul3A_1696, %mul3A_1703 : vector<16xf32>
                %max3A_1705 = arith.maximumf %scan3A_1675, %sub3A_1704 : vector<16xf32>
                scf.yield %max3A_1705 : vector<16xf32>
              }
              %scan3A_1349 = arith.constant 19 : i32
              %reduce_max3A_1350 = arith.constant true
              %reduce_max3A_1351 = vector.broadcast %reduce_max3A_1350 : i1 to vector<16xi1>
              %reduce_max3A_1352 = tpu.scan <max>, %scan3A_1348 masked %reduce_max3A_1351 : vector<16xf32>, vector<16xi1> -> vector<16xf32>
              %reduce_max3A_1353 = vector.extract %reduce_max3A_1352[15] : f32 from vector<16xf32>
              %lt3A_1354 = arith.constant 300 : i32
              %lt3A_1355 = arith.cmpi slt, %get3A_1326, %lt3A_1354 : i32
              %le3A_1356 = arith.constant 0.000000e+00 : f32
              %le3A_1357 = arith.cmpf ole, %reduce_max3A_1353, %le3A_1356 : f32
              %and3A_1358 = arith.andi %lt3A_1355, %le3A_1357 : i1
              %add3A_1359 = arith.constant 9 : i32
              %add3A_1360 = arith.addi %mul3A_856, %add3A_1359 : i32
              %lt3A_1361 = arith.cmpi slt, %add3A_1360, %scan3A_422 : i32
              %and3A_1362 = arith.andi %and3A_1358, %lt3A_1361 : i1
              %broadcast_in_dim3A_1363 = vector.broadcast %and3A_1362 : i1 to vector<16xi1>
              %and3A_1364 = arith.andi %eq3A_4, %broadcast_in_dim3A_1363 : vector<16xi1>
              %broadcast_in_dim3A_1365 = vector.broadcast %get3A_1326 : i32 to vector<16xi32>
              tpu.vector_store_idx %arg19[%broadcast_in_dim3A_1365], %broadcast_in_dim3A_1329 masked %and3A_1364 : memref<304xf32, #tpu.memory_space<vmem>>[vector<16xi32>], vector<16xf32>, vector<16xi1>
              tpu.vector_store_idx %arg20[%broadcast_in_dim3A_1365], %broadcast_in_dim3A_1332 masked %and3A_1364 : memref<304xf32, #tpu.memory_space<vmem>>[vector<16xi32>], vector<16xf32>, vector<16xi1>
              tpu.vector_store_idx %arg21[%broadcast_in_dim3A_1365], %broadcast_in_dim3A_1335 masked %and3A_1364 : memref<304xf32, #tpu.memory_space<vmem>>[vector<16xi32>], vector<16xf32>, vector<16xi1>
              tpu.vector_store_idx %arg22[%broadcast_in_dim3A_1365], %broadcast_in_dim3A_1338 masked %and3A_1364 : memref<304xf32, #tpu.memory_space<vmem>>[vector<16xi32>], vector<16xf32>, vector<16xi1>
              tpu.vector_store_idx %arg23[%broadcast_in_dim3A_1365], %broadcast_in_dim3A_1341 masked %and3A_1364 : memref<304xf32, #tpu.memory_space<vmem>>[vector<16xi32>], vector<16xf32>, vector<16xi1>
              %slice3A_1366 = vector.extract_strided_slice %get3A_858 {offsets = [9], sizes = [1], strides = [1]} : vector<16xi32> to vector<1xi32>
              %squeeze3A_1367 = vector.extract %slice3A_1366[0] : i32 from vector<1xi32>
              %broadcast_in_dim3A_1368 = vector.broadcast %squeeze3A_1367 : i32 to vector<16xi32>
              tpu.vector_store_idx %arg24[%broadcast_in_dim3A_1365], %broadcast_in_dim3A_1368 masked %and3A_1364 : memref<304xi32, #tpu.memory_space<vmem>>[vector<16xi32>], vector<16xi32>, vector<16xi1>
              tpu.vector_store_idx %arg25[%broadcast_in_dim3A_1365], %broadcast_in_dim3A_1368 masked %and3A_1364 : memref<304xi32, #tpu.memory_space<vmem>>[vector<16xi32>], vector<16xi32>, vector<16xi1>
              %convert_element_type3A_1369 = arith.extui %and3A_1362 : i1 to i32
              %add3A_1370 = arith.addi %get3A_1326, %convert_element_type3A_1369 : i32
              %swap3A_1371 = arith.constant 0 : i32
              %swap3A_1372 = arith.index_cast %swap3A_1371 : i32 to index
              %swap3A_1373 = memref.load %arg29[%swap3A_1372] : memref<1xi32, #tpu.memory_space<smem>>
              memref.store %add3A_1370, %arg29[%swap3A_1372] : memref<1xi32, #tpu.memory_space<smem>>
              %get3A_1374 = arith.constant 0 : i32
              %get3A_1375 = arith.index_cast %get3A_1374 : i32 to index
              %get3A_1376 = memref.load %arg29[%get3A_1375] : memref<1xi32, #tpu.memory_space<smem>>
              %slice3A_1377 = vector.extract_strided_slice %gather3A_862 {offsets = [10], sizes = [1], strides = [1]} : vector<16xf32> to vector<1xf32>
              %squeeze3A_1378 = vector.extract %slice3A_1377[0] : f32 from vector<1xf32>
              %broadcast_in_dim3A_1379 = vector.broadcast %squeeze3A_1378 : f32 to vector<16xf32>
              %slice3A_1380 = vector.extract_strided_slice %gather3A_866 {offsets = [10], sizes = [1], strides = [1]} : vector<16xf32> to vector<1xf32>
              %squeeze3A_1381 = vector.extract %slice3A_1380[0] : f32 from vector<1xf32>
              %broadcast_in_dim3A_1382 = vector.broadcast %squeeze3A_1381 : f32 to vector<16xf32>
              %slice3A_1383 = vector.extract_strided_slice %gather3A_870 {offsets = [10], sizes = [1], strides = [1]} : vector<16xf32> to vector<1xf32>
              %squeeze3A_1384 = vector.extract %slice3A_1383[0] : f32 from vector<1xf32>
              %broadcast_in_dim3A_1385 = vector.broadcast %squeeze3A_1384 : f32 to vector<16xf32>
              %slice3A_1386 = vector.extract_strided_slice %gather3A_874 {offsets = [10], sizes = [1], strides = [1]} : vector<16xf32> to vector<1xf32>
              %squeeze3A_1387 = vector.extract %slice3A_1386[0] : f32 from vector<1xf32>
              %broadcast_in_dim3A_1388 = vector.broadcast %squeeze3A_1387 : f32 to vector<16xf32>
              %slice3A_1389 = vector.extract_strided_slice %mul3A_877 {offsets = [10], sizes = [1], strides = [1]} : vector<16xf32> to vector<1xf32>
              %squeeze3A_1390 = vector.extract %slice3A_1389[0] : f32 from vector<1xf32>
              %broadcast_in_dim3A_1391 = vector.broadcast %squeeze3A_1390 : f32 to vector<16xf32>
              %broadcast_in_dim3A_1392 = arith.constant -1.000000e+00 : f32
              %broadcast_in_dim3A_1393 = vector.broadcast %broadcast_in_dim3A_1392 : f32 to vector<16xf32>
              %scan3A_1394 = arith.constant 0 : i32
              %scan3A_1395 = arith.constant 19 : i32
              %scan3A_1396 = arith.addi %scan3A_1394, %scan3A_1395 : i32
              %scan3A_1397 = arith.constant 1 : i32
              %scan3A_1398 = scf.for %scan3A_1674 = %scan3A_1394 to %scan3A_1396 step %scan3A_1397 iter_args(%scan3A_1675 = %broadcast_in_dim3A_1393) -> (vector<16xf32>)  : i32 {
                %mul3A_1676 = arith.constant 16 : i32
                %mul3A_1677 = arith.muli %scan3A_1674, %mul3A_1676 : i32
                %get3A_1678 = arith.index_cast %mul3A_1677 : i32 to index
                %get3A_1679 = tpu.vector_load %arg21[%get3A_1678] {strides = array<i32>} : memref<304xf32, #tpu.memory_space<vmem>>, vector<16xf32>,
                %min3A = arith.minimumf %get3A_1679, %broadcast_in_dim3A_1385 : vector<16xf32>
                %get3A_1680 = arith.index_cast %mul3A_1677 : i32 to index
                %get3A_1681 = tpu.vector_load %arg19[%get3A_1680] {strides = array<i32>} : memref<304xf32, #tpu.memory_space<vmem>>, vector<16xf32>,
                %max3A = arith.maximumf %get3A_1681, %broadcast_in_dim3A_1379 : vector<16xf32>
                %sub3A_1682 = arith.subf %min3A, %max3A : vector<16xf32>
                %max3A_1683 = arith.constant 0.000000e+00 : f32
                %max3A_1684 = vector.broadcast %max3A_1683 : f32 to vector<16xf32>
                %max3A_1685 = arith.maximumf %sub3A_1682, %max3A_1684 : vector<16xf32>
                %get3A_1686 = arith.index_cast %mul3A_1677 : i32 to index
                %get3A_1687 = tpu.vector_load %arg22[%get3A_1686] {strides = array<i32>} : memref<304xf32, #tpu.memory_space<vmem>>, vector<16xf32>,
                %min3A_1688 = arith.minimumf %get3A_1687, %broadcast_in_dim3A_1388 : vector<16xf32>
                %get3A_1689 = arith.index_cast %mul3A_1677 : i32 to index
                %get3A_1690 = tpu.vector_load %arg20[%get3A_1689] {strides = array<i32>} : memref<304xf32, #tpu.memory_space<vmem>>, vector<16xf32>,
                %max3A_1691 = arith.maximumf %get3A_1690, %broadcast_in_dim3A_1382 : vector<16xf32>
                %sub3A_1692 = arith.subf %min3A_1688, %max3A_1691 : vector<16xf32>
                %max3A_1693 = arith.constant 0.000000e+00 : f32
                %max3A_1694 = vector.broadcast %max3A_1693 : f32 to vector<16xf32>
                %max3A_1695 = arith.maximumf %sub3A_1692, %max3A_1694 : vector<16xf32>
                %mul3A_1696 = arith.mulf %max3A_1685, %max3A_1695 : vector<16xf32>
                %get3A_1697 = arith.index_cast %mul3A_1677 : i32 to index
                %get3A_1698 = tpu.vector_load %arg23[%get3A_1697] {strides = array<i32>} : memref<304xf32, #tpu.memory_space<vmem>>, vector<16xf32>,
                %add3A_1699 = arith.addf %get3A_1698, %broadcast_in_dim3A_1391 : vector<16xf32>
                %sub3A_1700 = arith.subf %add3A_1699, %mul3A_1696 : vector<16xf32>
                %mul3A_1701 = arith.constant 5.000000e-01 : f32
                %mul3A_1702 = vector.broadcast %mul3A_1701 : f32 to vector<16xf32>
                %mul3A_1703 = arith.mulf %mul3A_1702, %sub3A_1700 : vector<16xf32>
                %sub3A_1704 = arith.subf %mul3A_1696, %mul3A_1703 : vector<16xf32>
                %max3A_1705 = arith.maximumf %scan3A_1675, %sub3A_1704 : vector<16xf32>
                scf.yield %max3A_1705 : vector<16xf32>
              }
              %scan3A_1399 = arith.constant 19 : i32
              %reduce_max3A_1400 = arith.constant true
              %reduce_max3A_1401 = vector.broadcast %reduce_max3A_1400 : i1 to vector<16xi1>
              %reduce_max3A_1402 = tpu.scan <max>, %scan3A_1398 masked %reduce_max3A_1401 : vector<16xf32>, vector<16xi1> -> vector<16xf32>
              %reduce_max3A_1403 = vector.extract %reduce_max3A_1402[15] : f32 from vector<16xf32>
              %lt3A_1404 = arith.constant 300 : i32
              %lt3A_1405 = arith.cmpi slt, %get3A_1376, %lt3A_1404 : i32
              %le3A_1406 = arith.constant 0.000000e+00 : f32
              %le3A_1407 = arith.cmpf ole, %reduce_max3A_1403, %le3A_1406 : f32
              %and3A_1408 = arith.andi %lt3A_1405, %le3A_1407 : i1
              %add3A_1409 = arith.constant 10 : i32
              %add3A_1410 = arith.addi %mul3A_856, %add3A_1409 : i32
              %lt3A_1411 = arith.cmpi slt, %add3A_1410, %scan3A_422 : i32
              %and3A_1412 = arith.andi %and3A_1408, %lt3A_1411 : i1
              %broadcast_in_dim3A_1413 = vector.broadcast %and3A_1412 : i1 to vector<16xi1>
              %and3A_1414 = arith.andi %eq3A_4, %broadcast_in_dim3A_1413 : vector<16xi1>
              %broadcast_in_dim3A_1415 = vector.broadcast %get3A_1376 : i32 to vector<16xi32>
              tpu.vector_store_idx %arg19[%broadcast_in_dim3A_1415], %broadcast_in_dim3A_1379 masked %and3A_1414 : memref<304xf32, #tpu.memory_space<vmem>>[vector<16xi32>], vector<16xf32>, vector<16xi1>
              tpu.vector_store_idx %arg20[%broadcast_in_dim3A_1415], %broadcast_in_dim3A_1382 masked %and3A_1414 : memref<304xf32, #tpu.memory_space<vmem>>[vector<16xi32>], vector<16xf32>, vector<16xi1>
              tpu.vector_store_idx %arg21[%broadcast_in_dim3A_1415], %broadcast_in_dim3A_1385 masked %and3A_1414 : memref<304xf32, #tpu.memory_space<vmem>>[vector<16xi32>], vector<16xf32>, vector<16xi1>
              tpu.vector_store_idx %arg22[%broadcast_in_dim3A_1415], %broadcast_in_dim3A_1388 masked %and3A_1414 : memref<304xf32, #tpu.memory_space<vmem>>[vector<16xi32>], vector<16xf32>, vector<16xi1>
              tpu.vector_store_idx %arg23[%broadcast_in_dim3A_1415], %broadcast_in_dim3A_1391 masked %and3A_1414 : memref<304xf32, #tpu.memory_space<vmem>>[vector<16xi32>], vector<16xf32>, vector<16xi1>
              %slice3A_1416 = vector.extract_strided_slice %get3A_858 {offsets = [10], sizes = [1], strides = [1]} : vector<16xi32> to vector<1xi32>
              %squeeze3A_1417 = vector.extract %slice3A_1416[0] : i32 from vector<1xi32>
              %broadcast_in_dim3A_1418 = vector.broadcast %squeeze3A_1417 : i32 to vector<16xi32>
              tpu.vector_store_idx %arg24[%broadcast_in_dim3A_1415], %broadcast_in_dim3A_1418 masked %and3A_1414 : memref<304xi32, #tpu.memory_space<vmem>>[vector<16xi32>], vector<16xi32>, vector<16xi1>
              tpu.vector_store_idx %arg25[%broadcast_in_dim3A_1415], %broadcast_in_dim3A_1418 masked %and3A_1414 : memref<304xi32, #tpu.memory_space<vmem>>[vector<16xi32>], vector<16xi32>, vector<16xi1>
              %convert_element_type3A_1419 = arith.extui %and3A_1412 : i1 to i32
              %add3A_1420 = arith.addi %get3A_1376, %convert_element_type3A_1419 : i32
              %swap3A_1421 = arith.constant 0 : i32
              %swap3A_1422 = arith.index_cast %swap3A_1421 : i32 to index
              %swap3A_1423 = memref.load %arg29[%swap3A_1422] : memref<1xi32, #tpu.memory_space<smem>>
              memref.store %add3A_1420, %arg29[%swap3A_1422] : memref<1xi32, #tpu.memory_space<smem>>
              %get3A_1424 = arith.constant 0 : i32
              %get3A_1425 = arith.index_cast %get3A_1424 : i32 to index
              %get3A_1426 = memref.load %arg29[%get3A_1425] : memref<1xi32, #tpu.memory_space<smem>>
              %slice3A_1427 = vector.extract_strided_slice %gather3A_862 {offsets = [11], sizes = [1], strides = [1]} : vector<16xf32> to vector<1xf32>
              %squeeze3A_1428 = vector.extract %slice3A_1427[0] : f32 from vector<1xf32>
              %broadcast_in_dim3A_1429 = vector.broadcast %squeeze3A_1428 : f32 to vector<16xf32>
              %slice3A_1430 = vector.extract_strided_slice %gather3A_866 {offsets = [11], sizes = [1], strides = [1]} : vector<16xf32> to vector<1xf32>
              %squeeze3A_1431 = vector.extract %slice3A_1430[0] : f32 from vector<1xf32>
              %broadcast_in_dim3A_1432 = vector.broadcast %squeeze3A_1431 : f32 to vector<16xf32>
              %slice3A_1433 = vector.extract_strided_slice %gather3A_870 {offsets = [11], sizes = [1], strides = [1]} : vector<16xf32> to vector<1xf32>
              %squeeze3A_1434 = vector.extract %slice3A_1433[0] : f32 from vector<1xf32>
              %broadcast_in_dim3A_1435 = vector.broadcast %squeeze3A_1434 : f32 to vector<16xf32>
              %slice3A_1436 = vector.extract_strided_slice %gather3A_874 {offsets = [11], sizes = [1], strides = [1]} : vector<16xf32> to vector<1xf32>
              %squeeze3A_1437 = vector.extract %slice3A_1436[0] : f32 from vector<1xf32>
              %broadcast_in_dim3A_1438 = vector.broadcast %squeeze3A_1437 : f32 to vector<16xf32>
              %slice3A_1439 = vector.extract_strided_slice %mul3A_877 {offsets = [11], sizes = [1], strides = [1]} : vector<16xf32> to vector<1xf32>
              %squeeze3A_1440 = vector.extract %slice3A_1439[0] : f32 from vector<1xf32>
              %broadcast_in_dim3A_1441 = vector.broadcast %squeeze3A_1440 : f32 to vector<16xf32>
              %broadcast_in_dim3A_1442 = arith.constant -1.000000e+00 : f32
              %broadcast_in_dim3A_1443 = vector.broadcast %broadcast_in_dim3A_1442 : f32 to vector<16xf32>
              %scan3A_1444 = arith.constant 0 : i32
              %scan3A_1445 = arith.constant 19 : i32
              %scan3A_1446 = arith.addi %scan3A_1444, %scan3A_1445 : i32
              %scan3A_1447 = arith.constant 1 : i32
              %scan3A_1448 = scf.for %scan3A_1674 = %scan3A_1444 to %scan3A_1446 step %scan3A_1447 iter_args(%scan3A_1675 = %broadcast_in_dim3A_1443) -> (vector<16xf32>)  : i32 {
                %mul3A_1676 = arith.constant 16 : i32
                %mul3A_1677 = arith.muli %scan3A_1674, %mul3A_1676 : i32
                %get3A_1678 = arith.index_cast %mul3A_1677 : i32 to index
                %get3A_1679 = tpu.vector_load %arg21[%get3A_1678] {strides = array<i32>} : memref<304xf32, #tpu.memory_space<vmem>>, vector<16xf32>,
                %min3A = arith.minimumf %get3A_1679, %broadcast_in_dim3A_1435 : vector<16xf32>
                %get3A_1680 = arith.index_cast %mul3A_1677 : i32 to index
                %get3A_1681 = tpu.vector_load %arg19[%get3A_1680] {strides = array<i32>} : memref<304xf32, #tpu.memory_space<vmem>>, vector<16xf32>,
                %max3A = arith.maximumf %get3A_1681, %broadcast_in_dim3A_1429 : vector<16xf32>
                %sub3A_1682 = arith.subf %min3A, %max3A : vector<16xf32>
                %max3A_1683 = arith.constant 0.000000e+00 : f32
                %max3A_1684 = vector.broadcast %max3A_1683 : f32 to vector<16xf32>
                %max3A_1685 = arith.maximumf %sub3A_1682, %max3A_1684 : vector<16xf32>
                %get3A_1686 = arith.index_cast %mul3A_1677 : i32 to index
                %get3A_1687 = tpu.vector_load %arg22[%get3A_1686] {strides = array<i32>} : memref<304xf32, #tpu.memory_space<vmem>>, vector<16xf32>,
                %min3A_1688 = arith.minimumf %get3A_1687, %broadcast_in_dim3A_1438 : vector<16xf32>
                %get3A_1689 = arith.index_cast %mul3A_1677 : i32 to index
                %get3A_1690 = tpu.vector_load %arg20[%get3A_1689] {strides = array<i32>} : memref<304xf32, #tpu.memory_space<vmem>>, vector<16xf32>,
                %max3A_1691 = arith.maximumf %get3A_1690, %broadcast_in_dim3A_1432 : vector<16xf32>
                %sub3A_1692 = arith.subf %min3A_1688, %max3A_1691 : vector<16xf32>
                %max3A_1693 = arith.constant 0.000000e+00 : f32
                %max3A_1694 = vector.broadcast %max3A_1693 : f32 to vector<16xf32>
                %max3A_1695 = arith.maximumf %sub3A_1692, %max3A_1694 : vector<16xf32>
                %mul3A_1696 = arith.mulf %max3A_1685, %max3A_1695 : vector<16xf32>
                %get3A_1697 = arith.index_cast %mul3A_1677 : i32 to index
                %get3A_1698 = tpu.vector_load %arg23[%get3A_1697] {strides = array<i32>} : memref<304xf32, #tpu.memory_space<vmem>>, vector<16xf32>,
                %add3A_1699 = arith.addf %get3A_1698, %broadcast_in_dim3A_1441 : vector<16xf32>
                %sub3A_1700 = arith.subf %add3A_1699, %mul3A_1696 : vector<16xf32>
                %mul3A_1701 = arith.constant 5.000000e-01 : f32
                %mul3A_1702 = vector.broadcast %mul3A_1701 : f32 to vector<16xf32>
                %mul3A_1703 = arith.mulf %mul3A_1702, %sub3A_1700 : vector<16xf32>
                %sub3A_1704 = arith.subf %mul3A_1696, %mul3A_1703 : vector<16xf32>
                %max3A_1705 = arith.maximumf %scan3A_1675, %sub3A_1704 : vector<16xf32>
                scf.yield %max3A_1705 : vector<16xf32>
              }
              %scan3A_1449 = arith.constant 19 : i32
              %reduce_max3A_1450 = arith.constant true
              %reduce_max3A_1451 = vector.broadcast %reduce_max3A_1450 : i1 to vector<16xi1>
              %reduce_max3A_1452 = tpu.scan <max>, %scan3A_1448 masked %reduce_max3A_1451 : vector<16xf32>, vector<16xi1> -> vector<16xf32>
              %reduce_max3A_1453 = vector.extract %reduce_max3A_1452[15] : f32 from vector<16xf32>
              %lt3A_1454 = arith.constant 300 : i32
              %lt3A_1455 = arith.cmpi slt, %get3A_1426, %lt3A_1454 : i32
              %le3A_1456 = arith.constant 0.000000e+00 : f32
              %le3A_1457 = arith.cmpf ole, %reduce_max3A_1453, %le3A_1456 : f32
              %and3A_1458 = arith.andi %lt3A_1455, %le3A_1457 : i1
              %add3A_1459 = arith.constant 11 : i32
              %add3A_1460 = arith.addi %mul3A_856, %add3A_1459 : i32
              %lt3A_1461 = arith.cmpi slt, %add3A_1460, %scan3A_422 : i32
              %and3A_1462 = arith.andi %and3A_1458, %lt3A_1461 : i1
              %broadcast_in_dim3A_1463 = vector.broadcast %and3A_1462 : i1 to vector<16xi1>
              %and3A_1464 = arith.andi %eq3A_4, %broadcast_in_dim3A_1463 : vector<16xi1>
              %broadcast_in_dim3A_1465 = vector.broadcast %get3A_1426 : i32 to vector<16xi32>
              tpu.vector_store_idx %arg19[%broadcast_in_dim3A_1465], %broadcast_in_dim3A_1429 masked %and3A_1464 : memref<304xf32, #tpu.memory_space<vmem>>[vector<16xi32>], vector<16xf32>, vector<16xi1>
              tpu.vector_store_idx %arg20[%broadcast_in_dim3A_1465], %broadcast_in_dim3A_1432 masked %and3A_1464 : memref<304xf32, #tpu.memory_space<vmem>>[vector<16xi32>], vector<16xf32>, vector<16xi1>
              tpu.vector_store_idx %arg21[%broadcast_in_dim3A_1465], %broadcast_in_dim3A_1435 masked %and3A_1464 : memref<304xf32, #tpu.memory_space<vmem>>[vector<16xi32>], vector<16xf32>, vector<16xi1>
              tpu.vector_store_idx %arg22[%broadcast_in_dim3A_1465], %broadcast_in_dim3A_1438 masked %and3A_1464 : memref<304xf32, #tpu.memory_space<vmem>>[vector<16xi32>], vector<16xf32>, vector<16xi1>
              tpu.vector_store_idx %arg23[%broadcast_in_dim3A_1465], %broadcast_in_dim3A_1441 masked %and3A_1464 : memref<304xf32, #tpu.memory_space<vmem>>[vector<16xi32>], vector<16xf32>, vector<16xi1>
              %slice3A_1466 = vector.extract_strided_slice %get3A_858 {offsets = [11], sizes = [1], strides = [1]} : vector<16xi32> to vector<1xi32>
              %squeeze3A_1467 = vector.extract %slice3A_1466[0] : i32 from vector<1xi32>
              %broadcast_in_dim3A_1468 = vector.broadcast %squeeze3A_1467 : i32 to vector<16xi32>
              tpu.vector_store_idx %arg24[%broadcast_in_dim3A_1465], %broadcast_in_dim3A_1468 masked %and3A_1464 : memref<304xi32, #tpu.memory_space<vmem>>[vector<16xi32>], vector<16xi32>, vector<16xi1>
              tpu.vector_store_idx %arg25[%broadcast_in_dim3A_1465], %broadcast_in_dim3A_1468 masked %and3A_1464 : memref<304xi32, #tpu.memory_space<vmem>>[vector<16xi32>], vector<16xi32>, vector<16xi1>
              %convert_element_type3A_1469 = arith.extui %and3A_1462 : i1 to i32
              %add3A_1470 = arith.addi %get3A_1426, %convert_element_type3A_1469 : i32
              %swap3A_1471 = arith.constant 0 : i32
              %swap3A_1472 = arith.index_cast %swap3A_1471 : i32 to index
              %swap3A_1473 = memref.load %arg29[%swap3A_1472] : memref<1xi32, #tpu.memory_space<smem>>
              memref.store %add3A_1470, %arg29[%swap3A_1472] : memref<1xi32, #tpu.memory_space<smem>>
              %get3A_1474 = arith.constant 0 : i32
              %get3A_1475 = arith.index_cast %get3A_1474 : i32 to index
              %get3A_1476 = memref.load %arg29[%get3A_1475] : memref<1xi32, #tpu.memory_space<smem>>
              %slice3A_1477 = vector.extract_strided_slice %gather3A_862 {offsets = [12], sizes = [1], strides = [1]} : vector<16xf32> to vector<1xf32>
              %squeeze3A_1478 = vector.extract %slice3A_1477[0] : f32 from vector<1xf32>
              %broadcast_in_dim3A_1479 = vector.broadcast %squeeze3A_1478 : f32 to vector<16xf32>
              %slice3A_1480 = vector.extract_strided_slice %gather3A_866 {offsets = [12], sizes = [1], strides = [1]} : vector<16xf32> to vector<1xf32>
              %squeeze3A_1481 = vector.extract %slice3A_1480[0] : f32 from vector<1xf32>
              %broadcast_in_dim3A_1482 = vector.broadcast %squeeze3A_1481 : f32 to vector<16xf32>
              %slice3A_1483 = vector.extract_strided_slice %gather3A_870 {offsets = [12], sizes = [1], strides = [1]} : vector<16xf32> to vector<1xf32>
              %squeeze3A_1484 = vector.extract %slice3A_1483[0] : f32 from vector<1xf32>
              %broadcast_in_dim3A_1485 = vector.broadcast %squeeze3A_1484 : f32 to vector<16xf32>
              %slice3A_1486 = vector.extract_strided_slice %gather3A_874 {offsets = [12], sizes = [1], strides = [1]} : vector<16xf32> to vector<1xf32>
              %squeeze3A_1487 = vector.extract %slice3A_1486[0] : f32 from vector<1xf32>
              %broadcast_in_dim3A_1488 = vector.broadcast %squeeze3A_1487 : f32 to vector<16xf32>
              %slice3A_1489 = vector.extract_strided_slice %mul3A_877 {offsets = [12], sizes = [1], strides = [1]} : vector<16xf32> to vector<1xf32>
              %squeeze3A_1490 = vector.extract %slice3A_1489[0] : f32 from vector<1xf32>
              %broadcast_in_dim3A_1491 = vector.broadcast %squeeze3A_1490 : f32 to vector<16xf32>
              %broadcast_in_dim3A_1492 = arith.constant -1.000000e+00 : f32
              %broadcast_in_dim3A_1493 = vector.broadcast %broadcast_in_dim3A_1492 : f32 to vector<16xf32>
              %scan3A_1494 = arith.constant 0 : i32
              %scan3A_1495 = arith.constant 19 : i32
              %scan3A_1496 = arith.addi %scan3A_1494, %scan3A_1495 : i32
              %scan3A_1497 = arith.constant 1 : i32
              %scan3A_1498 = scf.for %scan3A_1674 = %scan3A_1494 to %scan3A_1496 step %scan3A_1497 iter_args(%scan3A_1675 = %broadcast_in_dim3A_1493) -> (vector<16xf32>)  : i32 {
                %mul3A_1676 = arith.constant 16 : i32
                %mul3A_1677 = arith.muli %scan3A_1674, %mul3A_1676 : i32
                %get3A_1678 = arith.index_cast %mul3A_1677 : i32 to index
                %get3A_1679 = tpu.vector_load %arg21[%get3A_1678] {strides = array<i32>} : memref<304xf32, #tpu.memory_space<vmem>>, vector<16xf32>,
                %min3A = arith.minimumf %get3A_1679, %broadcast_in_dim3A_1485 : vector<16xf32>
                %get3A_1680 = arith.index_cast %mul3A_1677 : i32 to index
                %get3A_1681 = tpu.vector_load %arg19[%get3A_1680] {strides = array<i32>} : memref<304xf32, #tpu.memory_space<vmem>>, vector<16xf32>,
                %max3A = arith.maximumf %get3A_1681, %broadcast_in_dim3A_1479 : vector<16xf32>
                %sub3A_1682 = arith.subf %min3A, %max3A : vector<16xf32>
                %max3A_1683 = arith.constant 0.000000e+00 : f32
                %max3A_1684 = vector.broadcast %max3A_1683 : f32 to vector<16xf32>
                %max3A_1685 = arith.maximumf %sub3A_1682, %max3A_1684 : vector<16xf32>
                %get3A_1686 = arith.index_cast %mul3A_1677 : i32 to index
                %get3A_1687 = tpu.vector_load %arg22[%get3A_1686] {strides = array<i32>} : memref<304xf32, #tpu.memory_space<vmem>>, vector<16xf32>,
                %min3A_1688 = arith.minimumf %get3A_1687, %broadcast_in_dim3A_1488 : vector<16xf32>
                %get3A_1689 = arith.index_cast %mul3A_1677 : i32 to index
                %get3A_1690 = tpu.vector_load %arg20[%get3A_1689] {strides = array<i32>} : memref<304xf32, #tpu.memory_space<vmem>>, vector<16xf32>,
                %max3A_1691 = arith.maximumf %get3A_1690, %broadcast_in_dim3A_1482 : vector<16xf32>
                %sub3A_1692 = arith.subf %min3A_1688, %max3A_1691 : vector<16xf32>
                %max3A_1693 = arith.constant 0.000000e+00 : f32
                %max3A_1694 = vector.broadcast %max3A_1693 : f32 to vector<16xf32>
                %max3A_1695 = arith.maximumf %sub3A_1692, %max3A_1694 : vector<16xf32>
                %mul3A_1696 = arith.mulf %max3A_1685, %max3A_1695 : vector<16xf32>
                %get3A_1697 = arith.index_cast %mul3A_1677 : i32 to index
                %get3A_1698 = tpu.vector_load %arg23[%get3A_1697] {strides = array<i32>} : memref<304xf32, #tpu.memory_space<vmem>>, vector<16xf32>,
                %add3A_1699 = arith.addf %get3A_1698, %broadcast_in_dim3A_1491 : vector<16xf32>
                %sub3A_1700 = arith.subf %add3A_1699, %mul3A_1696 : vector<16xf32>
                %mul3A_1701 = arith.constant 5.000000e-01 : f32
                %mul3A_1702 = vector.broadcast %mul3A_1701 : f32 to vector<16xf32>
                %mul3A_1703 = arith.mulf %mul3A_1702, %sub3A_1700 : vector<16xf32>
                %sub3A_1704 = arith.subf %mul3A_1696, %mul3A_1703 : vector<16xf32>
                %max3A_1705 = arith.maximumf %scan3A_1675, %sub3A_1704 : vector<16xf32>
                scf.yield %max3A_1705 : vector<16xf32>
              }
              %scan3A_1499 = arith.constant 19 : i32
              %reduce_max3A_1500 = arith.constant true
              %reduce_max3A_1501 = vector.broadcast %reduce_max3A_1500 : i1 to vector<16xi1>
              %reduce_max3A_1502 = tpu.scan <max>, %scan3A_1498 masked %reduce_max3A_1501 : vector<16xf32>, vector<16xi1> -> vector<16xf32>
              %reduce_max3A_1503 = vector.extract %reduce_max3A_1502[15] : f32 from vector<16xf32>
              %lt3A_1504 = arith.constant 300 : i32
              %lt3A_1505 = arith.cmpi slt, %get3A_1476, %lt3A_1504 : i32
              %le3A_1506 = arith.constant 0.000000e+00 : f32
              %le3A_1507 = arith.cmpf ole, %reduce_max3A_1503, %le3A_1506 : f32
              %and3A_1508 = arith.andi %lt3A_1505, %le3A_1507 : i1
              %add3A_1509 = arith.constant 12 : i32
              %add3A_1510 = arith.addi %mul3A_856, %add3A_1509 : i32
              %lt3A_1511 = arith.cmpi slt, %add3A_1510, %scan3A_422 : i32
              %and3A_1512 = arith.andi %and3A_1508, %lt3A_1511 : i1
              %broadcast_in_dim3A_1513 = vector.broadcast %and3A_1512 : i1 to vector<16xi1>
              %and3A_1514 = arith.andi %eq3A_4, %broadcast_in_dim3A_1513 : vector<16xi1>
              %broadcast_in_dim3A_1515 = vector.broadcast %get3A_1476 : i32 to vector<16xi32>
              tpu.vector_store_idx %arg19[%broadcast_in_dim3A_1515], %broadcast_in_dim3A_1479 masked %and3A_1514 : memref<304xf32, #tpu.memory_space<vmem>>[vector<16xi32>], vector<16xf32>, vector<16xi1>
              tpu.vector_store_idx %arg20[%broadcast_in_dim3A_1515], %broadcast_in_dim3A_1482 masked %and3A_1514 : memref<304xf32, #tpu.memory_space<vmem>>[vector<16xi32>], vector<16xf32>, vector<16xi1>
              tpu.vector_store_idx %arg21[%broadcast_in_dim3A_1515], %broadcast_in_dim3A_1485 masked %and3A_1514 : memref<304xf32, #tpu.memory_space<vmem>>[vector<16xi32>], vector<16xf32>, vector<16xi1>
              tpu.vector_store_idx %arg22[%broadcast_in_dim3A_1515], %broadcast_in_dim3A_1488 masked %and3A_1514 : memref<304xf32, #tpu.memory_space<vmem>>[vector<16xi32>], vector<16xf32>, vector<16xi1>
              tpu.vector_store_idx %arg23[%broadcast_in_dim3A_1515], %broadcast_in_dim3A_1491 masked %and3A_1514 : memref<304xf32, #tpu.memory_space<vmem>>[vector<16xi32>], vector<16xf32>, vector<16xi1>
              %slice3A_1516 = vector.extract_strided_slice %get3A_858 {offsets = [12], sizes = [1], strides = [1]} : vector<16xi32> to vector<1xi32>
              %squeeze3A_1517 = vector.extract %slice3A_1516[0] : i32 from vector<1xi32>
              %broadcast_in_dim3A_1518 = vector.broadcast %squeeze3A_1517 : i32 to vector<16xi32>
              tpu.vector_store_idx %arg24[%broadcast_in_dim3A_1515], %broadcast_in_dim3A_1518 masked %and3A_1514 : memref<304xi32, #tpu.memory_space<vmem>>[vector<16xi32>], vector<16xi32>, vector<16xi1>
              tpu.vector_store_idx %arg25[%broadcast_in_dim3A_1515], %broadcast_in_dim3A_1518 masked %and3A_1514 : memref<304xi32, #tpu.memory_space<vmem>>[vector<16xi32>], vector<16xi32>, vector<16xi1>
              %convert_element_type3A_1519 = arith.extui %and3A_1512 : i1 to i32
              %add3A_1520 = arith.addi %get3A_1476, %convert_element_type3A_1519 : i32
              %swap3A_1521 = arith.constant 0 : i32
              %swap3A_1522 = arith.index_cast %swap3A_1521 : i32 to index
              %swap3A_1523 = memref.load %arg29[%swap3A_1522] : memref<1xi32, #tpu.memory_space<smem>>
              memref.store %add3A_1520, %arg29[%swap3A_1522] : memref<1xi32, #tpu.memory_space<smem>>
              %get3A_1524 = arith.constant 0 : i32
              %get3A_1525 = arith.index_cast %get3A_1524 : i32 to index
              %get3A_1526 = memref.load %arg29[%get3A_1525] : memref<1xi32, #tpu.memory_space<smem>>
              %slice3A_1527 = vector.extract_strided_slice %gather3A_862 {offsets = [13], sizes = [1], strides = [1]} : vector<16xf32> to vector<1xf32>
              %squeeze3A_1528 = vector.extract %slice3A_1527[0] : f32 from vector<1xf32>
              %broadcast_in_dim3A_1529 = vector.broadcast %squeeze3A_1528 : f32 to vector<16xf32>
              %slice3A_1530 = vector.extract_strided_slice %gather3A_866 {offsets = [13], sizes = [1], strides = [1]} : vector<16xf32> to vector<1xf32>
              %squeeze3A_1531 = vector.extract %slice3A_1530[0] : f32 from vector<1xf32>
              %broadcast_in_dim3A_1532 = vector.broadcast %squeeze3A_1531 : f32 to vector<16xf32>
              %slice3A_1533 = vector.extract_strided_slice %gather3A_870 {offsets = [13], sizes = [1], strides = [1]} : vector<16xf32> to vector<1xf32>
              %squeeze3A_1534 = vector.extract %slice3A_1533[0] : f32 from vector<1xf32>
              %broadcast_in_dim3A_1535 = vector.broadcast %squeeze3A_1534 : f32 to vector<16xf32>
              %slice3A_1536 = vector.extract_strided_slice %gather3A_874 {offsets = [13], sizes = [1], strides = [1]} : vector<16xf32> to vector<1xf32>
              %squeeze3A_1537 = vector.extract %slice3A_1536[0] : f32 from vector<1xf32>
              %broadcast_in_dim3A_1538 = vector.broadcast %squeeze3A_1537 : f32 to vector<16xf32>
              %slice3A_1539 = vector.extract_strided_slice %mul3A_877 {offsets = [13], sizes = [1], strides = [1]} : vector<16xf32> to vector<1xf32>
              %squeeze3A_1540 = vector.extract %slice3A_1539[0] : f32 from vector<1xf32>
              %broadcast_in_dim3A_1541 = vector.broadcast %squeeze3A_1540 : f32 to vector<16xf32>
              %broadcast_in_dim3A_1542 = arith.constant -1.000000e+00 : f32
              %broadcast_in_dim3A_1543 = vector.broadcast %broadcast_in_dim3A_1542 : f32 to vector<16xf32>
              %scan3A_1544 = arith.constant 0 : i32
              %scan3A_1545 = arith.constant 19 : i32
              %scan3A_1546 = arith.addi %scan3A_1544, %scan3A_1545 : i32
              %scan3A_1547 = arith.constant 1 : i32
              %scan3A_1548 = scf.for %scan3A_1674 = %scan3A_1544 to %scan3A_1546 step %scan3A_1547 iter_args(%scan3A_1675 = %broadcast_in_dim3A_1543) -> (vector<16xf32>)  : i32 {
                %mul3A_1676 = arith.constant 16 : i32
                %mul3A_1677 = arith.muli %scan3A_1674, %mul3A_1676 : i32
                %get3A_1678 = arith.index_cast %mul3A_1677 : i32 to index
                %get3A_1679 = tpu.vector_load %arg21[%get3A_1678] {strides = array<i32>} : memref<304xf32, #tpu.memory_space<vmem>>, vector<16xf32>,
                %min3A = arith.minimumf %get3A_1679, %broadcast_in_dim3A_1535 : vector<16xf32>
                %get3A_1680 = arith.index_cast %mul3A_1677 : i32 to index
                %get3A_1681 = tpu.vector_load %arg19[%get3A_1680] {strides = array<i32>} : memref<304xf32, #tpu.memory_space<vmem>>, vector<16xf32>,
                %max3A = arith.maximumf %get3A_1681, %broadcast_in_dim3A_1529 : vector<16xf32>
                %sub3A_1682 = arith.subf %min3A, %max3A : vector<16xf32>
                %max3A_1683 = arith.constant 0.000000e+00 : f32
                %max3A_1684 = vector.broadcast %max3A_1683 : f32 to vector<16xf32>
                %max3A_1685 = arith.maximumf %sub3A_1682, %max3A_1684 : vector<16xf32>
                %get3A_1686 = arith.index_cast %mul3A_1677 : i32 to index
                %get3A_1687 = tpu.vector_load %arg22[%get3A_1686] {strides = array<i32>} : memref<304xf32, #tpu.memory_space<vmem>>, vector<16xf32>,
                %min3A_1688 = arith.minimumf %get3A_1687, %broadcast_in_dim3A_1538 : vector<16xf32>
                %get3A_1689 = arith.index_cast %mul3A_1677 : i32 to index
                %get3A_1690 = tpu.vector_load %arg20[%get3A_1689] {strides = array<i32>} : memref<304xf32, #tpu.memory_space<vmem>>, vector<16xf32>,
                %max3A_1691 = arith.maximumf %get3A_1690, %broadcast_in_dim3A_1532 : vector<16xf32>
                %sub3A_1692 = arith.subf %min3A_1688, %max3A_1691 : vector<16xf32>
                %max3A_1693 = arith.constant 0.000000e+00 : f32
                %max3A_1694 = vector.broadcast %max3A_1693 : f32 to vector<16xf32>
                %max3A_1695 = arith.maximumf %sub3A_1692, %max3A_1694 : vector<16xf32>
                %mul3A_1696 = arith.mulf %max3A_1685, %max3A_1695 : vector<16xf32>
                %get3A_1697 = arith.index_cast %mul3A_1677 : i32 to index
                %get3A_1698 = tpu.vector_load %arg23[%get3A_1697] {strides = array<i32>} : memref<304xf32, #tpu.memory_space<vmem>>, vector<16xf32>,
                %add3A_1699 = arith.addf %get3A_1698, %broadcast_in_dim3A_1541 : vector<16xf32>
                %sub3A_1700 = arith.subf %add3A_1699, %mul3A_1696 : vector<16xf32>
                %mul3A_1701 = arith.constant 5.000000e-01 : f32
                %mul3A_1702 = vector.broadcast %mul3A_1701 : f32 to vector<16xf32>
                %mul3A_1703 = arith.mulf %mul3A_1702, %sub3A_1700 : vector<16xf32>
                %sub3A_1704 = arith.subf %mul3A_1696, %mul3A_1703 : vector<16xf32>
                %max3A_1705 = arith.maximumf %scan3A_1675, %sub3A_1704 : vector<16xf32>
                scf.yield %max3A_1705 : vector<16xf32>
              }
              %scan3A_1549 = arith.constant 19 : i32
              %reduce_max3A_1550 = arith.constant true
              %reduce_max3A_1551 = vector.broadcast %reduce_max3A_1550 : i1 to vector<16xi1>
              %reduce_max3A_1552 = tpu.scan <max>, %scan3A_1548 masked %reduce_max3A_1551 : vector<16xf32>, vector<16xi1> -> vector<16xf32>
              %reduce_max3A_1553 = vector.extract %reduce_max3A_1552[15] : f32 from vector<16xf32>
              %lt3A_1554 = arith.constant 300 : i32
              %lt3A_1555 = arith.cmpi slt, %get3A_1526, %lt3A_1554 : i32
              %le3A_1556 = arith.constant 0.000000e+00 : f32
              %le3A_1557 = arith.cmpf ole, %reduce_max3A_1553, %le3A_1556 : f32
              %and3A_1558 = arith.andi %lt3A_1555, %le3A_1557 : i1
              %add3A_1559 = arith.constant 13 : i32
              %add3A_1560 = arith.addi %mul3A_856, %add3A_1559 : i32
              %lt3A_1561 = arith.cmpi slt, %add3A_1560, %scan3A_422 : i32
              %and3A_1562 = arith.andi %and3A_1558, %lt3A_1561 : i1
              %broadcast_in_dim3A_1563 = vector.broadcast %and3A_1562 : i1 to vector<16xi1>
              %and3A_1564 = arith.andi %eq3A_4, %broadcast_in_dim3A_1563 : vector<16xi1>
              %broadcast_in_dim3A_1565 = vector.broadcast %get3A_1526 : i32 to vector<16xi32>
              tpu.vector_store_idx %arg19[%broadcast_in_dim3A_1565], %broadcast_in_dim3A_1529 masked %and3A_1564 : memref<304xf32, #tpu.memory_space<vmem>>[vector<16xi32>], vector<16xf32>, vector<16xi1>
              tpu.vector_store_idx %arg20[%broadcast_in_dim3A_1565], %broadcast_in_dim3A_1532 masked %and3A_1564 : memref<304xf32, #tpu.memory_space<vmem>>[vector<16xi32>], vector<16xf32>, vector<16xi1>
              tpu.vector_store_idx %arg21[%broadcast_in_dim3A_1565], %broadcast_in_dim3A_1535 masked %and3A_1564 : memref<304xf32, #tpu.memory_space<vmem>>[vector<16xi32>], vector<16xf32>, vector<16xi1>
              tpu.vector_store_idx %arg22[%broadcast_in_dim3A_1565], %broadcast_in_dim3A_1538 masked %and3A_1564 : memref<304xf32, #tpu.memory_space<vmem>>[vector<16xi32>], vector<16xf32>, vector<16xi1>
              tpu.vector_store_idx %arg23[%broadcast_in_dim3A_1565], %broadcast_in_dim3A_1541 masked %and3A_1564 : memref<304xf32, #tpu.memory_space<vmem>>[vector<16xi32>], vector<16xf32>, vector<16xi1>
              %slice3A_1566 = vector.extract_strided_slice %get3A_858 {offsets = [13], sizes = [1], strides = [1]} : vector<16xi32> to vector<1xi32>
              %squeeze3A_1567 = vector.extract %slice3A_1566[0] : i32 from vector<1xi32>
              %broadcast_in_dim3A_1568 = vector.broadcast %squeeze3A_1567 : i32 to vector<16xi32>
              tpu.vector_store_idx %arg24[%broadcast_in_dim3A_1565], %broadcast_in_dim3A_1568 masked %and3A_1564 : memref<304xi32, #tpu.memory_space<vmem>>[vector<16xi32>], vector<16xi32>, vector<16xi1>
              tpu.vector_store_idx %arg25[%broadcast_in_dim3A_1565], %broadcast_in_dim3A_1568 masked %and3A_1564 : memref<304xi32, #tpu.memory_space<vmem>>[vector<16xi32>], vector<16xi32>, vector<16xi1>
              %convert_element_type3A_1569 = arith.extui %and3A_1562 : i1 to i32
              %add3A_1570 = arith.addi %get3A_1526, %convert_element_type3A_1569 : i32
              %swap3A_1571 = arith.constant 0 : i32
              %swap3A_1572 = arith.index_cast %swap3A_1571 : i32 to index
              %swap3A_1573 = memref.load %arg29[%swap3A_1572] : memref<1xi32, #tpu.memory_space<smem>>
              memref.store %add3A_1570, %arg29[%swap3A_1572] : memref<1xi32, #tpu.memory_space<smem>>
              %get3A_1574 = arith.constant 0 : i32
              %get3A_1575 = arith.index_cast %get3A_1574 : i32 to index
              %get3A_1576 = memref.load %arg29[%get3A_1575] : memref<1xi32, #tpu.memory_space<smem>>
              %slice3A_1577 = vector.extract_strided_slice %gather3A_862 {offsets = [14], sizes = [1], strides = [1]} : vector<16xf32> to vector<1xf32>
              %squeeze3A_1578 = vector.extract %slice3A_1577[0] : f32 from vector<1xf32>
              %broadcast_in_dim3A_1579 = vector.broadcast %squeeze3A_1578 : f32 to vector<16xf32>
              %slice3A_1580 = vector.extract_strided_slice %gather3A_866 {offsets = [14], sizes = [1], strides = [1]} : vector<16xf32> to vector<1xf32>
              %squeeze3A_1581 = vector.extract %slice3A_1580[0] : f32 from vector<1xf32>
              %broadcast_in_dim3A_1582 = vector.broadcast %squeeze3A_1581 : f32 to vector<16xf32>
              %slice3A_1583 = vector.extract_strided_slice %gather3A_870 {offsets = [14], sizes = [1], strides = [1]} : vector<16xf32> to vector<1xf32>
              %squeeze3A_1584 = vector.extract %slice3A_1583[0] : f32 from vector<1xf32>
              %broadcast_in_dim3A_1585 = vector.broadcast %squeeze3A_1584 : f32 to vector<16xf32>
              %slice3A_1586 = vector.extract_strided_slice %gather3A_874 {offsets = [14], sizes = [1], strides = [1]} : vector<16xf32> to vector<1xf32>
              %squeeze3A_1587 = vector.extract %slice3A_1586[0] : f32 from vector<1xf32>
              %broadcast_in_dim3A_1588 = vector.broadcast %squeeze3A_1587 : f32 to vector<16xf32>
              %slice3A_1589 = vector.extract_strided_slice %mul3A_877 {offsets = [14], sizes = [1], strides = [1]} : vector<16xf32> to vector<1xf32>
              %squeeze3A_1590 = vector.extract %slice3A_1589[0] : f32 from vector<1xf32>
              %broadcast_in_dim3A_1591 = vector.broadcast %squeeze3A_1590 : f32 to vector<16xf32>
              %broadcast_in_dim3A_1592 = arith.constant -1.000000e+00 : f32
              %broadcast_in_dim3A_1593 = vector.broadcast %broadcast_in_dim3A_1592 : f32 to vector<16xf32>
              %scan3A_1594 = arith.constant 0 : i32
              %scan3A_1595 = arith.constant 19 : i32
              %scan3A_1596 = arith.addi %scan3A_1594, %scan3A_1595 : i32
              %scan3A_1597 = arith.constant 1 : i32
              %scan3A_1598 = scf.for %scan3A_1674 = %scan3A_1594 to %scan3A_1596 step %scan3A_1597 iter_args(%scan3A_1675 = %broadcast_in_dim3A_1593) -> (vector<16xf32>)  : i32 {
                %mul3A_1676 = arith.constant 16 : i32
                %mul3A_1677 = arith.muli %scan3A_1674, %mul3A_1676 : i32
                %get3A_1678 = arith.index_cast %mul3A_1677 : i32 to index
                %get3A_1679 = tpu.vector_load %arg21[%get3A_1678] {strides = array<i32>} : memref<304xf32, #tpu.memory_space<vmem>>, vector<16xf32>,
                %min3A = arith.minimumf %get3A_1679, %broadcast_in_dim3A_1585 : vector<16xf32>
                %get3A_1680 = arith.index_cast %mul3A_1677 : i32 to index
                %get3A_1681 = tpu.vector_load %arg19[%get3A_1680] {strides = array<i32>} : memref<304xf32, #tpu.memory_space<vmem>>, vector<16xf32>,
                %max3A = arith.maximumf %get3A_1681, %broadcast_in_dim3A_1579 : vector<16xf32>
                %sub3A_1682 = arith.subf %min3A, %max3A : vector<16xf32>
                %max3A_1683 = arith.constant 0.000000e+00 : f32
                %max3A_1684 = vector.broadcast %max3A_1683 : f32 to vector<16xf32>
                %max3A_1685 = arith.maximumf %sub3A_1682, %max3A_1684 : vector<16xf32>
                %get3A_1686 = arith.index_cast %mul3A_1677 : i32 to index
                %get3A_1687 = tpu.vector_load %arg22[%get3A_1686] {strides = array<i32>} : memref<304xf32, #tpu.memory_space<vmem>>, vector<16xf32>,
                %min3A_1688 = arith.minimumf %get3A_1687, %broadcast_in_dim3A_1588 : vector<16xf32>
                %get3A_1689 = arith.index_cast %mul3A_1677 : i32 to index
                %get3A_1690 = tpu.vector_load %arg20[%get3A_1689] {strides = array<i32>} : memref<304xf32, #tpu.memory_space<vmem>>, vector<16xf32>,
                %max3A_1691 = arith.maximumf %get3A_1690, %broadcast_in_dim3A_1582 : vector<16xf32>
                %sub3A_1692 = arith.subf %min3A_1688, %max3A_1691 : vector<16xf32>
                %max3A_1693 = arith.constant 0.000000e+00 : f32
                %max3A_1694 = vector.broadcast %max3A_1693 : f32 to vector<16xf32>
                %max3A_1695 = arith.maximumf %sub3A_1692, %max3A_1694 : vector<16xf32>
                %mul3A_1696 = arith.mulf %max3A_1685, %max3A_1695 : vector<16xf32>
                %get3A_1697 = arith.index_cast %mul3A_1677 : i32 to index
                %get3A_1698 = tpu.vector_load %arg23[%get3A_1697] {strides = array<i32>} : memref<304xf32, #tpu.memory_space<vmem>>, vector<16xf32>,
                %add3A_1699 = arith.addf %get3A_1698, %broadcast_in_dim3A_1591 : vector<16xf32>
                %sub3A_1700 = arith.subf %add3A_1699, %mul3A_1696 : vector<16xf32>
                %mul3A_1701 = arith.constant 5.000000e-01 : f32
                %mul3A_1702 = vector.broadcast %mul3A_1701 : f32 to vector<16xf32>
                %mul3A_1703 = arith.mulf %mul3A_1702, %sub3A_1700 : vector<16xf32>
                %sub3A_1704 = arith.subf %mul3A_1696, %mul3A_1703 : vector<16xf32>
                %max3A_1705 = arith.maximumf %scan3A_1675, %sub3A_1704 : vector<16xf32>
                scf.yield %max3A_1705 : vector<16xf32>
              }
              %scan3A_1599 = arith.constant 19 : i32
              %reduce_max3A_1600 = arith.constant true
              %reduce_max3A_1601 = vector.broadcast %reduce_max3A_1600 : i1 to vector<16xi1>
              %reduce_max3A_1602 = tpu.scan <max>, %scan3A_1598 masked %reduce_max3A_1601 : vector<16xf32>, vector<16xi1> -> vector<16xf32>
              %reduce_max3A_1603 = vector.extract %reduce_max3A_1602[15] : f32 from vector<16xf32>
              %lt3A_1604 = arith.constant 300 : i32
              %lt3A_1605 = arith.cmpi slt, %get3A_1576, %lt3A_1604 : i32
              %le3A_1606 = arith.constant 0.000000e+00 : f32
              %le3A_1607 = arith.cmpf ole, %reduce_max3A_1603, %le3A_1606 : f32
              %and3A_1608 = arith.andi %lt3A_1605, %le3A_1607 : i1
              %add3A_1609 = arith.constant 14 : i32
              %add3A_1610 = arith.addi %mul3A_856, %add3A_1609 : i32
              %lt3A_1611 = arith.cmpi slt, %add3A_1610, %scan3A_422 : i32
              %and3A_1612 = arith.andi %and3A_1608, %lt3A_1611 : i1
              %broadcast_in_dim3A_1613 = vector.broadcast %and3A_1612 : i1 to vector<16xi1>
              %and3A_1614 = arith.andi %eq3A_4, %broadcast_in_dim3A_1613 : vector<16xi1>
              %broadcast_in_dim3A_1615 = vector.broadcast %get3A_1576 : i32 to vector<16xi32>
              tpu.vector_store_idx %arg19[%broadcast_in_dim3A_1615], %broadcast_in_dim3A_1579 masked %and3A_1614 : memref<304xf32, #tpu.memory_space<vmem>>[vector<16xi32>], vector<16xf32>, vector<16xi1>
              tpu.vector_store_idx %arg20[%broadcast_in_dim3A_1615], %broadcast_in_dim3A_1582 masked %and3A_1614 : memref<304xf32, #tpu.memory_space<vmem>>[vector<16xi32>], vector<16xf32>, vector<16xi1>
              tpu.vector_store_idx %arg21[%broadcast_in_dim3A_1615], %broadcast_in_dim3A_1585 masked %and3A_1614 : memref<304xf32, #tpu.memory_space<vmem>>[vector<16xi32>], vector<16xf32>, vector<16xi1>
              tpu.vector_store_idx %arg22[%broadcast_in_dim3A_1615], %broadcast_in_dim3A_1588 masked %and3A_1614 : memref<304xf32, #tpu.memory_space<vmem>>[vector<16xi32>], vector<16xf32>, vector<16xi1>
              tpu.vector_store_idx %arg23[%broadcast_in_dim3A_1615], %broadcast_in_dim3A_1591 masked %and3A_1614 : memref<304xf32, #tpu.memory_space<vmem>>[vector<16xi32>], vector<16xf32>, vector<16xi1>
              %slice3A_1616 = vector.extract_strided_slice %get3A_858 {offsets = [14], sizes = [1], strides = [1]} : vector<16xi32> to vector<1xi32>
              %squeeze3A_1617 = vector.extract %slice3A_1616[0] : i32 from vector<1xi32>
              %broadcast_in_dim3A_1618 = vector.broadcast %squeeze3A_1617 : i32 to vector<16xi32>
              tpu.vector_store_idx %arg24[%broadcast_in_dim3A_1615], %broadcast_in_dim3A_1618 masked %and3A_1614 : memref<304xi32, #tpu.memory_space<vmem>>[vector<16xi32>], vector<16xi32>, vector<16xi1>
              tpu.vector_store_idx %arg25[%broadcast_in_dim3A_1615], %broadcast_in_dim3A_1618 masked %and3A_1614 : memref<304xi32, #tpu.memory_space<vmem>>[vector<16xi32>], vector<16xi32>, vector<16xi1>
              %convert_element_type3A_1619 = arith.extui %and3A_1612 : i1 to i32
              %add3A_1620 = arith.addi %get3A_1576, %convert_element_type3A_1619 : i32
              %swap3A_1621 = arith.constant 0 : i32
              %swap3A_1622 = arith.index_cast %swap3A_1621 : i32 to index
              %swap3A_1623 = memref.load %arg29[%swap3A_1622] : memref<1xi32, #tpu.memory_space<smem>>
              memref.store %add3A_1620, %arg29[%swap3A_1622] : memref<1xi32, #tpu.memory_space<smem>>
              %get3A_1624 = arith.constant 0 : i32
              %get3A_1625 = arith.index_cast %get3A_1624 : i32 to index
              %get3A_1626 = memref.load %arg29[%get3A_1625] : memref<1xi32, #tpu.memory_space<smem>>
              %slice3A_1627 = vector.extract_strided_slice %gather3A_862 {offsets = [15], sizes = [1], strides = [1]} : vector<16xf32> to vector<1xf32>
              %squeeze3A_1628 = vector.extract %slice3A_1627[0] : f32 from vector<1xf32>
              %broadcast_in_dim3A_1629 = vector.broadcast %squeeze3A_1628 : f32 to vector<16xf32>
              %slice3A_1630 = vector.extract_strided_slice %gather3A_866 {offsets = [15], sizes = [1], strides = [1]} : vector<16xf32> to vector<1xf32>
              %squeeze3A_1631 = vector.extract %slice3A_1630[0] : f32 from vector<1xf32>
              %broadcast_in_dim3A_1632 = vector.broadcast %squeeze3A_1631 : f32 to vector<16xf32>
              %slice3A_1633 = vector.extract_strided_slice %gather3A_870 {offsets = [15], sizes = [1], strides = [1]} : vector<16xf32> to vector<1xf32>
              %squeeze3A_1634 = vector.extract %slice3A_1633[0] : f32 from vector<1xf32>
              %broadcast_in_dim3A_1635 = vector.broadcast %squeeze3A_1634 : f32 to vector<16xf32>
              %slice3A_1636 = vector.extract_strided_slice %gather3A_874 {offsets = [15], sizes = [1], strides = [1]} : vector<16xf32> to vector<1xf32>
              %squeeze3A_1637 = vector.extract %slice3A_1636[0] : f32 from vector<1xf32>
              %broadcast_in_dim3A_1638 = vector.broadcast %squeeze3A_1637 : f32 to vector<16xf32>
              %slice3A_1639 = vector.extract_strided_slice %mul3A_877 {offsets = [15], sizes = [1], strides = [1]} : vector<16xf32> to vector<1xf32>
              %squeeze3A_1640 = vector.extract %slice3A_1639[0] : f32 from vector<1xf32>
              %broadcast_in_dim3A_1641 = vector.broadcast %squeeze3A_1640 : f32 to vector<16xf32>
              %broadcast_in_dim3A_1642 = arith.constant -1.000000e+00 : f32
              %broadcast_in_dim3A_1643 = vector.broadcast %broadcast_in_dim3A_1642 : f32 to vector<16xf32>
              %scan3A_1644 = arith.constant 0 : i32
              %scan3A_1645 = arith.constant 19 : i32
              %scan3A_1646 = arith.addi %scan3A_1644, %scan3A_1645 : i32
              %scan3A_1647 = arith.constant 1 : i32
              %scan3A_1648 = scf.for %scan3A_1674 = %scan3A_1644 to %scan3A_1646 step %scan3A_1647 iter_args(%scan3A_1675 = %broadcast_in_dim3A_1643) -> (vector<16xf32>)  : i32 {
                %mul3A_1676 = arith.constant 16 : i32
                %mul3A_1677 = arith.muli %scan3A_1674, %mul3A_1676 : i32
                %get3A_1678 = arith.index_cast %mul3A_1677 : i32 to index
                %get3A_1679 = tpu.vector_load %arg21[%get3A_1678] {strides = array<i32>} : memref<304xf32, #tpu.memory_space<vmem>>, vector<16xf32>,
                %min3A = arith.minimumf %get3A_1679, %broadcast_in_dim3A_1635 : vector<16xf32>
                %get3A_1680 = arith.index_cast %mul3A_1677 : i32 to index
                %get3A_1681 = tpu.vector_load %arg19[%get3A_1680] {strides = array<i32>} : memref<304xf32, #tpu.memory_space<vmem>>, vector<16xf32>,
                %max3A = arith.maximumf %get3A_1681, %broadcast_in_dim3A_1629 : vector<16xf32>
                %sub3A_1682 = arith.subf %min3A, %max3A : vector<16xf32>
                %max3A_1683 = arith.constant 0.000000e+00 : f32
                %max3A_1684 = vector.broadcast %max3A_1683 : f32 to vector<16xf32>
                %max3A_1685 = arith.maximumf %sub3A_1682, %max3A_1684 : vector<16xf32>
                %get3A_1686 = arith.index_cast %mul3A_1677 : i32 to index
                %get3A_1687 = tpu.vector_load %arg22[%get3A_1686] {strides = array<i32>} : memref<304xf32, #tpu.memory_space<vmem>>, vector<16xf32>,
                %min3A_1688 = arith.minimumf %get3A_1687, %broadcast_in_dim3A_1638 : vector<16xf32>
                %get3A_1689 = arith.index_cast %mul3A_1677 : i32 to index
                %get3A_1690 = tpu.vector_load %arg20[%get3A_1689] {strides = array<i32>} : memref<304xf32, #tpu.memory_space<vmem>>, vector<16xf32>,
                %max3A_1691 = arith.maximumf %get3A_1690, %broadcast_in_dim3A_1632 : vector<16xf32>
                %sub3A_1692 = arith.subf %min3A_1688, %max3A_1691 : vector<16xf32>
                %max3A_1693 = arith.constant 0.000000e+00 : f32
                %max3A_1694 = vector.broadcast %max3A_1693 : f32 to vector<16xf32>
                %max3A_1695 = arith.maximumf %sub3A_1692, %max3A_1694 : vector<16xf32>
                %mul3A_1696 = arith.mulf %max3A_1685, %max3A_1695 : vector<16xf32>
                %get3A_1697 = arith.index_cast %mul3A_1677 : i32 to index
                %get3A_1698 = tpu.vector_load %arg23[%get3A_1697] {strides = array<i32>} : memref<304xf32, #tpu.memory_space<vmem>>, vector<16xf32>,
                %add3A_1699 = arith.addf %get3A_1698, %broadcast_in_dim3A_1641 : vector<16xf32>
                %sub3A_1700 = arith.subf %add3A_1699, %mul3A_1696 : vector<16xf32>
                %mul3A_1701 = arith.constant 5.000000e-01 : f32
                %mul3A_1702 = vector.broadcast %mul3A_1701 : f32 to vector<16xf32>
                %mul3A_1703 = arith.mulf %mul3A_1702, %sub3A_1700 : vector<16xf32>
                %sub3A_1704 = arith.subf %mul3A_1696, %mul3A_1703 : vector<16xf32>
                %max3A_1705 = arith.maximumf %scan3A_1675, %sub3A_1704 : vector<16xf32>
                scf.yield %max3A_1705 : vector<16xf32>
              }
              %scan3A_1649 = arith.constant 19 : i32
              %reduce_max3A_1650 = arith.constant true
              %reduce_max3A_1651 = vector.broadcast %reduce_max3A_1650 : i1 to vector<16xi1>
              %reduce_max3A_1652 = tpu.scan <max>, %scan3A_1648 masked %reduce_max3A_1651 : vector<16xf32>, vector<16xi1> -> vector<16xf32>
              %reduce_max3A_1653 = vector.extract %reduce_max3A_1652[15] : f32 from vector<16xf32>
              %lt3A_1654 = arith.constant 300 : i32
              %lt3A_1655 = arith.cmpi slt, %get3A_1626, %lt3A_1654 : i32
              %le3A_1656 = arith.constant 0.000000e+00 : f32
              %le3A_1657 = arith.cmpf ole, %reduce_max3A_1653, %le3A_1656 : f32
              %and3A_1658 = arith.andi %lt3A_1655, %le3A_1657 : i1
              %add3A_1659 = arith.constant 15 : i32
              %add3A_1660 = arith.addi %mul3A_856, %add3A_1659 : i32
              %lt3A_1661 = arith.cmpi slt, %add3A_1660, %scan3A_422 : i32
              %and3A_1662 = arith.andi %and3A_1658, %lt3A_1661 : i1
              %broadcast_in_dim3A_1663 = vector.broadcast %and3A_1662 : i1 to vector<16xi1>
              %and3A_1664 = arith.andi %eq3A_4, %broadcast_in_dim3A_1663 : vector<16xi1>
              %broadcast_in_dim3A_1665 = vector.broadcast %get3A_1626 : i32 to vector<16xi32>
              tpu.vector_store_idx %arg19[%broadcast_in_dim3A_1665], %broadcast_in_dim3A_1629 masked %and3A_1664 : memref<304xf32, #tpu.memory_space<vmem>>[vector<16xi32>], vector<16xf32>, vector<16xi1>
              tpu.vector_store_idx %arg20[%broadcast_in_dim3A_1665], %broadcast_in_dim3A_1632 masked %and3A_1664 : memref<304xf32, #tpu.memory_space<vmem>>[vector<16xi32>], vector<16xf32>, vector<16xi1>
              tpu.vector_store_idx %arg21[%broadcast_in_dim3A_1665], %broadcast_in_dim3A_1635 masked %and3A_1664 : memref<304xf32, #tpu.memory_space<vmem>>[vector<16xi32>], vector<16xf32>, vector<16xi1>
              tpu.vector_store_idx %arg22[%broadcast_in_dim3A_1665], %broadcast_in_dim3A_1638 masked %and3A_1664 : memref<304xf32, #tpu.memory_space<vmem>>[vector<16xi32>], vector<16xf32>, vector<16xi1>
              tpu.vector_store_idx %arg23[%broadcast_in_dim3A_1665], %broadcast_in_dim3A_1641 masked %and3A_1664 : memref<304xf32, #tpu.memory_space<vmem>>[vector<16xi32>], vector<16xf32>, vector<16xi1>
              %slice3A_1666 = vector.extract_strided_slice %get3A_858 {offsets = [15], sizes = [1], strides = [1]} : vector<16xi32> to vector<1xi32>
              %squeeze3A_1667 = vector.extract %slice3A_1666[0] : i32 from vector<1xi32>
              %broadcast_in_dim3A_1668 = vector.broadcast %squeeze3A_1667 : i32 to vector<16xi32>
              tpu.vector_store_idx %arg24[%broadcast_in_dim3A_1665], %broadcast_in_dim3A_1668 masked %and3A_1664 : memref<304xi32, #tpu.memory_space<vmem>>[vector<16xi32>], vector<16xi32>, vector<16xi1>
              tpu.vector_store_idx %arg25[%broadcast_in_dim3A_1665], %broadcast_in_dim3A_1668 masked %and3A_1664 : memref<304xi32, #tpu.memory_space<vmem>>[vector<16xi32>], vector<16xi32>, vector<16xi1>
              %convert_element_type3A_1669 = arith.extui %and3A_1662 : i1 to i32
              %add3A_1670 = arith.addi %get3A_1626, %convert_element_type3A_1669 : i32
              %swap3A_1671 = arith.constant 0 : i32
              %swap3A_1672 = arith.index_cast %swap3A_1671 : i32 to index
              %swap3A_1673 = memref.load %arg29[%swap3A_1672] : memref<1xi32, #tpu.memory_space<smem>>
              memref.store %add3A_1670, %arg29[%swap3A_1672] : memref<1xi32, #tpu.memory_space<smem>>
            } else {
            }
          }
          %scan3A_841 = arith.constant 1250 : i32
        } else {
        }
      }
      %scan3A_34 = arith.constant 2 : i32
      %get3A = arith.constant 0 : i32
      %get3A_35 = arith.index_cast %get3A : i32 to index
      %get3A_36 = memref.load %arg29[%get3A_35] : memref<1xi32, #tpu.memory_space<smem>>
      %broadcast_in_dim3A_37 = vector.broadcast %get3A_36 : i32 to vector<16xi32>
      %swap3A_38 = arith.constant 0 : index
      %swap3A_39 = tpu.vector_load %arg28[%swap3A_38] {strides = array<i32>} : memref<16xi32, #tpu.memory_space<vmem>>, vector<16xi32>,
      tpu.vector_store %arg28[%swap3A_38], %broadcast_in_dim3A_37 {strides = array<i32>} : memref<16xi32, #tpu.memory_space<vmem>>, vector<16xi32>,
      "tpu.region"() ({
        %run_scoped3A = tpu.sem_alloc : memref<!tpu.dma_semaphore, #tpu.memory_space<semaphore_mem>>
        %dma_start3A = arith.constant 0 : i32
        %dma_start3A_397 = tpu.memref_slice %arg4[%add3A, %dma_start3A] : memref<8x20000xi32, #tpu.memory_space<hbm>> -> memref<1x20000xi32, #tpu.memory_space<hbm>>
        %dma_start3A_398 = tpu.memref_squeeze %dma_start3A_397 : memref<1x20000xi32, #tpu.memory_space<hbm>> -> memref<20000xi32, #tpu.memory_space<hbm>>
        %dma_start3A_399 = arith.constant 0 : i32
        %dma_start3A_400 = tpu.memref_slice %arg4[%add3A, %dma_start3A_399] : memref<8x20000xi32, #tpu.memory_space<hbm>> -> memref<1x20000xi32, #tpu.memory_space<hbm>>
        %dma_start3A_401 = tpu.memref_squeeze %dma_start3A_400 : memref<1x20000xi32, #tpu.memory_space<hbm>> -> memref<20000xi32, #tpu.memory_space<hbm>>
        tpu.enqueue_dma source(%dma_start3A_401 : memref<20000xi32, #tpu.memory_space<hbm>>) target(%arg15 : memref<20000xi32, #tpu.memory_space<vmem>>) target_semaphore(%run_scoped3A : memref<!tpu.dma_semaphore, #tpu.memory_space<semaphore_mem>>)
        %dma_wait3A = arith.constant 0 : i32
        %dma_wait3A_402 = tpu.memref_slice %arg4[%add3A, %dma_wait3A] : memref<8x20000xi32, #tpu.memory_space<hbm>> -> memref<1x20000xi32, #tpu.memory_space<hbm>>
        %dma_wait3A_403 = tpu.memref_squeeze %dma_wait3A_402 : memref<1x20000xi32, #tpu.memory_space<hbm>> -> memref<20000xi32, #tpu.memory_space<hbm>>
        %dma_wait3A_404 = arith.constant 0 : i32
        %dma_wait3A_405 = tpu.memref_slice %arg4[%add3A, %dma_wait3A_404] : memref<8x20000xi32, #tpu.memory_space<hbm>> -> memref<1x20000xi32, #tpu.memory_space<hbm>>
        %dma_wait3A_406 = tpu.memref_squeeze %dma_wait3A_405 : memref<1x20000xi32, #tpu.memory_space<hbm>> -> memref<20000xi32, #tpu.memory_space<hbm>>
        tpu.wait_dma2 semaphore(%run_scoped3A : memref<!tpu.dma_semaphore, #tpu.memory_space<semaphore_mem>>) src(%dma_wait3A_406 : memref<20000xi32, #tpu.memory_space<hbm>>) dst(%arg15 : memref<20000xi32, #tpu.memory_space<vmem>>)
        tpu.yield
      }) : () -> ()
      %get3A_40 = arith.constant 0 : index
      %get3A_41 = tpu.vector_load %arg25[%get3A_40] {strides = array<i32>} : memref<304xi32, #tpu.memory_space<vmem>>, vector<16xi32>,
      %get3A_42 = arith.constant 0 : index
      %get3A_43 = tpu.vector_load %arg24[%get3A_42] {strides = array<i32>} : memref<304xi32, #tpu.memory_space<vmem>>, vector<16xi32>,
      %ge3A = arith.constant 0 : i32
      %ge3A_44 = vector.broadcast %ge3A : i32 to vector<16xi32>
      %ge3A_45 = arith.cmpi sge, %get3A_43, %ge3A_44 : vector<16xi32>
      %gather3A = tpu.vector_load_idx %arg16[%get3A_41] : memref<20000xf32, #tpu.memory_space<vmem>>[vector<16xi32>], vector<16xf32>,
      %gather3A_46 = tpu.vector_load_idx %arg15[%get3A_41] : memref<20000xi32, #tpu.memory_space<vmem>>[vector<16xi32>], vector<16xi32>,
      %jit3A = arith.constant 0.000000e+00 : f32
      %broadcast_in_dim3A_47 = vector.broadcast %jit3A : f32 to vector<16xf32>
      %select_n3A = arith.select %ge3A_45, %gather3A, %broadcast_in_dim3A_47 : vector<16xi1>, vector<16xf32>
      %swap3A_48 = arith.constant 0 : index
      %swap3A_49 = tpu.vector_load %arg26[%swap3A_48] {strides = array<i32>} : memref<304xf32, #tpu.memory_space<vmem>>, vector<16xf32>,
      tpu.vector_store %arg26[%swap3A_48], %select_n3A {strides = array<i32>} : memref<304xf32, #tpu.memory_space<vmem>>, vector<16xf32>,
      %jit3A_50 = arith.constant 2147483647 : i32
      %broadcast_in_dim3A_51 = vector.broadcast %jit3A_50 : i32 to vector<16xi32>
      %select_n3A_52 = arith.select %ge3A_45, %gather3A_46, %broadcast_in_dim3A_51 : vector<16xi1>, vector<16xi32>
      %swap3A_53 = arith.constant 0 : index
      %swap3A_54 = tpu.vector_load %arg27[%swap3A_53] {strides = array<i32>} : memref<304xi32, #tpu.memory_space<vmem>>, vector<16xi32>,
      tpu.vector_store %arg27[%swap3A_53], %select_n3A_52 {strides = array<i32>} : memref<304xi32, #tpu.memory_space<vmem>>, vector<16xi32>,
      %get3A_55 = arith.constant 16 : index
      %get3A_56 = tpu.vector_load %arg25[%get3A_55] {strides = array<i32>} : memref<304xi32, #tpu.memory_space<vmem>>, vector<16xi32>,
      %get3A_57 = arith.constant 16 : index
      %get3A_58 = tpu.vector_load %arg24[%get3A_57] {strides = array<i32>} : memref<304xi32, #tpu.memory_space<vmem>>, vector<16xi32>,
      %ge3A_59 = arith.constant 0 : i32
      %ge3A_60 = vector.broadcast %ge3A_59 : i32 to vector<16xi32>
      %ge3A_61 = arith.cmpi sge, %get3A_58, %ge3A_60 : vector<16xi32>
      %gather3A_62 = tpu.vector_load_idx %arg16[%get3A_56] : memref<20000xf32, #tpu.memory_space<vmem>>[vector<16xi32>], vector<16xf32>,
      %gather3A_63 = tpu.vector_load_idx %arg15[%get3A_56] : memref<20000xi32, #tpu.memory_space<vmem>>[vector<16xi32>], vector<16xi32>,
      %jit3A_64 = arith.constant 0.000000e+00 : f32
      %broadcast_in_dim3A_65 = vector.broadcast %jit3A_64 : f32 to vector<16xf32>
      %select_n3A_66 = arith.select %ge3A_61, %gather3A_62, %broadcast_in_dim3A_65 : vector<16xi1>, vector<16xf32>
      %swap3A_67 = arith.constant 16 : index
      %swap3A_68 = tpu.vector_load %arg26[%swap3A_67] {strides = array<i32>} : memref<304xf32, #tpu.memory_space<vmem>>, vector<16xf32>,
      tpu.vector_store %arg26[%swap3A_67], %select_n3A_66 {strides = array<i32>} : memref<304xf32, #tpu.memory_space<vmem>>, vector<16xf32>,
      %jit3A_69 = arith.constant 2147483647 : i32
      %broadcast_in_dim3A_70 = vector.broadcast %jit3A_69 : i32 to vector<16xi32>
      %select_n3A_71 = arith.select %ge3A_61, %gather3A_63, %broadcast_in_dim3A_70 : vector<16xi1>, vector<16xi32>
      %swap3A_72 = arith.constant 16 : index
      %swap3A_73 = tpu.vector_load %arg27[%swap3A_72] {strides = array<i32>} : memref<304xi32, #tpu.memory_space<vmem>>, vector<16xi32>,
      tpu.vector_store %arg27[%swap3A_72], %select_n3A_71 {strides = array<i32>} : memref<304xi32, #tpu.memory_space<vmem>>, vector<16xi32>,
      %get3A_74 = arith.constant 32 : index
      %get3A_75 = tpu.vector_load %arg25[%get3A_74] {strides = array<i32>} : memref<304xi32, #tpu.memory_space<vmem>>, vector<16xi32>,
      %get3A_76 = arith.constant 32 : index
      %get3A_77 = tpu.vector_load %arg24[%get3A_76] {strides = array<i32>} : memref<304xi32, #tpu.memory_space<vmem>>, vector<16xi32>,
      %ge3A_78 = arith.constant 0 : i32
      %ge3A_79 = vector.broadcast %ge3A_78 : i32 to vector<16xi32>
      %ge3A_80 = arith.cmpi sge, %get3A_77, %ge3A_79 : vector<16xi32>
      %gather3A_81 = tpu.vector_load_idx %arg16[%get3A_75] : memref<20000xf32, #tpu.memory_space<vmem>>[vector<16xi32>], vector<16xf32>,
      %gather3A_82 = tpu.vector_load_idx %arg15[%get3A_75] : memref<20000xi32, #tpu.memory_space<vmem>>[vector<16xi32>], vector<16xi32>,
      %jit3A_83 = arith.constant 0.000000e+00 : f32
      %broadcast_in_dim3A_84 = vector.broadcast %jit3A_83 : f32 to vector<16xf32>
      %select_n3A_85 = arith.select %ge3A_80, %gather3A_81, %broadcast_in_dim3A_84 : vector<16xi1>, vector<16xf32>
      %swap3A_86 = arith.constant 32 : index
      %swap3A_87 = tpu.vector_load %arg26[%swap3A_86] {strides = array<i32>} : memref<304xf32, #tpu.memory_space<vmem>>, vector<16xf32>,
      tpu.vector_store %arg26[%swap3A_86], %select_n3A_85 {strides = array<i32>} : memref<304xf32, #tpu.memory_space<vmem>>, vector<16xf32>,
      %jit3A_88 = arith.constant 2147483647 : i32
      %broadcast_in_dim3A_89 = vector.broadcast %jit3A_88 : i32 to vector<16xi32>
      %select_n3A_90 = arith.select %ge3A_80, %gather3A_82, %broadcast_in_dim3A_89 : vector<16xi1>, vector<16xi32>
      %swap3A_91 = arith.constant 32 : index
      %swap3A_92 = tpu.vector_load %arg27[%swap3A_91] {strides = array<i32>} : memref<304xi32, #tpu.memory_space<vmem>>, vector<16xi32>,
      tpu.vector_store %arg27[%swap3A_91], %select_n3A_90 {strides = array<i32>} : memref<304xi32, #tpu.memory_space<vmem>>, vector<16xi32>,
      %get3A_93 = arith.constant 48 : index
      %get3A_94 = tpu.vector_load %arg25[%get3A_93] {strides = array<i32>} : memref<304xi32, #tpu.memory_space<vmem>>, vector<16xi32>,
      %get3A_95 = arith.constant 48 : index
      %get3A_96 = tpu.vector_load %arg24[%get3A_95] {strides = array<i32>} : memref<304xi32, #tpu.memory_space<vmem>>, vector<16xi32>,
      %ge3A_97 = arith.constant 0 : i32
      %ge3A_98 = vector.broadcast %ge3A_97 : i32 to vector<16xi32>
      %ge3A_99 = arith.cmpi sge, %get3A_96, %ge3A_98 : vector<16xi32>
      %gather3A_100 = tpu.vector_load_idx %arg16[%get3A_94] : memref<20000xf32, #tpu.memory_space<vmem>>[vector<16xi32>], vector<16xf32>,
      %gather3A_101 = tpu.vector_load_idx %arg15[%get3A_94] : memref<20000xi32, #tpu.memory_space<vmem>>[vector<16xi32>], vector<16xi32>,
      %jit3A_102 = arith.constant 0.000000e+00 : f32
      %broadcast_in_dim3A_103 = vector.broadcast %jit3A_102 : f32 to vector<16xf32>
      %select_n3A_104 = arith.select %ge3A_99, %gather3A_100, %broadcast_in_dim3A_103 : vector<16xi1>, vector<16xf32>
      %swap3A_105 = arith.constant 48 : index
      %swap3A_106 = tpu.vector_load %arg26[%swap3A_105] {strides = array<i32>} : memref<304xf32, #tpu.memory_space<vmem>>, vector<16xf32>,
      tpu.vector_store %arg26[%swap3A_105], %select_n3A_104 {strides = array<i32>} : memref<304xf32, #tpu.memory_space<vmem>>, vector<16xf32>,
      %jit3A_107 = arith.constant 2147483647 : i32
      %broadcast_in_dim3A_108 = vector.broadcast %jit3A_107 : i32 to vector<16xi32>
      %select_n3A_109 = arith.select %ge3A_99, %gather3A_101, %broadcast_in_dim3A_108 : vector<16xi1>, vector<16xi32>
      %swap3A_110 = arith.constant 48 : index
      %swap3A_111 = tpu.vector_load %arg27[%swap3A_110] {strides = array<i32>} : memref<304xi32, #tpu.memory_space<vmem>>, vector<16xi32>,
      tpu.vector_store %arg27[%swap3A_110], %select_n3A_109 {strides = array<i32>} : memref<304xi32, #tpu.memory_space<vmem>>, vector<16xi32>,
      %get3A_112 = arith.constant 64 : index
      %get3A_113 = tpu.vector_load %arg25[%get3A_112] {strides = array<i32>} : memref<304xi32, #tpu.memory_space<vmem>>, vector<16xi32>,
      %get3A_114 = arith.constant 64 : index
      %get3A_115 = tpu.vector_load %arg24[%get3A_114] {strides = array<i32>} : memref<304xi32, #tpu.memory_space<vmem>>, vector<16xi32>,
      %ge3A_116 = arith.constant 0 : i32
      %ge3A_117 = vector.broadcast %ge3A_116 : i32 to vector<16xi32>
      %ge3A_118 = arith.cmpi sge, %get3A_115, %ge3A_117 : vector<16xi32>
      %gather3A_119 = tpu.vector_load_idx %arg16[%get3A_113] : memref<20000xf32, #tpu.memory_space<vmem>>[vector<16xi32>], vector<16xf32>,
      %gather3A_120 = tpu.vector_load_idx %arg15[%get3A_113] : memref<20000xi32, #tpu.memory_space<vmem>>[vector<16xi32>], vector<16xi32>,
      %jit3A_121 = arith.constant 0.000000e+00 : f32
      %broadcast_in_dim3A_122 = vector.broadcast %jit3A_121 : f32 to vector<16xf32>
      %select_n3A_123 = arith.select %ge3A_118, %gather3A_119, %broadcast_in_dim3A_122 : vector<16xi1>, vector<16xf32>
      %swap3A_124 = arith.constant 64 : index
      %swap3A_125 = tpu.vector_load %arg26[%swap3A_124] {strides = array<i32>} : memref<304xf32, #tpu.memory_space<vmem>>, vector<16xf32>,
      tpu.vector_store %arg26[%swap3A_124], %select_n3A_123 {strides = array<i32>} : memref<304xf32, #tpu.memory_space<vmem>>, vector<16xf32>,
      %jit3A_126 = arith.constant 2147483647 : i32
      %broadcast_in_dim3A_127 = vector.broadcast %jit3A_126 : i32 to vector<16xi32>
      %select_n3A_128 = arith.select %ge3A_118, %gather3A_120, %broadcast_in_dim3A_127 : vector<16xi1>, vector<16xi32>
      %swap3A_129 = arith.constant 64 : index
      %swap3A_130 = tpu.vector_load %arg27[%swap3A_129] {strides = array<i32>} : memref<304xi32, #tpu.memory_space<vmem>>, vector<16xi32>,
      tpu.vector_store %arg27[%swap3A_129], %select_n3A_128 {strides = array<i32>} : memref<304xi32, #tpu.memory_space<vmem>>, vector<16xi32>,
      %get3A_131 = arith.constant 80 : index
      %get3A_132 = tpu.vector_load %arg25[%get3A_131] {strides = array<i32>} : memref<304xi32, #tpu.memory_space<vmem>>, vector<16xi32>,
      %get3A_133 = arith.constant 80 : index
      %get3A_134 = tpu.vector_load %arg24[%get3A_133] {strides = array<i32>} : memref<304xi32, #tpu.memory_space<vmem>>, vector<16xi32>,
      %ge3A_135 = arith.constant 0 : i32
      %ge3A_136 = vector.broadcast %ge3A_135 : i32 to vector<16xi32>
      %ge3A_137 = arith.cmpi sge, %get3A_134, %ge3A_136 : vector<16xi32>
      %gather3A_138 = tpu.vector_load_idx %arg16[%get3A_132] : memref<20000xf32, #tpu.memory_space<vmem>>[vector<16xi32>], vector<16xf32>,
      %gather3A_139 = tpu.vector_load_idx %arg15[%get3A_132] : memref<20000xi32, #tpu.memory_space<vmem>>[vector<16xi32>], vector<16xi32>,
      %jit3A_140 = arith.constant 0.000000e+00 : f32
      %broadcast_in_dim3A_141 = vector.broadcast %jit3A_140 : f32 to vector<16xf32>
      %select_n3A_142 = arith.select %ge3A_137, %gather3A_138, %broadcast_in_dim3A_141 : vector<16xi1>, vector<16xf32>
      %swap3A_143 = arith.constant 80 : index
      %swap3A_144 = tpu.vector_load %arg26[%swap3A_143] {strides = array<i32>} : memref<304xf32, #tpu.memory_space<vmem>>, vector<16xf32>,
      tpu.vector_store %arg26[%swap3A_143], %select_n3A_142 {strides = array<i32>} : memref<304xf32, #tpu.memory_space<vmem>>, vector<16xf32>,
      %jit3A_145 = arith.constant 2147483647 : i32
      %broadcast_in_dim3A_146 = vector.broadcast %jit3A_145 : i32 to vector<16xi32>
      %select_n3A_147 = arith.select %ge3A_137, %gather3A_139, %broadcast_in_dim3A_146 : vector<16xi1>, vector<16xi32>
      %swap3A_148 = arith.constant 80 : index
      %swap3A_149 = tpu.vector_load %arg27[%swap3A_148] {strides = array<i32>} : memref<304xi32, #tpu.memory_space<vmem>>, vector<16xi32>,
      tpu.vector_store %arg27[%swap3A_148], %select_n3A_147 {strides = array<i32>} : memref<304xi32, #tpu.memory_space<vmem>>, vector<16xi32>,
      %get3A_150 = arith.constant 96 : index
      %get3A_151 = tpu.vector_load %arg25[%get3A_150] {strides = array<i32>} : memref<304xi32, #tpu.memory_space<vmem>>, vector<16xi32>,
      %get3A_152 = arith.constant 96 : index
      %get3A_153 = tpu.vector_load %arg24[%get3A_152] {strides = array<i32>} : memref<304xi32, #tpu.memory_space<vmem>>, vector<16xi32>,
      %ge3A_154 = arith.constant 0 : i32
      %ge3A_155 = vector.broadcast %ge3A_154 : i32 to vector<16xi32>
      %ge3A_156 = arith.cmpi sge, %get3A_153, %ge3A_155 : vector<16xi32>
      %gather3A_157 = tpu.vector_load_idx %arg16[%get3A_151] : memref<20000xf32, #tpu.memory_space<vmem>>[vector<16xi32>], vector<16xf32>,
      %gather3A_158 = tpu.vector_load_idx %arg15[%get3A_151] : memref<20000xi32, #tpu.memory_space<vmem>>[vector<16xi32>], vector<16xi32>,
      %jit3A_159 = arith.constant 0.000000e+00 : f32
      %broadcast_in_dim3A_160 = vector.broadcast %jit3A_159 : f32 to vector<16xf32>
      %select_n3A_161 = arith.select %ge3A_156, %gather3A_157, %broadcast_in_dim3A_160 : vector<16xi1>, vector<16xf32>
      %swap3A_162 = arith.constant 96 : index
      %swap3A_163 = tpu.vector_load %arg26[%swap3A_162] {strides = array<i32>} : memref<304xf32, #tpu.memory_space<vmem>>, vector<16xf32>,
      tpu.vector_store %arg26[%swap3A_162], %select_n3A_161 {strides = array<i32>} : memref<304xf32, #tpu.memory_space<vmem>>, vector<16xf32>,
      %jit3A_164 = arith.constant 2147483647 : i32
      %broadcast_in_dim3A_165 = vector.broadcast %jit3A_164 : i32 to vector<16xi32>
      %select_n3A_166 = arith.select %ge3A_156, %gather3A_158, %broadcast_in_dim3A_165 : vector<16xi1>, vector<16xi32>
      %swap3A_167 = arith.constant 96 : index
      %swap3A_168 = tpu.vector_load %arg27[%swap3A_167] {strides = array<i32>} : memref<304xi32, #tpu.memory_space<vmem>>, vector<16xi32>,
      tpu.vector_store %arg27[%swap3A_167], %select_n3A_166 {strides = array<i32>} : memref<304xi32, #tpu.memory_space<vmem>>, vector<16xi32>,
      %get3A_169 = arith.constant 112 : index
      %get3A_170 = tpu.vector_load %arg25[%get3A_169] {strides = array<i32>} : memref<304xi32, #tpu.memory_space<vmem>>, vector<16xi32>,
      %get3A_171 = arith.constant 112 : index
      %get3A_172 = tpu.vector_load %arg24[%get3A_171] {strides = array<i32>} : memref<304xi32, #tpu.memory_space<vmem>>, vector<16xi32>,
      %ge3A_173 = arith.constant 0 : i32
      %ge3A_174 = vector.broadcast %ge3A_173 : i32 to vector<16xi32>
      %ge3A_175 = arith.cmpi sge, %get3A_172, %ge3A_174 : vector<16xi32>
      %gather3A_176 = tpu.vector_load_idx %arg16[%get3A_170] : memref<20000xf32, #tpu.memory_space<vmem>>[vector<16xi32>], vector<16xf32>,
      %gather3A_177 = tpu.vector_load_idx %arg15[%get3A_170] : memref<20000xi32, #tpu.memory_space<vmem>>[vector<16xi32>], vector<16xi32>,
      %jit3A_178 = arith.constant 0.000000e+00 : f32
      %broadcast_in_dim3A_179 = vector.broadcast %jit3A_178 : f32 to vector<16xf32>
      %select_n3A_180 = arith.select %ge3A_175, %gather3A_176, %broadcast_in_dim3A_179 : vector<16xi1>, vector<16xf32>
      %swap3A_181 = arith.constant 112 : index
      %swap3A_182 = tpu.vector_load %arg26[%swap3A_181] {strides = array<i32>} : memref<304xf32, #tpu.memory_space<vmem>>, vector<16xf32>,
      tpu.vector_store %arg26[%swap3A_181], %select_n3A_180 {strides = array<i32>} : memref<304xf32, #tpu.memory_space<vmem>>, vector<16xf32>,
      %jit3A_183 = arith.constant 2147483647 : i32
      %broadcast_in_dim3A_184 = vector.broadcast %jit3A_183 : i32 to vector<16xi32>
      %select_n3A_185 = arith.select %ge3A_175, %gather3A_177, %broadcast_in_dim3A_184 : vector<16xi1>, vector<16xi32>
      %swap3A_186 = arith.constant 112 : index
      %swap3A_187 = tpu.vector_load %arg27[%swap3A_186] {strides = array<i32>} : memref<304xi32, #tpu.memory_space<vmem>>, vector<16xi32>,
      tpu.vector_store %arg27[%swap3A_186], %select_n3A_185 {strides = array<i32>} : memref<304xi32, #tpu.memory_space<vmem>>, vector<16xi32>,
      %get3A_188 = arith.constant 128 : index
      %get3A_189 = tpu.vector_load %arg25[%get3A_188] {strides = array<i32>} : memref<304xi32, #tpu.memory_space<vmem>>, vector<16xi32>,
      %get3A_190 = arith.constant 128 : index
      %get3A_191 = tpu.vector_load %arg24[%get3A_190] {strides = array<i32>} : memref<304xi32, #tpu.memory_space<vmem>>, vector<16xi32>,
      %ge3A_192 = arith.constant 0 : i32
      %ge3A_193 = vector.broadcast %ge3A_192 : i32 to vector<16xi32>
      %ge3A_194 = arith.cmpi sge, %get3A_191, %ge3A_193 : vector<16xi32>
      %gather3A_195 = tpu.vector_load_idx %arg16[%get3A_189] : memref<20000xf32, #tpu.memory_space<vmem>>[vector<16xi32>], vector<16xf32>,
      %gather3A_196 = tpu.vector_load_idx %arg15[%get3A_189] : memref<20000xi32, #tpu.memory_space<vmem>>[vector<16xi32>], vector<16xi32>,
      %jit3A_197 = arith.constant 0.000000e+00 : f32
      %broadcast_in_dim3A_198 = vector.broadcast %jit3A_197 : f32 to vector<16xf32>
      %select_n3A_199 = arith.select %ge3A_194, %gather3A_195, %broadcast_in_dim3A_198 : vector<16xi1>, vector<16xf32>
      %swap3A_200 = arith.constant 128 : index
      %swap3A_201 = tpu.vector_load %arg26[%swap3A_200] {strides = array<i32>} : memref<304xf32, #tpu.memory_space<vmem>>, vector<16xf32>,
      tpu.vector_store %arg26[%swap3A_200], %select_n3A_199 {strides = array<i32>} : memref<304xf32, #tpu.memory_space<vmem>>, vector<16xf32>,
      %jit3A_202 = arith.constant 2147483647 : i32
      %broadcast_in_dim3A_203 = vector.broadcast %jit3A_202 : i32 to vector<16xi32>
      %select_n3A_204 = arith.select %ge3A_194, %gather3A_196, %broadcast_in_dim3A_203 : vector<16xi1>, vector<16xi32>
      %swap3A_205 = arith.constant 128 : index
      %swap3A_206 = tpu.vector_load %arg27[%swap3A_205] {strides = array<i32>} : memref<304xi32, #tpu.memory_space<vmem>>, vector<16xi32>,
      tpu.vector_store %arg27[%swap3A_205], %select_n3A_204 {strides = array<i32>} : memref<304xi32, #tpu.memory_space<vmem>>, vector<16xi32>,
      %get3A_207 = arith.constant 144 : index
      %get3A_208 = tpu.vector_load %arg25[%get3A_207] {strides = array<i32>} : memref<304xi32, #tpu.memory_space<vmem>>, vector<16xi32>,
      %get3A_209 = arith.constant 144 : index
      %get3A_210 = tpu.vector_load %arg24[%get3A_209] {strides = array<i32>} : memref<304xi32, #tpu.memory_space<vmem>>, vector<16xi32>,
      %ge3A_211 = arith.constant 0 : i32
      %ge3A_212 = vector.broadcast %ge3A_211 : i32 to vector<16xi32>
      %ge3A_213 = arith.cmpi sge, %get3A_210, %ge3A_212 : vector<16xi32>
      %gather3A_214 = tpu.vector_load_idx %arg16[%get3A_208] : memref<20000xf32, #tpu.memory_space<vmem>>[vector<16xi32>], vector<16xf32>,
      %gather3A_215 = tpu.vector_load_idx %arg15[%get3A_208] : memref<20000xi32, #tpu.memory_space<vmem>>[vector<16xi32>], vector<16xi32>,
      %jit3A_216 = arith.constant 0.000000e+00 : f32
      %broadcast_in_dim3A_217 = vector.broadcast %jit3A_216 : f32 to vector<16xf32>
      %select_n3A_218 = arith.select %ge3A_213, %gather3A_214, %broadcast_in_dim3A_217 : vector<16xi1>, vector<16xf32>
      %swap3A_219 = arith.constant 144 : index
      %swap3A_220 = tpu.vector_load %arg26[%swap3A_219] {strides = array<i32>} : memref<304xf32, #tpu.memory_space<vmem>>, vector<16xf32>,
      tpu.vector_store %arg26[%swap3A_219], %select_n3A_218 {strides = array<i32>} : memref<304xf32, #tpu.memory_space<vmem>>, vector<16xf32>,
      %jit3A_221 = arith.constant 2147483647 : i32
      %broadcast_in_dim3A_222 = vector.broadcast %jit3A_221 : i32 to vector<16xi32>
      %select_n3A_223 = arith.select %ge3A_213, %gather3A_215, %broadcast_in_dim3A_222 : vector<16xi1>, vector<16xi32>
      %swap3A_224 = arith.constant 144 : index
      %swap3A_225 = tpu.vector_load %arg27[%swap3A_224] {strides = array<i32>} : memref<304xi32, #tpu.memory_space<vmem>>, vector<16xi32>,
      tpu.vector_store %arg27[%swap3A_224], %select_n3A_223 {strides = array<i32>} : memref<304xi32, #tpu.memory_space<vmem>>, vector<16xi32>,
      %get3A_226 = arith.constant 160 : index
      %get3A_227 = tpu.vector_load %arg25[%get3A_226] {strides = array<i32>} : memref<304xi32, #tpu.memory_space<vmem>>, vector<16xi32>,
      %get3A_228 = arith.constant 160 : index
      %get3A_229 = tpu.vector_load %arg24[%get3A_228] {strides = array<i32>} : memref<304xi32, #tpu.memory_space<vmem>>, vector<16xi32>,
      %ge3A_230 = arith.constant 0 : i32
      %ge3A_231 = vector.broadcast %ge3A_230 : i32 to vector<16xi32>
      %ge3A_232 = arith.cmpi sge, %get3A_229, %ge3A_231 : vector<16xi32>
      %gather3A_233 = tpu.vector_load_idx %arg16[%get3A_227] : memref<20000xf32, #tpu.memory_space<vmem>>[vector<16xi32>], vector<16xf32>,
      %gather3A_234 = tpu.vector_load_idx %arg15[%get3A_227] : memref<20000xi32, #tpu.memory_space<vmem>>[vector<16xi32>], vector<16xi32>,
      %jit3A_235 = arith.constant 0.000000e+00 : f32
      %broadcast_in_dim3A_236 = vector.broadcast %jit3A_235 : f32 to vector<16xf32>
      %select_n3A_237 = arith.select %ge3A_232, %gather3A_233, %broadcast_in_dim3A_236 : vector<16xi1>, vector<16xf32>
      %swap3A_238 = arith.constant 160 : index
      %swap3A_239 = tpu.vector_load %arg26[%swap3A_238] {strides = array<i32>} : memref<304xf32, #tpu.memory_space<vmem>>, vector<16xf32>,
      tpu.vector_store %arg26[%swap3A_238], %select_n3A_237 {strides = array<i32>} : memref<304xf32, #tpu.memory_space<vmem>>, vector<16xf32>,
      %jit3A_240 = arith.constant 2147483647 : i32
      %broadcast_in_dim3A_241 = vector.broadcast %jit3A_240 : i32 to vector<16xi32>
      %select_n3A_242 = arith.select %ge3A_232, %gather3A_234, %broadcast_in_dim3A_241 : vector<16xi1>, vector<16xi32>
      %swap3A_243 = arith.constant 160 : index
      %swap3A_244 = tpu.vector_load %arg27[%swap3A_243] {strides = array<i32>} : memref<304xi32, #tpu.memory_space<vmem>>, vector<16xi32>,
      tpu.vector_store %arg27[%swap3A_243], %select_n3A_242 {strides = array<i32>} : memref<304xi32, #tpu.memory_space<vmem>>, vector<16xi32>,
      %get3A_245 = arith.constant 176 : index
      %get3A_246 = tpu.vector_load %arg25[%get3A_245] {strides = array<i32>} : memref<304xi32, #tpu.memory_space<vmem>>, vector<16xi32>,
      %get3A_247 = arith.constant 176 : index
      %get3A_248 = tpu.vector_load %arg24[%get3A_247] {strides = array<i32>} : memref<304xi32, #tpu.memory_space<vmem>>, vector<16xi32>,
      %ge3A_249 = arith.constant 0 : i32
      %ge3A_250 = vector.broadcast %ge3A_249 : i32 to vector<16xi32>
      %ge3A_251 = arith.cmpi sge, %get3A_248, %ge3A_250 : vector<16xi32>
      %gather3A_252 = tpu.vector_load_idx %arg16[%get3A_246] : memref<20000xf32, #tpu.memory_space<vmem>>[vector<16xi32>], vector<16xf32>,
      %gather3A_253 = tpu.vector_load_idx %arg15[%get3A_246] : memref<20000xi32, #tpu.memory_space<vmem>>[vector<16xi32>], vector<16xi32>,
      %jit3A_254 = arith.constant 0.000000e+00 : f32
      %broadcast_in_dim3A_255 = vector.broadcast %jit3A_254 : f32 to vector<16xf32>
      %select_n3A_256 = arith.select %ge3A_251, %gather3A_252, %broadcast_in_dim3A_255 : vector<16xi1>, vector<16xf32>
      %swap3A_257 = arith.constant 176 : index
      %swap3A_258 = tpu.vector_load %arg26[%swap3A_257] {strides = array<i32>} : memref<304xf32, #tpu.memory_space<vmem>>, vector<16xf32>,
      tpu.vector_store %arg26[%swap3A_257], %select_n3A_256 {strides = array<i32>} : memref<304xf32, #tpu.memory_space<vmem>>, vector<16xf32>,
      %jit3A_259 = arith.constant 2147483647 : i32
      %broadcast_in_dim3A_260 = vector.broadcast %jit3A_259 : i32 to vector<16xi32>
      %select_n3A_261 = arith.select %ge3A_251, %gather3A_253, %broadcast_in_dim3A_260 : vector<16xi1>, vector<16xi32>
      %swap3A_262 = arith.constant 176 : index
      %swap3A_263 = tpu.vector_load %arg27[%swap3A_262] {strides = array<i32>} : memref<304xi32, #tpu.memory_space<vmem>>, vector<16xi32>,
      tpu.vector_store %arg27[%swap3A_262], %select_n3A_261 {strides = array<i32>} : memref<304xi32, #tpu.memory_space<vmem>>, vector<16xi32>,
      %get3A_264 = arith.constant 192 : index
      %get3A_265 = tpu.vector_load %arg25[%get3A_264] {strides = array<i32>} : memref<304xi32, #tpu.memory_space<vmem>>, vector<16xi32>,
      %get3A_266 = arith.constant 192 : index
      %get3A_267 = tpu.vector_load %arg24[%get3A_266] {strides = array<i32>} : memref<304xi32, #tpu.memory_space<vmem>>, vector<16xi32>,
      %ge3A_268 = arith.constant 0 : i32
      %ge3A_269 = vector.broadcast %ge3A_268 : i32 to vector<16xi32>
      %ge3A_270 = arith.cmpi sge, %get3A_267, %ge3A_269 : vector<16xi32>
      %gather3A_271 = tpu.vector_load_idx %arg16[%get3A_265] : memref<20000xf32, #tpu.memory_space<vmem>>[vector<16xi32>], vector<16xf32>,
      %gather3A_272 = tpu.vector_load_idx %arg15[%get3A_265] : memref<20000xi32, #tpu.memory_space<vmem>>[vector<16xi32>], vector<16xi32>,
      %jit3A_273 = arith.constant 0.000000e+00 : f32
      %broadcast_in_dim3A_274 = vector.broadcast %jit3A_273 : f32 to vector<16xf32>
      %select_n3A_275 = arith.select %ge3A_270, %gather3A_271, %broadcast_in_dim3A_274 : vector<16xi1>, vector<16xf32>
      %swap3A_276 = arith.constant 192 : index
      %swap3A_277 = tpu.vector_load %arg26[%swap3A_276] {strides = array<i32>} : memref<304xf32, #tpu.memory_space<vmem>>, vector<16xf32>,
      tpu.vector_store %arg26[%swap3A_276], %select_n3A_275 {strides = array<i32>} : memref<304xf32, #tpu.memory_space<vmem>>, vector<16xf32>,
      %jit3A_278 = arith.constant 2147483647 : i32
      %broadcast_in_dim3A_279 = vector.broadcast %jit3A_278 : i32 to vector<16xi32>
      %select_n3A_280 = arith.select %ge3A_270, %gather3A_272, %broadcast_in_dim3A_279 : vector<16xi1>, vector<16xi32>
      %swap3A_281 = arith.constant 192 : index
      %swap3A_282 = tpu.vector_load %arg27[%swap3A_281] {strides = array<i32>} : memref<304xi32, #tpu.memory_space<vmem>>, vector<16xi32>,
      tpu.vector_store %arg27[%swap3A_281], %select_n3A_280 {strides = array<i32>} : memref<304xi32, #tpu.memory_space<vmem>>, vector<16xi32>,
      %get3A_283 = arith.constant 208 : index
      %get3A_284 = tpu.vector_load %arg25[%get3A_283] {strides = array<i32>} : memref<304xi32, #tpu.memory_space<vmem>>, vector<16xi32>,
      %get3A_285 = arith.constant 208 : index
      %get3A_286 = tpu.vector_load %arg24[%get3A_285] {strides = array<i32>} : memref<304xi32, #tpu.memory_space<vmem>>, vector<16xi32>,
      %ge3A_287 = arith.constant 0 : i32
      %ge3A_288 = vector.broadcast %ge3A_287 : i32 to vector<16xi32>
      %ge3A_289 = arith.cmpi sge, %get3A_286, %ge3A_288 : vector<16xi32>
      %gather3A_290 = tpu.vector_load_idx %arg16[%get3A_284] : memref<20000xf32, #tpu.memory_space<vmem>>[vector<16xi32>], vector<16xf32>,
      %gather3A_291 = tpu.vector_load_idx %arg15[%get3A_284] : memref<20000xi32, #tpu.memory_space<vmem>>[vector<16xi32>], vector<16xi32>,
      %jit3A_292 = arith.constant 0.000000e+00 : f32
      %broadcast_in_dim3A_293 = vector.broadcast %jit3A_292 : f32 to vector<16xf32>
      %select_n3A_294 = arith.select %ge3A_289, %gather3A_290, %broadcast_in_dim3A_293 : vector<16xi1>, vector<16xf32>
      %swap3A_295 = arith.constant 208 : index
      %swap3A_296 = tpu.vector_load %arg26[%swap3A_295] {strides = array<i32>} : memref<304xf32, #tpu.memory_space<vmem>>, vector<16xf32>,
      tpu.vector_store %arg26[%swap3A_295], %select_n3A_294 {strides = array<i32>} : memref<304xf32, #tpu.memory_space<vmem>>, vector<16xf32>,
      %jit3A_297 = arith.constant 2147483647 : i32
      %broadcast_in_dim3A_298 = vector.broadcast %jit3A_297 : i32 to vector<16xi32>
      %select_n3A_299 = arith.select %ge3A_289, %gather3A_291, %broadcast_in_dim3A_298 : vector<16xi1>, vector<16xi32>
      %swap3A_300 = arith.constant 208 : index
      %swap3A_301 = tpu.vector_load %arg27[%swap3A_300] {strides = array<i32>} : memref<304xi32, #tpu.memory_space<vmem>>, vector<16xi32>,
      tpu.vector_store %arg27[%swap3A_300], %select_n3A_299 {strides = array<i32>} : memref<304xi32, #tpu.memory_space<vmem>>, vector<16xi32>,
      %get3A_302 = arith.constant 224 : index
      %get3A_303 = tpu.vector_load %arg25[%get3A_302] {strides = array<i32>} : memref<304xi32, #tpu.memory_space<vmem>>, vector<16xi32>,
      %get3A_304 = arith.constant 224 : index
      %get3A_305 = tpu.vector_load %arg24[%get3A_304] {strides = array<i32>} : memref<304xi32, #tpu.memory_space<vmem>>, vector<16xi32>,
      %ge3A_306 = arith.constant 0 : i32
      %ge3A_307 = vector.broadcast %ge3A_306 : i32 to vector<16xi32>
      %ge3A_308 = arith.cmpi sge, %get3A_305, %ge3A_307 : vector<16xi32>
      %gather3A_309 = tpu.vector_load_idx %arg16[%get3A_303] : memref<20000xf32, #tpu.memory_space<vmem>>[vector<16xi32>], vector<16xf32>,
      %gather3A_310 = tpu.vector_load_idx %arg15[%get3A_303] : memref<20000xi32, #tpu.memory_space<vmem>>[vector<16xi32>], vector<16xi32>,
      %jit3A_311 = arith.constant 0.000000e+00 : f32
      %broadcast_in_dim3A_312 = vector.broadcast %jit3A_311 : f32 to vector<16xf32>
      %select_n3A_313 = arith.select %ge3A_308, %gather3A_309, %broadcast_in_dim3A_312 : vector<16xi1>, vector<16xf32>
      %swap3A_314 = arith.constant 224 : index
      %swap3A_315 = tpu.vector_load %arg26[%swap3A_314] {strides = array<i32>} : memref<304xf32, #tpu.memory_space<vmem>>, vector<16xf32>,
      tpu.vector_store %arg26[%swap3A_314], %select_n3A_313 {strides = array<i32>} : memref<304xf32, #tpu.memory_space<vmem>>, vector<16xf32>,
      %jit3A_316 = arith.constant 2147483647 : i32
      %broadcast_in_dim3A_317 = vector.broadcast %jit3A_316 : i32 to vector<16xi32>
      %select_n3A_318 = arith.select %ge3A_308, %gather3A_310, %broadcast_in_dim3A_317 : vector<16xi1>, vector<16xi32>
      %swap3A_319 = arith.constant 224 : index
      %swap3A_320 = tpu.vector_load %arg27[%swap3A_319] {strides = array<i32>} : memref<304xi32, #tpu.memory_space<vmem>>, vector<16xi32>,
      tpu.vector_store %arg27[%swap3A_319], %select_n3A_318 {strides = array<i32>} : memref<304xi32, #tpu.memory_space<vmem>>, vector<16xi32>,
      %get3A_321 = arith.constant 240 : index
      %get3A_322 = tpu.vector_load %arg25[%get3A_321] {strides = array<i32>} : memref<304xi32, #tpu.memory_space<vmem>>, vector<16xi32>,
      %get3A_323 = arith.constant 240 : index
      %get3A_324 = tpu.vector_load %arg24[%get3A_323] {strides = array<i32>} : memref<304xi32, #tpu.memory_space<vmem>>, vector<16xi32>,
      %ge3A_325 = arith.constant 0 : i32
      %ge3A_326 = vector.broadcast %ge3A_325 : i32 to vector<16xi32>
      %ge3A_327 = arith.cmpi sge, %get3A_324, %ge3A_326 : vector<16xi32>
      %gather3A_328 = tpu.vector_load_idx %arg16[%get3A_322] : memref<20000xf32, #tpu.memory_space<vmem>>[vector<16xi32>], vector<16xf32>,
      %gather3A_329 = tpu.vector_load_idx %arg15[%get3A_322] : memref<20000xi32, #tpu.memory_space<vmem>>[vector<16xi32>], vector<16xi32>,
      %jit3A_330 = arith.constant 0.000000e+00 : f32
      %broadcast_in_dim3A_331 = vector.broadcast %jit3A_330 : f32 to vector<16xf32>
      %select_n3A_332 = arith.select %ge3A_327, %gather3A_328, %broadcast_in_dim3A_331 : vector<16xi1>, vector<16xf32>
      %swap3A_333 = arith.constant 240 : index
      %swap3A_334 = tpu.vector_load %arg26[%swap3A_333] {strides = array<i32>} : memref<304xf32, #tpu.memory_space<vmem>>, vector<16xf32>,
      tpu.vector_store %arg26[%swap3A_333], %select_n3A_332 {strides = array<i32>} : memref<304xf32, #tpu.memory_space<vmem>>, vector<16xf32>,
      %jit3A_335 = arith.constant 2147483647 : i32
      %broadcast_in_dim3A_336 = vector.broadcast %jit3A_335 : i32 to vector<16xi32>
      %select_n3A_337 = arith.select %ge3A_327, %gather3A_329, %broadcast_in_dim3A_336 : vector<16xi1>, vector<16xi32>
      %swap3A_338 = arith.constant 240 : index
      %swap3A_339 = tpu.vector_load %arg27[%swap3A_338] {strides = array<i32>} : memref<304xi32, #tpu.memory_space<vmem>>, vector<16xi32>,
      tpu.vector_store %arg27[%swap3A_338], %select_n3A_337 {strides = array<i32>} : memref<304xi32, #tpu.memory_space<vmem>>, vector<16xi32>,
      %get3A_340 = arith.constant 256 : index
      %get3A_341 = tpu.vector_load %arg25[%get3A_340] {strides = array<i32>} : memref<304xi32, #tpu.memory_space<vmem>>, vector<16xi32>,
      %get3A_342 = arith.constant 256 : index
      %get3A_343 = tpu.vector_load %arg24[%get3A_342] {strides = array<i32>} : memref<304xi32, #tpu.memory_space<vmem>>, vector<16xi32>,
      %ge3A_344 = arith.constant 0 : i32
      %ge3A_345 = vector.broadcast %ge3A_344 : i32 to vector<16xi32>
      %ge3A_346 = arith.cmpi sge, %get3A_343, %ge3A_345 : vector<16xi32>
      %gather3A_347 = tpu.vector_load_idx %arg16[%get3A_341] : memref<20000xf32, #tpu.memory_space<vmem>>[vector<16xi32>], vector<16xf32>,
      %gather3A_348 = tpu.vector_load_idx %arg15[%get3A_341] : memref<20000xi32, #tpu.memory_space<vmem>>[vector<16xi32>], vector<16xi32>,
      %jit3A_349 = arith.constant 0.000000e+00 : f32
      %broadcast_in_dim3A_350 = vector.broadcast %jit3A_349 : f32 to vector<16xf32>
      %select_n3A_351 = arith.select %ge3A_346, %gather3A_347, %broadcast_in_dim3A_350 : vector<16xi1>, vector<16xf32>
      %swap3A_352 = arith.constant 256 : index
      %swap3A_353 = tpu.vector_load %arg26[%swap3A_352] {strides = array<i32>} : memref<304xf32, #tpu.memory_space<vmem>>, vector<16xf32>,
      tpu.vector_store %arg26[%swap3A_352], %select_n3A_351 {strides = array<i32>} : memref<304xf32, #tpu.memory_space<vmem>>, vector<16xf32>,
      %jit3A_354 = arith.constant 2147483647 : i32
      %broadcast_in_dim3A_355 = vector.broadcast %jit3A_354 : i32 to vector<16xi32>
      %select_n3A_356 = arith.select %ge3A_346, %gather3A_348, %broadcast_in_dim3A_355 : vector<16xi1>, vector<16xi32>
      %swap3A_357 = arith.constant 256 : index
      %swap3A_358 = tpu.vector_load %arg27[%swap3A_357] {strides = array<i32>} : memref<304xi32, #tpu.memory_space<vmem>>, vector<16xi32>,
      tpu.vector_store %arg27[%swap3A_357], %select_n3A_356 {strides = array<i32>} : memref<304xi32, #tpu.memory_space<vmem>>, vector<16xi32>,
      %get3A_359 = arith.constant 272 : index
      %get3A_360 = tpu.vector_load %arg25[%get3A_359] {strides = array<i32>} : memref<304xi32, #tpu.memory_space<vmem>>, vector<16xi32>,
      %get3A_361 = arith.constant 272 : index
      %get3A_362 = tpu.vector_load %arg24[%get3A_361] {strides = array<i32>} : memref<304xi32, #tpu.memory_space<vmem>>, vector<16xi32>,
      %ge3A_363 = arith.constant 0 : i32
      %ge3A_364 = vector.broadcast %ge3A_363 : i32 to vector<16xi32>
      %ge3A_365 = arith.cmpi sge, %get3A_362, %ge3A_364 : vector<16xi32>
      %gather3A_366 = tpu.vector_load_idx %arg16[%get3A_360] : memref<20000xf32, #tpu.memory_space<vmem>>[vector<16xi32>], vector<16xf32>,
      %gather3A_367 = tpu.vector_load_idx %arg15[%get3A_360] : memref<20000xi32, #tpu.memory_space<vmem>>[vector<16xi32>], vector<16xi32>,
      %jit3A_368 = arith.constant 0.000000e+00 : f32
      %broadcast_in_dim3A_369 = vector.broadcast %jit3A_368 : f32 to vector<16xf32>
      %select_n3A_370 = arith.select %ge3A_365, %gather3A_366, %broadcast_in_dim3A_369 : vector<16xi1>, vector<16xf32>
      %swap3A_371 = arith.constant 272 : index
      %swap3A_372 = tpu.vector_load %arg26[%swap3A_371] {strides = array<i32>} : memref<304xf32, #tpu.memory_space<vmem>>, vector<16xf32>,
      tpu.vector_store %arg26[%swap3A_371], %select_n3A_370 {strides = array<i32>} : memref<304xf32, #tpu.memory_space<vmem>>, vector<16xf32>,
      %jit3A_373 = arith.constant 2147483647 : i32
      %broadcast_in_dim3A_374 = vector.broadcast %jit3A_373 : i32 to vector<16xi32>
      %select_n3A_375 = arith.select %ge3A_365, %gather3A_367, %broadcast_in_dim3A_374 : vector<16xi1>, vector<16xi32>
      %swap3A_376 = arith.constant 272 : index
      %swap3A_377 = tpu.vector_load %arg27[%swap3A_376] {strides = array<i32>} : memref<304xi32, #tpu.memory_space<vmem>>, vector<16xi32>,
      tpu.vector_store %arg27[%swap3A_376], %select_n3A_375 {strides = array<i32>} : memref<304xi32, #tpu.memory_space<vmem>>, vector<16xi32>,
      %get3A_378 = arith.constant 288 : index
      %get3A_379 = tpu.vector_load %arg25[%get3A_378] {strides = array<i32>} : memref<304xi32, #tpu.memory_space<vmem>>, vector<16xi32>,
      %get3A_380 = arith.constant 288 : index
      %get3A_381 = tpu.vector_load %arg24[%get3A_380] {strides = array<i32>} : memref<304xi32, #tpu.memory_space<vmem>>, vector<16xi32>,
      %ge3A_382 = arith.constant 0 : i32
      %ge3A_383 = vector.broadcast %ge3A_382 : i32 to vector<16xi32>
      %ge3A_384 = arith.cmpi sge, %get3A_381, %ge3A_383 : vector<16xi32>
      %gather3A_385 = tpu.vector_load_idx %arg16[%get3A_379] : memref<20000xf32, #tpu.memory_space<vmem>>[vector<16xi32>], vector<16xf32>,
      %gather3A_386 = tpu.vector_load_idx %arg15[%get3A_379] : memref<20000xi32, #tpu.memory_space<vmem>>[vector<16xi32>], vector<16xi32>,
      %jit3A_387 = arith.constant 0.000000e+00 : f32
      %broadcast_in_dim3A_388 = vector.broadcast %jit3A_387 : f32 to vector<16xf32>
      %select_n3A_389 = arith.select %ge3A_384, %gather3A_385, %broadcast_in_dim3A_388 : vector<16xi1>, vector<16xf32>
      %swap3A_390 = arith.constant 288 : index
      %swap3A_391 = tpu.vector_load %arg26[%swap3A_390] {strides = array<i32>} : memref<304xf32, #tpu.memory_space<vmem>>, vector<16xf32>,
      tpu.vector_store %arg26[%swap3A_390], %select_n3A_389 {strides = array<i32>} : memref<304xf32, #tpu.memory_space<vmem>>, vector<16xf32>,
      %jit3A_392 = arith.constant 2147483647 : i32
      %broadcast_in_dim3A_393 = vector.broadcast %jit3A_392 : i32 to vector<16xi32>
      %select_n3A_394 = arith.select %ge3A_384, %gather3A_386, %broadcast_in_dim3A_393 : vector<16xi1>, vector<16xi32>
      %swap3A_395 = arith.constant 288 : index
      %swap3A_396 = tpu.vector_load %arg27[%swap3A_395] {strides = array<i32>} : memref<304xi32, #tpu.memory_space<vmem>>, vector<16xi32>,
      tpu.vector_store %arg27[%swap3A_395], %select_n3A_394 {strides = array<i32>} : memref<304xi32, #tpu.memory_space<vmem>>, vector<16xi32>,
      "tpu.region"() ({
        %run_scoped3A = tpu.sem_alloc : memref<!tpu.dma_semaphore, #tpu.memory_space<semaphore_mem>>
        %dma_start3A = arith.constant 0 : i32
        %dma_start3A_397 = tpu.memref_slice %arg6[%add3A, %dma_start3A] : memref<8x304xi32, #tpu.memory_space<hbm>> -> memref<1x304xi32, #tpu.memory_space<hbm>>
        %dma_start3A_398 = tpu.memref_squeeze %dma_start3A_397 : memref<1x304xi32, #tpu.memory_space<hbm>> -> memref<304xi32, #tpu.memory_space<hbm>>
        %dma_start3A_399 = arith.constant 0 : i32
        %dma_start3A_400 = tpu.memref_slice %arg6[%add3A, %dma_start3A_399] : memref<8x304xi32, #tpu.memory_space<hbm>> -> memref<1x304xi32, #tpu.memory_space<hbm>>
        %dma_start3A_401 = tpu.memref_squeeze %dma_start3A_400 : memref<1x304xi32, #tpu.memory_space<hbm>> -> memref<304xi32, #tpu.memory_space<hbm>>
        tpu.enqueue_dma source(%arg24 : memref<304xi32, #tpu.memory_space<vmem>>) target(%dma_start3A_401 : memref<304xi32, #tpu.memory_space<hbm>>) target_semaphore(%run_scoped3A : memref<!tpu.dma_semaphore, #tpu.memory_space<semaphore_mem>>)
        %dma_wait3A = arith.constant 0 : i32
        %dma_wait3A_402 = tpu.memref_slice %arg6[%add3A, %dma_wait3A] : memref<8x304xi32, #tpu.memory_space<hbm>> -> memref<1x304xi32, #tpu.memory_space<hbm>>
        %dma_wait3A_403 = tpu.memref_squeeze %dma_wait3A_402 : memref<1x304xi32, #tpu.memory_space<hbm>> -> memref<304xi32, #tpu.memory_space<hbm>>
        %dma_wait3A_404 = arith.constant 0 : i32
        %dma_wait3A_405 = tpu.memref_slice %arg6[%add3A, %dma_wait3A_404] : memref<8x304xi32, #tpu.memory_space<hbm>> -> memref<1x304xi32, #tpu.memory_space<hbm>>
        %dma_wait3A_406 = tpu.memref_squeeze %dma_wait3A_405 : memref<1x304xi32, #tpu.memory_space<hbm>> -> memref<304xi32, #tpu.memory_space<hbm>>
        tpu.wait_dma2 semaphore(%run_scoped3A : memref<!tpu.dma_semaphore, #tpu.memory_space<semaphore_mem>>) src(%arg24 : memref<304xi32, #tpu.memory_space<vmem>>) dst(%dma_wait3A_406 : memref<304xi32, #tpu.memory_space<hbm>>)
        tpu.yield
      }) : () -> ()
      "tpu.region"() ({
        %run_scoped3A = tpu.sem_alloc : memref<!tpu.dma_semaphore, #tpu.memory_space<semaphore_mem>>
        %dma_start3A = arith.constant 0 : i32
        %dma_start3A_397 = tpu.memref_slice %arg7[%add3A, %dma_start3A] : memref<8x304xf32, #tpu.memory_space<hbm>> -> memref<1x304xf32, #tpu.memory_space<hbm>>
        %dma_start3A_398 = tpu.memref_squeeze %dma_start3A_397 : memref<1x304xf32, #tpu.memory_space<hbm>> -> memref<304xf32, #tpu.memory_space<hbm>>
        %dma_start3A_399 = arith.constant 0 : i32
        %dma_start3A_400 = tpu.memref_slice %arg7[%add3A, %dma_start3A_399] : memref<8x304xf32, #tpu.memory_space<hbm>> -> memref<1x304xf32, #tpu.memory_space<hbm>>
        %dma_start3A_401 = tpu.memref_squeeze %dma_start3A_400 : memref<1x304xf32, #tpu.memory_space<hbm>> -> memref<304xf32, #tpu.memory_space<hbm>>
        tpu.enqueue_dma source(%arg26 : memref<304xf32, #tpu.memory_space<vmem>>) target(%dma_start3A_401 : memref<304xf32, #tpu.memory_space<hbm>>) target_semaphore(%run_scoped3A : memref<!tpu.dma_semaphore, #tpu.memory_space<semaphore_mem>>)
        %dma_wait3A = arith.constant 0 : i32
        %dma_wait3A_402 = tpu.memref_slice %arg7[%add3A, %dma_wait3A] : memref<8x304xf32, #tpu.memory_space<hbm>> -> memref<1x304xf32, #tpu.memory_space<hbm>>
        %dma_wait3A_403 = tpu.memref_squeeze %dma_wait3A_402 : memref<1x304xf32, #tpu.memory_space<hbm>> -> memref<304xf32, #tpu.memory_space<hbm>>
        %dma_wait3A_404 = arith.constant 0 : i32
        %dma_wait3A_405 = tpu.memref_slice %arg7[%add3A, %dma_wait3A_404] : memref<8x304xf32, #tpu.memory_space<hbm>> -> memref<1x304xf32, #tpu.memory_space<hbm>>
        %dma_wait3A_406 = tpu.memref_squeeze %dma_wait3A_405 : memref<1x304xf32, #tpu.memory_space<hbm>> -> memref<304xf32, #tpu.memory_space<hbm>>
        tpu.wait_dma2 semaphore(%run_scoped3A : memref<!tpu.dma_semaphore, #tpu.memory_space<semaphore_mem>>) src(%arg26 : memref<304xf32, #tpu.memory_space<vmem>>) dst(%dma_wait3A_406 : memref<304xf32, #tpu.memory_space<hbm>>)
        tpu.yield
      }) : () -> ()
      "tpu.region"() ({
        %run_scoped3A = tpu.sem_alloc : memref<!tpu.dma_semaphore, #tpu.memory_space<semaphore_mem>>
        %dma_start3A = arith.constant 0 : i32
        %dma_start3A_397 = tpu.memref_slice %arg8[%add3A, %dma_start3A] : memref<8x304xf32, #tpu.memory_space<hbm>> -> memref<1x304xf32, #tpu.memory_space<hbm>>
        %dma_start3A_398 = tpu.memref_squeeze %dma_start3A_397 : memref<1x304xf32, #tpu.memory_space<hbm>> -> memref<304xf32, #tpu.memory_space<hbm>>
        %dma_start3A_399 = arith.constant 0 : i32
        %dma_start3A_400 = tpu.memref_slice %arg8[%add3A, %dma_start3A_399] : memref<8x304xf32, #tpu.memory_space<hbm>> -> memref<1x304xf32, #tpu.memory_space<hbm>>
        %dma_start3A_401 = tpu.memref_squeeze %dma_start3A_400 : memref<1x304xf32, #tpu.memory_space<hbm>> -> memref<304xf32, #tpu.memory_space<hbm>>
        tpu.enqueue_dma source(%arg19 : memref<304xf32, #tpu.memory_space<vmem>>) target(%dma_start3A_401 : memref<304xf32, #tpu.memory_space<hbm>>) target_semaphore(%run_scoped3A : memref<!tpu.dma_semaphore, #tpu.memory_space<semaphore_mem>>)
        %dma_wait3A = arith.constant 0 : i32
        %dma_wait3A_402 = tpu.memref_slice %arg8[%add3A, %dma_wait3A] : memref<8x304xf32, #tpu.memory_space<hbm>> -> memref<1x304xf32, #tpu.memory_space<hbm>>
        %dma_wait3A_403 = tpu.memref_squeeze %dma_wait3A_402 : memref<1x304xf32, #tpu.memory_space<hbm>> -> memref<304xf32, #tpu.memory_space<hbm>>
        %dma_wait3A_404 = arith.constant 0 : i32
        %dma_wait3A_405 = tpu.memref_slice %arg8[%add3A, %dma_wait3A_404] : memref<8x304xf32, #tpu.memory_space<hbm>> -> memref<1x304xf32, #tpu.memory_space<hbm>>
        %dma_wait3A_406 = tpu.memref_squeeze %dma_wait3A_405 : memref<1x304xf32, #tpu.memory_space<hbm>> -> memref<304xf32, #tpu.memory_space<hbm>>
        tpu.wait_dma2 semaphore(%run_scoped3A : memref<!tpu.dma_semaphore, #tpu.memory_space<semaphore_mem>>) src(%arg19 : memref<304xf32, #tpu.memory_space<vmem>>) dst(%dma_wait3A_406 : memref<304xf32, #tpu.memory_space<hbm>>)
        tpu.yield
      }) : () -> ()
      "tpu.region"() ({
        %run_scoped3A = tpu.sem_alloc : memref<!tpu.dma_semaphore, #tpu.memory_space<semaphore_mem>>
        %dma_start3A = arith.constant 0 : i32
        %dma_start3A_397 = tpu.memref_slice %arg9[%add3A, %dma_start3A] : memref<8x304xf32, #tpu.memory_space<hbm>> -> memref<1x304xf32, #tpu.memory_space<hbm>>
        %dma_start3A_398 = tpu.memref_squeeze %dma_start3A_397 : memref<1x304xf32, #tpu.memory_space<hbm>> -> memref<304xf32, #tpu.memory_space<hbm>>
        %dma_start3A_399 = arith.constant 0 : i32
        %dma_start3A_400 = tpu.memref_slice %arg9[%add3A, %dma_start3A_399] : memref<8x304xf32, #tpu.memory_space<hbm>> -> memref<1x304xf32, #tpu.memory_space<hbm>>
        %dma_start3A_401 = tpu.memref_squeeze %dma_start3A_400 : memref<1x304xf32, #tpu.memory_space<hbm>> -> memref<304xf32, #tpu.memory_space<hbm>>
        tpu.enqueue_dma source(%arg20 : memref<304xf32, #tpu.memory_space<vmem>>) target(%dma_start3A_401 : memref<304xf32, #tpu.memory_space<hbm>>) target_semaphore(%run_scoped3A : memref<!tpu.dma_semaphore, #tpu.memory_space<semaphore_mem>>)
        %dma_wait3A = arith.constant 0 : i32
        %dma_wait3A_402 = tpu.memref_slice %arg9[%add3A, %dma_wait3A] : memref<8x304xf32, #tpu.memory_space<hbm>> -> memref<1x304xf32, #tpu.memory_space<hbm>>
        %dma_wait3A_403 = tpu.memref_squeeze %dma_wait3A_402 : memref<1x304xf32, #tpu.memory_space<hbm>> -> memref<304xf32, #tpu.memory_space<hbm>>
        %dma_wait3A_404 = arith.constant 0 : i32
        %dma_wait3A_405 = tpu.memref_slice %arg9[%add3A, %dma_wait3A_404] : memref<8x304xf32, #tpu.memory_space<hbm>> -> memref<1x304xf32, #tpu.memory_space<hbm>>
        %dma_wait3A_406 = tpu.memref_squeeze %dma_wait3A_405 : memref<1x304xf32, #tpu.memory_space<hbm>> -> memref<304xf32, #tpu.memory_space<hbm>>
        tpu.wait_dma2 semaphore(%run_scoped3A : memref<!tpu.dma_semaphore, #tpu.memory_space<semaphore_mem>>) src(%arg20 : memref<304xf32, #tpu.memory_space<vmem>>) dst(%dma_wait3A_406 : memref<304xf32, #tpu.memory_space<hbm>>)
        tpu.yield
      }) : () -> ()
      "tpu.region"() ({
        %run_scoped3A = tpu.sem_alloc : memref<!tpu.dma_semaphore, #tpu.memory_space<semaphore_mem>>
        %dma_start3A = arith.constant 0 : i32
        %dma_start3A_397 = tpu.memref_slice %arg10[%add3A, %dma_start3A] : memref<8x304xf32, #tpu.memory_space<hbm>> -> memref<1x304xf32, #tpu.memory_space<hbm>>
        %dma_start3A_398 = tpu.memref_squeeze %dma_start3A_397 : memref<1x304xf32, #tpu.memory_space<hbm>> -> memref<304xf32, #tpu.memory_space<hbm>>
        %dma_start3A_399 = arith.constant 0 : i32
        %dma_start3A_400 = tpu.memref_slice %arg10[%add3A, %dma_start3A_399] : memref<8x304xf32, #tpu.memory_space<hbm>> -> memref<1x304xf32, #tpu.memory_space<hbm>>
        %dma_start3A_401 = tpu.memref_squeeze %dma_start3A_400 : memref<1x304xf32, #tpu.memory_space<hbm>> -> memref<304xf32, #tpu.memory_space<hbm>>
        tpu.enqueue_dma source(%arg21 : memref<304xf32, #tpu.memory_space<vmem>>) target(%dma_start3A_401 : memref<304xf32, #tpu.memory_space<hbm>>) target_semaphore(%run_scoped3A : memref<!tpu.dma_semaphore, #tpu.memory_space<semaphore_mem>>)
        %dma_wait3A = arith.constant 0 : i32
        %dma_wait3A_402 = tpu.memref_slice %arg10[%add3A, %dma_wait3A] : memref<8x304xf32, #tpu.memory_space<hbm>> -> memref<1x304xf32, #tpu.memory_space<hbm>>
        %dma_wait3A_403 = tpu.memref_squeeze %dma_wait3A_402 : memref<1x304xf32, #tpu.memory_space<hbm>> -> memref<304xf32, #tpu.memory_space<hbm>>
        %dma_wait3A_404 = arith.constant 0 : i32
        %dma_wait3A_405 = tpu.memref_slice %arg10[%add3A, %dma_wait3A_404] : memref<8x304xf32, #tpu.memory_space<hbm>> -> memref<1x304xf32, #tpu.memory_space<hbm>>
        %dma_wait3A_406 = tpu.memref_squeeze %dma_wait3A_405 : memref<1x304xf32, #tpu.memory_space<hbm>> -> memref<304xf32, #tpu.memory_space<hbm>>
        tpu.wait_dma2 semaphore(%run_scoped3A : memref<!tpu.dma_semaphore, #tpu.memory_space<semaphore_mem>>) src(%arg21 : memref<304xf32, #tpu.memory_space<vmem>>) dst(%dma_wait3A_406 : memref<304xf32, #tpu.memory_space<hbm>>)
        tpu.yield
      }) : () -> ()
      "tpu.region"() ({
        %run_scoped3A = tpu.sem_alloc : memref<!tpu.dma_semaphore, #tpu.memory_space<semaphore_mem>>
        %dma_start3A = arith.constant 0 : i32
        %dma_start3A_397 = tpu.memref_slice %arg11[%add3A, %dma_start3A] : memref<8x304xf32, #tpu.memory_space<hbm>> -> memref<1x304xf32, #tpu.memory_space<hbm>>
        %dma_start3A_398 = tpu.memref_squeeze %dma_start3A_397 : memref<1x304xf32, #tpu.memory_space<hbm>> -> memref<304xf32, #tpu.memory_space<hbm>>
        %dma_start3A_399 = arith.constant 0 : i32
        %dma_start3A_400 = tpu.memref_slice %arg11[%add3A, %dma_start3A_399] : memref<8x304xf32, #tpu.memory_space<hbm>> -> memref<1x304xf32, #tpu.memory_space<hbm>>
        %dma_start3A_401 = tpu.memref_squeeze %dma_start3A_400 : memref<1x304xf32, #tpu.memory_space<hbm>> -> memref<304xf32, #tpu.memory_space<hbm>>
        tpu.enqueue_dma source(%arg22 : memref<304xf32, #tpu.memory_space<vmem>>) target(%dma_start3A_401 : memref<304xf32, #tpu.memory_space<hbm>>) target_semaphore(%run_scoped3A : memref<!tpu.dma_semaphore, #tpu.memory_space<semaphore_mem>>)
        %dma_wait3A = arith.constant 0 : i32
        %dma_wait3A_402 = tpu.memref_slice %arg11[%add3A, %dma_wait3A] : memref<8x304xf32, #tpu.memory_space<hbm>> -> memref<1x304xf32, #tpu.memory_space<hbm>>
        %dma_wait3A_403 = tpu.memref_squeeze %dma_wait3A_402 : memref<1x304xf32, #tpu.memory_space<hbm>> -> memref<304xf32, #tpu.memory_space<hbm>>
        %dma_wait3A_404 = arith.constant 0 : i32
        %dma_wait3A_405 = tpu.memref_slice %arg11[%add3A, %dma_wait3A_404] : memref<8x304xf32, #tpu.memory_space<hbm>> -> memref<1x304xf32, #tpu.memory_space<hbm>>
        %dma_wait3A_406 = tpu.memref_squeeze %dma_wait3A_405 : memref<1x304xf32, #tpu.memory_space<hbm>> -> memref<304xf32, #tpu.memory_space<hbm>>
        tpu.wait_dma2 semaphore(%run_scoped3A : memref<!tpu.dma_semaphore, #tpu.memory_space<semaphore_mem>>) src(%arg22 : memref<304xf32, #tpu.memory_space<vmem>>) dst(%dma_wait3A_406 : memref<304xf32, #tpu.memory_space<hbm>>)
        tpu.yield
      }) : () -> ()
      "tpu.region"() ({
        %run_scoped3A = tpu.sem_alloc : memref<!tpu.dma_semaphore, #tpu.memory_space<semaphore_mem>>
        %dma_start3A = arith.constant 0 : i32
        %dma_start3A_397 = tpu.memref_slice %arg12[%add3A, %dma_start3A] : memref<8x304xi32, #tpu.memory_space<hbm>> -> memref<1x304xi32, #tpu.memory_space<hbm>>
        %dma_start3A_398 = tpu.memref_squeeze %dma_start3A_397 : memref<1x304xi32, #tpu.memory_space<hbm>> -> memref<304xi32, #tpu.memory_space<hbm>>
        %dma_start3A_399 = arith.constant 0 : i32
        %dma_start3A_400 = tpu.memref_slice %arg12[%add3A, %dma_start3A_399] : memref<8x304xi32, #tpu.memory_space<hbm>> -> memref<1x304xi32, #tpu.memory_space<hbm>>
        %dma_start3A_401 = tpu.memref_squeeze %dma_start3A_400 : memref<1x304xi32, #tpu.memory_space<hbm>> -> memref<304xi32, #tpu.memory_space<hbm>>
        tpu.enqueue_dma source(%arg27 : memref<304xi32, #tpu.memory_space<vmem>>) target(%dma_start3A_401 : memref<304xi32, #tpu.memory_space<hbm>>) target_semaphore(%run_scoped3A : memref<!tpu.dma_semaphore, #tpu.memory_space<semaphore_mem>>)
        %dma_wait3A = arith.constant 0 : i32
        %dma_wait3A_402 = tpu.memref_slice %arg12[%add3A, %dma_wait3A] : memref<8x304xi32, #tpu.memory_space<hbm>> -> memref<1x304xi32, #tpu.memory_space<hbm>>
        %dma_wait3A_403 = tpu.memref_squeeze %dma_wait3A_402 : memref<1x304xi32, #tpu.memory_space<hbm>> -> memref<304xi32, #tpu.memory_space<hbm>>
        %dma_wait3A_404 = arith.constant 0 : i32
        %dma_wait3A_405 = tpu.memref_slice %arg12[%add3A, %dma_wait3A_404] : memref<8x304xi32, #tpu.memory_space<hbm>> -> memref<1x304xi32, #tpu.memory_space<hbm>>
        %dma_wait3A_406 = tpu.memref_squeeze %dma_wait3A_405 : memref<1x304xi32, #tpu.memory_space<hbm>> -> memref<304xi32, #tpu.memory_space<hbm>>
        tpu.wait_dma2 semaphore(%run_scoped3A : memref<!tpu.dma_semaphore, #tpu.memory_space<semaphore_mem>>) src(%arg27 : memref<304xi32, #tpu.memory_space<vmem>>) dst(%dma_wait3A_406 : memref<304xi32, #tpu.memory_space<hbm>>)
        tpu.yield
      }) : () -> ()
      "tpu.region"() ({
        %run_scoped3A = tpu.sem_alloc : memref<!tpu.dma_semaphore, #tpu.memory_space<semaphore_mem>>
        %dma_start3A = arith.constant 0 : i32
        %dma_start3A_397 = tpu.memref_slice %arg13[%add3A, %dma_start3A] : memref<8x16xi32, #tpu.memory_space<hbm>> -> memref<1x16xi32, #tpu.memory_space<hbm>>
        %dma_start3A_398 = tpu.memref_squeeze %dma_start3A_397 : memref<1x16xi32, #tpu.memory_space<hbm>> -> memref<16xi32, #tpu.memory_space<hbm>>
        %dma_start3A_399 = arith.constant 0 : i32
        %dma_start3A_400 = tpu.memref_slice %arg13[%add3A, %dma_start3A_399] : memref<8x16xi32, #tpu.memory_space<hbm>> -> memref<1x16xi32, #tpu.memory_space<hbm>>
        %dma_start3A_401 = tpu.memref_squeeze %dma_start3A_400 : memref<1x16xi32, #tpu.memory_space<hbm>> -> memref<16xi32, #tpu.memory_space<hbm>>
        tpu.enqueue_dma source(%arg28 : memref<16xi32, #tpu.memory_space<vmem>>) target(%dma_start3A_401 : memref<16xi32, #tpu.memory_space<hbm>>) target_semaphore(%run_scoped3A : memref<!tpu.dma_semaphore, #tpu.memory_space<semaphore_mem>>)
        %dma_wait3A = arith.constant 0 : i32
        %dma_wait3A_402 = tpu.memref_slice %arg13[%add3A, %dma_wait3A] : memref<8x16xi32, #tpu.memory_space<hbm>> -> memref<1x16xi32, #tpu.memory_space<hbm>>
        %dma_wait3A_403 = tpu.memref_squeeze %dma_wait3A_402 : memref<1x16xi32, #tpu.memory_space<hbm>> -> memref<16xi32, #tpu.memory_space<hbm>>
        %dma_wait3A_404 = arith.constant 0 : i32
        %dma_wait3A_405 = tpu.memref_slice %arg13[%add3A, %dma_wait3A_404] : memref<8x16xi32, #tpu.memory_space<hbm>> -> memref<1x16xi32, #tpu.memory_space<hbm>>
        %dma_wait3A_406 = tpu.memref_squeeze %dma_wait3A_405 : memref<1x16xi32, #tpu.memory_space<hbm>> -> memref<16xi32, #tpu.memory_space<hbm>>
        tpu.wait_dma2 semaphore(%run_scoped3A : memref<!tpu.dma_semaphore, #tpu.memory_space<semaphore_mem>>) src(%arg28 : memref<16xi32, #tpu.memory_space<vmem>>) dst(%dma_wait3A_406 : memref<16xi32, #tpu.memory_space<hbm>>)
        tpu.yield
      }) : () -> ()
    } else {
    }
    return
  }
}

</mosaic_0001>

<sc_bundles>
// kernel: kernel.3.cloned.1.call-start
scs
__scs_entry_jumppad:
0x0: {  	(pc) =	sbr.rel $0x88, $3  }
0x1: {  	(tag) =	ssettag $0x0;
	lr =	simm.s32 $0x1  }
0x2: {  	[smem:$0x3F9E] =	sst lr;
	_ =	strace $0xD0000000  }
0x3: {  	_ = 	snop  }
0x4: {  	_ = 	snop  }
0x5: {  	_ = 	snop  }
0x6: {  	_ = 	snop  }
0x7: {  	_ = 	snop  }
__scs_overlays_trampoline_lowered:
0x8: {  	[smem:$0x3FAD] =	sst s0  }
0x9: {  	[smem:$0x3FAE] =	sst s1  }
0xa: {  	[smem:$0x3FAF] =	sst s2  }
0xb: {  	[smem:$0x3FB0] =	sst s3  }
0xc: {  	[smem:$0x3FB1] =	sst s4  }
0xd: {  	[smem:$0x3FB2] =	sst s5  }
0xe: {  	[smem:$0x3FB3] =	sst s6  }
0xf: {  	[smem:$0x3FB4] =	sst s7  }
0x10: {  	[smem:$0x3FB5] =	sst s8  }
0x11: {  	[smem:$0x3FB6] =	sst s9;
	s0 =	simm.s32 @!p0 $0x0  }
0x12: {  	s1 =	sld [smem:$0x3F9C];
	s0 =	simm.s32 @p0 $0x1  }
0x13: {  	[smem:$0x3FB7] =	sst s0;
	s0 =	simm.s32 @!p1 $0x0  }
0x14: {  	s2 =	sld [smem:$0x3F9B];
	s0 =	simm.s32 @p1 $0x1  }
0x15: {  	[smem:$0x3FB8] =	sst s0;
	s0 =	simm.s32 @!p2 $0x0  }
0x16: {  	s3 =	sld [smem:$0x3FDB];
	s0 =	simm.s32 @p2 $0x1  }
0x17: {  	s4 =	simm.s32 $0x1BF5;
	[smem:$0x3FBA] =	sst s0  }
0x18: {  	s0 =	sld [smem:$0x3F9D];
	_ =	swait.ge [sflag:s4], $0x0  }
0x19: {  	s7 =	sld [smem:$0x3F9E]  }
0x1a: {  	s8 =	sadd.s32 $0xFFFFE003, lr  }
0x1b: {  	s9 =	sadd.s32 $0xFFFFFEF7, lr;
	s5 =	simm.s32 $0xFFFFFFFF;
	p2 =	slt.u32 s8, $0xFFFFF086  }
0x1c: {  	p1 =	slt.u32 s9, $0xF7A;
	s5 =	simm.s32 @!p2 $0x0  }
0x1d: {  	s5 =	simm.s32 @p1 $0x1;
	p0 =	seq.s32 s7, s2  }
0x1e: {  	s7 =	smul.u32 @!p0 $0xF7A, s2;
	p2 =	seq.s32 @!p0 s5, $0x0  }
0x1f: {  	s9 =	smul.u32 $0xF7A, s1;
	s8 =	simm.s32 @!p0 $0x1BF5;
	p2 =	por !p2, p0  }
0x20: {  	[sflag:s8] =	ssyncset.s32 @!p0 $0xFFFFF086;
	s6 =	sadd.s32 @!p0 s3, s7;
	s7 =	simm.s32 @!p0 $0x108  }
0x21: {  	s3 =	sadd.s32 s3, s9;
	s6 =	sadd.s32 @!p0 $0x88, s6;
	s7 =	simm.s32 @p2 $0x1082  }
0x22: {  	[simem:s7], [sflag:s8] =	dma.local @!p0 [hbm:s6], $0xF7A  }
0x23: {  	s9 =	sor.u32 $0xD0000000, s2;
	s6 =	simm.s32 $0x108;
	_ =	swait.ge @!p0 [sflag:s8], $0x0  }
0x24: {  	s3 =	sadd.s32 $0x88, s3;
	s6 =	simm.s32 @!p1 $0x1082;
	[sflag:s4] =	ssyncset.s32 $0xFFFFF086  }
0x25: {  	[simem:s6], [sflag:s4] =	dma.local [hbm:s3], $0xF7A  }
0x26: {  	[smem:$0x3F9E] =	sst s1;
	(tag) =	ssettag s2;
	_ =	strace s9  }
0x27: {  	s1 =	sld [smem:$0x3FAE]  }
0x28: {  	s2 =	sld [smem:$0x3FAF]  }
0x29: {  	s4 =	sld [smem:$0x3FB1]  }
0x2a: {  	p0 =	seq.s32 s5, $0x0;
	s5 =	sld [smem:$0x3FB2]  }
0x2b: {  	s6 =	sld [smem:$0x3FB3]  }
0x2c: {  	s7 =	sld [smem:$0x3FB4]  }
0x2d: {  	s3 =	simm.s32 $0x108;
	s8 =	sld [smem:$0x3FB5]  }
0x2e: {  	s3 =	simm.s32 @!p0 $0x1082;
	s9 =	sld [smem:$0x3FB6]  }
0x2f: {  	lr =	sadd.s32 s0, s3;
	s0 =	sld [smem:$0x3FAD]  }
0x30: {  	s3 =	sld [smem:$0x3FB0]  }
0x31: {  	[smem:$0x3FB9] =	sst s10  }
0x32: {  	s10 =	sld [smem:$0x3FB7];
	_ =	sdelay $0x3  }
0x33: {  	p0 =	seq.s32 s10, $0x1;
	s10 =	sld [smem:$0x3FB9];
	_ =	sdelay $0x3  }
0x34: {  	[smem:$0x3FB9] =	sst s10  }
0x35: {  	s10 =	sld [smem:$0x3FB8];
	_ =	sdelay $0x3  }
0x36: {  	p1 =	seq.s32 s10, $0x1;
	s10 =	sld [smem:$0x3FB9];
	_ =	sdelay $0x3  }
0x37: {  	[smem:$0x3FB9] =	sst s10  }
0x38: {  	s10 =	sld [smem:$0x3FBA]  }
0x39: {  	_ = 	snop;
	(pc) =	sbr.ind lr, $3  }
0x3a: {  	_ = 	snop  }
0x3b: {  	_ = 	snop  }
0x3c: {  	p2 =	seq.s32 s10, $0x1;
	s10 =	sld [smem:$0x3FB9]  }
0x3d: {  	_ =	shalt  }
0x3e: {  	_ =	shalt  }
0x3f: {  	_ =	shalt  }
0x40: {  	_ =	shalt  }
0x41: {  	_ =	shalt  }
0x42: {  	_ =	shalt  }
0x43: {  	_ =	shalt  }
0x44: {  	_ =	shalt  }
0x45: {  	_ =	shalt  }
0x46: {  	_ =	shalt  }
0x47: {  	_ =	shalt  }
0x48: {  	_ =	shalt  }
0x49: {  	_ =	shalt  }
0x4a: {  	_ =	shalt  }
0x4b: {  	_ =	shalt  }
0x4c: {  	_ =	shalt  }
0x4d: {  	_ =	shalt  }
0x4e: {  	_ =	shalt  }
0x4f: {  	_ =	shalt  }
0x50: {  	_ =	shalt  }
0x51: {  	_ =	shalt  }
0x52: {  	_ =	shalt  }
0x53: {  	_ =	shalt  }
0x54: {  	_ =	shalt  }
0x55: {  	_ =	shalt  }
0x56: {  	_ =	shalt  }
0x57: {  	_ =	shalt  }
0x58: {  	_ =	shalt  }
0x59: {  	_ =	shalt  }
0x5a: {  	_ =	shalt  }
0x5b: {  	_ =	shalt  }
0x5c: {  	_ =	shalt  }
0x5d: {  	_ =	shalt  }
0x5e: {  	_ =	shalt  }
0x5f: {  	_ =	shalt  }
0x60: {  	_ =	shalt  }
0x61: {  	_ =	shalt  }
0x62: {  	_ =	shalt  }
0x63: {  	_ =	shalt  }
0x64: {  	_ =	shalt  }
0x65: {  	_ =	shalt  }
0x66: {  	_ =	shalt  }
0x67: {  	_ =	shalt  }
0x68: {  	_ =	shalt  }
0x69: {  	_ =	shalt  }
0x6a: {  	_ =	shalt  }
0x6b: {  	_ =	shalt  }
0x6c: {  	_ =	shalt  }
0x6d: {  	_ =	shalt  }
0x6e: {  	_ =	shalt  }
0x6f: {  	_ =	shalt  }
0x70: {  	_ =	shalt  }
0x71: {  	_ =	shalt  }
0x72: {  	_ =	shalt  }
0x73: {  	_ =	shalt  }
0x74: {  	_ =	shalt  }
0x75: {  	_ =	shalt  }
0x76: {  	_ =	shalt  }
0x77: {  	_ =	shalt  }
0x78: {  	_ =	shalt  }
0x79: {  	_ =	shalt  }
0x7a: {  	_ =	shalt  }
0x7b: {  	_ =	shalt  }
0x7c: {  	_ =	shalt  }
0x7d: {  	_ =	shalt  }
0x7e: {  	_ =	shalt  }
0x7f: {  	_ =	shalt  }
0x80: {  	_ =	shalt  }
0x81: {  	_ =	shalt  }
0x82: {  	_ =	shalt  }
0x83: {  	_ =	shalt  }
0x84: {  	_ =	shalt  }
0x85: {  	_ =	shalt  }
0x86: {  	_ =	shalt  }
0x87: {  	_ =	shalt  }
.Lfunc_end0:
.L_simem_size_0:
called_computation_lowered:
.L_overlay_start_0:
0x88: {  	s2 =	sld [smem:$0x3FD9]  }
0x89: {  	s3 =	sld [smem:$0x3FFE];
	_ =	sdelay $0x1  }
0x8a: {  	s1 =	srdreg.scid  }
0x8b: {  	s0 =	sand.u32 $0x1, s1  }
0x8c: {  	s14 =	sshll.u32 s0, $0xA;
	s2 =	sadd.s32 s3, s2  }
0x8d: {  	s2 =	sadd.s32 s2, s14  }
0x8e: {  	[smem:$0x3FC5] =	sst s2  }
0x8f: {  	_ = 	snop  }
0x90: {  	s2 =	sld [smem:$0x3FD0];
	_ =	sdelay $0x1  }
0x91: {  	s15 =	sld [smem:$0x3FC9]  }
0x92: {  	s5 =	simm.s32 $0xA;
	s6 =	simm.s32 $0x10;
	s4 =	sld [smem:$0x3FC7]  }
0x93: {  	[smem:s6], [sflag:s5] =	dma.local [hbm:s2], $0x1  }
0x94: {  	_ =	swait.eq [sflag:s5], $0x1  }
0x95: {  	s16 =	sld [smem:$0x10]  }
0x96: {  	s17 =	sld [smem:$0x11];
	[sflag:s5] =	ssyncset.done $0x0  }
0x97: {  	s7 =	sld [smem:$0x12];
	[sflag:s5] =	ssyncadd.s32 $0xFFFFFFFF  }
0x98: {  	s18 =	sld [smem:$0x13];
	(tm) =	ssettm $0x1  }
0x99: {  	s8 =	sld [smem:$0x3FFB];
	_ =	sdelay $0x3  }
0x9a: {  	_ =	strace s8  }
0x9b: {  	s8 =	sld [smem:$0x3FFC];
	_ =	sdelay $0x3  }
0x9c: {  	_ =	strace s8  }
0x9d: {  	s8 =	sld [smem:$0x3FFD];
	_ =	sdelay $0x3  }
0x9e: {  	_ =	strace s8  }
0x9f: {  	_ =	strace $0x8FFFFFFF  }
0xa0: {  	s19 =	sld [smem:$0x3FDB];
	_ =	sdelay $0x1  }
0xa1: {  	s9 =	simm.s32 $_scs_section_size  }
0xa2: {  	s10 =	simm.s32 $_size__tile_overlayer_lowered;
	s11 =	simm.s32 $_tile_overlayer_lowered  }
0xa3: {  	s22 =	simm.s32 $0x1BFF;
	s21 =	sshll.u32 s11, $0x1;
	s8 =	sadd.s32 s9, s19  }
0xa4: {  	s12 =	simm.s32 $0x0;
	s20 =	sshll.u32 s10, $0x1;
	s10 =	sadd.s32 s21, s8  }
0xa5: {  	[timem:s12], [sflag:s22] =	dma.local [hbm:s10], s20  }
0xa6: {  	_ =	swait.ge [sflag:s22], s20  }
0xa7: {  	s9 =	ssub.s32 $0x0, s20;
	[sflag:s22] =	ssyncset.done $0x0  }
0xa8: {  	[sflag:s22] =	ssyncadd.s32 s9;
	_ =	sdelay $0x1  }
0xa9: {  	s23 =	simm.s32 $0x1B8B  }
0xaa: {  	_ =	swait.ge [sflag:s23], $0x1  }
0xab: {  	[sflag:s23] =	ssyncset.done $0x0  }
0xac: {  	s25 =	simm.s32 $0x1B8E;
	s24 =	sld [smem:$0x3FFE];
	[sflag:s23] =	ssyncadd.s32 $0xFFFFFFFF  }
0xad: {  	s26 =	simm.s32 $execute0_lowered;
	[smem:$0x3FD2] =	sst s25  }
0xae: {  	s10 =	sshll.u32 s26, $0x1;
	_ =	strace $0x80000046;
	[dreg:$0x1] =	wrdreg $0xFFFFFFFF  }
0xaf: {  	s28 =	simm.s32 $_size_execute0_lowered;
	s8 =	sadd.s32 s8, s10;
	[dreg:$0x0] =	wrdreg $0x0  }
0xb0: {  	s10 =	sshll.u32 s28, $0x1;
	[dreg:$0x2] =	wrdreg s8  }
0xb1: {  	[dreg:$0x3] =	wrdreg s10  }
0xb2: {  	[dreg:$0x4] =	wrdreg $0xC0  }
0xb3: {  	_ =	task [dreg:s12], $0x5FFFF  }
0xb4: {  	[dreg:$0x1] =	wrdreg $0xFFFFFFFF  }
0xb5: {  	[dreg:$0x0] =	wrdreg $0x60  }
0xb6: {  	[dreg:$0x2] =	wrdreg s15  }
0xb7: {  	[dreg:$0x3] =	wrdreg s24  }
0xb8: {  	[dreg:$0x4] =	wrdreg s4  }
0xb9: {  	[dreg:$0x5] =	wrdreg s16  }
0xba: {  	[dreg:$0x6] =	wrdreg s17  }
0xbb: {  	[dreg:$0x7] =	wrdreg s7  }
0xbc: {  	[dreg:$0x8] =	wrdreg s18  }
0xbd: {  	[dreg:$0x9] =	wrdreg $0x9  }
0xbe: {  	_ =	task.clear_ibuf [dreg:s12], $0xAFFFF;
	_ =	strace $0x90000046  }
0xbf: {  	s29 =	simm.s32 $0x9;
	_ =	strace $0x80000048  }
0xc0: {  	_ =	swait.ge [sflag:s29], $0x1  }
0xc1: {  	[sflag:s29] =	ssyncadd.s32 $0xFFFFFFFF  }
0xc2: {  	_ =	strace $0x90000048  }
0xc3: {  	_ =	sfence  }
0xc4: {  	s30 =	sld [smem:$0x0];
	_ =	sdelay $0x2  }
0xc5: {  	s31 =	sshll.u32 s1, $0xD;
	s1 =	sshrl.u32 s1, $0x2  }
0xc6: {  	s3 =	sand.u32 $0x4000, s31;
	s1 =	sadd.s32 s1, s30  }
0xc7: {  	s0 =	sor.u32 s3, s0;
	s1 =	sshll.u32 s1, $0x11  }
0xc8: {  	s0 =	sor.u32 s1, s0  }
0xc9: {  	s0 =	sadd.s32 $0x8F2B, s0  }
0xca: {  	[sflag:s0] =	ssyncadd.remote.s32 $0x1  }
0xcb: {  	_ =	sfence.sel $0xFFFF  }
0xcc: {  	[dreg:$0x0] =	wrdreg $0xFFFFFFFF;
	(pc) =	sbr.abs _section_cstart, $3  }
0xcd: {  	[dreg:$0x1] =	wrdreg $0xFFFFFFFF  }
0xce: {  	_ =	task.clear_ibuf [dreg:s12], $0x2FFFF;
	_ =	strace $0x9FFFFFFF  }
0xcf: {  	(tm) =	ssettm $0x7FFFFFFF  }
tec
execute0_lowered:
.L_overlay_start_1:
0x0: {  	(tag) =	ssettag $0x1  }
0x1: {  	s0 =	rddreg [dreg:$0x0]  }
0x2: {  	s3 =	rddreg [dreg:$0x1];
	s4 =	stileid.u32  }
0x3: {  	s5 =	rddreg [dreg:$0x2];
	p0 =	sgt.u32 s4, $0x3  }
.Ltmp0:
0x4: {  	s6 =	rddreg [dreg:$0x3];
	(pc) =	sbr.rel @p0 .LBB2_115-.Ltmp0, $4  }
0x5: {  	s7 =	rddreg [dreg:$0x4]  }
0x6: {  	s8 =	rddreg [dreg:$0x5];
	s2 =	simm.s32 $0x0  }
0x7: {  	[smem:$0x7FF] =	sst s2  }
0x8: {  	s1 =	rddreg [dreg:$0x6];
	_ =	strace $0x80000047  }
0x9: {  	s4 =	srdreg.scid  }
0xa: {  	s17 =	stileid.u32;
	s16 =	simm.s32 $0x80;
	s28 =	simm.s32 $0x1ED80  }
0xb: {  	s29 =	simm.s32 $0x1EF00;
	s30 =	simm.s32 $0x13880;
	s9 =	sand.u32 $0x1, s4  }
0xc: {  	s4 =	sshll.u32 s17, $0x5;
	s10 =	sshll.u32 s9, $0x4;
	s21 =	ssub.s32 $0x2, s9  }
0xd: {  	s17 =	simm.s32 $0x400;
	s10 =	sor.u32 s10, s4;
	s24 =	sshrl.u32 s21, $0x1  }
0xe: {  	s3 =	sadd.s32 s3, s10;
	s5 =	sadd.s32 s5, s10;
	s18 =	sadd.s32 s6, s10  }
0xf: {  	s19 =	sadd.s32 s7, s10;
	s20 =	sadd.s32 s8, s10;
	[dreg:$0x8] =	wrdreg s5  }
0x10: {  	s1 =	sadd.s32 s1, s10;
	s26 =	ssub.s32 s21, s24;
	[dreg:$0x9] =	wrdreg s18  }
0x11: {  	s14 =	sadd.s32 s0, s10;
	s21 =	simm.s32 $0x1D600;
	[dreg:$0xa] =	wrdreg s19  }
0x12: {  	s24 =	simm.s32 $0x1E900;
	s4 =	sadd.s32 $0x138800, s3;
	[dreg:$0xb] =	wrdreg s20  }
0x13: {  	s22 =	sadd.s32 $0x200, s3;
	s23 =	sadd.s32 $0x400, s3;
	[dreg:$0xf] =	wrdreg s1  }
.Ltmp1:
0x14: {  	s25 =	sadd.s32 $0x600, s3;
	[dreg:$0xc] =	wrdreg s22;
	(pc) =	sbr.rel .LBB2_2-.Ltmp1, $4  }
0x15: {  	s31 =	sadd.s32 $0x800, s3;
	s15 =	smax.u32 s26, $0x1;
	[dreg:$0xd] =	wrdreg s23  }
0x16: {  	vm0 =	vmxor vm0, vm0;
	v0 =	vimm.s32 $0x7FFFFFFF;
	s18 =	simm.s32 $0x18700;
	s19 =	simm.s32 $0x1;
	[dreg:$0xe] =	wrdreg s25  }
0x17: {  	v1 =	vlaneseq.u32;
	v2 =	vimm.s32 $0x0;
	v3 =	vimm.s32 $0x1;
	s26 =	simm.s32 $0x1EC00;
	s20 =	simm.s32 $0x0;
	[dreg:$0x10] =	wrdreg s31  }
0x18: {  	v4 =	vimm.f32 $0.0e+00;
	v5 =	vimm.s32 $0xFFFFFFFF;
	vm1 =	vmmov $0x1;
	s22 =	simm.s32 $0x1E600;
	s23 =	simm.s32 $0x1E780;
	s25 =	simm.s32 $0x1EA80  }
.LBB2_114:
0x19: {  	v6 =	vmov s5  }
0x1a: {  	s0 =	rddreg [dreg:$0x8];
	[tilespmem:$0x1F380] =	vst v6  }
0x1b: {  	[tilespmem:s30], [sflag:$0x1] =	stream.strided.gather [hbm4b:s0+s16], $0x4E80, s17, s16, $0x38;
	[tilespmem:$0x1F400] =	vst v63  }
0x1c: {  	_ =	swait.ge [sflag:s19], $0x4E80  }
0x1d: {  	[sflag:s19] =	ssyncset.done $0x0  }
0x1e: {  	[sflag:s19] =	ssyncadd.s32 $0xFFFFB180  }
0x1f: {  	v6 =	vld [tilespmem:$0x1EF00];
	_ =	sdelay $0x5  }
0x20: {  	v7 =	vld [tilespmem:$0x1ED80]  }
0x21: {  	v9 =	vld [tilespmem:$0x1EF10]  }
0x22: {  	v8 =	vld.idx.msk [tilespmem:v6+s18+$0x0], $0xffff  }
0x23: {  	v6 =	vld.idx.msk [tilespmem:v6+s30+$0x0], $0xffff;
	_ =	sdelay $0x2  }
0x24: {  	vm2 =	vgt.s32 v7, $0xFFFFFFFF  }
0x25: {  	v7 =	vnsel vm2, $0x0, v8  }
0x26: {  	v47 =	vld [tilespmem:$0x1EF20];
	v6 =	vnsel vm2, $0x7FFFFFFF, v6;
	[tilespmem:$0x1F080] =	vst v7  }
0x27: {  	[tilespmem:$0x1F200] =	vst v6;
	v6 =	vld [tilespmem:$0x1ED90]  }
0x28: {  	v7 =	vld.idx.msk [tilespmem:v9+s18+$0x0], $0xffff  }
0x29: {  	v9 =	vld.idx.msk [tilespmem:v9+s30+$0x0], $0xffff;
	_ =	sdelay $0x2  }
0x2a: {  	vm2 =	vgt.s32 v6, $0xFFFFFFFF  }
0x2b: {  	v6 =	vnsel vm2, $0x0, v7  }
0x2c: {  	v48 =	vld [tilespmem:$0x1EF30];
	[tilespmem:$0x1F090] =	vst v6;
	v6 =	vnsel vm2, $0x7FFFFFFF, v9  }
0x2d: {  	[tilespmem:$0x1F210] =	vst v6;
	v6 =	vld [tilespmem:$0x1EDA0]  }
0x2e: {  	v7 =	vld.idx.msk [tilespmem:v47+s18+$0x0], $0xffff  }
0x2f: {  	v8 =	vld.idx.msk [tilespmem:v47+s30+$0x0], $0xffff;
	_ =	sdelay $0x2  }
0x30: {  	vm2 =	vgt.s32 v6, $0xFFFFFFFF  }
0x31: {  	v6 =	vnsel vm2, $0x0, v7  }
0x32: {  	v49 =	vld [tilespmem:$0x1EF40];
	[tilespmem:$0x1F0A0] =	vst v6;
	v6 =	vnsel vm2, $0x7FFFFFFF, v8  }
0x33: {  	[tilespmem:$0x1F220] =	vst v6;
	v6 =	vld [tilespmem:$0x1EDB0]  }
0x34: {  	v7 =	vld.idx.msk [tilespmem:v48+s18+$0x0], $0xffff  }
0x35: {  	v9 =	vld.idx.msk [tilespmem:v48+s30+$0x0], $0xffff;
	_ =	sdelay $0x2  }
0x36: {  	vm2 =	vgt.s32 v6, $0xFFFFFFFF  }
0x37: {  	v6 =	vnsel vm2, $0x0, v7  }
0x38: {  	v50 =	vld [tilespmem:$0x1EF50];
	[tilespmem:$0x1F0B0] =	vst v6;
	v6 =	vnsel vm2, $0x7FFFFFFF, v9  }
0x39: {  	[tilespmem:$0x1F230] =	vst v6;
	v6 =	vld [tilespmem:$0x1EDC0]  }
0x3a: {  	v7 =	vld.idx.msk [tilespmem:v49+s18+$0x0], $0xffff  }
0x3b: {  	v8 =	vld.idx.msk [tilespmem:v49+s30+$0x0], $0xffff;
	_ =	sdelay $0x2  }
0x3c: {  	vm2 =	vgt.s32 v6, $0xFFFFFFFF  }
0x3d: {  	v6 =	vnsel vm2, $0x0, v7  }
0x3e: {  	v51 =	vld [tilespmem:$0x1EF60];
	[tilespmem:$0x1F0C0] =	vst v6;
	v6 =	vnsel vm2, $0x7FFFFFFF, v8  }
0x3f: {  	[tilespmem:$0x1F240] =	vst v6;
	v6 =	vld [tilespmem:$0x1EDD0]  }
0x40: {  	v7 =	vld.idx.msk [tilespmem:v50+s18+$0x0], $0xffff  }
0x41: {  	v9 =	vld.idx.msk [tilespmem:v50+s30+$0x0], $0xffff;
	_ =	sdelay $0x2  }
0x42: {  	vm2 =	vgt.s32 v6, $0xFFFFFFFF  }
0x43: {  	v6 =	vnsel vm2, $0x0, v7  }
0x44: {  	v52 =	vld [tilespmem:$0x1EF70];
	[tilespmem:$0x1F0D0] =	vst v6;
	v6 =	vnsel vm2, $0x7FFFFFFF, v9  }
0x45: {  	[tilespmem:$0x1F250] =	vst v6;
	v6 =	vld [tilespmem:$0x1EDE0]  }
0x46: {  	v7 =	vld.idx.msk [tilespmem:v51+s18+$0x0], $0xffff  }
0x47: {  	v8 =	vld.idx.msk [tilespmem:v51+s30+$0x0], $0xffff;
	_ =	sdelay $0x2  }
0x48: {  	vm2 =	vgt.s32 v6, $0xFFFFFFFF  }
0x49: {  	v6 =	vnsel vm2, $0x0, v7  }
0x4a: {  	v53 =	vld [tilespmem:$0x1EF80];
	[tilespmem:$0x1F0E0] =	vst v6;
	v6 =	vnsel vm2, $0x7FFFFFFF, v8  }
0x4b: {  	[tilespmem:$0x1F260] =	vst v6;
	v6 =	vld [tilespmem:$0x1EDF0]  }
0x4c: {  	v7 =	vld.idx.msk [tilespmem:v52+s18+$0x0], $0xffff  }
0x4d: {  	v9 =	vld.idx.msk [tilespmem:v52+s30+$0x0], $0xffff;
	_ =	sdelay $0x2  }
0x4e: {  	vm2 =	vgt.s32 v6, $0xFFFFFFFF  }
0x4f: {  	v6 =	vnsel vm2, $0x0, v7  }
0x50: {  	v54 =	vld [tilespmem:$0x1EF90];
	[tilespmem:$0x1F0F0] =	vst v6;
	v6 =	vnsel vm2, $0x7FFFFFFF, v9  }
0x51: {  	[tilespmem:$0x1F270] =	vst v6;
	v6 =	vld [tilespmem:$0x1EE00]  }
0x52: {  	v7 =	vld.idx.msk [tilespmem:v53+s18+$0x0], $0xffff  }
0x53: {  	v8 =	vld.idx.msk [tilespmem:v53+s30+$0x0], $0xffff;
	_ =	sdelay $0x2  }
0x54: {  	vm2 =	vgt.s32 v6, $0xFFFFFFFF  }
0x55: {  	v6 =	vnsel vm2, $0x0, v7  }
0x56: {  	v55 =	vld [tilespmem:$0x1EFA0];
	[tilespmem:$0x1F100] =	vst v6;
	v6 =	vnsel vm2, $0x7FFFFFFF, v8  }
0x57: {  	[tilespmem:$0x1F280] =	vst v6;
	v6 =	vld [tilespmem:$0x1EE10]  }
0x58: {  	v7 =	vld.idx.msk [tilespmem:v54+s18+$0x0], $0xffff  }
0x59: {  	v9 =	vld.idx.msk [tilespmem:v54+s30+$0x0], $0xffff;
	_ =	sdelay $0x2  }
0x5a: {  	vm2 =	vgt.s32 v6, $0xFFFFFFFF  }
0x5b: {  	v6 =	vnsel vm2, $0x0, v7  }
0x5c: {  	v56 =	vld [tilespmem:$0x1EFB0];
	[tilespmem:$0x1F110] =	vst v6;
	v6 =	vnsel vm2, $0x7FFFFFFF, v9  }
0x5d: {  	[tilespmem:$0x1F290] =	vst v6;
	v6 =	vld [tilespmem:$0x1EE20]  }
0x5e: {  	v7 =	vld.idx.msk [tilespmem:v55+s18+$0x0], $0xffff  }
0x5f: {  	v8 =	vld.idx.msk [tilespmem:v55+s30+$0x0], $0xffff;
	_ =	sdelay $0x2  }
0x60: {  	vm2 =	vgt.s32 v6, $0xFFFFFFFF  }
0x61: {  	v6 =	vnsel vm2, $0x0, v7  }
0x62: {  	v57 =	vld [tilespmem:$0x1EFC0];
	[tilespmem:$0x1F120] =	vst v6;
	v6 =	vnsel vm2, $0x7FFFFFFF, v8  }
0x63: {  	[tilespmem:$0x1F2A0] =	vst v6;
	v6 =	vld [tilespmem:$0x1EE30]  }
0x64: {  	v7 =	vld.idx.msk [tilespmem:v56+s18+$0x0], $0xffff  }
0x65: {  	v9 =	vld.idx.msk [tilespmem:v56+s30+$0x0], $0xffff;
	_ =	sdelay $0x2  }
0x66: {  	vm2 =	vgt.s32 v6, $0xFFFFFFFF  }
0x67: {  	v6 =	vnsel vm2, $0x0, v7  }
0x68: {  	v58 =	vld [tilespmem:$0x1EFD0];
	[tilespmem:$0x1F130] =	vst v6;
	v6 =	vnsel vm2, $0x7FFFFFFF, v9  }
0x69: {  	[tilespmem:$0x1F2B0] =	vst v6;
	v6 =	vld [tilespmem:$0x1EE40]  }
0x6a: {  	v7 =	vld.idx.msk [tilespmem:v57+s18+$0x0], $0xffff  }
0x6b: {  	v8 =	vld.idx.msk [tilespmem:v57+s30+$0x0], $0xffff;
	_ =	sdelay $0x2  }
0x6c: {  	vm2 =	vgt.s32 v6, $0xFFFFFFFF  }
0x6d: {  	v6 =	vnsel vm2, $0x0, v7  }
0x6e: {  	v59 =	vld [tilespmem:$0x1EFE0];
	[tilespmem:$0x1F140] =	vst v6;
	v6 =	vnsel vm2, $0x7FFFFFFF, v8  }
0x6f: {  	[tilespmem:$0x1F2C0] =	vst v6;
	v6 =	vld [tilespmem:$0x1EE50]  }
0x70: {  	v7 =	vld.idx.msk [tilespmem:v58+s18+$0x0], $0xffff  }
0x71: {  	v9 =	vld.idx.msk [tilespmem:v58+s30+$0x0], $0xffff;
	_ =	sdelay $0x2  }
0x72: {  	vm2 =	vgt.s32 v6, $0xFFFFFFFF  }
0x73: {  	v6 =	vnsel vm2, $0x0, v7  }
0x74: {  	v60 =	vld [tilespmem:$0x1EFF0];
	[tilespmem:$0x1F150] =	vst v6;
	v6 =	vnsel vm2, $0x7FFFFFFF, v9  }
0x75: {  	[tilespmem:$0x1F2D0] =	vst v6;
	v6 =	vld [tilespmem:$0x1EE60]  }
0x76: {  	v7 =	vld.idx.msk [tilespmem:v59+s18+$0x0], $0xffff  }
0x77: {  	v8 =	vld.idx.msk [tilespmem:v59+s30+$0x0], $0xffff;
	_ =	sdelay $0x2  }
0x78: {  	vm2 =	vgt.s32 v6, $0xFFFFFFFF  }
0x79: {  	v6 =	vnsel vm2, $0x0, v7  }
0x7a: {  	v61 =	vld [tilespmem:$0x1F000];
	[tilespmem:$0x1F160] =	vst v6;
	v6 =	vnsel vm2, $0x7FFFFFFF, v8  }
0x7b: {  	[tilespmem:$0x1F2E0] =	vst v6;
	v6 =	vld [tilespmem:$0x1EE70]  }
0x7c: {  	v7 =	vld.idx.msk [tilespmem:v60+s18+$0x0], $0xffff  }
0x7d: {  	v9 =	vld.idx.msk [tilespmem:v60+s30+$0x0], $0xffff;
	_ =	sdelay $0x2  }
0x7e: {  	vm2 =	vgt.s32 v6, $0xFFFFFFFF  }
0x7f: {  	v6 =	vnsel vm2, $0x0, v7  }
0x80: {  	v62 =	vld [tilespmem:$0x1F010];
	[tilespmem:$0x1F170] =	vst v6;
	v6 =	vnsel vm2, $0x7FFFFFFF, v9  }
0x81: {  	[tilespmem:$0x1F2F0] =	vst v6;
	v6 =	vld [tilespmem:$0x1EE80]  }
0x82: {  	v7 =	vld.idx.msk [tilespmem:v61+s18+$0x0], $0xffff  }
0x83: {  	v8 =	vld.idx.msk [tilespmem:v61+s30+$0x0], $0xffff;
	_ =	sdelay $0x2  }
0x84: {  	vm2 =	vgt.s32 v6, $0xFFFFFFFF  }
0x85: {  	v6 =	vnsel vm2, $0x0, v7  }
0x86: {  	v63 =	vld [tilespmem:$0x1F020];
	[tilespmem:$0x1F180] =	vst v6;
	v6 =	vnsel vm2, $0x7FFFFFFF, v8  }
0x87: {  	[tilespmem:$0x1F300] =	vst v6;
	v6 =	vld [tilespmem:$0x1EE90]  }
0x88: {  	v7 =	vld.idx.msk [tilespmem:v62+s18+$0x0], $0xffff  }
0x89: {  	v9 =	vld.idx.msk [tilespmem:v62+s30+$0x0], $0xffff;
	_ =	sdelay $0x2  }
0x8a: {  	vm2 =	vgt.s32 v6, $0xFFFFFFFF  }
0x8b: {  	v6 =	vnsel vm2, $0x0, v7  }
0x8c: {  	[tilespmem:$0x1F190] =	vst v6;
	v6 =	vnsel vm2, $0x7FFFFFFF, v9  }
0x8d: {  	[tilespmem:$0x1F310] =	vst v6;
	v6 =	vld [tilespmem:$0x1EEA0]  }
0x8e: {  	v7 =	vld.idx.msk [tilespmem:v63+s18+$0x0], $0xffff  }
0x8f: {  	v8 =	vld.idx.msk [tilespmem:v63+s30+$0x0], $0xffff;
	_ =	sdelay $0x2  }
0x90: {  	vm2 =	vgt.s32 v6, $0xFFFFFFFF  }
0x91: {  	v6 =	vnsel vm2, $0x0, v7  }
0x92: {  	[tilespmem:$0x1F1A0] =	vst v6;
	v6 =	vnsel vm2, $0x7FFFFFFF, v8  }
0x93: {  	s5 =	rddreg [dreg:$0x9];
	[tilespmem:$0x1F320] =	vst v6  }
0x94: {  	[hbm4b:s5+s16] =	stream.strided.scatter [tilespmem:s28], [sflag:$0x1], $0x180, s17, s16, $0x38;
	[tilespmem:$0x1F400] =	vst v63  }
0x95: {  	_ =	swait.ge [sflag:s19], $0x180  }
0x96: {  	[sflag:s19] =	ssyncset.done $0x0  }
0x97: {  	s1 =	simm.s32 $0x1F080;
	s6 =	rddreg [dreg:$0xa];
	[sflag:s19] =	ssyncadd.s32 $0xFFFFFE80  }
0x98: {  	[hbm4b:s6+s16] =	stream.strided.scatter [tilespmem:s1], [sflag:$0x1], $0x180, s17, s16, $0x38;
	[tilespmem:$0x1F400] =	vst v63  }
0x99: {  	_ =	swait.ge [sflag:s19], $0x180  }
0x9a: {  	[sflag:s19] =	ssyncset.done $0x0  }
0x9b: {  	s7 =	rddreg [dreg:$0xb];
	[sflag:s19] =	ssyncadd.s32 $0xFFFFFE80  }
0x9c: {  	[hbm4b:s7+s16] =	stream.strided.scatter [tilespmem:s22], [sflag:$0x1], $0x180, s17, s16, $0x38;
	[tilespmem:$0x1F400] =	vst v63  }
0x9d: {  	_ =	swait.ge [sflag:s19], $0x180  }
0x9e: {  	[sflag:s19] =	ssyncset.done $0x0  }
0x9f: {  	s8 =	rddreg [dreg:$0xc];
	[sflag:s19] =	ssyncadd.s32 $0xFFFFFE80  }
0xa0: {  	[hbm4b:s8+s16] =	stream.strided.scatter [tilespmem:s23], [sflag:$0x1], $0x180, s17, s16, $0x38;
	[tilespmem:$0x1F400] =	vst v63  }
0xa1: {  	_ =	swait.ge [sflag:s19], $0x180  }
0xa2: {  	[sflag:s19] =	ssyncset.done $0x0  }
0xa3: {  	s9 =	rddreg [dreg:$0xd];
	[sflag:s19] =	ssyncadd.s32 $0xFFFFFE80  }
0xa4: {  	[hbm4b:s9+s16] =	stream.strided.scatter [tilespmem:s24], [sflag:$0x1], $0x180, s17, s16, $0x38;
	[tilespmem:$0x1F400] =	vst v63  }
0xa5: {  	_ =	swait.ge [sflag:s19], $0x180  }
0xa6: {  	[sflag:s19] =	ssyncset.done $0x0  }
0xa7: {  	s10 =	rddreg [dreg:$0xe];
	[sflag:s19] =	ssyncadd.s32 $0xFFFFFE80  }
0xa8: {  	[hbm4b:s10+s16] =	stream.strided.scatter [tilespmem:s25], [sflag:$0x1], $0x180, s17, s16, $0x38;
	[tilespmem:$0x1F400] =	vst v63  }
0xa9: {  	_ =	swait.ge [sflag:s19], $0x180  }
0xaa: {  	[sflag:s19] =	ssyncset.done $0x0  }
0xab: {  	s12 =	simm.s32 $0x1F200;
	s11 =	rddreg [dreg:$0xf];
	[sflag:s19] =	ssyncadd.s32 $0xFFFFFE80  }
0xac: {  	[hbm4b:s11+s16] =	stream.strided.scatter [tilespmem:s12], [sflag:$0x1], $0x180, s17, s16, $0x38;
	[tilespmem:$0x1F400] =	vst v63  }
0xad: {  	s20 =	sadd.s32 $0x1, s20;
	_ =	swait.ge [sflag:s19], $0x180  }
0xae: {  	s31 =	simm.s32 $0x1F380;
	p0 =	sne.s32 s20, s15;
	[sflag:s19] =	ssyncset.done $0x0  }
.Ltmp2:
0xaf: {  	s13 =	rddreg [dreg:$0x10];
	[sflag:s19] =	ssyncadd.s32 $0xFFFFFE80;
	(pc) =	sbr.rel @!p0 .LBB2_115-.Ltmp2, $4  }
0xb0: {  	[hbm4b:s13+s2] =	stream.linear.scatter [tilespmem:s31], [sflag:$0x1], $0x80, $0x38;
	[tilespmem:$0x1F400] =	vst v63  }
0xb1: {  	_ =	swait.ge [sflag:s19], $0x80  }
0xb2: {  	[sflag:s19] =	ssyncset.done $0x0  }
0xb3: {  	[sflag:s19] =	ssyncadd.s32 $0xFFFFFF80  }
.LBB2_2:
0xb4: {  	[tilespmem:s18], [sflag:$0x1] =	stream.strided.gather [hbm4b:s14+s16], $0x4E80, s17, s16, $0x38;
	[tilespmem:$0x1F400] =	vst v63  }
0xb5: {  	_ =	swait.ge [sflag:s19], $0x4E80  }
0xb6: {  	[sflag:s19] =	ssyncset.done $0x0  }
0xb7: {  	s0 =	simm.s32 $0x1D580;
	[sflag:s19] =	ssyncadd.s32 $0xFFFFB180  }
0xb8: {  	[tilespmem:s0], [sflag:$0x1] =	stream.linear.gather [hbm4b:s3+s2], $0x80, $0x38;
	[tilespmem:$0x1F400] =	vst v63  }
.Ltmp3:
0xb9: {  	_ =	swait.ge [sflag:s19], $0x80;
	(pc) =	sbr.rel .LBB2_3-.Ltmp3, $4  }
0xba: {  	[sflag:s19] =	ssyncset.done $0x0  }
0xbb: {  	[sflag:s19] =	ssyncadd.s32 $0xFFFFFF80  }
0xbc: {  	[smem:$0x0] =	sst s2  }
0xbd: {  	p1 =	por $0x0, $0x0;
	p2 =	por $0x1, $0x1;
	[smem:$0x80] =	sst s2  }
.LBB2_113:
.Ltmp4:
0xbe: {  	(pc) =	sbr.rel @!p0 .LBB2_114-.Ltmp4, $2  }
0xbf: {  	_ =	sdelay $0x2  }
0xc0: {  	p1 =	por $0x1, $0x1;
	p2 =	por $0x0, $0x0  }
.LBB2_3:
0xc1: {  	s5 =	sld [smem:$0x0]  }
0xc2: {  	s0 =	sld [smem:$0x80];
	_ =	sdelay $0x2  }
0xc3: {  	p0 =	slt.s32 s5, $0x12C;
	p3 =	slt.s32 s0, $0x4E20  }
0xc4: {  	p3 =	por !p0, !p3  }
0xc5: {  	p0 =	por p2, p2;
	p6 =	por !p3, !p3  }
0xc6: {  	p2 =	por p0, p6  }
.Ltmp5:
0xc7: {  	_ = 	snop;
	(pc) =	sbr.rel @!p2 .LBB2_114-.Ltmp5, $1  }
0xc8: {  	_ =	sdelay $0x3  }
0xc9: {  	s0 =	simm.s32 $0x18700  }
0xca: {  	v7 =	vld [tilespmem:s0+$0x0];
	_ =	sdelay $0x3  }
0xcb: {  	v6 =	vld [tilespmem:$0x1D580]  }
0xcc: {  	vm2 =	vlt.s32 v7, $0x0  }
0xcd: {  	v8 =	vsel vm2, $0x0, v0  }
0xce: {  	v7 =	vxor.u32 v7, v8  }
0xcf: {  	vm2 =	vmmov vm0;
	v8 =	vxor.u32 $0x80000000, v7  }
0xd0: {  	vm2 =	vmneg @p1 vm2;
	vm3 =	vle.s32 v8, v6  }
0xd1: {  	vm3 =	vmor vm2, vm3  }
0xd2: {  	v8 =	vmpcnt.ones.xlane vm3;
	_ =	sdelay $0x1  }
0xd3: {  	s0 =	simm.s32 $0x0;
	(v2sf) =	vpush v8, $0x0  }
0xd4: {  	[tilespmem:s0+$0x0] =	vst.msk vm3, v7;
	v7 =	vor.u32 s0, v1  }
0xd5: {  	s5 =	simm.s32 $0x18710;
	[tilespmem:s0+$0x4E20] =	vst.msk vm3, v7  }
0xd6: {  	s1 =	simm.s32 $0x10;
	s6 =	simm.s32 $0x20;
	v7 =	vld [tilespmem:s5+$0x0]  }
.LBB2_5:
0xd7: {  	p1 =	sne.s32 s6, $0x4E10;
	_ =	sdelay $0x3  }
0xd8: {  	vm3 =	vlt.s32 v7, $0x0  }
0xd9: {  	v8 =	vsel vm3, $0x0, v0  }
0xda: {  	v7 =	vxor.u32 v7, v8  }
0xdb: {  	v8 =	vxor.u32 $0x80000000, v7  }
0xdc: {  	vm3 =	vle.s32 v8, v6  }
0xdd: {  	vm3 =	vmor vm2, vm3  }
0xde: {  	v8 =	vmpcnt.ones.xlane vm3  }
.Ltmp6:
0xdf: {  	s7 =	spop (v2sf);
	(pc) =	sbr.rel @p1 .LBB2_5-.Ltmp6, $4  }
0xe0: {  	(v2sf) =	vpush v8, $0x0;
	s0 =	sadd.s32 s0, s7  }
0xe1: {  	v8 =	vor.u32 s1, v1;
	s1 =	smov.u32 s6;
	[tilespmem:s0+$0x0] =	vst.msk vm3, v7  }
0xe2: {  	s5 =	sadd.s32 $0x10, s5;
	[tilespmem:s0+$0x4E20] =	vst.msk vm3, v8  }
0xe3: {  	s6 =	sadd.s32 $0x10, s6;
	v7 =	vld [tilespmem:s5+$0x0]  }
0xe4: {  	_ =	sdelay $0x3  }
0xe5: {  	vm3 =	vlt.s32 v7, $0x0  }
0xe6: {  	v8 =	vsel vm3, $0x0, v0  }
0xe7: {  	v7 =	vxor.u32 v7, v8  }
0xe8: {  	v8 =	vxor.u32 $0x80000000, v7  }
0xe9: {  	vm3 =	vle.s32 v8, v6  }
0xea: {  	vm2 =	vmor vm2, vm3  }
0xeb: {  	v6 =	vmpcnt.ones.xlane vm2;
	_ =	sdelay $0x1  }
0xec: {  	(v2sf) =	vpush v6, $0x0;
	_ =	sdelay $0xd  }
0xed: {  	s5 =	spop (v2sf)  }
0xee: {  	s0 =	sadd.s32 s0, s5;
	s13 =	spop (v2sf)  }
0xef: {  	v6 =	vor.u32 s1, v1;
	[tilespmem:s0+$0x0] =	vst.msk vm2, v7;
	s31 =	sadd.s32 s0, s13  }
0xf0: {  	s1 =	simm.s32 $0x0;
	[tilespmem:s0+$0x4E20] =	vst.msk vm2, v6;
	s0 =	simm.s32 $0x40;
	[smem:$0x80] =	sst s31  }
.LBB2_7:
0xf1: {  	p1 =	sne.s32 s0, $0x3FC0;
	[tilespmem:s1+$0x1D600] =	vst v2;
	s1 =	smov.u32 s0;
	s0 =	sadd.s32 $0x40, s0  }
.Ltmp7:
0xf2: {  	(pc) =	sbr.rel @p1 .LBB2_7-.Ltmp7, $2  }
0xf3: {  	_ =	sdelay $0x2  }
0xf4: {  	s1 =	sshra.s32 s1, $0x2  }
0xf5: {  	s0 =	sadd.s32 $0xF, s31  }
0xf6: {  	s5 =	sand.u32 $0xF, s0  }
0xf7: {  	s6 =	sshra.s32 s0, $0x1F;
	p1 =	slt.s32 s0, $0x1;
	p2 =	sne.s32 s5, $0x0  }
0xf8: {  	s13 =	sshrl.u32 s6, $0x1C;
	s5 =	simm.s32 $0x1;
	p1 =	por !p1, !p2  }
.Ltmp8:
0xf9: {  	s0 =	sadd.s32 s13, s0;
	p1 =	por !p1, !p1;
	(pc) =	sbr.rel .LBB2_9-.Ltmp8, $4  }
0xfa: {  	s0 =	sshra.s32 s0, $0x4;
	s5 =	simm.s32 @!p1 $0x0  }
0xfb: {  	s0 =	ssub.s32 s0, s5  }
0xfc: {  	v8 =	vmul.u32 s0, v1  }
0xfd: {  	[tilespmem:s1+$0x1D600] =	vst v2;
	v6 =	vmov s31;
	s7 =	simm.s32 $0x0;
	s6 =	simm.s32 $0x0;
	s5 =	simm.s32 $0x0;
	v7 =	vmov s0  }
.LBB2_13:
0xfe: {  	s7 =	sadd.s32 $0x1, s7  }
0xff: {  	p1 =	sne.s32 s7, $0x32  }
.Ltmp9:
0x100: {  	_ = 	snop;
	(pc) =	sbr.rel @!p1 .LBB2_14-.Ltmp9, $2  }
0x101: {  	_ =	sdelay $0x2  }
0x102: {  	s6 =	sadd.s32 $0x19, s6;
	s1 =	simm.s32 $0x0  }
.LBB2_9:
0x103: {  	s1 =	smul.u32 $0x19, s7;
	_ =	sdelay $0x1  }
0x104: {  	p1 =	sge.s32 s1, s0  }
.Ltmp10:
0x105: {  	_ = 	snop;
	(pc) =	sbr.rel @p1 .LBB2_13-.Ltmp10, $1  }
0x106: {  	_ =	sdelay $0x3  }
0x107: {  	s1 =	sadd.s32 s5, s6  }
0x108: {  	v9 =	vadd.s32 s1, v8;
	_ =	sdelay $0x4  }
0x109: {  	v10 =	vld.idx.msk [tilespmem:v9+s2+$0x0], $0xffff;
	_ =	sdelay $0x3  }
0x10a: {  	v11 =	vmov s1  }
0x10b: {  	vm2 =	vlt.s32 v11, v7;
	vm3 =	vlt.s32 v9, v6;
	v10 =	vshll.u32 v10, $0x4  }
0x10c: {  	s13 =	sadd.s32 $0x1, s5;
	vm2 =	vmand vm2, vm3;
	v9 =	vor.u32 v1, v10  }
0x10d: {  	s8 =	sadd.s32 s13, s6;
	s1 =	sadd.s32 $0x1, s13;
	v9 =	vand.u32 $0xFFF, v9  }
.LBB2_11:
0x10e: {  	p1 =	sne.s32 s1, $0x18;
	v10 =	vadd.s32 s8, v8;
	_ =	sdelay $0x3  }
0x10f: {  	[tilespmem:v9+s21+$0x0] =	vst.idx.add.s32.msk vm2, v3  }
0x110: {  	v9 =	vld.idx.msk [tilespmem:v10+s2+$0x0], $0xffff;
	_ =	sdelay $0x3  }
.Ltmp11:
0x111: {  	(pc) =	sbr.rel @p1 .LBB2_11-.Ltmp11, $4  }
0x112: {  	v11 =	vmov s8  }
0x113: {  	vm3 =	vlt.s32 v10, v6;
	vm2 =	vlt.s32 v11, v7;
	v9 =	vshll.u32 v9, $0x4  }
0x114: {  	vm2 =	vmand vm2, vm3;
	v9 =	vor.u32 v1, v9  }
0x115: {  	s8 =	sadd.s32 s1, s6;
	s1 =	sadd.s32 $0x1, s1;
	v9 =	vand.u32 $0xFFF, v9  }
0x116: {  	_ = 	snop  }
0x117: {  	v10 =	vadd.s32 s8, v8;
	_ =	sdelay $0x3  }
0x118: {  	[tilespmem:v9+s21+$0x0] =	vst.idx.add.s32.msk vm2, v3  }
0x119: {  	v9 =	vld.idx.msk [tilespmem:v10+s2+$0x0], $0xffff;
	_ =	sdelay $0x3  }
0x11a: {  	v11 =	vmov s8  }
0x11b: {  	vm2 =	vlt.s32 v11, v7;
	vm3 =	vlt.s32 v10, v6;
	v9 =	vshll.u32 v9, $0x4  }
0x11c: {  	vm2 =	vmand vm2, vm3;
	v9 =	vor.u32 v1, v9  }
0x11d: {  	v9 =	vand.u32 $0xFFF, v9  }
.Ltmp12:
0x11e: {  	_ = 	snop;
	(pc) =	sbr.rel .LBB2_13-.Ltmp12, $2  }
0x11f: {  	_ =	sdelay $0x2  }
0x120: {  	[tilespmem:v9+s21+$0x0] =	vst.idx.add.s32.msk vm2, v3  }
.LBB2_14:
0x121: {  	s6 =	sshra.s32 s1, $0x2  }
0x122: {  	v9 =	vld [tilespmem:s6+$0x1D600];
	_ =	sdelay $0x4  }
0x123: {  	(xrf0) =	vadd.scan.msk.s32 $0xffff, v9;
	_ =	sdelay $0x5  }
0x124: {  	v10, _, _ =	vpop (xrf0)  }
0x125: {  	(v2sf) =	vpush v10, $0xF  }
0x126: {  	v9 =	vsub.s32 s1, v9  }
0x127: {  	s7 =	sadd.s32 $0x40, s1;
	v9 =	vadd.s32 v10, v9  }
0x128: {  	s5 =	sshra.s32 s7, $0x2;
	s7 =	sadd.s32 $0x40, s7;
	[tilespmem:s6+$0x1D600] =	vst v9;
	s6 =	simm.s32 $0x0  }
.LBB2_15:
0x129: {  	p1 =	sne.s32 s7, $0x3FC0;
	v9 =	vld [tilespmem:s5+$0x1D600];
	_ =	sdelay $0x4  }
0x12a: {  	(xrf0) =	vadd.scan.msk.s32 $0xffff, v9;
	_ =	sdelay $0x5  }
.Ltmp13:
0x12b: {  	v10, _, _ =	vpop (xrf0);
	s8 =	spop (v2sf);
	(pc) =	sbr.rel @p1 .LBB2_15-.Ltmp13, $4  }
0x12c: {  	(v2sf) =	vpush v10, $0xF;
	s6 =	sadd.s32 s6, s8  }
0x12d: {  	v9 =	vsub.s32 s6, v9  }
0x12e: {  	v9 =	vadd.s32 v10, v9  }
0x12f: {  	[tilespmem:s5+$0x1D600] =	vst v9;
	s5 =	sshra.s32 s7, $0x2;
	s7 =	sadd.s32 $0x40, s7  }
0x130: {  	v9 =	vld [tilespmem:s5+$0x1D600];
	_ =	sdelay $0x4  }
0x131: {  	(xrf0) =	vadd.scan.msk.s32 $0xffff, v9;
	_ =	sdelay $0x5  }
0x132: {  	v10, _, _ =	vpop (xrf0)  }
0x133: {  	(v2sf) =	vpush v10, $0xF;
	_ =	sdelay $0xa  }
.Ltmp14:
0x134: {  	s7 =	spop (v2sf);
	(pc) =	sbr.rel .LBB2_17-.Ltmp14, $4  }
0x135: {  	s6 =	sadd.s32 s6, s7  }
0x136: {  	v9 =	vsub.s32 s6, v9  }
0x137: {  	v9 =	vadd.s32 v10, v9  }
0x138: {  	[tilespmem:s5+$0x1D600] =	vst v9;
	s5 =	simm.s32 $0x0;
	s13 =	spop (v2sf)  }
.LBB2_21:
0x139: {  	s5 =	sadd.s32 $0x1, s5  }
0x13a: {  	p1 =	seq.s32 s5, $0x32  }
.Ltmp15:
0x13b: {  	_ = 	snop;
	(pc) =	sbr.rel @p1 .LBB2_22-.Ltmp15, $2  }
0x13c: {  	_ =	sdelay $0x2  }
0x13d: {  	s1 =	sadd.s32 $0x19, s1  }
.LBB2_17:
0x13e: {  	s6 =	smul.u32 $0x19, s5;
	_ =	sdelay $0x1  }
0x13f: {  	p1 =	sge.s32 s6, s0  }
.Ltmp16:
0x140: {  	_ = 	snop;
	(pc) =	sbr.rel @p1 .LBB2_21-.Ltmp16, $1  }
0x141: {  	_ =	sdelay $0x3  }
0x142: {  	s6 =	sadd.s32 $0x0, s1  }
0x143: {  	v9 =	vadd.s32 s6, v8;
	_ =	sdelay $0x4  }
0x144: {  	v13 =	vld.idx.msk [tilespmem:v9+s2+$0x0], $0xffff;
	_ =	sdelay $0x4  }
0x145: {  	v10 =	vshll.u32 v13, $0x4  }
0x146: {  	v10 =	vor.u32 v1, v10  }
0x147: {  	v10 =	vand.u32 $0xFFF, v10;
	_ =	sdelay $0x3  }
0x148: {  	v11 =	vmov s6  }
0x149: {  	vm2 =	vlt.s32 v11, v7;
	vm3 =	vlt.s32 v9, v6;
	v12 =	vld.idx.msk [tilespmem:v10+s21+$0x0], $0xffff  }
0x14a: {  	vm3 =	vmand vm2, vm3;
	v9 =	vadd.s32 $0x4E20, v9;
	_ =	sdelay $0x3  }
0x14b: {  	v14 =	vadd.s32 $0x9C40, v12  }
0x14c: {  	s13 =	sadd.s32 $0x1, s1;
	v11 =	vld.idx.msk [tilespmem:v9+s2+$0x0], $0xffff;
	v9 =	vadd.s32 $0x1, v12;
	v12 =	vadd.s32 $0xEA60, v12  }
0x14d: {  	[tilespmem:v10+s21+$0x0] =	vst.idx.msk vm3, v9;
	v10 =	vadd.s32 s13, v8;
	_ =	sdelay $0x1  }
0x14e: {  	v9 =	vmov s13  }
0x14f: {  	s6 =	simm.s32 $0x2;
	vm2 =	vlt.s32 v9, v7;
	v9 =	vadd.s32 $0x4E20, v10;
	[tilespmem:v14+s2+$0x0] =	vst.idx.msk vm3, v13  }
.LBB2_19:
0x150: {  	p1 =	sne.s32 s6, $0x18;
	[tilespmem:v12+s2+$0x0] =	vst.idx.msk vm3, v11;
	s7 =	smov.u32 s6;
	s6 =	sadd.s32 $0x1, s6  }
0x151: {  	v13 =	vld.idx.msk [tilespmem:v10+s2+$0x0], $0xffff;
	_ =	sdelay $0x5  }
0x152: {  	v11 =	vshll.u32 v13, $0x4  }
0x153: {  	v11 =	vor.u32 v1, v11  }
0x154: {  	v12 =	vand.u32 $0xFFF, v11;
	_ =	sdelay $0x4  }
0x155: {  	vm3 =	vlt.s32 v10, v6;
	v10 =	vld.idx.msk [tilespmem:v12+s21+$0x0], $0xffff  }
0x156: {  	vm3 =	vmand vm2, vm3;
	_ =	sdelay $0x4  }
0x157: {  	v14 =	vadd.s32 $0x9C40, v10;
	v11 =	vld.idx.msk [tilespmem:v9+s2+$0x0], $0xffff;
	v9 =	vadd.s32 $0x1, v10  }
.Ltmp17:
0x158: {  	s7 =	sadd.s32 s7, s1;
	[tilespmem:v12+s21+$0x0] =	vst.idx.msk vm3, v9;
	v12 =	vadd.s32 $0xEA60, v10;
	(pc) =	sbr.rel @p1 .LBB2_19-.Ltmp17, $3  }
0x159: {  	v9 =	vmov s7;
	v10 =	vadd.s32 s7, v8  }
0x15a: {  	vm2 =	vlt.s32 v9, v7;
	v9 =	vadd.s32 $0x4E20, v10;
	_ =	sdelay $0x1  }
0x15b: {  	[tilespmem:v14+s2+$0x0] =	vst.idx.msk vm3, v13  }
0x15c: {  	_ =	sdelay $0x4  }
0x15d: {  	[tilespmem:v12+s2+$0x0] =	vst.idx.msk vm3, v11  }
0x15e: {  	v11 =	vld.idx.msk [tilespmem:v10+s2+$0x0], $0xffff;
	_ =	sdelay $0x4  }
0x15f: {  	v63 =	vshll.u32 v11, $0x4  }
0x160: {  	v12 =	vor.u32 v1, v63  }
0x161: {  	v12 =	vand.u32 $0xFFF, v12;
	_ =	sdelay $0x4  }
0x162: {  	v13 =	vld.idx.msk [tilespmem:v12+s21+$0x0], $0xffff;
	_ =	sdelay $0x1  }
0x163: {  	vm3 =	vlt.s32 v10, v6  }
0x164: {  	vm2 =	vmand vm2, vm3;
	_ =	sdelay $0x1  }
0x165: {  	v10 =	vadd.s32 $0x9C40, v13  }
0x166: {  	v9 =	vld.idx.msk [tilespmem:v9+s2+$0x0], $0xffff;
	v14 =	vadd.s32 $0xEA60, v13  }
.Ltmp18:
0x167: {  	_ = 	snop;
	(pc) =	sbr.rel .LBB2_21-.Ltmp18, $4  }
0x168: {  	v13 =	vadd.s32 $0x1, v13  }
0x169: {  	[tilespmem:v12+s21+$0x0] =	vst.idx.msk vm2, v13  }
0x16a: {  	[tilespmem:v10+s2+$0x0] =	vst.idx.msk vm2, v11  }
0x16b: {  	[tilespmem:v14+s2+$0x0] =	vst.idx.msk vm2, v9  }
.LBB2_22:
0x16c: {  	s1 =	simm.s32 $0x40;
	s5 =	simm.s32 $0x0  }
.LBB2_23:
0x16d: {  	p1 =	seq.s32 s1, $0x3FC0;
	[tilespmem:s5+$0x1D600] =	vst v2;
	s5 =	smov.u32 s1;
	s1 =	sadd.s32 $0x40, s1  }
.Ltmp19:
0x16e: {  	(pc) =	sbr.rel @!p1 .LBB2_23-.Ltmp19, $2  }
0x16f: {  	_ =	sdelay $0x2  }
0x170: {  	s5 =	sshra.s32 s5, $0x2  }
.Ltmp20:
0x171: {  	(pc) =	sbr.rel .LBB2_25-.Ltmp20, $2  }
0x172: {  	_ =	sdelay $0x2  }
0x173: {  	[tilespmem:s5+$0x1D600] =	vst v2;
	v9 =	vadd.s32 $0x9C40, v8;
	s1 =	simm.s32 $0x0;
	s6 =	simm.s32 $0x0;
	s7 =	simm.s32 $0x0  }
.LBB2_29:
0x174: {  	s7 =	sadd.s32 $0x1, s7  }
0x175: {  	p1 =	sne.s32 s7, $0x32  }
.Ltmp21:
0x176: {  	_ = 	snop;
	(pc) =	sbr.rel @!p1 .LBB2_30-.Ltmp21, $2  }
0x177: {  	_ =	sdelay $0x2  }
0x178: {  	s6 =	sadd.s32 $0x19, s6;
	s5 =	simm.s32 $0x0  }
.LBB2_25:
0x179: {  	s5 =	smul.u32 $0x19, s7;
	_ =	sdelay $0x1  }
0x17a: {  	p1 =	sge.s32 s5, s0  }
.Ltmp22:
0x17b: {  	_ = 	snop;
	(pc) =	sbr.rel @p1 .LBB2_29-.Ltmp22, $1  }
0x17c: {  	_ =	sdelay $0x3  }
0x17d: {  	s5 =	sadd.s32 s1, s6  }
0x17e: {  	v10 =	vadd.s32 s5, v9;
	_ =	sdelay $0x4  }
0x17f: {  	v10 =	vld.idx.msk [tilespmem:v10+s2+$0x0], $0xffff;
	_ =	sdelay $0x3  }
0x180: {  	v11 =	vmov s5;
	v12 =	vadd.s32 s5, v8  }
0x181: {  	vm2 =	vlt.s32 v11, v7;
	vm3 =	vlt.s32 v12, v6;
	v10 =	vshrl.u32 v10, $0x4  }
0x182: {  	s13 =	sadd.s32 $0x1, s1;
	vm2 =	vmand vm2, vm3;
	v10 =	vand.u32 $0xFF0, v10  }
0x183: {  	s8 =	sadd.s32 s13, s6;
	s5 =	sadd.s32 $0x1, s13;
	v10 =	vor.u32 v1, v10  }
.LBB2_27:
0x184: {  	p1 =	sne.s32 s5, $0x18;
	v11 =	vadd.s32 s8, v9;
	_ =	sdelay $0x3  }
0x185: {  	[tilespmem:v10+s21+$0x0] =	vst.idx.add.s32.msk vm2, v3  }
0x186: {  	v10 =	vld.idx.msk [tilespmem:v11+s2+$0x0], $0xffff;
	_ =	sdelay $0x3  }
.Ltmp23:
0x187: {  	(pc) =	sbr.rel @p1 .LBB2_27-.Ltmp23, $4  }
0x188: {  	v12 =	vadd.s32 s8, v8;
	v11 =	vmov s8  }
0x189: {  	vm3 =	vlt.s32 v12, v6;
	vm2 =	vlt.s32 v11, v7;
	v10 =	vshrl.u32 v10, $0x4  }
0x18a: {  	vm2 =	vmand vm2, vm3;
	v10 =	vand.u32 $0xFF0, v10  }
0x18b: {  	s8 =	sadd.s32 s5, s6;
	s5 =	sadd.s32 $0x1, s5;
	v10 =	vor.u32 v1, v10  }
0x18c: {  	_ = 	snop  }
0x18d: {  	v11 =	vadd.s32 s8, v9;
	_ =	sdelay $0x3  }
0x18e: {  	[tilespmem:v10+s21+$0x0] =	vst.idx.add.s32.msk vm2, v3  }
0x18f: {  	v10 =	vld.idx.msk [tilespmem:v11+s2+$0x0], $0xffff;
	_ =	sdelay $0x3  }
0x190: {  	v12 =	vadd.s32 s8, v8;
	v11 =	vmov s8  }
0x191: {  	vm3 =	vlt.s32 v12, v6;
	vm2 =	vlt.s32 v11, v7;
	v10 =	vshrl.u32 v10, $0x4  }
0x192: {  	vm2 =	vmand vm2, vm3;
	v10 =	vand.u32 $0xFF0, v10  }
0x193: {  	v10 =	vor.u32 v1, v10  }
.Ltmp24:
0x194: {  	_ = 	snop;
	(pc) =	sbr.rel .LBB2_29-.Ltmp24, $2  }
0x195: {  	_ =	sdelay $0x2  }
0x196: {  	[tilespmem:v10+s21+$0x0] =	vst.idx.add.s32.msk vm2, v3  }
.LBB2_30:
0x197: {  	s6 =	sshra.s32 s5, $0x2  }
0x198: {  	v10 =	vld [tilespmem:s6+$0x1D600];
	_ =	sdelay $0x4  }
0x199: {  	(xrf0) =	vadd.scan.msk.s32 $0xffff, v10;
	_ =	sdelay $0x5  }
0x19a: {  	v11, _, _ =	vpop (xrf0)  }
0x19b: {  	(v2sf) =	vpush v11, $0xF  }
0x19c: {  	v10 =	vsub.s32 s5, v10  }
0x19d: {  	s7 =	sadd.s32 $0x40, s5;
	v10 =	vadd.s32 v11, v10  }
0x19e: {  	s1 =	sshra.s32 s7, $0x2;
	s7 =	sadd.s32 $0x40, s7;
	[tilespmem:s6+$0x1D600] =	vst v10;
	s6 =	simm.s32 $0x0  }
.LBB2_31:
0x19f: {  	p1 =	sne.s32 s7, $0x3FC0;
	v10 =	vld [tilespmem:s1+$0x1D600];
	_ =	sdelay $0x4  }
0x1a0: {  	(xrf0) =	vadd.scan.msk.s32 $0xffff, v10;
	_ =	sdelay $0x5  }
.Ltmp25:
0x1a1: {  	v11, _, _ =	vpop (xrf0);
	s8 =	spop (v2sf);
	(pc) =	sbr.rel @p1 .LBB2_31-.Ltmp25, $4  }
0x1a2: {  	(v2sf) =	vpush v11, $0xF;
	s6 =	sadd.s32 s6, s8  }
0x1a3: {  	v10 =	vsub.s32 s6, v10  }
0x1a4: {  	v10 =	vadd.s32 v11, v10  }
0x1a5: {  	[tilespmem:s1+$0x1D600] =	vst v10;
	s1 =	sshra.s32 s7, $0x2;
	s7 =	sadd.s32 $0x40, s7  }
0x1a6: {  	v10 =	vld [tilespmem:s1+$0x1D600];
	_ =	sdelay $0x4  }
0x1a7: {  	(xrf0) =	vadd.scan.msk.s32 $0xffff, v10;
	_ =	sdelay $0x5  }
0x1a8: {  	v11, _, _ =	vpop (xrf0)  }
0x1a9: {  	(v2sf) =	vpush v11, $0xF;
	_ =	sdelay $0xa  }
.Ltmp26:
0x1aa: {  	s7 =	spop (v2sf);
	(pc) =	sbr.rel .LBB2_33-.Ltmp26, $4  }
0x1ab: {  	s6 =	sadd.s32 s6, s7  }
0x1ac: {  	v10 =	vsub.s32 s6, v10  }
0x1ad: {  	v10 =	vadd.s32 v11, v10  }
0x1ae: {  	s6 =	simm.s32 $0x0;
	[tilespmem:s1+$0x1D600] =	vst v10;
	s13 =	spop (v2sf)  }
.LBB2_37:
0x1af: {  	s6 =	sadd.s32 $0x1, s6  }
0x1b0: {  	p1 =	sne.s32 s6, $0x32  }
.Ltmp27:
0x1b1: {  	_ = 	snop;
	(pc) =	sbr.rel @!p1 .LBB2_38-.Ltmp27, $2  }
0x1b2: {  	_ =	sdelay $0x2  }
0x1b3: {  	s5 =	sadd.s32 $0x19, s5  }
.LBB2_33:
0x1b4: {  	s1 =	smul.u32 $0x19, s6;
	_ =	sdelay $0x1  }
0x1b5: {  	p1 =	sge.s32 s1, s0  }
.Ltmp28:
0x1b6: {  	_ = 	snop;
	(pc) =	sbr.rel @p1 .LBB2_37-.Ltmp28, $2  }
0x1b7: {  	_ =	sdelay $0x2  }
0x1b8: {  	s1 =	simm.s32 $0x0  }
0x1b9: {  	s7 =	sadd.s32 $0x0, s5  }
0x1ba: {  	v10 =	vadd.s32 s7, v8  }
0x1bb: {  	v11 =	vadd.s32 $0x9C40, v10;
	_ =	sdelay $0x4  }
0x1bc: {  	v14 =	vld.idx.msk [tilespmem:v11+s2+$0x0], $0xffff;
	_ =	sdelay $0x4  }
0x1bd: {  	v11 =	vshrl.u32 v14, $0x4  }
0x1be: {  	v11 =	vand.u32 $0xFF0, v11  }
0x1bf: {  	v13 =	vor.u32 v1, v11;
	_ =	sdelay $0x3  }
0x1c0: {  	v11 =	vmov s7  }
0x1c1: {  	vm2 =	vlt.s32 v10, v6;
	vm3 =	vlt.s32 v11, v7;
	v15 =	vld.idx.msk [tilespmem:v13+s21+$0x0], $0xffff  }
0x1c2: {  	v10 =	vadd.s32 $0xEA60, v10;
	vm4 =	vmand vm3, vm2;
	_ =	sdelay $0x3  }
0x1c3: {  	s13 =	sadd.s32 $0x1, s5  }
0x1c4: {  	v11 =	vld.idx.msk [tilespmem:v10+s2+$0x0], $0xffff;
	v10 =	vadd.s32 s13, v8;
	v16 =	vadd.s32 $0x1, v15;
	v12 =	vadd.s32 $0x4E20, v15  }
0x1c5: {  	v17 =	vmov s13;
	[tilespmem:v13+s21+$0x0] =	vst.idx.msk vm4, v16;
	v13 =	vadd.s32 $0x9C40, v10  }
0x1c6: {  	s7 =	simm.s32 $0x2;
	vm2 =	vlt.s32 v10, v6;
	vm3 =	vlt.s32 v17, v7;
	v10 =	vadd.s32 $0xEA60, v10;
	[tilespmem:v15+s2+$0x0] =	vst.idx.msk vm4, v14  }
.LBB2_35:
0x1c7: {  	_ =	sdelay $0x1  }
0x1c8: {  	p1 =	sne.s32 s7, $0x18;
	s8 =	smov.u32 s7;
	s7 =	sadd.s32 $0x1, s7;
	[tilespmem:v12+s2+$0x0] =	vst.idx.msk vm4, v11  }
0x1c9: {  	v14 =	vld.idx.msk [tilespmem:v13+s2+$0x0], $0xffff;
	_ =	sdelay $0x5  }
0x1ca: {  	v11 =	vshrl.u32 v14, $0x4  }
0x1cb: {  	v11 =	vand.u32 $0xFF0, v11  }
0x1cc: {  	v15 =	vor.u32 v1, v11;
	_ =	sdelay $0x4  }
0x1cd: {  	v16 =	vld.idx.msk [tilespmem:v15+s21+$0x0], $0xffff  }
0x1ce: {  	vm4 =	vmand vm3, vm2;
	_ =	sdelay $0x2  }
.Ltmp29:
0x1cf: {  	(pc) =	sbr.rel @p1 .LBB2_35-.Ltmp29, $4  }
0x1d0: {  	s8 =	sadd.s32 s8, s5;
	v11 =	vld.idx.msk [tilespmem:v10+s2+$0x0], $0xffff  }
0x1d1: {  	v10 =	vadd.s32 s8, v8;
	v17 =	vadd.s32 $0x1, v16;
	v12 =	vadd.s32 $0x4E20, v16  }
0x1d2: {  	v18 =	vmov s8;
	vm2 =	vlt.s32 v10, v6;
	v13 =	vadd.s32 $0x9C40, v10;
	[tilespmem:v15+s21+$0x0] =	vst.idx.msk vm4, v17  }
0x1d3: {  	vm3 =	vlt.s32 v18, v7;
	v10 =	vadd.s32 $0xEA60, v10;
	[tilespmem:v16+s2+$0x0] =	vst.idx.msk vm4, v14  }
0x1d4: {  	_ =	sdelay $0x4  }
0x1d5: {  	[tilespmem:v12+s2+$0x0] =	vst.idx.msk vm4, v11  }
0x1d6: {  	v11 =	vld.idx.msk [tilespmem:v13+s2+$0x0], $0xffff;
	_ =	sdelay $0x4  }
0x1d7: {  	v62 =	vshrl.u32 v11, $0x4  }
0x1d8: {  	v12 =	vand.u32 $0xFF0, v62  }
0x1d9: {  	v12 =	vor.u32 v1, v12;
	_ =	sdelay $0x4  }
0x1da: {  	v63 =	vld.idx.msk [tilespmem:v12+s21+$0x0], $0xffff;
	_ =	sdelay $0x1  }
0x1db: {  	vm2 =	vmand vm3, vm2;
	_ =	sdelay $0x2  }
0x1dc: {  	v10 =	vld.idx.msk [tilespmem:v10+s2+$0x0], $0xffff;
	v14 =	vadd.s32 $0x4E20, v63  }
.Ltmp30:
0x1dd: {  	_ = 	snop;
	(pc) =	sbr.rel .LBB2_37-.Ltmp30, $4  }
0x1de: {  	v15 =	vadd.s32 $0x1, v63  }
0x1df: {  	[tilespmem:v12+s21+$0x0] =	vst.idx.msk vm2, v15  }
0x1e0: {  	[tilespmem:v63+s2+$0x0] =	vst.idx.msk vm2, v11  }
0x1e1: {  	[tilespmem:v14+s2+$0x0] =	vst.idx.msk vm2, v10  }
.LBB2_38:
0x1e2: {  	s5 =	simm.s32 $0x40;
	s6 =	simm.s32 $0x0  }
.LBB2_39:
0x1e3: {  	p1 =	sne.s32 s5, $0x3FC0;
	[tilespmem:s6+$0x1D600] =	vst v2;
	s6 =	smov.u32 s5;
	s5 =	sadd.s32 $0x40, s5  }
.Ltmp31:
0x1e4: {  	(pc) =	sbr.rel @p1 .LBB2_39-.Ltmp31, $2  }
0x1e5: {  	_ =	sdelay $0x2  }
0x1e6: {  	s6 =	sshra.s32 s6, $0x2  }
.Ltmp32:
0x1e7: {  	(pc) =	sbr.rel .LBB2_41-.Ltmp32, $2  }
0x1e8: {  	_ =	sdelay $0x2  }
0x1e9: {  	[tilespmem:s6+$0x1D600] =	vst v2;
	s6 =	simm.s32 $0x0  }
.LBB2_45:
0x1ea: {  	s6 =	sadd.s32 $0x1, s6  }
0x1eb: {  	p1 =	sne.s32 s6, $0x32  }
.Ltmp33:
0x1ec: {  	_ = 	snop;
	(pc) =	sbr.rel @!p1 .LBB2_46-.Ltmp33, $2  }
0x1ed: {  	_ =	sdelay $0x2  }
0x1ee: {  	s1 =	sadd.s32 $0x19, s1;
	s5 =	simm.s32 $0x0  }
.LBB2_41:
0x1ef: {  	s5 =	smul.u32 $0x19, s6;
	_ =	sdelay $0x1  }
0x1f0: {  	p1 =	sge.s32 s5, s0  }
.Ltmp34:
0x1f1: {  	_ = 	snop;
	(pc) =	sbr.rel @p1 .LBB2_45-.Ltmp34, $2  }
0x1f2: {  	_ =	sdelay $0x2  }
0x1f3: {  	s5 =	simm.s32 $0x0  }
0x1f4: {  	s7 =	sadd.s32 s5, s1  }
0x1f5: {  	v10 =	vadd.s32 s7, v8;
	_ =	sdelay $0x4  }
0x1f6: {  	v11 =	vld.idx.msk [tilespmem:v10+s2+$0x0], $0xffff;
	_ =	sdelay $0x3  }
0x1f7: {  	v12 =	vmov s7  }
0x1f8: {  	vm2 =	vlt.s32 v12, v7;
	vm3 =	vlt.s32 v10, v6;
	v11 =	vshrl.u32 v11, $0xC  }
0x1f9: {  	s13 =	sadd.s32 $0x1, s5;
	vm2 =	vmand vm2, vm3;
	v10 =	vand.u32 $0xFF0, v11  }
0x1fa: {  	s7 =	sadd.s32 s13, s1;
	s5 =	sadd.s32 $0x1, s13;
	v10 =	vor.u32 v1, v10  }
.LBB2_43:
0x1fb: {  	p1 =	sne.s32 s5, $0x18;
	v11 =	vadd.s32 s7, v8;
	_ =	sdelay $0x3  }
0x1fc: {  	[tilespmem:v10+s21+$0x0] =	vst.idx.add.s32.msk vm2, v3  }
0x1fd: {  	v10 =	vld.idx.msk [tilespmem:v11+s2+$0x0], $0xffff;
	_ =	sdelay $0x3  }
.Ltmp35:
0x1fe: {  	(pc) =	sbr.rel @p1 .LBB2_43-.Ltmp35, $4  }
0x1ff: {  	v12 =	vmov s7  }
0x200: {  	vm3 =	vlt.s32 v11, v6;
	vm2 =	vlt.s32 v12, v7;
	v10 =	vshrl.u32 v10, $0xC  }
0x201: {  	vm2 =	vmand vm2, vm3;
	v10 =	vand.u32 $0xFF0, v10  }
0x202: {  	s7 =	sadd.s32 s5, s1;
	s5 =	sadd.s32 $0x1, s5;
	v10 =	vor.u32 v1, v10  }
0x203: {  	_ = 	snop  }
0x204: {  	v11 =	vadd.s32 s7, v8;
	_ =	sdelay $0x3  }
0x205: {  	[tilespmem:v10+s21+$0x0] =	vst.idx.add.s32.msk vm2, v3  }
0x206: {  	v10 =	vld.idx.msk [tilespmem:v11+s2+$0x0], $0xffff;
	_ =	sdelay $0x3  }
0x207: {  	v12 =	vmov s7  }
0x208: {  	vm2 =	vlt.s32 v12, v7;
	vm3 =	vlt.s32 v11, v6;
	v10 =	vshrl.u32 v10, $0xC  }
0x209: {  	vm2 =	vmand vm2, vm3;
	v10 =	vand.u32 $0xFF0, v10  }
0x20a: {  	v10 =	vor.u32 v1, v10  }
.Ltmp36:
0x20b: {  	_ = 	snop;
	(pc) =	sbr.rel .LBB2_45-.Ltmp36, $2  }
0x20c: {  	_ =	sdelay $0x2  }
0x20d: {  	[tilespmem:v10+s21+$0x0] =	vst.idx.add.s32.msk vm2, v3  }
.LBB2_46:
0x20e: {  	s6 =	sshra.s32 s5, $0x2  }
0x20f: {  	v10 =	vld [tilespmem:s6+$0x1D600];
	_ =	sdelay $0x4  }
0x210: {  	(xrf0) =	vadd.scan.msk.s32 $0xffff, v10;
	_ =	sdelay $0x5  }
0x211: {  	v11, _, _ =	vpop (xrf0)  }
0x212: {  	(v2sf) =	vpush v11, $0xF  }
0x213: {  	v10 =	vsub.s32 s5, v10  }
0x214: {  	s7 =	sadd.s32 $0x40, s5;
	v10 =	vadd.s32 v11, v10  }
0x215: {  	s1 =	sshra.s32 s7, $0x2;
	s7 =	sadd.s32 $0x40, s7;
	[tilespmem:s6+$0x1D600] =	vst v10;
	s6 =	simm.s32 $0x0  }
.LBB2_47:
0x216: {  	p1 =	sne.s32 s7, $0x3FC0;
	v10 =	vld [tilespmem:s1+$0x1D600];
	_ =	sdelay $0x4  }
0x217: {  	(xrf0) =	vadd.scan.msk.s32 $0xffff, v10;
	_ =	sdelay $0x5  }
.Ltmp37:
0x218: {  	v11, _, _ =	vpop (xrf0);
	s8 =	spop (v2sf);
	(pc) =	sbr.rel @p1 .LBB2_47-.Ltmp37, $4  }
0x219: {  	(v2sf) =	vpush v11, $0xF;
	s6 =	sadd.s32 s6, s8  }
0x21a: {  	v10 =	vsub.s32 s6, v10  }
0x21b: {  	v10 =	vadd.s32 v11, v10  }
0x21c: {  	[tilespmem:s1+$0x1D600] =	vst v10;
	s1 =	sshra.s32 s7, $0x2;
	s7 =	sadd.s32 $0x40, s7  }
0x21d: {  	v10 =	vld [tilespmem:s1+$0x1D600];
	_ =	sdelay $0x4  }
0x21e: {  	(xrf0) =	vadd.scan.msk.s32 $0xffff, v10;
	_ =	sdelay $0x5  }
0x21f: {  	v11, _, _ =	vpop (xrf0)  }
0x220: {  	(v2sf) =	vpush v11, $0xF;
	_ =	sdelay $0xa  }
.Ltmp38:
0x221: {  	s7 =	spop (v2sf);
	(pc) =	sbr.rel .LBB2_49-.Ltmp38, $4  }
0x222: {  	s6 =	sadd.s32 s6, s7  }
0x223: {  	v10 =	vsub.s32 s6, v10  }
0x224: {  	v10 =	vadd.s32 v11, v10  }
0x225: {  	s6 =	simm.s32 $0x0;
	[tilespmem:s1+$0x1D600] =	vst v10;
	s13 =	spop (v2sf)  }
.LBB2_53:
0x226: {  	s6 =	sadd.s32 $0x1, s6  }
0x227: {  	p1 =	sne.s32 s6, $0x32  }
.Ltmp39:
0x228: {  	_ = 	snop;
	(pc) =	sbr.rel @!p1 .LBB2_54-.Ltmp39, $2  }
0x229: {  	_ =	sdelay $0x2  }
0x22a: {  	s5 =	sadd.s32 $0x19, s5  }
.LBB2_49:
0x22b: {  	s1 =	smul.u32 $0x19, s6;
	_ =	sdelay $0x1  }
0x22c: {  	p1 =	sge.s32 s1, s0  }
.Ltmp40:
0x22d: {  	_ = 	snop;
	(pc) =	sbr.rel @p1 .LBB2_53-.Ltmp40, $2  }
0x22e: {  	_ =	sdelay $0x2  }
0x22f: {  	s1 =	simm.s32 $0x0  }
0x230: {  	s7 =	sadd.s32 $0x0, s5  }
0x231: {  	v10 =	vadd.s32 s7, v8;
	_ =	sdelay $0x4  }
0x232: {  	v14 =	vld.idx.msk [tilespmem:v10+s2+$0x0], $0xffff;
	_ =	sdelay $0x4  }
0x233: {  	v11 =	vshrl.u32 v14, $0xC  }
0x234: {  	v11 =	vand.u32 $0xFF0, v11  }
0x235: {  	v11 =	vor.u32 v1, v11;
	_ =	sdelay $0x3  }
0x236: {  	v12 =	vmov s7  }
0x237: {  	vm2 =	vlt.s32 v12, v7;
	vm3 =	vlt.s32 v10, v6;
	v13 =	vld.idx.msk [tilespmem:v11+s21+$0x0], $0xffff  }
0x238: {  	vm3 =	vmand vm2, vm3;
	v10 =	vadd.s32 $0x4E20, v10;
	_ =	sdelay $0x3  }
0x239: {  	v15 =	vadd.s32 $0x9C40, v13  }
0x23a: {  	s13 =	sadd.s32 $0x1, s5;
	v12 =	vld.idx.msk [tilespmem:v10+s2+$0x0], $0xffff;
	v10 =	vadd.s32 $0x1, v13;
	v13 =	vadd.s32 $0xEA60, v13  }
0x23b: {  	[tilespmem:v11+s21+$0x0] =	vst.idx.msk vm3, v10;
	v11 =	vadd.s32 s13, v8;
	_ =	sdelay $0x1  }
0x23c: {  	v10 =	vmov s13  }
0x23d: {  	s7 =	simm.s32 $0x2;
	vm2 =	vlt.s32 v10, v7;
	v10 =	vadd.s32 $0x4E20, v11;
	[tilespmem:v15+s2+$0x0] =	vst.idx.msk vm3, v14  }
.LBB2_51:
0x23e: {  	p1 =	sne.s32 s7, $0x18;
	[tilespmem:v13+s2+$0x0] =	vst.idx.msk vm3, v12;
	s8 =	smov.u32 s7;
	s7 =	sadd.s32 $0x1, s7  }
0x23f: {  	v14 =	vld.idx.msk [tilespmem:v11+s2+$0x0], $0xffff;
	_ =	sdelay $0x5  }
0x240: {  	v12 =	vshrl.u32 v14, $0xC  }
0x241: {  	v12 =	vand.u32 $0xFF0, v12  }
0x242: {  	v13 =	vor.u32 v1, v12;
	_ =	sdelay $0x4  }
0x243: {  	vm3 =	vlt.s32 v11, v6;
	v11 =	vld.idx.msk [tilespmem:v13+s21+$0x0], $0xffff  }
0x244: {  	vm3 =	vmand vm2, vm3;
	_ =	sdelay $0x4  }
0x245: {  	v15 =	vadd.s32 $0x9C40, v11;
	v12 =	vld.idx.msk [tilespmem:v10+s2+$0x0], $0xffff;
	v10 =	vadd.s32 $0x1, v11  }
.Ltmp41:
0x246: {  	s8 =	sadd.s32 s8, s5;
	[tilespmem:v13+s21+$0x0] =	vst.idx.msk vm3, v10;
	v13 =	vadd.s32 $0xEA60, v11;
	(pc) =	sbr.rel @p1 .LBB2_51-.Ltmp41, $3  }
0x247: {  	v10 =	vmov s8;
	v11 =	vadd.s32 s8, v8  }
0x248: {  	vm2 =	vlt.s32 v10, v7;
	v10 =	vadd.s32 $0x4E20, v11;
	_ =	sdelay $0x1  }
0x249: {  	[tilespmem:v15+s2+$0x0] =	vst.idx.msk vm3, v14  }
0x24a: {  	_ =	sdelay $0x4  }
0x24b: {  	[tilespmem:v13+s2+$0x0] =	vst.idx.msk vm3, v12  }
0x24c: {  	v12 =	vld.idx.msk [tilespmem:v11+s2+$0x0], $0xffff;
	_ =	sdelay $0x4  }
0x24d: {  	v63 =	vshrl.u32 v12, $0xC  }
0x24e: {  	v13 =	vand.u32 $0xFF0, v63  }
0x24f: {  	v13 =	vor.u32 v1, v13;
	_ =	sdelay $0x4  }
0x250: {  	v14 =	vld.idx.msk [tilespmem:v13+s21+$0x0], $0xffff;
	_ =	sdelay $0x1  }
0x251: {  	vm3 =	vlt.s32 v11, v6  }
0x252: {  	vm2 =	vmand vm2, vm3;
	_ =	sdelay $0x1  }
0x253: {  	v11 =	vadd.s32 $0x9C40, v14  }
0x254: {  	v10 =	vld.idx.msk [tilespmem:v10+s2+$0x0], $0xffff;
	v15 =	vadd.s32 $0xEA60, v14  }
.Ltmp42:
0x255: {  	_ = 	snop;
	(pc) =	sbr.rel .LBB2_53-.Ltmp42, $4  }
0x256: {  	v14 =	vadd.s32 $0x1, v14  }
0x257: {  	[tilespmem:v13+s21+$0x0] =	vst.idx.msk vm2, v14  }
0x258: {  	[tilespmem:v11+s2+$0x0] =	vst.idx.msk vm2, v12  }
0x259: {  	[tilespmem:v15+s2+$0x0] =	vst.idx.msk vm2, v10  }
.LBB2_54:
0x25a: {  	s5 =	simm.s32 $0x40;
	s6 =	simm.s32 $0x0  }
.LBB2_55:
0x25b: {  	p1 =	sne.s32 s5, $0x3FC0;
	[tilespmem:s6+$0x1D600] =	vst v2;
	s6 =	smov.u32 s5;
	s5 =	sadd.s32 $0x40, s5  }
.Ltmp43:
0x25c: {  	(pc) =	sbr.rel @p1 .LBB2_55-.Ltmp43, $2  }
0x25d: {  	_ =	sdelay $0x2  }
0x25e: {  	s6 =	sshra.s32 s6, $0x2  }
.Ltmp44:
0x25f: {  	(pc) =	sbr.rel .LBB2_57-.Ltmp44, $2  }
0x260: {  	_ =	sdelay $0x2  }
0x261: {  	[tilespmem:s6+$0x1D600] =	vst v2;
	s6 =	simm.s32 $0x0  }
.LBB2_61:
0x262: {  	s6 =	sadd.s32 $0x1, s6  }
0x263: {  	p1 =	sne.s32 s6, $0x32  }
.Ltmp45:
0x264: {  	_ = 	snop;
	(pc) =	sbr.rel @!p1 .LBB2_62-.Ltmp45, $2  }
0x265: {  	_ =	sdelay $0x2  }
0x266: {  	s1 =	sadd.s32 $0x19, s1;
	s5 =	simm.s32 $0x0  }
.LBB2_57:
0x267: {  	s5 =	smul.u32 $0x19, s6;
	_ =	sdelay $0x1  }
0x268: {  	p1 =	sge.s32 s5, s0  }
.Ltmp46:
0x269: {  	_ = 	snop;
	(pc) =	sbr.rel @p1 .LBB2_61-.Ltmp46, $2  }
0x26a: {  	_ =	sdelay $0x2  }
0x26b: {  	s5 =	simm.s32 $0x0  }
0x26c: {  	s7 =	sadd.s32 s5, s1  }
0x26d: {  	v10 =	vadd.s32 s7, v9;
	_ =	sdelay $0x4  }
0x26e: {  	v10 =	vld.idx.msk [tilespmem:v10+s2+$0x0], $0xffff;
	_ =	sdelay $0x3  }
0x26f: {  	v11 =	vmov s7;
	v12 =	vadd.s32 s7, v8  }
0x270: {  	vm2 =	vlt.s32 v11, v7;
	vm3 =	vlt.s32 v12, v6;
	v10 =	vshrl.u32 v10, $0x14  }
0x271: {  	s13 =	sadd.s32 $0x1, s5;
	vm2 =	vmand vm2, vm3;
	v10 =	vand.u32 $0xFF0, v10  }
0x272: {  	s7 =	sadd.s32 s13, s1;
	s5 =	sadd.s32 $0x1, s13;
	v10 =	vor.u32 v1, v10  }
.LBB2_59:
0x273: {  	p1 =	sne.s32 s5, $0x18;
	v11 =	vadd.s32 s7, v9;
	_ =	sdelay $0x3  }
0x274: {  	[tilespmem:v10+s21+$0x0] =	vst.idx.add.s32.msk vm2, v3  }
0x275: {  	v10 =	vld.idx.msk [tilespmem:v11+s2+$0x0], $0xffff;
	_ =	sdelay $0x3  }
.Ltmp47:
0x276: {  	(pc) =	sbr.rel @p1 .LBB2_59-.Ltmp47, $4  }
0x277: {  	v12 =	vadd.s32 s7, v8;
	v11 =	vmov s7  }
0x278: {  	vm3 =	vlt.s32 v12, v6;
	vm2 =	vlt.s32 v11, v7;
	v10 =	vshrl.u32 v10, $0x14  }
0x279: {  	vm2 =	vmand vm2, vm3;
	v10 =	vand.u32 $0xFF0, v10  }
0x27a: {  	s7 =	sadd.s32 s5, s1;
	s5 =	sadd.s32 $0x1, s5;
	v10 =	vor.u32 v1, v10  }
0x27b: {  	_ = 	snop  }
0x27c: {  	v11 =	vadd.s32 s7, v9;
	_ =	sdelay $0x3  }
0x27d: {  	[tilespmem:v10+s21+$0x0] =	vst.idx.add.s32.msk vm2, v3  }
0x27e: {  	v10 =	vld.idx.msk [tilespmem:v11+s2+$0x0], $0xffff;
	_ =	sdelay $0x3  }
0x27f: {  	v12 =	vadd.s32 s7, v8;
	v11 =	vmov s7  }
0x280: {  	vm3 =	vlt.s32 v12, v6;
	vm2 =	vlt.s32 v11, v7;
	v10 =	vshrl.u32 v10, $0x14  }
0x281: {  	vm2 =	vmand vm2, vm3;
	v10 =	vand.u32 $0xFF0, v10  }
0x282: {  	v10 =	vor.u32 v1, v10  }
.Ltmp48:
0x283: {  	_ = 	snop;
	(pc) =	sbr.rel .LBB2_61-.Ltmp48, $2  }
0x284: {  	_ =	sdelay $0x2  }
0x285: {  	[tilespmem:v10+s21+$0x0] =	vst.idx.add.s32.msk vm2, v3  }
.LBB2_62:
0x286: {  	s6 =	sshra.s32 s5, $0x2  }
0x287: {  	v9 =	vld [tilespmem:s6+$0x1D600];
	_ =	sdelay $0x4  }
0x288: {  	(xrf0) =	vadd.scan.msk.s32 $0xffff, v9;
	_ =	sdelay $0x5  }
0x289: {  	v10, _, _ =	vpop (xrf0)  }
0x28a: {  	(v2sf) =	vpush v10, $0xF  }
0x28b: {  	v9 =	vsub.s32 s5, v9  }
0x28c: {  	s7 =	sadd.s32 $0x40, s5;
	v9 =	vadd.s32 v10, v9  }
0x28d: {  	s1 =	sshra.s32 s7, $0x2;
	s7 =	sadd.s32 $0x40, s7;
	[tilespmem:s6+$0x1D600] =	vst v9;
	s6 =	simm.s32 $0x0  }
.LBB2_63:
0x28e: {  	p1 =	seq.s32 s7, $0x3FC0;
	v9 =	vld [tilespmem:s1+$0x1D600];
	_ =	sdelay $0x4  }
0x28f: {  	(xrf0) =	vadd.scan.msk.s32 $0xffff, v9;
	_ =	sdelay $0x5  }
.Ltmp49:
0x290: {  	v10, _, _ =	vpop (xrf0);
	s8 =	spop (v2sf);
	(pc) =	sbr.rel @!p1 .LBB2_63-.Ltmp49, $4  }
0x291: {  	(v2sf) =	vpush v10, $0xF;
	s6 =	sadd.s32 s6, s8  }
0x292: {  	v9 =	vsub.s32 s6, v9  }
0x293: {  	v9 =	vadd.s32 v10, v9  }
0x294: {  	[tilespmem:s1+$0x1D600] =	vst v9;
	s1 =	sshra.s32 s7, $0x2;
	s7 =	sadd.s32 $0x40, s7  }
0x295: {  	v9 =	vld [tilespmem:s1+$0x1D600];
	_ =	sdelay $0x4  }
0x296: {  	(xrf0) =	vadd.scan.msk.s32 $0xffff, v9;
	_ =	sdelay $0x5  }
0x297: {  	v10, _, _ =	vpop (xrf0)  }
0x298: {  	(v2sf) =	vpush v10, $0xF;
	_ =	sdelay $0xa  }
.Ltmp50:
0x299: {  	s7 =	spop (v2sf);
	(pc) =	sbr.rel .LBB2_65-.Ltmp50, $4  }
0x29a: {  	s6 =	sadd.s32 s6, s7  }
0x29b: {  	v9 =	vsub.s32 s6, v9  }
0x29c: {  	v9 =	vadd.s32 v10, v9  }
0x29d: {  	[tilespmem:s1+$0x1D600] =	vst v9;
	s1 =	simm.s32 $0x0;
	s13 =	spop (v2sf)  }
.LBB2_69:
0x29e: {  	s1 =	sadd.s32 $0x1, s1  }
0x29f: {  	p1 =	seq.s32 s1, $0x32  }
.Ltmp51:
0x2a0: {  	_ = 	snop;
	(pc) =	sbr.rel @p1 .LBB2_70-.Ltmp51, $2  }
0x2a1: {  	_ =	sdelay $0x2  }
0x2a2: {  	s5 =	sadd.s32 $0x19, s5  }
.LBB2_65:
0x2a3: {  	s6 =	smul.u32 $0x19, s1;
	_ =	sdelay $0x1  }
0x2a4: {  	p1 =	sge.s32 s6, s0  }
.Ltmp52:
0x2a5: {  	_ = 	snop;
	(pc) =	sbr.rel @p1 .LBB2_69-.Ltmp52, $1  }
0x2a6: {  	_ =	sdelay $0x3  }
0x2a7: {  	s6 =	sadd.s32 $0x0, s5  }
0x2a8: {  	v9 =	vadd.s32 s6, v8  }
0x2a9: {  	v10 =	vadd.s32 $0x9C40, v9;
	_ =	sdelay $0x4  }
0x2aa: {  	v13 =	vld.idx.msk [tilespmem:v10+s2+$0x0], $0xffff;
	_ =	sdelay $0x4  }
0x2ab: {  	v10 =	vshrl.u32 v13, $0x14  }
0x2ac: {  	v10 =	vand.u32 $0xFF0, v10  }
0x2ad: {  	v12 =	vor.u32 v1, v10;
	_ =	sdelay $0x3  }
0x2ae: {  	v10 =	vmov s6  }
0x2af: {  	vm2 =	vlt.s32 v9, v6;
	vm3 =	vlt.s32 v10, v7;
	v14 =	vld.idx.msk [tilespmem:v12+s21+$0x0], $0xffff  }
0x2b0: {  	v9 =	vadd.s32 $0xEA60, v9;
	vm4 =	vmand vm3, vm2;
	_ =	sdelay $0x3  }
0x2b1: {  	s13 =	sadd.s32 $0x1, s5  }
0x2b2: {  	v10 =	vld.idx.msk [tilespmem:v9+s2+$0x0], $0xffff;
	v9 =	vadd.s32 s13, v8;
	v15 =	vadd.s32 $0x1, v14;
	v11 =	vadd.s32 $0x4E20, v14  }
0x2b3: {  	v16 =	vmov s13;
	[tilespmem:v12+s21+$0x0] =	vst.idx.msk vm4, v15;
	v12 =	vadd.s32 $0x9C40, v9  }
0x2b4: {  	s6 =	simm.s32 $0x2;
	vm2 =	vlt.s32 v9, v6;
	vm3 =	vlt.s32 v16, v7;
	v9 =	vadd.s32 $0xEA60, v9;
	[tilespmem:v14+s2+$0x0] =	vst.idx.msk vm4, v13  }
.LBB2_67:
0x2b5: {  	_ =	sdelay $0x1  }
0x2b6: {  	p1 =	sne.s32 s6, $0x18;
	s7 =	smov.u32 s6;
	s6 =	sadd.s32 $0x1, s6;
	[tilespmem:v11+s2+$0x0] =	vst.idx.msk vm4, v10  }
0x2b7: {  	v13 =	vld.idx.msk [tilespmem:v12+s2+$0x0], $0xffff;
	_ =	sdelay $0x5  }
0x2b8: {  	v10 =	vshrl.u32 v13, $0x14  }
0x2b9: {  	v10 =	vand.u32 $0xFF0, v10  }
0x2ba: {  	v14 =	vor.u32 v1, v10;
	_ =	sdelay $0x4  }
0x2bb: {  	v15 =	vld.idx.msk [tilespmem:v14+s21+$0x0], $0xffff  }
0x2bc: {  	vm4 =	vmand vm3, vm2;
	_ =	sdelay $0x2  }
.Ltmp53:
0x2bd: {  	(pc) =	sbr.rel @p1 .LBB2_67-.Ltmp53, $4  }
0x2be: {  	s7 =	sadd.s32 s7, s5;
	v10 =	vld.idx.msk [tilespmem:v9+s2+$0x0], $0xffff  }
0x2bf: {  	v9 =	vadd.s32 s7, v8;
	v16 =	vadd.s32 $0x1, v15;
	v11 =	vadd.s32 $0x4E20, v15  }
0x2c0: {  	v17 =	vmov s7;
	vm2 =	vlt.s32 v9, v6;
	v12 =	vadd.s32 $0x9C40, v9;
	[tilespmem:v14+s21+$0x0] =	vst.idx.msk vm4, v16  }
0x2c1: {  	vm3 =	vlt.s32 v17, v7;
	v9 =	vadd.s32 $0xEA60, v9;
	[tilespmem:v15+s2+$0x0] =	vst.idx.msk vm4, v13  }
0x2c2: {  	_ =	sdelay $0x4  }
0x2c3: {  	[tilespmem:v11+s2+$0x0] =	vst.idx.msk vm4, v10  }
0x2c4: {  	v10 =	vld.idx.msk [tilespmem:v12+s2+$0x0], $0xffff;
	_ =	sdelay $0x4  }
0x2c5: {  	v11 =	vshrl.u32 v10, $0x14  }
0x2c6: {  	v11 =	vand.u32 $0xFF0, v11  }
0x2c7: {  	v11 =	vor.u32 v1, v11;
	_ =	sdelay $0x4  }
0x2c8: {  	v63 =	vld.idx.msk [tilespmem:v11+s21+$0x0], $0xffff;
	_ =	sdelay $0x1  }
0x2c9: {  	vm2 =	vmand vm3, vm2;
	_ =	sdelay $0x2  }
0x2ca: {  	v9 =	vld.idx.msk [tilespmem:v9+s2+$0x0], $0xffff;
	v13 =	vadd.s32 $0x4E20, v63  }
.Ltmp54:
0x2cb: {  	_ = 	snop;
	(pc) =	sbr.rel .LBB2_69-.Ltmp54, $4  }
0x2cc: {  	v14 =	vadd.s32 $0x1, v63  }
0x2cd: {  	[tilespmem:v11+s21+$0x0] =	vst.idx.msk vm2, v14  }
0x2ce: {  	[tilespmem:v63+s2+$0x0] =	vst.idx.msk vm2, v10  }
0x2cf: {  	[tilespmem:v13+s2+$0x0] =	vst.idx.msk vm2, v9  }
.LBB2_70:
.Ltmp55:
0x2d0: {  	(pc) =	sbr.rel .LBB2_71-.Ltmp55, $3  }
0x2d1: {  	_ =	sdelay $0x1  }
0x2d2: {  	s0 =	sadd.s32 $0x10, s31;
	s1 =	simm.s32 $0x13880;
	s5 =	simm.s32 $0x4E20  }
0x2d3: {  	s6 =	simm.s32 $0x0;
	s10 =	simm.s32 $0x0;
	s8 =	simm.s32 $0x0  }
.LBB2_75:
0x2d4: {  	s8 =	sadd.s32 $0x1, s8  }
0x2d5: {  	p1 =	sne.s32 s8, $0x32  }
.Ltmp56:
0x2d6: {  	_ = 	snop;
	(pc) =	sbr.rel @!p1 .LBB2_76-.Ltmp56, $2  }
0x2d7: {  	_ =	sdelay $0x2  }
0x2d8: {  	s1 =	sadd.s32 $0x190, s1;
	s5 =	sadd.s32 $0x190, s5;
	s10 =	sadd.s32 $0x190, s10  }
.LBB2_71:
0x2d9: {  	s7 =	smul.u32 $0x190, s8;
	_ =	sdelay $0x1  }
0x2da: {  	p1 =	sge.s32 s7, s0  }
.Ltmp57:
0x2db: {  	_ = 	snop;
	(pc) =	sbr.rel @p1 .LBB2_75-.Ltmp57, $1  }
0x2dc: {  	_ =	sdelay $0x3  }
0x2dd: {  	s7 =	sshra.s32 s6, $0x2  }
0x2de: {  	s9 =	sadd.s32 s7, s5  }
0x2df: {  	v7 =	vld [tilespmem:s9+$0x0];
	_ =	sdelay $0x2  }
0x2e0: {  	v8 =	vor.u32 s10, v1  }
0x2e1: {  	s11 =	sadd.s32 $0x40, s6;
	vm2 =	vlt.s32 v8, v6;
	s12 =	sadd.s32 s7, s1  }
0x2e2: {  	s7 =	smov.u32 s10;
	s9 =	sshra.s32 s11, $0x2;
	s11 =	sadd.s32 $0x40, s11;
	v7 =	vnsel vm2, $0x0, v7  }
.LBB2_73:
0x2e3: {  	p1 =	sne.s32 s11, $0x600;
	s13 =	sadd.s32 s9, s5;
	[tilespmem:s12+$0x0] =	vst v7  }
0x2e4: {  	v7 =	vld [tilespmem:s13+$0x0]  }
.Ltmp58:
0x2e5: {  	(pc) =	sbr.rel @p1 .LBB2_73-.Ltmp58, $4  }
0x2e6: {  	s7 =	sadd.s32 $0x10, s7  }
0x2e7: {  	v8 =	vor.u32 s7, v1  }
0x2e8: {  	vm2 =	vlt.s32 v8, v6  }
0x2e9: {  	s12 =	sadd.s32 s9, s1;
	s9 =	sshra.s32 s11, $0x2;
	s11 =	sadd.s32 $0x40, s11;
	v7 =	vnsel vm2, $0x0, v7  }
0x2ea: {  	s11 =	sadd.s32 s9, s5;
	[tilespmem:s12+$0x0] =	vst v7  }
0x2eb: {  	v7 =	vld [tilespmem:s11+$0x0];
	_ =	sdelay $0x1  }
.Ltmp59:
0x2ec: {  	s7 =	sadd.s32 $0x10, s7;
	(pc) =	sbr.rel .LBB2_75-.Ltmp59, $4  }
0x2ed: {  	v8 =	vor.u32 s7, v1  }
0x2ee: {  	vm2 =	vlt.s32 v8, v6  }
0x2ef: {  	s13 =	sadd.s32 s9, s1;
	v7 =	vnsel vm2, $0x0, v7  }
0x2f0: {  	[tilespmem:s13+$0x0] =	vst v7  }
.LBB2_76:
0x2f1: {  	s5 =	simm.s32 $0x0  }
0x2f2: {  	[tilespmem:s5], [sflag:$0x1] =	stream.strided.gather [hbm4b:s4+s16], $0x13880, s17, s16, $0x38;
	[tilespmem:$0x1F400] =	vst v63  }
0x2f3: {  	_ =	swait.ge [sflag:s19], $0x13880  }
0x2f4: {  	[sflag:s19] =	ssyncset.done $0x0  }
0x2f5: {  	[sflag:s19] =	ssyncadd.s32 $0xFFFEC780  }
0x2f6: {  	[tilespmem:$0x1E600] =	vst v4  }
0x2f7: {  	[tilespmem:$0x1E780] =	vst v4  }
0x2f8: {  	[tilespmem:$0x1E900] =	vst v4  }
0x2f9: {  	[tilespmem:$0x1EA80] =	vst v4  }
0x2fa: {  	[tilespmem:$0x1EC00] =	vst v4  }
0x2fb: {  	[tilespmem:$0x1ED80] =	vst v5  }
0x2fc: {  	[tilespmem:$0x1EF00] =	vst v2  }
0x2fd: {  	[tilespmem:$0x1E610] =	vst v4  }
0x2fe: {  	[tilespmem:$0x1E790] =	vst v4  }
0x2ff: {  	[tilespmem:$0x1E910] =	vst v4  }
0x300: {  	[tilespmem:$0x1EA90] =	vst v4  }
0x301: {  	[tilespmem:$0x1EC10] =	vst v4  }
0x302: {  	[tilespmem:$0x1ED90] =	vst v5  }
0x303: {  	[tilespmem:$0x1EF10] =	vst v2  }
0x304: {  	[tilespmem:$0x1E620] =	vst v4  }
0x305: {  	[tilespmem:$0x1E7A0] =	vst v4  }
0x306: {  	[tilespmem:$0x1E920] =	vst v4  }
0x307: {  	[tilespmem:$0x1EAA0] =	vst v4  }
0x308: {  	[tilespmem:$0x1EC20] =	vst v4  }
0x309: {  	[tilespmem:$0x1EDA0] =	vst v5  }
0x30a: {  	[tilespmem:$0x1EF20] =	vst v2  }
0x30b: {  	[tilespmem:$0x1E630] =	vst v4  }
0x30c: {  	[tilespmem:$0x1E7B0] =	vst v4  }
0x30d: {  	[tilespmem:$0x1E930] =	vst v4  }
0x30e: {  	[tilespmem:$0x1EAB0] =	vst v4  }
0x30f: {  	[tilespmem:$0x1EC30] =	vst v4  }
0x310: {  	[tilespmem:$0x1EDB0] =	vst v5  }
0x311: {  	[tilespmem:$0x1EF30] =	vst v2  }
0x312: {  	[tilespmem:$0x1E640] =	vst v4  }
0x313: {  	[tilespmem:$0x1E7C0] =	vst v4  }
0x314: {  	[tilespmem:$0x1E940] =	vst v4  }
0x315: {  	[tilespmem:$0x1EAC0] =	vst v4  }
0x316: {  	[tilespmem:$0x1EC40] =	vst v4  }
0x317: {  	[tilespmem:$0x1EDC0] =	vst v5  }
0x318: {  	[tilespmem:$0x1EF40] =	vst v2  }
0x319: {  	[tilespmem:$0x1E650] =	vst v4  }
0x31a: {  	[tilespmem:$0x1E7D0] =	vst v4  }
0x31b: {  	[tilespmem:$0x1E950] =	vst v4  }
0x31c: {  	[tilespmem:$0x1EAD0] =	vst v4  }
0x31d: {  	[tilespmem:$0x1EC50] =	vst v4  }
0x31e: {  	[tilespmem:$0x1EDD0] =	vst v5  }
0x31f: {  	[tilespmem:$0x1EF50] =	vst v2  }
0x320: {  	[tilespmem:$0x1E660] =	vst v4  }
0x321: {  	[tilespmem:$0x1E7E0] =	vst v4  }
0x322: {  	[tilespmem:$0x1E960] =	vst v4  }
0x323: {  	[tilespmem:$0x1EAE0] =	vst v4  }
0x324: {  	[tilespmem:$0x1EC60] =	vst v4  }
0x325: {  	[tilespmem:$0x1EDE0] =	vst v5  }
0x326: {  	[tilespmem:$0x1EF60] =	vst v2  }
0x327: {  	[tilespmem:$0x1E670] =	vst v4  }
0x328: {  	[tilespmem:$0x1E7F0] =	vst v4  }
0x329: {  	[tilespmem:$0x1E970] =	vst v4  }
0x32a: {  	[tilespmem:$0x1EAF0] =	vst v4  }
0x32b: {  	[tilespmem:$0x1EC70] =	vst v4  }
0x32c: {  	[tilespmem:$0x1EDF0] =	vst v5  }
0x32d: {  	[tilespmem:$0x1EF70] =	vst v2  }
0x32e: {  	[tilespmem:$0x1E680] =	vst v4  }
0x32f: {  	[tilespmem:$0x1E800] =	vst v4  }
0x330: {  	[tilespmem:$0x1E980] =	vst v4  }
0x331: {  	[tilespmem:$0x1EB00] =	vst v4  }
0x332: {  	[tilespmem:$0x1EC80] =	vst v4  }
0x333: {  	[tilespmem:$0x1EE00] =	vst v5  }
0x334: {  	[tilespmem:$0x1EF80] =	vst v2  }
0x335: {  	[tilespmem:$0x1E690] =	vst v4  }
0x336: {  	[tilespmem:$0x1E810] =	vst v4  }
0x337: {  	[tilespmem:$0x1E990] =	vst v4  }
0x338: {  	[tilespmem:$0x1EB10] =	vst v4  }
0x339: {  	[tilespmem:$0x1EC90] =	vst v4  }
0x33a: {  	[tilespmem:$0x1EE10] =	vst v5  }
0x33b: {  	[tilespmem:$0x1EF90] =	vst v2  }
0x33c: {  	[tilespmem:$0x1E6A0] =	vst v4  }
0x33d: {  	[tilespmem:$0x1E820] =	vst v4  }
0x33e: {  	[tilespmem:$0x1E9A0] =	vst v4  }
0x33f: {  	[tilespmem:$0x1EB20] =	vst v4  }
0x340: {  	[tilespmem:$0x1ECA0] =	vst v4  }
0x341: {  	[tilespmem:$0x1EE20] =	vst v5  }
0x342: {  	[tilespmem:$0x1EFA0] =	vst v2  }
0x343: {  	[tilespmem:$0x1E6B0] =	vst v4  }
0x344: {  	[tilespmem:$0x1E830] =	vst v4  }
0x345: {  	[tilespmem:$0x1E9B0] =	vst v4  }
0x346: {  	[tilespmem:$0x1EB30] =	vst v4  }
0x347: {  	[tilespmem:$0x1ECB0] =	vst v4  }
0x348: {  	[tilespmem:$0x1EE30] =	vst v5  }
0x349: {  	[tilespmem:$0x1EFB0] =	vst v2  }
0x34a: {  	[tilespmem:$0x1E6C0] =	vst v4  }
0x34b: {  	[tilespmem:$0x1E840] =	vst v4  }
0x34c: {  	[tilespmem:$0x1E9C0] =	vst v4  }
0x34d: {  	[tilespmem:$0x1EB40] =	vst v4  }
0x34e: {  	[tilespmem:$0x1ECC0] =	vst v4  }
0x34f: {  	[tilespmem:$0x1EE40] =	vst v5  }
0x350: {  	[tilespmem:$0x1EFC0] =	vst v2  }
0x351: {  	[tilespmem:$0x1E6D0] =	vst v4  }
0x352: {  	[tilespmem:$0x1E850] =	vst v4  }
0x353: {  	[tilespmem:$0x1E9D0] =	vst v4  }
0x354: {  	[tilespmem:$0x1EB50] =	vst v4  }
0x355: {  	[tilespmem:$0x1ECD0] =	vst v4  }
0x356: {  	[tilespmem:$0x1EE50] =	vst v5  }
0x357: {  	[tilespmem:$0x1EFD0] =	vst v2  }
0x358: {  	[tilespmem:$0x1E6E0] =	vst v4  }
0x359: {  	[tilespmem:$0x1E860] =	vst v4  }
0x35a: {  	[tilespmem:$0x1E9E0] =	vst v4  }
0x35b: {  	[tilespmem:$0x1EB60] =	vst v4  }
0x35c: {  	[tilespmem:$0x1ECE0] =	vst v4  }
0x35d: {  	[tilespmem:$0x1EE60] =	vst v5  }
0x35e: {  	[tilespmem:$0x1EFE0] =	vst v2  }
0x35f: {  	[tilespmem:$0x1E6F0] =	vst v4  }
0x360: {  	[tilespmem:$0x1E870] =	vst v4  }
0x361: {  	[tilespmem:$0x1E9F0] =	vst v4  }
0x362: {  	[tilespmem:$0x1EB70] =	vst v4  }
0x363: {  	[tilespmem:$0x1ECF0] =	vst v4  }
0x364: {  	[tilespmem:$0x1EE70] =	vst v5  }
0x365: {  	[tilespmem:$0x1EFF0] =	vst v2  }
0x366: {  	[tilespmem:$0x1E700] =	vst v4  }
0x367: {  	[tilespmem:$0x1E880] =	vst v4  }
0x368: {  	[tilespmem:$0x1EA00] =	vst v4  }
0x369: {  	[tilespmem:$0x1EB80] =	vst v4  }
0x36a: {  	[tilespmem:$0x1ED00] =	vst v4  }
0x36b: {  	[tilespmem:$0x1EE80] =	vst v5  }
0x36c: {  	[tilespmem:$0x1F000] =	vst v2  }
0x36d: {  	[tilespmem:$0x1E710] =	vst v4  }
0x36e: {  	[tilespmem:$0x1E890] =	vst v4  }
0x36f: {  	[tilespmem:$0x1EA10] =	vst v4  }
0x370: {  	[tilespmem:$0x1EB90] =	vst v4  }
0x371: {  	[tilespmem:$0x1ED10] =	vst v4  }
0x372: {  	[tilespmem:$0x1EE90] =	vst v5  }
0x373: {  	[tilespmem:$0x1F010] =	vst v2  }
0x374: {  	[tilespmem:$0x1E720] =	vst v4  }
0x375: {  	[tilespmem:$0x1E8A0] =	vst v4  }
.Ltmp60:
0x376: {  	[tilespmem:$0x1EA20] =	vst v4;
	(pc) =	sbr.rel .LBB2_77-.Ltmp60, $4  }
0x377: {  	[tilespmem:$0x1EBA0] =	vst v4  }
0x378: {  	[tilespmem:$0x1ED20] =	vst v4  }
0x379: {  	[tilespmem:$0x1EEA0] =	vst v5  }
0x37a: {  	s0 =	simm.s32 $0x0;
	[tilespmem:$0x1F020] =	vst v2;
	[smem:$0x0] =	sst s5  }
.LBB2_78:
0x37b: {  	s5 =	smov.u32 @p1 s5  }
.LBB2_112:
0x37c: {  	s0 =	sadd.s32 $0x1, s0  }
0x37d: {  	p1 =	sne.s32 s0, $0x4E2  }
.Ltmp61:
0x37e: {  	_ = 	snop;
	(pc) =	sbr.rel @!p1 .LBB2_113-.Ltmp61, $1  }
0x37f: {  	_ =	sdelay $0x3  }
.LBB2_77:
0x380: {  	s1 =	sshll.u32 s0, $0x4  }
0x381: {  	p1 =	sge.s32 s1, s31  }
0x382: {  	p2 =	sgt.s32 @!p1 s5, $0x12B  }
0x383: {  	p2 =	por p1, p2  }
.Ltmp62:
0x384: {  	_ = 	snop;
	(pc) =	sbr.rel @p2 .LBB2_78-.Ltmp62, $1  }
0x385: {  	_ =	sdelay $0x3  }
0x386: {  	v6 =	vld [tilespmem:s1+$0x13880];
	_ =	sdelay $0x4  }
0x387: {  	v7 =	vshll.u32 v6, $0x2  }
0x388: {  	v9 =	vor.u32 $0x1, v7  }
0x389: {  	v10 =	vor.u32 $0x2, v7  }
0x38a: {  	s13 =	simm.s32 $0x0;
	v11 =	vor.u32 $0x3, v7  }
0x38b: {  	s6 =	simm.s32 $0x0;
	v16 =	vld [tilespmem:s13+$0x1E900]  }
0x38c: {  	v8 =	vld.idx.msk [tilespmem:v7+s6+$0x0], $0xffff  }
0x38d: {  	v7 =	vld.idx.msk [tilespmem:v9+s6+$0x0], $0xffff  }
0x38e: {  	v10 =	vld.idx.msk [tilespmem:v10+s6+$0x0], $0xffff  }
0x38f: {  	v9 =	vld.idx.msk [tilespmem:v11+s6+$0x0], $0xffff  }
0x390: {  	v17 =	vld [tilespmem:s13+$0x1E600]  }
0x391: {  	v18 =	vld [tilespmem:s13+$0x1EA80]  }
0x392: {  	v19 =	vld [tilespmem:s13+$0x1E780]  }
0x393: {  	v13 =	vbroadcast v8, $0x0  }
0x394: {  	s7 =	simm.s32 $0x10;
	v21 =	vld [tilespmem:s13+$0x1EC00];
	v11 =	vsub.f32 v10, v8;
	v20 =	vsub.f32 v9, v7;
	v12 =	vbroadcast v10, $0x0  }
0x395: {  	v23 =	vld [tilespmem:s7+$0x1E900];
	v15 =	vbroadcast v7, $0x0;
	v14 =	vbroadcast v9, $0x0  }
0x396: {  	v24 =	vld [tilespmem:s7+$0x1E600];
	v17 =	vmax.f32 v17, v13;
	v11 =	vmul.f32 v20, v11  }
0x397: {  	v25 =	vld [tilespmem:s7+$0x1EA80];
	v16 =	vmin.f32 v16, v12;
	v18 =	vmin.f32 v18, v14;
	v19 =	vmax.f32 v19, v15  }
0x398: {  	v26 =	vld [tilespmem:s7+$0x1E780];
	v17 =	vsub.f32 v16, v17;
	v18 =	vsub.f32 v18, v19  }
0x399: {  	v16 =	vbroadcast v11, $0x0  }
0x39a: {  	v22 =	vld [tilespmem:s7+$0x1EC00];
	s6 =	simm.s32 $0x20;
	v17 =	vmax.f32 v17, $0.0e+00;
	v18 =	vmax.f32 v18, $0.0e+00  }
0x39b: {  	v19 =	vld [tilespmem:s6+$0x1E900];
	v18 =	vmul.f32 v18, v17;
	v21 =	vadd.f32 v21, v16  }
0x39c: {  	v24 =	vmax.f32 v24, v13;
	v20 =	vld [tilespmem:s6+$0x1E600];
	v27 =	vmin.f32 v23, v12  }
0x39d: {  	v25 =	vmin.f32 v25, v14;
	v29 =	vmax.f32 v26, v15;
	v28 =	vsub.f32 v21, v18;
	v21 =	vld [tilespmem:s6+$0x1EA80]  }
0x39e: {  	v23 =	vld [tilespmem:s6+$0x1E780];
	v26 =	vsub.f32 v27, v24;
	v25 =	vsub.f32 v25, v29  }
0x39f: {  	s7 =	simm.s32 $0xC0;
	v17 =	vimm.f32 $-1.000000000e+00;
	v24 =	vmul.f32 $-5.000000000e-01, v28  }
.LBB2_80:
0x3a0: {  	v27 =	vld [tilespmem:s6+$0x1EC00];
	s6 =	sshra.s32 s7, $0x2;
	v26 =	vmax.f32 v26, $0.0e+00;
	v25 =	vmax.f32 v25, $0.0e+00;
	v28 =	vmov v19;
	p1 =	sne.s32 s7, $0x480  }
.Ltmp63:
0x3a1: {  	v22 =	vadd.f32 v22, v16;
	v19 =	vld [tilespmem:s6+$0x1E900];
	v24 =	vadd.f32 v24, v18;
	v18 =	vmul.f32 v25, v26;
	(pc) =	sbr.rel @p1 .LBB2_80-.Ltmp63, $4  }
0x3a2: {  	v25 =	vmin.f32 v28, v12;
	v26 =	vmax.f32 v20, v13;
	v20 =	vld [tilespmem:s6+$0x1E600];
	v28 =	vmin.f32 v21, v14  }
0x3a3: {  	s7 =	sadd.s32 $0x40, s7;
	v21 =	vld [tilespmem:s6+$0x1EA80];
	v29 =	vmax.f32 v23, v15;
	v30 =	vsub.f32 v22, v18;
	v17 =	vmax.f32 v17, v24  }
0x3a4: {  	v26 =	vsub.f32 v25, v26;
	v23 =	vld [tilespmem:s6+$0x1E780];
	v25 =	vsub.f32 v28, v29  }
0x3a5: {  	v24 =	vmul.f32 $-5.000000000e-01, v30;
	v22 =	vmov v27  }
0x3a6: {  	_ =	sdelay $0x1  }
0x3a7: {  	v27 =	vld [tilespmem:s6+$0x1EC00];
	v19 =	vmin.f32 v19, v12  }
0x3a8: {  	v20 =	vmax.f32 v20, v13;
	v21 =	vmin.f32 v21, v14;
	v23 =	vmax.f32 v23, v15  }
0x3a9: {  	v19 =	vsub.f32 v19, v20;
	v20 =	vsub.f32 v21, v23  }
0x3aa: {  	v26 =	vmax.f32 v26, $0.0e+00;
	v25 =	vmax.f32 v25, $0.0e+00;
	v22 =	vadd.f32 v22, v16  }
0x3ab: {  	v21 =	vmul.f32 v25, v26;
	v19 =	vmax.f32 v19, $0.0e+00;
	v20 =	vmax.f32 v20, $0.0e+00  }
0x3ac: {  	v19 =	vmul.f32 v20, v19;
	v20 =	vadd.f32 v27, v16  }
0x3ad: {  	v22 =	vsub.f32 v22, v21  }
0x3ae: {  	v20 =	vsub.f32 v20, v19  }
0x3af: {  	v22 =	vmul.f32 $-5.000000000e-01, v22  }
0x3b0: {  	v18 =	vadd.f32 v24, v18;
	v20 =	vmul.f32 $-5.000000000e-01, v20  }
0x3b1: {  	v21 =	vadd.f32 v22, v21  }
0x3b2: {  	v17 =	vmax.f32 v17, v18;
	v18 =	vadd.f32 v20, v19  }
0x3b3: {  	v17 =	vmax.f32 v17, v21  }
0x3b4: {  	v17 =	vmax.f32 v17, v18  }
0x3b5: {  	(xrf0) =	vmax.scan.msk.f32 $0xffff, v17;
	_ =	sdelay $0x5  }
0x3b6: {  	v17, _, _ =	vpop (xrf0)  }
0x3b7: {  	(v2sf) =	vpush v17, $0xF;
	_ =	sdelay $0xe  }
0x3b8: {  	s12 =	spop (v2sf)  }
0x3b9: {  	p1 =	sle.f32 s12, $0.0e+00  }
0x3ba: {  	vm2 =	vmmov vm0  }
0x3bb: {  	vm2 =	vmneg @p1 vm2  }
0x3bc: {  	vm2 =	vmand vm2, vm1  }
0x3bd: {  	v17 =	vmov s5;
	_ =	sdelay $0x4  }
0x3be: {  	[tilespmem:v17+s22+$0x0] =	vst.idx.msk vm2, v13  }
0x3bf: {  	[tilespmem:v17+s23+$0x0] =	vst.idx.msk vm2, v15  }
0x3c0: {  	[tilespmem:v17+s24+$0x0] =	vst.idx.msk vm2, v12  }
0x3c1: {  	v12 =	vbroadcast v6, $0x0;
	[tilespmem:v17+s25+$0x0] =	vst.idx.msk vm2, v14  }
0x3c2: {  	[tilespmem:v17+s26+$0x0] =	vst.idx.msk vm2, v16  }
0x3c3: {  	[tilespmem:v17+s28+$0x0] =	vst.idx.msk vm2, v12  }
0x3c4: {  	s13 =	simm.s32 $0x0;
	[tilespmem:v17+s29+$0x0] =	vst.idx.msk vm2, v12  }
0x3c5: {  	v16 =	vld [tilespmem:s13+$0x1E900]  }
0x3c6: {  	v17 =	vld [tilespmem:s13+$0x1E600]  }
0x3c7: {  	v18 =	vld [tilespmem:s13+$0x1EA80]  }
0x3c8: {  	v19 =	vld [tilespmem:s13+$0x1E780];
	_ =	sdelay $0x1  }
0x3c9: {  	s7 =	simm.s32 $0x10;
	v13 =	vbroadcast v8, $0x1;
	v12 =	vbroadcast v10, $0x1;
	v20 =	vld [tilespmem:s13+$0x1EC00]  }
0x3ca: {  	v15 =	vbroadcast v7, $0x1;
	v14 =	vbroadcast v9, $0x1;
	v22 =	vld [tilespmem:s7+$0x1E900]  }
0x3cb: {  	v23 =	vld [tilespmem:s7+$0x1E600];
	v16 =	vmin.f32 v16, v12  }
0x3cc: {  	v24 =	vld [tilespmem:s7+$0x1EA80];
	v17 =	vmax.f32 v17, v13;
	v18 =	vmin.f32 v18, v14;
	v19 =	vmax.f32 v19, v15  }
0x3cd: {  	v25 =	vld [tilespmem:s7+$0x1E780];
	v17 =	vsub.f32 v16, v17;
	v18 =	vsub.f32 v18, v19  }
0x3ce: {  	v16 =	vbroadcast v11, $0x1  }
0x3cf: {  	s6 =	simm.s32 $0x20;
	v21 =	vld [tilespmem:s7+$0x1EC00];
	v17 =	vmax.f32 v17, $0.0e+00;
	v18 =	vmax.f32 v18, $0.0e+00  }
0x3d0: {  	v19 =	vld [tilespmem:s6+$0x1E900];
	v26 =	vadd.f32 v20, v16;
	v17 =	vmul.f32 v18, v17  }
0x3d1: {  	s7 =	simm.s32 $0x1;
	v27 =	vmin.f32 v22, v12;
	v24 =	vmin.f32 v24, v14;
	v22 =	vld [tilespmem:s6+$0x1EA80]  }
0x3d2: {  	s7 =	simm.s32 @!p1 $0x0;
	v25 =	vmax.f32 v25, v15;
	v20 =	vld [tilespmem:s6+$0x1E600];
	v28 =	vsub.f32 v26, v17;
	v26 =	vmax.f32 v23, v13  }
0x3d3: {  	s5 =	sadd.s32 s7, s5;
	v25 =	vsub.f32 v24, v25;
	v23 =	vld [tilespmem:s6+$0x1E780];
	v26 =	vsub.f32 v27, v26  }
0x3d4: {  	s7 =	simm.s32 $0xC0;
	[smem:$0x0] =	sst s5;
	v18 =	vimm.f32 $-1.000000000e+00;
	v24 =	vmul.f32 $-5.000000000e-01, v28  }
.LBB2_82:
0x3d5: {  	v27 =	vld [tilespmem:s6+$0x1EC00];
	s6 =	sshra.s32 s7, $0x2;
	v26 =	vmax.f32 v26, $0.0e+00;
	v25 =	vmax.f32 v25, $0.0e+00;
	v28 =	vmov v19;
	p1 =	sne.s32 s7, $0x480  }
.Ltmp64:
0x3d6: {  	v21 =	vadd.f32 v21, v16;
	v19 =	vld [tilespmem:s6+$0x1E900];
	v24 =	vadd.f32 v24, v17;
	v17 =	vmul.f32 v25, v26;
	(pc) =	sbr.rel @p1 .LBB2_82-.Ltmp64, $4  }
0x3d7: {  	v25 =	vmin.f32 v28, v12;
	v26 =	vmax.f32 v20, v13;
	v20 =	vld [tilespmem:s6+$0x1E600];
	v28 =	vmin.f32 v22, v14  }
0x3d8: {  	s7 =	sadd.s32 $0x40, s7;
	v22 =	vld [tilespmem:s6+$0x1EA80];
	v29 =	vmax.f32 v23, v15;
	v30 =	vsub.f32 v21, v17;
	v18 =	vmax.f32 v18, v24  }
0x3d9: {  	v26 =	vsub.f32 v25, v26;
	v23 =	vld [tilespmem:s6+$0x1E780];
	v25 =	vsub.f32 v28, v29  }
0x3da: {  	v24 =	vmul.f32 $-5.000000000e-01, v30;
	v21 =	vmov v27  }
0x3db: {  	_ =	sdelay $0x1  }
0x3dc: {  	v27 =	vld [tilespmem:s6+$0x1EC00];
	v19 =	vmin.f32 v19, v12  }
0x3dd: {  	v20 =	vmax.f32 v20, v13;
	v22 =	vmin.f32 v22, v14;
	v23 =	vmax.f32 v23, v15  }
0x3de: {  	v19 =	vsub.f32 v19, v20;
	v20 =	vsub.f32 v22, v23  }
0x3df: {  	v26 =	vmax.f32 v26, $0.0e+00;
	v25 =	vmax.f32 v25, $0.0e+00;
	v21 =	vadd.f32 v21, v16  }
0x3e0: {  	v22 =	vmul.f32 v25, v26;
	v19 =	vmax.f32 v19, $0.0e+00;
	v20 =	vmax.f32 v20, $0.0e+00  }
0x3e1: {  	v19 =	vmul.f32 v20, v19;
	v20 =	vadd.f32 v27, v16  }
0x3e2: {  	v21 =	vsub.f32 v21, v22  }
0x3e3: {  	v20 =	vsub.f32 v20, v19  }
0x3e4: {  	v21 =	vmul.f32 $-5.000000000e-01, v21  }
0x3e5: {  	v17 =	vadd.f32 v24, v17;
	v20 =	vmul.f32 $-5.000000000e-01, v20  }
0x3e6: {  	v21 =	vadd.f32 v21, v22  }
0x3e7: {  	v17 =	vmax.f32 v18, v17;
	v18 =	vadd.f32 v20, v19  }
0x3e8: {  	v17 =	vmax.f32 v17, v21  }
0x3e9: {  	v17 =	vmax.f32 v17, v18  }
0x3ea: {  	(xrf0) =	vmax.scan.msk.f32 $0xffff, v17;
	_ =	sdelay $0x5  }
0x3eb: {  	v17, _, _ =	vpop (xrf0)  }
0x3ec: {  	(v2sf) =	vpush v17, $0xF;
	_ =	sdelay $0xd  }
0x3ed: {  	s11 =	sor.u32 $0x1, s1  }
0x3ee: {  	p1 =	slt.s32 s5, $0x12C;
	p2 =	slt.s32 s11, s31;
	s7 =	spop (v2sf)  }
0x3ef: {  	p1 =	por !p1, !p2;
	p3 =	sle.f32 s7, $0.0e+00  }
0x3f0: {  	p1 =	por !p1, !p1  }
0x3f1: {  	p1 =	por !p1, !p3  }
0x3f2: {  	vm2 =	vmmov vm0;
	p1 =	por !p1, !p1  }
0x3f3: {  	vm2 =	vmneg @p1 vm2  }
0x3f4: {  	vm2 =	vmand vm2, vm1  }
0x3f5: {  	v17 =	vmov s5;
	_ =	sdelay $0x4  }
0x3f6: {  	[tilespmem:v17+s22+$0x0] =	vst.idx.msk vm2, v13  }
0x3f7: {  	[tilespmem:v17+s23+$0x0] =	vst.idx.msk vm2, v15  }
0x3f8: {  	[tilespmem:v17+s24+$0x0] =	vst.idx.msk vm2, v12  }
0x3f9: {  	v12 =	vbroadcast v6, $0x1;
	[tilespmem:v17+s25+$0x0] =	vst.idx.msk vm2, v14  }
0x3fa: {  	[tilespmem:v17+s26+$0x0] =	vst.idx.msk vm2, v16  }
0x3fb: {  	[tilespmem:v17+s28+$0x0] =	vst.idx.msk vm2, v12  }
0x3fc: {  	s12 =	simm.s32 $0x0;
	[tilespmem:v17+s29+$0x0] =	vst.idx.msk vm2, v12  }
0x3fd: {  	v16 =	vld [tilespmem:s12+$0x1E900]  }
0x3fe: {  	v17 =	vld [tilespmem:s12+$0x1E600]  }
0x3ff: {  	v18 =	vld [tilespmem:s12+$0x1EA80]  }
0x400: {  	v19 =	vld [tilespmem:s12+$0x1E780];
	_ =	sdelay $0x1  }
0x401: {  	s13 =	simm.s32 $0x10;
	v13 =	vbroadcast v8, $0x2;
	v12 =	vbroadcast v10, $0x2;
	v20 =	vld [tilespmem:s12+$0x1EC00]  }
0x402: {  	v15 =	vbroadcast v7, $0x2;
	v14 =	vbroadcast v9, $0x2;
	v21 =	vld [tilespmem:s13+$0x1E900]  }
0x403: {  	v23 =	vld [tilespmem:s13+$0x1E600];
	v16 =	vmin.f32 v16, v12  }
0x404: {  	v24 =	vld [tilespmem:s13+$0x1EA80];
	v17 =	vmax.f32 v17, v13;
	v18 =	vmin.f32 v18, v14;
	v19 =	vmax.f32 v19, v15  }
0x405: {  	v25 =	vld [tilespmem:s13+$0x1E780];
	v17 =	vsub.f32 v16, v17;
	v18 =	vsub.f32 v18, v19  }
0x406: {  	v16 =	vbroadcast v11, $0x2  }
0x407: {  	s6 =	simm.s32 $0x20;
	v22 =	vld [tilespmem:s13+$0x1EC00];
	v17 =	vmax.f32 v17, $0.0e+00;
	v18 =	vmax.f32 v18, $0.0e+00  }
0x408: {  	v19 =	vld [tilespmem:s6+$0x1E900];
	v26 =	vadd.f32 v20, v16;
	v17 =	vmul.f32 v18, v17  }
0x409: {  	v27 =	vmin.f32 v21, v12;
	v24 =	vmin.f32 v24, v14;
	v21 =	vld [tilespmem:s6+$0x1EA80]  }
0x40a: {  	s7 =	simm.s32 $0x1;
	v25 =	vmax.f32 v25, v15;
	v20 =	vld [tilespmem:s6+$0x1E600];
	v28 =	vsub.f32 v26, v17;
	v26 =	vmax.f32 v23, v13  }
0x40b: {  	s7 =	simm.s32 @!p1 $0x0;
	v25 =	vsub.f32 v24, v25;
	v23 =	vld [tilespmem:s6+$0x1E780];
	v26 =	vsub.f32 v27, v26  }
0x40c: {  	s5 =	sadd.s32 s7, s5;
	s7 =	simm.s32 $0xC0;
	v18 =	vimm.f32 $-1.000000000e+00;
	v24 =	vmul.f32 $-5.000000000e-01, v28  }
.LBB2_84:
0x40d: {  	v27 =	vld [tilespmem:s6+$0x1EC00];
	s6 =	sshra.s32 s7, $0x2;
	v26 =	vmax.f32 v26, $0.0e+00;
	v25 =	vmax.f32 v25, $0.0e+00;
	v28 =	vmov v19;
	p1 =	sne.s32 s7, $0x480  }
.Ltmp65:
0x40e: {  	v22 =	vadd.f32 v22, v16;
	v19 =	vld [tilespmem:s6+$0x1E900];
	v24 =	vadd.f32 v24, v17;
	v17 =	vmul.f32 v25, v26;
	(pc) =	sbr.rel @p1 .LBB2_84-.Ltmp65, $4  }
0x40f: {  	v25 =	vmin.f32 v28, v12;
	v26 =	vmax.f32 v20, v13;
	v20 =	vld [tilespmem:s6+$0x1E600];
	v28 =	vmin.f32 v21, v14  }
0x410: {  	s7 =	sadd.s32 $0x40, s7;
	v21 =	vld [tilespmem:s6+$0x1EA80];
	v29 =	vmax.f32 v23, v15;
	v30 =	vsub.f32 v22, v17;
	v18 =	vmax.f32 v18, v24  }
0x411: {  	v26 =	vsub.f32 v25, v26;
	v23 =	vld [tilespmem:s6+$0x1E780];
	v25 =	vsub.f32 v28, v29  }
0x412: {  	v24 =	vmul.f32 $-5.000000000e-01, v30;
	v22 =	vmov v27  }
0x413: {  	_ =	sdelay $0x1  }
0x414: {  	v27 =	vld [tilespmem:s6+$0x1EC00];
	v19 =	vmin.f32 v19, v12  }
0x415: {  	v20 =	vmax.f32 v20, v13;
	v21 =	vmin.f32 v21, v14;
	v23 =	vmax.f32 v23, v15  }
0x416: {  	v19 =	vsub.f32 v19, v20;
	v20 =	vsub.f32 v21, v23  }
0x417: {  	v26 =	vmax.f32 v26, $0.0e+00;
	v25 =	vmax.f32 v25, $0.0e+00;
	v22 =	vadd.f32 v22, v16  }
0x418: {  	v21 =	vmul.f32 v25, v26;
	v19 =	vmax.f32 v19, $0.0e+00;
	v20 =	vmax.f32 v20, $0.0e+00  }
0x419: {  	v19 =	vmul.f32 v20, v19;
	v20 =	vadd.f32 v27, v16  }
0x41a: {  	v22 =	vsub.f32 v22, v21  }
0x41b: {  	v20 =	vsub.f32 v20, v19  }
0x41c: {  	v22 =	vmul.f32 $-5.000000000e-01, v22  }
0x41d: {  	v17 =	vadd.f32 v24, v17;
	v20 =	vmul.f32 $-5.000000000e-01, v20  }
0x41e: {  	v21 =	vadd.f32 v22, v21  }
0x41f: {  	v17 =	vmax.f32 v18, v17;
	v18 =	vadd.f32 v20, v19  }
0x420: {  	v17 =	vmax.f32 v17, v21  }
0x421: {  	v17 =	vmax.f32 v17, v18  }
0x422: {  	(xrf0) =	vmax.scan.msk.f32 $0xffff, v17;
	_ =	sdelay $0x5  }
0x423: {  	v17, _, _ =	vpop (xrf0)  }
0x424: {  	(v2sf) =	vpush v17, $0xF;
	_ =	sdelay $0xd  }
0x425: {  	s11 =	sor.u32 $0x2, s1  }
0x426: {  	p1 =	slt.s32 s5, $0x12C;
	p2 =	slt.s32 s11, s31;
	s7 =	spop (v2sf)  }
0x427: {  	p1 =	por !p1, !p2;
	p3 =	sle.f32 s7, $0.0e+00  }
0x428: {  	p1 =	por !p1, !p1  }
0x429: {  	p1 =	por !p1, !p3  }
0x42a: {  	vm2 =	vmmov vm0;
	p1 =	por !p1, !p1  }
0x42b: {  	vm2 =	vmneg @p1 vm2  }
0x42c: {  	vm2 =	vmand vm2, vm1  }
0x42d: {  	v17 =	vmov s5;
	_ =	sdelay $0x4  }
0x42e: {  	[tilespmem:v17+s22+$0x0] =	vst.idx.msk vm2, v13  }
0x42f: {  	[tilespmem:v17+s23+$0x0] =	vst.idx.msk vm2, v15  }
0x430: {  	[tilespmem:v17+s24+$0x0] =	vst.idx.msk vm2, v12  }
0x431: {  	v12 =	vbroadcast v6, $0x2;
	[tilespmem:v17+s25+$0x0] =	vst.idx.msk vm2, v14  }
0x432: {  	[tilespmem:v17+s26+$0x0] =	vst.idx.msk vm2, v16  }
0x433: {  	[tilespmem:v17+s28+$0x0] =	vst.idx.msk vm2, v12  }
0x434: {  	s12 =	simm.s32 $0x0;
	[tilespmem:v17+s29+$0x0] =	vst.idx.msk vm2, v12  }
0x435: {  	v16 =	vld [tilespmem:s12+$0x1E900]  }
0x436: {  	v17 =	vld [tilespmem:s12+$0x1E600]  }
0x437: {  	v18 =	vld [tilespmem:s12+$0x1EA80]  }
0x438: {  	v19 =	vld [tilespmem:s12+$0x1E780];
	_ =	sdelay $0x1  }
0x439: {  	s13 =	simm.s32 $0x10;
	v13 =	vbroadcast v8, $0x3;
	v12 =	vbroadcast v10, $0x3;
	v20 =	vld [tilespmem:s12+$0x1EC00]  }
0x43a: {  	v15 =	vbroadcast v7, $0x3;
	v14 =	vbroadcast v9, $0x3;
	v21 =	vld [tilespmem:s13+$0x1E900]  }
0x43b: {  	v23 =	vld [tilespmem:s13+$0x1E600];
	v16 =	vmin.f32 v16, v12  }
0x43c: {  	v24 =	vld [tilespmem:s13+$0x1EA80];
	v17 =	vmax.f32 v17, v13;
	v18 =	vmin.f32 v18, v14;
	v19 =	vmax.f32 v19, v15  }
0x43d: {  	v25 =	vld [tilespmem:s13+$0x1E780];
	v17 =	vsub.f32 v16, v17;
	v18 =	vsub.f32 v18, v19  }
0x43e: {  	v16 =	vbroadcast v11, $0x3  }
0x43f: {  	s6 =	simm.s32 $0x20;
	v22 =	vld [tilespmem:s13+$0x1EC00];
	v17 =	vmax.f32 v17, $0.0e+00;
	v18 =	vmax.f32 v18, $0.0e+00  }
0x440: {  	v19 =	vld [tilespmem:s6+$0x1E900];
	v26 =	vadd.f32 v20, v16;
	v17 =	vmul.f32 v18, v17  }
0x441: {  	v27 =	vmin.f32 v21, v12;
	v24 =	vmin.f32 v24, v14;
	v21 =	vld [tilespmem:s6+$0x1EA80]  }
0x442: {  	s7 =	simm.s32 $0x1;
	v25 =	vmax.f32 v25, v15;
	v20 =	vld [tilespmem:s6+$0x1E600];
	v28 =	vsub.f32 v26, v17;
	v26 =	vmax.f32 v23, v13  }
0x443: {  	s7 =	simm.s32 @!p1 $0x0;
	v25 =	vsub.f32 v24, v25;
	v23 =	vld [tilespmem:s6+$0x1E780];
	v26 =	vsub.f32 v27, v26  }
0x444: {  	s5 =	sadd.s32 s7, s5;
	s7 =	simm.s32 $0xC0;
	v18 =	vimm.f32 $-1.000000000e+00;
	v24 =	vmul.f32 $-5.000000000e-01, v28  }
.LBB2_86:
0x445: {  	v27 =	vld [tilespmem:s6+$0x1EC00];
	s6 =	sshra.s32 s7, $0x2;
	v26 =	vmax.f32 v26, $0.0e+00;
	v25 =	vmax.f32 v25, $0.0e+00;
	v28 =	vmov v19;
	p1 =	sne.s32 s7, $0x480  }
.Ltmp66:
0x446: {  	v22 =	vadd.f32 v22, v16;
	v19 =	vld [tilespmem:s6+$0x1E900];
	v24 =	vadd.f32 v24, v17;
	v17 =	vmul.f32 v25, v26;
	(pc) =	sbr.rel @p1 .LBB2_86-.Ltmp66, $4  }
0x447: {  	v25 =	vmin.f32 v28, v12;
	v26 =	vmax.f32 v20, v13;
	v20 =	vld [tilespmem:s6+$0x1E600];
	v28 =	vmin.f32 v21, v14  }
0x448: {  	s7 =	sadd.s32 $0x40, s7;
	v21 =	vld [tilespmem:s6+$0x1EA80];
	v29 =	vmax.f32 v23, v15;
	v30 =	vsub.f32 v22, v17;
	v18 =	vmax.f32 v18, v24  }
0x449: {  	v26 =	vsub.f32 v25, v26;
	v23 =	vld [tilespmem:s6+$0x1E780];
	v25 =	vsub.f32 v28, v29  }
0x44a: {  	v24 =	vmul.f32 $-5.000000000e-01, v30;
	v22 =	vmov v27  }
0x44b: {  	_ =	sdelay $0x1  }
0x44c: {  	v27 =	vld [tilespmem:s6+$0x1EC00];
	v19 =	vmin.f32 v19, v12  }
0x44d: {  	v20 =	vmax.f32 v20, v13;
	v21 =	vmin.f32 v21, v14;
	v23 =	vmax.f32 v23, v15  }
0x44e: {  	v19 =	vsub.f32 v19, v20;
	v20 =	vsub.f32 v21, v23  }
0x44f: {  	v26 =	vmax.f32 v26, $0.0e+00;
	v25 =	vmax.f32 v25, $0.0e+00;
	v22 =	vadd.f32 v22, v16  }
0x450: {  	v21 =	vmul.f32 v25, v26;
	v19 =	vmax.f32 v19, $0.0e+00;
	v20 =	vmax.f32 v20, $0.0e+00  }
0x451: {  	v19 =	vmul.f32 v20, v19;
	v20 =	vadd.f32 v27, v16  }
0x452: {  	v22 =	vsub.f32 v22, v21  }
0x453: {  	v20 =	vsub.f32 v20, v19  }
0x454: {  	v22 =	vmul.f32 $-5.000000000e-01, v22  }
0x455: {  	v17 =	vadd.f32 v24, v17;
	v20 =	vmul.f32 $-5.000000000e-01, v20  }
0x456: {  	v21 =	vadd.f32 v22, v21  }
0x457: {  	v17 =	vmax.f32 v18, v17;
	v18 =	vadd.f32 v20, v19  }
0x458: {  	v17 =	vmax.f32 v17, v21  }
0x459: {  	v17 =	vmax.f32 v17, v18  }
0x45a: {  	(xrf0) =	vmax.scan.msk.f32 $0xffff, v17;
	_ =	sdelay $0x5  }
0x45b: {  	v17, _, _ =	vpop (xrf0)  }
0x45c: {  	(v2sf) =	vpush v17, $0xF;
	_ =	sdelay $0xd  }
0x45d: {  	s11 =	sor.u32 $0x3, s1  }
0x45e: {  	p1 =	slt.s32 s5, $0x12C;
	p2 =	slt.s32 s11, s31;
	s7 =	spop (v2sf)  }
0x45f: {  	p1 =	por !p1, !p2;
	p3 =	sle.f32 s7, $0.0e+00  }
0x460: {  	p1 =	por !p1, !p1  }
0x461: {  	p1 =	por !p1, !p3  }
0x462: {  	vm2 =	vmmov vm0;
	p1 =	por !p1, !p1  }
0x463: {  	vm2 =	vmneg @p1 vm2  }
0x464: {  	vm2 =	vmand vm2, vm1  }
0x465: {  	v17 =	vmov s5;
	_ =	sdelay $0x4  }
0x466: {  	[tilespmem:v17+s22+$0x0] =	vst.idx.msk vm2, v13  }
0x467: {  	[tilespmem:v17+s23+$0x0] =	vst.idx.msk vm2, v15  }
0x468: {  	[tilespmem:v17+s24+$0x0] =	vst.idx.msk vm2, v12  }
0x469: {  	v12 =	vbroadcast v6, $0x3;
	[tilespmem:v17+s25+$0x0] =	vst.idx.msk vm2, v14  }
0x46a: {  	[tilespmem:v17+s26+$0x0] =	vst.idx.msk vm2, v16  }
0x46b: {  	[tilespmem:v17+s28+$0x0] =	vst.idx.msk vm2, v12  }
0x46c: {  	s12 =	simm.s32 $0x0;
	[tilespmem:v17+s29+$0x0] =	vst.idx.msk vm2, v12  }
0x46d: {  	v16 =	vld [tilespmem:s12+$0x1E900]  }
0x46e: {  	v17 =	vld [tilespmem:s12+$0x1E600]  }
0x46f: {  	v18 =	vld [tilespmem:s12+$0x1EA80]  }
0x470: {  	v19 =	vld [tilespmem:s12+$0x1E780];
	_ =	sdelay $0x1  }
0x471: {  	s13 =	simm.s32 $0x10;
	v13 =	vbroadcast v8, $0x4;
	v12 =	vbroadcast v10, $0x4;
	v20 =	vld [tilespmem:s12+$0x1EC00]  }
0x472: {  	v15 =	vbroadcast v7, $0x4;
	v14 =	vbroadcast v9, $0x4;
	v22 =	vld [tilespmem:s13+$0x1E900]  }
0x473: {  	v23 =	vld [tilespmem:s13+$0x1E600];
	v16 =	vmin.f32 v16, v12  }
0x474: {  	v24 =	vld [tilespmem:s13+$0x1EA80];
	v17 =	vmax.f32 v17, v13;
	v18 =	vmin.f32 v18, v14;
	v19 =	vmax.f32 v19, v15  }
0x475: {  	v25 =	vld [tilespmem:s13+$0x1E780];
	v17 =	vsub.f32 v16, v17;
	v18 =	vsub.f32 v18, v19  }
0x476: {  	v16 =	vbroadcast v11, $0x4  }
0x477: {  	s6 =	simm.s32 $0x20;
	v21 =	vld [tilespmem:s13+$0x1EC00];
	v17 =	vmax.f32 v17, $0.0e+00;
	v18 =	vmax.f32 v18, $0.0e+00  }
0x478: {  	v19 =	vld [tilespmem:s6+$0x1E900];
	v26 =	vadd.f32 v20, v16;
	v17 =	vmul.f32 v18, v17  }
0x479: {  	s7 =	simm.s32 $0x1;
	v27 =	vmin.f32 v22, v12;
	v24 =	vmin.f32 v24, v14;
	v22 =	vld [tilespmem:s6+$0x1EA80]  }
0x47a: {  	s7 =	simm.s32 @!p1 $0x0;
	v25 =	vmax.f32 v25, v15;
	v20 =	vld [tilespmem:s6+$0x1E600];
	v28 =	vsub.f32 v26, v17;
	v26 =	vmax.f32 v23, v13  }
0x47b: {  	s5 =	sadd.s32 s7, s5;
	v25 =	vsub.f32 v24, v25;
	v23 =	vld [tilespmem:s6+$0x1E780];
	v26 =	vsub.f32 v27, v26  }
0x47c: {  	s7 =	simm.s32 $0xC0;
	[smem:$0x0] =	sst s5;
	v18 =	vimm.f32 $-1.000000000e+00;
	v24 =	vmul.f32 $-5.000000000e-01, v28  }
.LBB2_88:
0x47d: {  	v27 =	vld [tilespmem:s6+$0x1EC00];
	s6 =	sshra.s32 s7, $0x2;
	v26 =	vmax.f32 v26, $0.0e+00;
	v25 =	vmax.f32 v25, $0.0e+00;
	v28 =	vmov v19;
	p1 =	sne.s32 s7, $0x480  }
.Ltmp67:
0x47e: {  	v21 =	vadd.f32 v21, v16;
	v19 =	vld [tilespmem:s6+$0x1E900];
	v24 =	vadd.f32 v24, v17;
	v17 =	vmul.f32 v25, v26;
	(pc) =	sbr.rel @p1 .LBB2_88-.Ltmp67, $4  }
0x47f: {  	v25 =	vmin.f32 v28, v12;
	v26 =	vmax.f32 v20, v13;
	v20 =	vld [tilespmem:s6+$0x1E600];
	v28 =	vmin.f32 v22, v14  }
0x480: {  	s7 =	sadd.s32 $0x40, s7;
	v22 =	vld [tilespmem:s6+$0x1EA80];
	v29 =	vmax.f32 v23, v15;
	v30 =	vsub.f32 v21, v17;
	v18 =	vmax.f32 v18, v24  }
0x481: {  	v26 =	vsub.f32 v25, v26;
	v23 =	vld [tilespmem:s6+$0x1E780];
	v25 =	vsub.f32 v28, v29  }
0x482: {  	v24 =	vmul.f32 $-5.000000000e-01, v30;
	v21 =	vmov v27  }
0x483: {  	_ =	sdelay $0x1  }
0x484: {  	v27 =	vld [tilespmem:s6+$0x1EC00];
	v19 =	vmin.f32 v19, v12  }
0x485: {  	v20 =	vmax.f32 v20, v13;
	v22 =	vmin.f32 v22, v14;
	v23 =	vmax.f32 v23, v15  }
0x486: {  	v19 =	vsub.f32 v19, v20;
	v20 =	vsub.f32 v22, v23  }
0x487: {  	v26 =	vmax.f32 v26, $0.0e+00;
	v25 =	vmax.f32 v25, $0.0e+00;
	v21 =	vadd.f32 v21, v16  }
0x488: {  	v22 =	vmul.f32 v25, v26;
	v19 =	vmax.f32 v19, $0.0e+00;
	v20 =	vmax.f32 v20, $0.0e+00  }
0x489: {  	v19 =	vmul.f32 v20, v19;
	v20 =	vadd.f32 v27, v16  }
0x48a: {  	v21 =	vsub.f32 v21, v22  }
0x48b: {  	v20 =	vsub.f32 v20, v19  }
0x48c: {  	v21 =	vmul.f32 $-5.000000000e-01, v21  }
0x48d: {  	v17 =	vadd.f32 v24, v17;
	v20 =	vmul.f32 $-5.000000000e-01, v20  }
0x48e: {  	v21 =	vadd.f32 v21, v22  }
0x48f: {  	v17 =	vmax.f32 v18, v17;
	v18 =	vadd.f32 v20, v19  }
0x490: {  	v17 =	vmax.f32 v17, v21  }
0x491: {  	v17 =	vmax.f32 v17, v18  }
0x492: {  	(xrf0) =	vmax.scan.msk.f32 $0xffff, v17;
	_ =	sdelay $0x5  }
0x493: {  	v17, _, _ =	vpop (xrf0)  }
0x494: {  	(v2sf) =	vpush v17, $0xF;
	_ =	sdelay $0xd  }
0x495: {  	s11 =	sor.u32 $0x4, s1  }
0x496: {  	p1 =	slt.s32 s5, $0x12C;
	p2 =	slt.s32 s11, s31;
	s7 =	spop (v2sf)  }
0x497: {  	p1 =	por !p1, !p2;
	p3 =	sle.f32 s7, $0.0e+00  }
0x498: {  	p1 =	por !p1, !p1  }
0x499: {  	p1 =	por !p1, !p3  }
0x49a: {  	vm2 =	vmmov vm0;
	p1 =	por !p1, !p1  }
0x49b: {  	vm2 =	vmneg @p1 vm2  }
0x49c: {  	vm2 =	vmand vm2, vm1  }
0x49d: {  	v17 =	vmov s5;
	_ =	sdelay $0x4  }
0x49e: {  	[tilespmem:v17+s22+$0x0] =	vst.idx.msk vm2, v13  }
0x49f: {  	[tilespmem:v17+s23+$0x0] =	vst.idx.msk vm2, v15  }
0x4a0: {  	[tilespmem:v17+s24+$0x0] =	vst.idx.msk vm2, v12  }
0x4a1: {  	v12 =	vbroadcast v6, $0x4;
	[tilespmem:v17+s25+$0x0] =	vst.idx.msk vm2, v14  }
0x4a2: {  	[tilespmem:v17+s26+$0x0] =	vst.idx.msk vm2, v16  }
0x4a3: {  	[tilespmem:v17+s28+$0x0] =	vst.idx.msk vm2, v12  }
0x4a4: {  	s12 =	simm.s32 $0x0;
	[tilespmem:v17+s29+$0x0] =	vst.idx.msk vm2, v12  }
0x4a5: {  	v16 =	vld [tilespmem:s12+$0x1E900]  }
0x4a6: {  	v17 =	vld [tilespmem:s12+$0x1E600]  }
0x4a7: {  	v18 =	vld [tilespmem:s12+$0x1EA80]  }
0x4a8: {  	v19 =	vld [tilespmem:s12+$0x1E780];
	_ =	sdelay $0x1  }
0x4a9: {  	s13 =	simm.s32 $0x10;
	v13 =	vbroadcast v8, $0x5;
	v12 =	vbroadcast v10, $0x5;
	v20 =	vld [tilespmem:s12+$0x1EC00]  }
0x4aa: {  	v15 =	vbroadcast v7, $0x5;
	v14 =	vbroadcast v9, $0x5;
	v21 =	vld [tilespmem:s13+$0x1E900]  }
0x4ab: {  	v23 =	vld [tilespmem:s13+$0x1E600];
	v16 =	vmin.f32 v16, v12  }
0x4ac: {  	v24 =	vld [tilespmem:s13+$0x1EA80];
	v17 =	vmax.f32 v17, v13;
	v18 =	vmin.f32 v18, v14;
	v19 =	vmax.f32 v19, v15  }
0x4ad: {  	v25 =	vld [tilespmem:s13+$0x1E780];
	v17 =	vsub.f32 v16, v17;
	v18 =	vsub.f32 v18, v19  }
0x4ae: {  	v16 =	vbroadcast v11, $0x5  }
0x4af: {  	s6 =	simm.s32 $0x20;
	v22 =	vld [tilespmem:s13+$0x1EC00];
	v17 =	vmax.f32 v17, $0.0e+00;
	v18 =	vmax.f32 v18, $0.0e+00  }
0x4b0: {  	v19 =	vld [tilespmem:s6+$0x1E900];
	v26 =	vadd.f32 v20, v16;
	v17 =	vmul.f32 v18, v17  }
0x4b1: {  	v27 =	vmin.f32 v21, v12;
	v24 =	vmin.f32 v24, v14;
	v21 =	vld [tilespmem:s6+$0x1EA80]  }
0x4b2: {  	s7 =	simm.s32 $0x1;
	v25 =	vmax.f32 v25, v15;
	v20 =	vld [tilespmem:s6+$0x1E600];
	v28 =	vsub.f32 v26, v17;
	v26 =	vmax.f32 v23, v13  }
0x4b3: {  	s7 =	simm.s32 @!p1 $0x0;
	v25 =	vsub.f32 v24, v25;
	v23 =	vld [tilespmem:s6+$0x1E780];
	v26 =	vsub.f32 v27, v26  }
0x4b4: {  	s5 =	sadd.s32 s7, s5;
	s7 =	simm.s32 $0xC0;
	v18 =	vimm.f32 $-1.000000000e+00;
	v24 =	vmul.f32 $-5.000000000e-01, v28  }
.LBB2_90:
0x4b5: {  	v27 =	vld [tilespmem:s6+$0x1EC00];
	s6 =	sshra.s32 s7, $0x2;
	v26 =	vmax.f32 v26, $0.0e+00;
	v25 =	vmax.f32 v25, $0.0e+00;
	v28 =	vmov v19;
	p1 =	sne.s32 s7, $0x480  }
.Ltmp68:
0x4b6: {  	v22 =	vadd.f32 v22, v16;
	v19 =	vld [tilespmem:s6+$0x1E900];
	v24 =	vadd.f32 v24, v17;
	v17 =	vmul.f32 v25, v26;
	(pc) =	sbr.rel @p1 .LBB2_90-.Ltmp68, $4  }
0x4b7: {  	v25 =	vmin.f32 v28, v12;
	v26 =	vmax.f32 v20, v13;
	v20 =	vld [tilespmem:s6+$0x1E600];
	v28 =	vmin.f32 v21, v14  }
0x4b8: {  	s7 =	sadd.s32 $0x40, s7;
	v21 =	vld [tilespmem:s6+$0x1EA80];
	v29 =	vmax.f32 v23, v15;
	v30 =	vsub.f32 v22, v17;
	v18 =	vmax.f32 v18, v24  }
0x4b9: {  	v26 =	vsub.f32 v25, v26;
	v23 =	vld [tilespmem:s6+$0x1E780];
	v25 =	vsub.f32 v28, v29  }
0x4ba: {  	v24 =	vmul.f32 $-5.000000000e-01, v30;
	v22 =	vmov v27  }
0x4bb: {  	_ =	sdelay $0x1  }
0x4bc: {  	v27 =	vld [tilespmem:s6+$0x1EC00];
	v19 =	vmin.f32 v19, v12  }
0x4bd: {  	v20 =	vmax.f32 v20, v13;
	v21 =	vmin.f32 v21, v14;
	v23 =	vmax.f32 v23, v15  }
0x4be: {  	v19 =	vsub.f32 v19, v20;
	v20 =	vsub.f32 v21, v23  }
0x4bf: {  	v26 =	vmax.f32 v26, $0.0e+00;
	v25 =	vmax.f32 v25, $0.0e+00;
	v22 =	vadd.f32 v22, v16  }
0x4c0: {  	v21 =	vmul.f32 v25, v26;
	v19 =	vmax.f32 v19, $0.0e+00;
	v20 =	vmax.f32 v20, $0.0e+00  }
0x4c1: {  	v19 =	vmul.f32 v20, v19;
	v20 =	vadd.f32 v27, v16  }
0x4c2: {  	v22 =	vsub.f32 v22, v21  }
0x4c3: {  	v20 =	vsub.f32 v20, v19  }
0x4c4: {  	v22 =	vmul.f32 $-5.000000000e-01, v22  }
0x4c5: {  	v17 =	vadd.f32 v24, v17;
	v20 =	vmul.f32 $-5.000000000e-01, v20  }
0x4c6: {  	v21 =	vadd.f32 v22, v21  }
0x4c7: {  	v17 =	vmax.f32 v18, v17;
	v18 =	vadd.f32 v20, v19  }
0x4c8: {  	v17 =	vmax.f32 v17, v21  }
0x4c9: {  	v17 =	vmax.f32 v17, v18  }
0x4ca: {  	(xrf0) =	vmax.scan.msk.f32 $0xffff, v17;
	_ =	sdelay $0x5  }
0x4cb: {  	v17, _, _ =	vpop (xrf0)  }
0x4cc: {  	(v2sf) =	vpush v17, $0xF;
	_ =	sdelay $0xd  }
0x4cd: {  	s11 =	sor.u32 $0x5, s1  }
0x4ce: {  	p1 =	slt.s32 s5, $0x12C;
	p2 =	slt.s32 s11, s31;
	s7 =	spop (v2sf)  }
0x4cf: {  	p1 =	por !p1, !p2;
	p3 =	sle.f32 s7, $0.0e+00  }
0x4d0: {  	p1 =	por !p1, !p1  }
0x4d1: {  	p1 =	por !p1, !p3  }
0x4d2: {  	vm2 =	vmmov vm0;
	p1 =	por !p1, !p1  }
0x4d3: {  	vm2 =	vmneg @p1 vm2  }
0x4d4: {  	vm2 =	vmand vm2, vm1  }
0x4d5: {  	v17 =	vmov s5;
	_ =	sdelay $0x4  }
0x4d6: {  	[tilespmem:v17+s22+$0x0] =	vst.idx.msk vm2, v13  }
0x4d7: {  	[tilespmem:v17+s23+$0x0] =	vst.idx.msk vm2, v15  }
0x4d8: {  	[tilespmem:v17+s24+$0x0] =	vst.idx.msk vm2, v12  }
0x4d9: {  	v12 =	vbroadcast v6, $0x5;
	[tilespmem:v17+s25+$0x0] =	vst.idx.msk vm2, v14  }
0x4da: {  	[tilespmem:v17+s26+$0x0] =	vst.idx.msk vm2, v16  }
0x4db: {  	[tilespmem:v17+s28+$0x0] =	vst.idx.msk vm2, v12  }
0x4dc: {  	s12 =	simm.s32 $0x0;
	[tilespmem:v17+s29+$0x0] =	vst.idx.msk vm2, v12  }
0x4dd: {  	v16 =	vld [tilespmem:s12+$0x1E900]  }
0x4de: {  	v17 =	vld [tilespmem:s12+$0x1E600]  }
0x4df: {  	v18 =	vld [tilespmem:s12+$0x1EA80]  }
0x4e0: {  	v19 =	vld [tilespmem:s12+$0x1E780];
	_ =	sdelay $0x1  }
0x4e1: {  	s13 =	simm.s32 $0x10;
	v13 =	vbroadcast v8, $0x6;
	v12 =	vbroadcast v10, $0x6;
	v20 =	vld [tilespmem:s12+$0x1EC00]  }
0x4e2: {  	v15 =	vbroadcast v7, $0x6;
	v14 =	vbroadcast v9, $0x6;
	v21 =	vld [tilespmem:s13+$0x1E900]  }
0x4e3: {  	v23 =	vld [tilespmem:s13+$0x1E600];
	v16 =	vmin.f32 v16, v12  }
0x4e4: {  	v24 =	vld [tilespmem:s13+$0x1EA80];
	v17 =	vmax.f32 v17, v13;
	v18 =	vmin.f32 v18, v14;
	v19 =	vmax.f32 v19, v15  }
0x4e5: {  	v25 =	vld [tilespmem:s13+$0x1E780];
	v17 =	vsub.f32 v16, v17;
	v18 =	vsub.f32 v18, v19  }
0x4e6: {  	v16 =	vbroadcast v11, $0x6  }
0x4e7: {  	s6 =	simm.s32 $0x20;
	v22 =	vld [tilespmem:s13+$0x1EC00];
	v17 =	vmax.f32 v17, $0.0e+00;
	v18 =	vmax.f32 v18, $0.0e+00  }
0x4e8: {  	v19 =	vld [tilespmem:s6+$0x1E900];
	v26 =	vadd.f32 v20, v16;
	v17 =	vmul.f32 v18, v17  }
0x4e9: {  	v27 =	vmin.f32 v21, v12;
	v24 =	vmin.f32 v24, v14;
	v21 =	vld [tilespmem:s6+$0x1EA80]  }
0x4ea: {  	s7 =	simm.s32 $0x1;
	v25 =	vmax.f32 v25, v15;
	v20 =	vld [tilespmem:s6+$0x1E600];
	v28 =	vsub.f32 v26, v17;
	v26 =	vmax.f32 v23, v13  }
0x4eb: {  	s7 =	simm.s32 @!p1 $0x0;
	v25 =	vsub.f32 v24, v25;
	v23 =	vld [tilespmem:s6+$0x1E780];
	v26 =	vsub.f32 v27, v26  }
0x4ec: {  	s5 =	sadd.s32 s7, s5;
	s7 =	simm.s32 $0xC0;
	v18 =	vimm.f32 $-1.000000000e+00;
	v24 =	vmul.f32 $-5.000000000e-01, v28  }
.LBB2_92:
0x4ed: {  	v27 =	vld [tilespmem:s6+$0x1EC00];
	s6 =	sshra.s32 s7, $0x2;
	v26 =	vmax.f32 v26, $0.0e+00;
	v25 =	vmax.f32 v25, $0.0e+00;
	v28 =	vmov v19;
	p1 =	sne.s32 s7, $0x480  }
.Ltmp69:
0x4ee: {  	v22 =	vadd.f32 v22, v16;
	v19 =	vld [tilespmem:s6+$0x1E900];
	v24 =	vadd.f32 v24, v17;
	v17 =	vmul.f32 v25, v26;
	(pc) =	sbr.rel @p1 .LBB2_92-.Ltmp69, $4  }
0x4ef: {  	v25 =	vmin.f32 v28, v12;
	v26 =	vmax.f32 v20, v13;
	v20 =	vld [tilespmem:s6+$0x1E600];
	v28 =	vmin.f32 v21, v14  }
0x4f0: {  	s7 =	sadd.s32 $0x40, s7;
	v21 =	vld [tilespmem:s6+$0x1EA80];
	v29 =	vmax.f32 v23, v15;
	v30 =	vsub.f32 v22, v17;
	v18 =	vmax.f32 v18, v24  }
0x4f1: {  	v26 =	vsub.f32 v25, v26;
	v23 =	vld [tilespmem:s6+$0x1E780];
	v25 =	vsub.f32 v28, v29  }
0x4f2: {  	v24 =	vmul.f32 $-5.000000000e-01, v30;
	v22 =	vmov v27  }
0x4f3: {  	_ =	sdelay $0x1  }
0x4f4: {  	v27 =	vld [tilespmem:s6+$0x1EC00];
	v19 =	vmin.f32 v19, v12  }
0x4f5: {  	v20 =	vmax.f32 v20, v13;
	v21 =	vmin.f32 v21, v14;
	v23 =	vmax.f32 v23, v15  }
0x4f6: {  	v19 =	vsub.f32 v19, v20;
	v20 =	vsub.f32 v21, v23  }
0x4f7: {  	v26 =	vmax.f32 v26, $0.0e+00;
	v25 =	vmax.f32 v25, $0.0e+00;
	v22 =	vadd.f32 v22, v16  }
0x4f8: {  	v21 =	vmul.f32 v25, v26;
	v19 =	vmax.f32 v19, $0.0e+00;
	v20 =	vmax.f32 v20, $0.0e+00  }
0x4f9: {  	v19 =	vmul.f32 v20, v19;
	v20 =	vadd.f32 v27, v16  }
0x4fa: {  	v22 =	vsub.f32 v22, v21  }
0x4fb: {  	v20 =	vsub.f32 v20, v19  }
0x4fc: {  	v22 =	vmul.f32 $-5.000000000e-01, v22  }
0x4fd: {  	v17 =	vadd.f32 v24, v17;
	v20 =	vmul.f32 $-5.000000000e-01, v20  }
0x4fe: {  	v21 =	vadd.f32 v22, v21  }
0x4ff: {  	v17 =	vmax.f32 v18, v17;
	v18 =	vadd.f32 v20, v19  }
0x500: {  	v17 =	vmax.f32 v17, v21  }
0x501: {  	v17 =	vmax.f32 v17, v18  }
0x502: {  	(xrf0) =	vmax.scan.msk.f32 $0xffff, v17;
	_ =	sdelay $0x5  }
0x503: {  	v17, _, _ =	vpop (xrf0)  }
0x504: {  	(v2sf) =	vpush v17, $0xF;
	_ =	sdelay $0xd  }
0x505: {  	s11 =	sor.u32 $0x6, s1  }
0x506: {  	p1 =	slt.s32 s5, $0x12C;
	p2 =	slt.s32 s11, s31;
	s7 =	spop (v2sf)  }
0x507: {  	p1 =	por !p1, !p2;
	p3 =	sle.f32 s7, $0.0e+00  }
0x508: {  	p1 =	por !p1, !p1  }
0x509: {  	p1 =	por !p1, !p3  }
0x50a: {  	vm2 =	vmmov vm0;
	p1 =	por !p1, !p1  }
0x50b: {  	vm2 =	vmneg @p1 vm2  }
0x50c: {  	vm2 =	vmand vm2, vm1  }
0x50d: {  	v17 =	vmov s5;
	_ =	sdelay $0x4  }
0x50e: {  	[tilespmem:v17+s22+$0x0] =	vst.idx.msk vm2, v13  }
0x50f: {  	[tilespmem:v17+s23+$0x0] =	vst.idx.msk vm2, v15  }
0x510: {  	[tilespmem:v17+s24+$0x0] =	vst.idx.msk vm2, v12  }
0x511: {  	v12 =	vbroadcast v6, $0x6;
	[tilespmem:v17+s25+$0x0] =	vst.idx.msk vm2, v14  }
0x512: {  	[tilespmem:v17+s26+$0x0] =	vst.idx.msk vm2, v16  }
0x513: {  	[tilespmem:v17+s28+$0x0] =	vst.idx.msk vm2, v12  }
0x514: {  	s12 =	simm.s32 $0x0;
	[tilespmem:v17+s29+$0x0] =	vst.idx.msk vm2, v12  }
0x515: {  	v16 =	vld [tilespmem:s12+$0x1E900]  }
0x516: {  	v17 =	vld [tilespmem:s12+$0x1E600]  }
0x517: {  	v18 =	vld [tilespmem:s12+$0x1EA80]  }
0x518: {  	v19 =	vld [tilespmem:s12+$0x1E780];
	_ =	sdelay $0x1  }
0x519: {  	s13 =	simm.s32 $0x10;
	v13 =	vbroadcast v8, $0x7;
	v12 =	vbroadcast v10, $0x7;
	v20 =	vld [tilespmem:s12+$0x1EC00]  }
0x51a: {  	v15 =	vbroadcast v7, $0x7;
	v14 =	vbroadcast v9, $0x7;
	v22 =	vld [tilespmem:s13+$0x1E900]  }
0x51b: {  	v23 =	vld [tilespmem:s13+$0x1E600];
	v16 =	vmin.f32 v16, v12  }
0x51c: {  	v24 =	vld [tilespmem:s13+$0x1EA80];
	v17 =	vmax.f32 v17, v13;
	v18 =	vmin.f32 v18, v14;
	v19 =	vmax.f32 v19, v15  }
0x51d: {  	v25 =	vld [tilespmem:s13+$0x1E780];
	v17 =	vsub.f32 v16, v17;
	v18 =	vsub.f32 v18, v19  }
0x51e: {  	v16 =	vbroadcast v11, $0x7  }
0x51f: {  	s6 =	simm.s32 $0x20;
	v21 =	vld [tilespmem:s13+$0x1EC00];
	v17 =	vmax.f32 v17, $0.0e+00;
	v18 =	vmax.f32 v18, $0.0e+00  }
0x520: {  	v19 =	vld [tilespmem:s6+$0x1E900];
	v26 =	vadd.f32 v20, v16;
	v17 =	vmul.f32 v18, v17  }
0x521: {  	s7 =	simm.s32 $0x1;
	v27 =	vmin.f32 v22, v12;
	v24 =	vmin.f32 v24, v14;
	v22 =	vld [tilespmem:s6+$0x1EA80]  }
0x522: {  	s7 =	simm.s32 @!p1 $0x0;
	v25 =	vmax.f32 v25, v15;
	v20 =	vld [tilespmem:s6+$0x1E600];
	v28 =	vsub.f32 v26, v17;
	v26 =	vmax.f32 v23, v13  }
0x523: {  	s5 =	sadd.s32 s7, s5;
	v25 =	vsub.f32 v24, v25;
	v23 =	vld [tilespmem:s6+$0x1E780];
	v26 =	vsub.f32 v27, v26  }
0x524: {  	s7 =	simm.s32 $0xC0;
	[smem:$0x0] =	sst s5;
	v18 =	vimm.f32 $-1.000000000e+00;
	v24 =	vmul.f32 $-5.000000000e-01, v28  }
.LBB2_94:
0x525: {  	v27 =	vld [tilespmem:s6+$0x1EC00];
	s6 =	sshra.s32 s7, $0x2;
	v26 =	vmax.f32 v26, $0.0e+00;
	v25 =	vmax.f32 v25, $0.0e+00;
	v28 =	vmov v19;
	p1 =	sne.s32 s7, $0x480  }
.Ltmp70:
0x526: {  	v21 =	vadd.f32 v21, v16;
	v19 =	vld [tilespmem:s6+$0x1E900];
	v24 =	vadd.f32 v24, v17;
	v17 =	vmul.f32 v25, v26;
	(pc) =	sbr.rel @p1 .LBB2_94-.Ltmp70, $4  }
0x527: {  	v25 =	vmin.f32 v28, v12;
	v26 =	vmax.f32 v20, v13;
	v20 =	vld [tilespmem:s6+$0x1E600];
	v28 =	vmin.f32 v22, v14  }
0x528: {  	s7 =	sadd.s32 $0x40, s7;
	v22 =	vld [tilespmem:s6+$0x1EA80];
	v29 =	vmax.f32 v23, v15;
	v30 =	vsub.f32 v21, v17;
	v18 =	vmax.f32 v18, v24  }
0x529: {  	v26 =	vsub.f32 v25, v26;
	v23 =	vld [tilespmem:s6+$0x1E780];
	v25 =	vsub.f32 v28, v29  }
0x52a: {  	v24 =	vmul.f32 $-5.000000000e-01, v30;
	v21 =	vmov v27  }
0x52b: {  	_ =	sdelay $0x1  }
0x52c: {  	v27 =	vld [tilespmem:s6+$0x1EC00];
	v19 =	vmin.f32 v19, v12  }
0x52d: {  	v20 =	vmax.f32 v20, v13;
	v22 =	vmin.f32 v22, v14;
	v23 =	vmax.f32 v23, v15  }
0x52e: {  	v19 =	vsub.f32 v19, v20;
	v20 =	vsub.f32 v22, v23  }
0x52f: {  	v26 =	vmax.f32 v26, $0.0e+00;
	v25 =	vmax.f32 v25, $0.0e+00;
	v21 =	vadd.f32 v21, v16  }
0x530: {  	v22 =	vmul.f32 v25, v26;
	v19 =	vmax.f32 v19, $0.0e+00;
	v20 =	vmax.f32 v20, $0.0e+00  }
0x531: {  	v19 =	vmul.f32 v20, v19;
	v20 =	vadd.f32 v27, v16  }
0x532: {  	v21 =	vsub.f32 v21, v22  }
0x533: {  	v20 =	vsub.f32 v20, v19  }
0x534: {  	v21 =	vmul.f32 $-5.000000000e-01, v21  }
0x535: {  	v17 =	vadd.f32 v24, v17;
	v20 =	vmul.f32 $-5.000000000e-01, v20  }
0x536: {  	v21 =	vadd.f32 v21, v22  }
0x537: {  	v17 =	vmax.f32 v18, v17;
	v18 =	vadd.f32 v20, v19  }
0x538: {  	v17 =	vmax.f32 v17, v21  }
0x539: {  	v17 =	vmax.f32 v17, v18  }
0x53a: {  	(xrf0) =	vmax.scan.msk.f32 $0xffff, v17;
	_ =	sdelay $0x5  }
0x53b: {  	v17, _, _ =	vpop (xrf0)  }
0x53c: {  	(v2sf) =	vpush v17, $0xF;
	_ =	sdelay $0xd  }
0x53d: {  	s11 =	sor.u32 $0x7, s1  }
0x53e: {  	p1 =	slt.s32 s5, $0x12C;
	p2 =	slt.s32 s11, s31;
	s7 =	spop (v2sf)  }
0x53f: {  	p1 =	por !p1, !p2;
	p3 =	sle.f32 s7, $0.0e+00  }
0x540: {  	p1 =	por !p1, !p1  }
0x541: {  	p1 =	por !p1, !p3  }
0x542: {  	vm2 =	vmmov vm0;
	p1 =	por !p1, !p1  }
0x543: {  	vm2 =	vmneg @p1 vm2  }
0x544: {  	vm2 =	vmand vm2, vm1  }
0x545: {  	v17 =	vmov s5;
	_ =	sdelay $0x4  }
0x546: {  	[tilespmem:v17+s22+$0x0] =	vst.idx.msk vm2, v13  }
0x547: {  	[tilespmem:v17+s23+$0x0] =	vst.idx.msk vm2, v15  }
0x548: {  	[tilespmem:v17+s24+$0x0] =	vst.idx.msk vm2, v12  }
0x549: {  	v12 =	vbroadcast v6, $0x7;
	[tilespmem:v17+s25+$0x0] =	vst.idx.msk vm2, v14  }
0x54a: {  	[tilespmem:v17+s26+$0x0] =	vst.idx.msk vm2, v16  }
0x54b: {  	[tilespmem:v17+s28+$0x0] =	vst.idx.msk vm2, v12  }
0x54c: {  	s12 =	simm.s32 $0x0;
	[tilespmem:v17+s29+$0x0] =	vst.idx.msk vm2, v12  }
0x54d: {  	v16 =	vld [tilespmem:s12+$0x1E900]  }
0x54e: {  	v17 =	vld [tilespmem:s12+$0x1E600]  }
0x54f: {  	v18 =	vld [tilespmem:s12+$0x1EA80]  }
0x550: {  	v19 =	vld [tilespmem:s12+$0x1E780];
	_ =	sdelay $0x1  }
0x551: {  	s13 =	simm.s32 $0x10;
	v13 =	vbroadcast v8, $0x8;
	v12 =	vbroadcast v10, $0x8;
	v20 =	vld [tilespmem:s12+$0x1EC00]  }
0x552: {  	v15 =	vbroadcast v7, $0x8;
	v14 =	vbroadcast v9, $0x8;
	v21 =	vld [tilespmem:s13+$0x1E900]  }
0x553: {  	v23 =	vld [tilespmem:s13+$0x1E600];
	v16 =	vmin.f32 v16, v12  }
0x554: {  	v24 =	vld [tilespmem:s13+$0x1EA80];
	v17 =	vmax.f32 v17, v13;
	v18 =	vmin.f32 v18, v14;
	v19 =	vmax.f32 v19, v15  }
0x555: {  	v25 =	vld [tilespmem:s13+$0x1E780];
	v17 =	vsub.f32 v16, v17;
	v18 =	vsub.f32 v18, v19  }
0x556: {  	v16 =	vbroadcast v11, $0x8  }
0x557: {  	s6 =	simm.s32 $0x20;
	v22 =	vld [tilespmem:s13+$0x1EC00];
	v17 =	vmax.f32 v17, $0.0e+00;
	v18 =	vmax.f32 v18, $0.0e+00  }
0x558: {  	v19 =	vld [tilespmem:s6+$0x1E900];
	v26 =	vadd.f32 v20, v16;
	v17 =	vmul.f32 v18, v17  }
0x559: {  	v27 =	vmin.f32 v21, v12;
	v24 =	vmin.f32 v24, v14;
	v21 =	vld [tilespmem:s6+$0x1EA80]  }
0x55a: {  	s7 =	simm.s32 $0x1;
	v25 =	vmax.f32 v25, v15;
	v20 =	vld [tilespmem:s6+$0x1E600];
	v28 =	vsub.f32 v26, v17;
	v26 =	vmax.f32 v23, v13  }
0x55b: {  	s7 =	simm.s32 @!p1 $0x0;
	v25 =	vsub.f32 v24, v25;
	v23 =	vld [tilespmem:s6+$0x1E780];
	v26 =	vsub.f32 v27, v26  }
0x55c: {  	s5 =	sadd.s32 s7, s5;
	s7 =	simm.s32 $0xC0;
	v18 =	vimm.f32 $-1.000000000e+00;
	v24 =	vmul.f32 $-5.000000000e-01, v28  }
.LBB2_96:
0x55d: {  	v27 =	vld [tilespmem:s6+$0x1EC00];
	s6 =	sshra.s32 s7, $0x2;
	v26 =	vmax.f32 v26, $0.0e+00;
	v25 =	vmax.f32 v25, $0.0e+00;
	v28 =	vmov v19;
	p1 =	sne.s32 s7, $0x480  }
.Ltmp71:
0x55e: {  	v22 =	vadd.f32 v22, v16;
	v19 =	vld [tilespmem:s6+$0x1E900];
	v24 =	vadd.f32 v24, v17;
	v17 =	vmul.f32 v25, v26;
	(pc) =	sbr.rel @p1 .LBB2_96-.Ltmp71, $4  }
0x55f: {  	v25 =	vmin.f32 v28, v12;
	v26 =	vmax.f32 v20, v13;
	v20 =	vld [tilespmem:s6+$0x1E600];
	v28 =	vmin.f32 v21, v14  }
0x560: {  	s7 =	sadd.s32 $0x40, s7;
	v21 =	vld [tilespmem:s6+$0x1EA80];
	v29 =	vmax.f32 v23, v15;
	v30 =	vsub.f32 v22, v17;
	v18 =	vmax.f32 v18, v24  }
0x561: {  	v26 =	vsub.f32 v25, v26;
	v23 =	vld [tilespmem:s6+$0x1E780];
	v25 =	vsub.f32 v28, v29  }
0x562: {  	v24 =	vmul.f32 $-5.000000000e-01, v30;
	v22 =	vmov v27  }
0x563: {  	_ =	sdelay $0x1  }
0x564: {  	v27 =	vld [tilespmem:s6+$0x1EC00];
	v19 =	vmin.f32 v19, v12  }
0x565: {  	v20 =	vmax.f32 v20, v13;
	v21 =	vmin.f32 v21, v14;
	v23 =	vmax.f32 v23, v15  }
0x566: {  	v19 =	vsub.f32 v19, v20;
	v20 =	vsub.f32 v21, v23  }
0x567: {  	v26 =	vmax.f32 v26, $0.0e+00;
	v25 =	vmax.f32 v25, $0.0e+00;
	v22 =	vadd.f32 v22, v16  }
0x568: {  	v21 =	vmul.f32 v25, v26;
	v19 =	vmax.f32 v19, $0.0e+00;
	v20 =	vmax.f32 v20, $0.0e+00  }
0x569: {  	v19 =	vmul.f32 v20, v19;
	v20 =	vadd.f32 v27, v16  }
0x56a: {  	v22 =	vsub.f32 v22, v21  }
0x56b: {  	v20 =	vsub.f32 v20, v19  }
0x56c: {  	v22 =	vmul.f32 $-5.000000000e-01, v22  }
0x56d: {  	v17 =	vadd.f32 v24, v17;
	v20 =	vmul.f32 $-5.000000000e-01, v20  }
0x56e: {  	v21 =	vadd.f32 v22, v21  }
0x56f: {  	v17 =	vmax.f32 v18, v17;
	v18 =	vadd.f32 v20, v19  }
0x570: {  	v17 =	vmax.f32 v17, v21  }
0x571: {  	v17 =	vmax.f32 v17, v18  }
0x572: {  	(xrf0) =	vmax.scan.msk.f32 $0xffff, v17;
	_ =	sdelay $0x5  }
0x573: {  	v17, _, _ =	vpop (xrf0)  }
0x574: {  	(v2sf) =	vpush v17, $0xF;
	_ =	sdelay $0xd  }
0x575: {  	s11 =	sor.u32 $0x8, s1  }
0x576: {  	p1 =	slt.s32 s5, $0x12C;
	p2 =	slt.s32 s11, s31;
	s7 =	spop (v2sf)  }
0x577: {  	p1 =	por !p1, !p2;
	p3 =	sle.f32 s7, $0.0e+00  }
0x578: {  	p1 =	por !p1, !p1  }
0x579: {  	p1 =	por !p1, !p3  }
0x57a: {  	vm2 =	vmmov vm0;
	p1 =	por !p1, !p1  }
0x57b: {  	vm2 =	vmneg @p1 vm2  }
0x57c: {  	vm2 =	vmand vm2, vm1  }
0x57d: {  	v17 =	vmov s5;
	_ =	sdelay $0x4  }
0x57e: {  	[tilespmem:v17+s22+$0x0] =	vst.idx.msk vm2, v13  }
0x57f: {  	[tilespmem:v17+s23+$0x0] =	vst.idx.msk vm2, v15  }
0x580: {  	[tilespmem:v17+s24+$0x0] =	vst.idx.msk vm2, v12  }
0x581: {  	v12 =	vbroadcast v6, $0x8;
	[tilespmem:v17+s25+$0x0] =	vst.idx.msk vm2, v14  }
0x582: {  	[tilespmem:v17+s26+$0x0] =	vst.idx.msk vm2, v16  }
0x583: {  	[tilespmem:v17+s28+$0x0] =	vst.idx.msk vm2, v12  }
0x584: {  	s12 =	simm.s32 $0x0;
	[tilespmem:v17+s29+$0x0] =	vst.idx.msk vm2, v12  }
0x585: {  	v16 =	vld [tilespmem:s12+$0x1E900]  }
0x586: {  	v17 =	vld [tilespmem:s12+$0x1E600]  }
0x587: {  	v18 =	vld [tilespmem:s12+$0x1EA80]  }
0x588: {  	v19 =	vld [tilespmem:s12+$0x1E780];
	_ =	sdelay $0x1  }
0x589: {  	s13 =	simm.s32 $0x10;
	v13 =	vbroadcast v8, $0x9;
	v12 =	vbroadcast v10, $0x9;
	v20 =	vld [tilespmem:s12+$0x1EC00]  }
0x58a: {  	v15 =	vbroadcast v7, $0x9;
	v14 =	vbroadcast v9, $0x9;
	v21 =	vld [tilespmem:s13+$0x1E900]  }
0x58b: {  	v23 =	vld [tilespmem:s13+$0x1E600];
	v16 =	vmin.f32 v16, v12  }
0x58c: {  	v24 =	vld [tilespmem:s13+$0x1EA80];
	v17 =	vmax.f32 v17, v13;
	v18 =	vmin.f32 v18, v14;
	v19 =	vmax.f32 v19, v15  }
0x58d: {  	v25 =	vld [tilespmem:s13+$0x1E780];
	v17 =	vsub.f32 v16, v17;
	v18 =	vsub.f32 v18, v19  }
0x58e: {  	v16 =	vbroadcast v11, $0x9  }
0x58f: {  	s6 =	simm.s32 $0x20;
	v22 =	vld [tilespmem:s13+$0x1EC00];
	v17 =	vmax.f32 v17, $0.0e+00;
	v18 =	vmax.f32 v18, $0.0e+00  }
0x590: {  	v19 =	vld [tilespmem:s6+$0x1E900];
	v26 =	vadd.f32 v20, v16;
	v17 =	vmul.f32 v18, v17  }
0x591: {  	v27 =	vmin.f32 v21, v12;
	v24 =	vmin.f32 v24, v14;
	v21 =	vld [tilespmem:s6+$0x1EA80]  }
0x592: {  	s7 =	simm.s32 $0x1;
	v25 =	vmax.f32 v25, v15;
	v20 =	vld [tilespmem:s6+$0x1E600];
	v28 =	vsub.f32 v26, v17;
	v26 =	vmax.f32 v23, v13  }
0x593: {  	s7 =	simm.s32 @!p1 $0x0;
	v25 =	vsub.f32 v24, v25;
	v23 =	vld [tilespmem:s6+$0x1E780];
	v26 =	vsub.f32 v27, v26  }
0x594: {  	s5 =	sadd.s32 s7, s5;
	s7 =	simm.s32 $0xC0;
	v18 =	vimm.f32 $-1.000000000e+00;
	v24 =	vmul.f32 $-5.000000000e-01, v28  }
.LBB2_98:
0x595: {  	v27 =	vld [tilespmem:s6+$0x1EC00];
	s6 =	sshra.s32 s7, $0x2;
	v26 =	vmax.f32 v26, $0.0e+00;
	v25 =	vmax.f32 v25, $0.0e+00;
	v28 =	vmov v19;
	p1 =	sne.s32 s7, $0x480  }
.Ltmp72:
0x596: {  	v22 =	vadd.f32 v22, v16;
	v19 =	vld [tilespmem:s6+$0x1E900];
	v24 =	vadd.f32 v24, v17;
	v17 =	vmul.f32 v25, v26;
	(pc) =	sbr.rel @p1 .LBB2_98-.Ltmp72, $4  }
0x597: {  	v25 =	vmin.f32 v28, v12;
	v26 =	vmax.f32 v20, v13;
	v20 =	vld [tilespmem:s6+$0x1E600];
	v28 =	vmin.f32 v21, v14  }
0x598: {  	s7 =	sadd.s32 $0x40, s7;
	v21 =	vld [tilespmem:s6+$0x1EA80];
	v29 =	vmax.f32 v23, v15;
	v30 =	vsub.f32 v22, v17;
	v18 =	vmax.f32 v18, v24  }
0x599: {  	v26 =	vsub.f32 v25, v26;
	v23 =	vld [tilespmem:s6+$0x1E780];
	v25 =	vsub.f32 v28, v29  }
0x59a: {  	v24 =	vmul.f32 $-5.000000000e-01, v30;
	v22 =	vmov v27  }
0x59b: {  	_ =	sdelay $0x1  }
0x59c: {  	v27 =	vld [tilespmem:s6+$0x1EC00];
	v19 =	vmin.f32 v19, v12  }
0x59d: {  	v20 =	vmax.f32 v20, v13;
	v21 =	vmin.f32 v21, v14;
	v23 =	vmax.f32 v23, v15  }
0x59e: {  	v19 =	vsub.f32 v19, v20;
	v20 =	vsub.f32 v21, v23  }
0x59f: {  	v26 =	vmax.f32 v26, $0.0e+00;
	v25 =	vmax.f32 v25, $0.0e+00;
	v22 =	vadd.f32 v22, v16  }
0x5a0: {  	v21 =	vmul.f32 v25, v26;
	v19 =	vmax.f32 v19, $0.0e+00;
	v20 =	vmax.f32 v20, $0.0e+00  }
0x5a1: {  	v19 =	vmul.f32 v20, v19;
	v20 =	vadd.f32 v27, v16  }
0x5a2: {  	v22 =	vsub.f32 v22, v21  }
0x5a3: {  	v20 =	vsub.f32 v20, v19  }
0x5a4: {  	v22 =	vmul.f32 $-5.000000000e-01, v22  }
0x5a5: {  	v17 =	vadd.f32 v24, v17;
	v20 =	vmul.f32 $-5.000000000e-01, v20  }
0x5a6: {  	v21 =	vadd.f32 v22, v21  }
0x5a7: {  	v17 =	vmax.f32 v18, v17;
	v18 =	vadd.f32 v20, v19  }
0x5a8: {  	v17 =	vmax.f32 v17, v21  }
0x5a9: {  	v17 =	vmax.f32 v17, v18  }
0x5aa: {  	(xrf0) =	vmax.scan.msk.f32 $0xffff, v17;
	_ =	sdelay $0x5  }
0x5ab: {  	v17, _, _ =	vpop (xrf0)  }
0x5ac: {  	(v2sf) =	vpush v17, $0xF;
	_ =	sdelay $0xd  }
0x5ad: {  	s11 =	sor.u32 $0x9, s1  }
0x5ae: {  	p1 =	slt.s32 s5, $0x12C;
	p2 =	slt.s32 s11, s31;
	s7 =	spop (v2sf)  }
0x5af: {  	p1 =	por !p1, !p2;
	p3 =	sle.f32 s7, $0.0e+00  }
0x5b0: {  	p1 =	por !p1, !p1  }
0x5b1: {  	p1 =	por !p1, !p3  }
0x5b2: {  	vm2 =	vmmov vm0;
	p1 =	por !p1, !p1  }
0x5b3: {  	vm2 =	vmneg @p1 vm2  }
0x5b4: {  	vm2 =	vmand vm2, vm1  }
0x5b5: {  	v17 =	vmov s5;
	_ =	sdelay $0x4  }
0x5b6: {  	[tilespmem:v17+s22+$0x0] =	vst.idx.msk vm2, v13  }
0x5b7: {  	[tilespmem:v17+s23+$0x0] =	vst.idx.msk vm2, v15  }
0x5b8: {  	[tilespmem:v17+s24+$0x0] =	vst.idx.msk vm2, v12  }
0x5b9: {  	v12 =	vbroadcast v6, $0x9;
	[tilespmem:v17+s25+$0x0] =	vst.idx.msk vm2, v14  }
0x5ba: {  	[tilespmem:v17+s26+$0x0] =	vst.idx.msk vm2, v16  }
0x5bb: {  	[tilespmem:v17+s28+$0x0] =	vst.idx.msk vm2, v12  }
0x5bc: {  	s12 =	simm.s32 $0x0;
	[tilespmem:v17+s29+$0x0] =	vst.idx.msk vm2, v12  }
0x5bd: {  	v16 =	vld [tilespmem:s12+$0x1E900]  }
0x5be: {  	v17 =	vld [tilespmem:s12+$0x1E600]  }
0x5bf: {  	v18 =	vld [tilespmem:s12+$0x1EA80]  }
0x5c0: {  	v19 =	vld [tilespmem:s12+$0x1E780];
	_ =	sdelay $0x1  }
0x5c1: {  	s13 =	simm.s32 $0x10;
	v13 =	vbroadcast v8, $0xA;
	v12 =	vbroadcast v10, $0xA;
	v20 =	vld [tilespmem:s12+$0x1EC00]  }
0x5c2: {  	v15 =	vbroadcast v7, $0xA;
	v14 =	vbroadcast v9, $0xA;
	v22 =	vld [tilespmem:s13+$0x1E900]  }
0x5c3: {  	v23 =	vld [tilespmem:s13+$0x1E600];
	v16 =	vmin.f32 v16, v12  }
0x5c4: {  	v24 =	vld [tilespmem:s13+$0x1EA80];
	v17 =	vmax.f32 v17, v13;
	v18 =	vmin.f32 v18, v14;
	v19 =	vmax.f32 v19, v15  }
0x5c5: {  	v25 =	vld [tilespmem:s13+$0x1E780];
	v17 =	vsub.f32 v16, v17;
	v18 =	vsub.f32 v18, v19  }
0x5c6: {  	v16 =	vbroadcast v11, $0xA  }
0x5c7: {  	s6 =	simm.s32 $0x20;
	v21 =	vld [tilespmem:s13+$0x1EC00];
	v17 =	vmax.f32 v17, $0.0e+00;
	v18 =	vmax.f32 v18, $0.0e+00  }
0x5c8: {  	v19 =	vld [tilespmem:s6+$0x1E900];
	v26 =	vadd.f32 v20, v16;
	v17 =	vmul.f32 v18, v17  }
0x5c9: {  	s7 =	simm.s32 $0x1;
	v27 =	vmin.f32 v22, v12;
	v24 =	vmin.f32 v24, v14;
	v22 =	vld [tilespmem:s6+$0x1EA80]  }
0x5ca: {  	s7 =	simm.s32 @!p1 $0x0;
	v25 =	vmax.f32 v25, v15;
	v20 =	vld [tilespmem:s6+$0x1E600];
	v28 =	vsub.f32 v26, v17;
	v26 =	vmax.f32 v23, v13  }
0x5cb: {  	s5 =	sadd.s32 s7, s5;
	v25 =	vsub.f32 v24, v25;
	v23 =	vld [tilespmem:s6+$0x1E780];
	v26 =	vsub.f32 v27, v26  }
0x5cc: {  	s7 =	simm.s32 $0xC0;
	[smem:$0x0] =	sst s5;
	v18 =	vimm.f32 $-1.000000000e+00;
	v24 =	vmul.f32 $-5.000000000e-01, v28  }
.LBB2_100:
0x5cd: {  	v27 =	vld [tilespmem:s6+$0x1EC00];
	s6 =	sshra.s32 s7, $0x2;
	v26 =	vmax.f32 v26, $0.0e+00;
	v25 =	vmax.f32 v25, $0.0e+00;
	v28 =	vmov v19;
	p1 =	sne.s32 s7, $0x480  }
.Ltmp73:
0x5ce: {  	v21 =	vadd.f32 v21, v16;
	v19 =	vld [tilespmem:s6+$0x1E900];
	v24 =	vadd.f32 v24, v17;
	v17 =	vmul.f32 v25, v26;
	(pc) =	sbr.rel @p1 .LBB2_100-.Ltmp73, $4  }
0x5cf: {  	v25 =	vmin.f32 v28, v12;
	v26 =	vmax.f32 v20, v13;
	v20 =	vld [tilespmem:s6+$0x1E600];
	v28 =	vmin.f32 v22, v14  }
0x5d0: {  	s7 =	sadd.s32 $0x40, s7;
	v22 =	vld [tilespmem:s6+$0x1EA80];
	v29 =	vmax.f32 v23, v15;
	v30 =	vsub.f32 v21, v17;
	v18 =	vmax.f32 v18, v24  }
0x5d1: {  	v26 =	vsub.f32 v25, v26;
	v23 =	vld [tilespmem:s6+$0x1E780];
	v25 =	vsub.f32 v28, v29  }
0x5d2: {  	v24 =	vmul.f32 $-5.000000000e-01, v30;
	v21 =	vmov v27  }
0x5d3: {  	_ =	sdelay $0x1  }
0x5d4: {  	v27 =	vld [tilespmem:s6+$0x1EC00];
	v19 =	vmin.f32 v19, v12  }
0x5d5: {  	v20 =	vmax.f32 v20, v13;
	v22 =	vmin.f32 v22, v14;
	v23 =	vmax.f32 v23, v15  }
0x5d6: {  	v19 =	vsub.f32 v19, v20;
	v20 =	vsub.f32 v22, v23  }
0x5d7: {  	v26 =	vmax.f32 v26, $0.0e+00;
	v25 =	vmax.f32 v25, $0.0e+00;
	v21 =	vadd.f32 v21, v16  }
0x5d8: {  	v22 =	vmul.f32 v25, v26;
	v19 =	vmax.f32 v19, $0.0e+00;
	v20 =	vmax.f32 v20, $0.0e+00  }
0x5d9: {  	v19 =	vmul.f32 v20, v19;
	v20 =	vadd.f32 v27, v16  }
0x5da: {  	v21 =	vsub.f32 v21, v22  }
0x5db: {  	v20 =	vsub.f32 v20, v19  }
0x5dc: {  	v21 =	vmul.f32 $-5.000000000e-01, v21  }
0x5dd: {  	v17 =	vadd.f32 v24, v17;
	v20 =	vmul.f32 $-5.000000000e-01, v20  }
0x5de: {  	v21 =	vadd.f32 v21, v22  }
0x5df: {  	v17 =	vmax.f32 v18, v17;
	v18 =	vadd.f32 v20, v19  }
0x5e0: {  	v17 =	vmax.f32 v17, v21  }
0x5e1: {  	v17 =	vmax.f32 v17, v18  }
0x5e2: {  	(xrf0) =	vmax.scan.msk.f32 $0xffff, v17;
	_ =	sdelay $0x5  }
0x5e3: {  	v17, _, _ =	vpop (xrf0)  }
0x5e4: {  	(v2sf) =	vpush v17, $0xF;
	_ =	sdelay $0xd  }
0x5e5: {  	s11 =	sor.u32 $0xA, s1  }
0x5e6: {  	p1 =	slt.s32 s5, $0x12C;
	p2 =	slt.s32 s11, s31;
	s7 =	spop (v2sf)  }
0x5e7: {  	p1 =	por !p1, !p2;
	p3 =	sle.f32 s7, $0.0e+00  }
0x5e8: {  	p1 =	por !p1, !p1  }
0x5e9: {  	p1 =	por !p1, !p3  }
0x5ea: {  	vm2 =	vmmov vm0;
	p1 =	por !p1, !p1  }
0x5eb: {  	vm2 =	vmneg @p1 vm2  }
0x5ec: {  	vm2 =	vmand vm2, vm1  }
0x5ed: {  	v17 =	vmov s5;
	_ =	sdelay $0x4  }
0x5ee: {  	[tilespmem:v17+s22+$0x0] =	vst.idx.msk vm2, v13  }
0x5ef: {  	[tilespmem:v17+s23+$0x0] =	vst.idx.msk vm2, v15  }
0x5f0: {  	[tilespmem:v17+s24+$0x0] =	vst.idx.msk vm2, v12  }
0x5f1: {  	v12 =	vbroadcast v6, $0xA;
	[tilespmem:v17+s25+$0x0] =	vst.idx.msk vm2, v14  }
0x5f2: {  	[tilespmem:v17+s26+$0x0] =	vst.idx.msk vm2, v16  }
0x5f3: {  	[tilespmem:v17+s28+$0x0] =	vst.idx.msk vm2, v12  }
0x5f4: {  	s12 =	simm.s32 $0x0;
	[tilespmem:v17+s29+$0x0] =	vst.idx.msk vm2, v12  }
0x5f5: {  	v16 =	vld [tilespmem:s12+$0x1E900]  }
0x5f6: {  	v17 =	vld [tilespmem:s12+$0x1E600]  }
0x5f7: {  	v18 =	vld [tilespmem:s12+$0x1EA80]  }
0x5f8: {  	v19 =	vld [tilespmem:s12+$0x1E780];
	_ =	sdelay $0x1  }
0x5f9: {  	s13 =	simm.s32 $0x10;
	v13 =	vbroadcast v8, $0xB;
	v12 =	vbroadcast v10, $0xB;
	v20 =	vld [tilespmem:s12+$0x1EC00]  }
0x5fa: {  	v15 =	vbroadcast v7, $0xB;
	v14 =	vbroadcast v9, $0xB;
	v21 =	vld [tilespmem:s13+$0x1E900]  }
0x5fb: {  	v23 =	vld [tilespmem:s13+$0x1E600];
	v16 =	vmin.f32 v16, v12  }
0x5fc: {  	v24 =	vld [tilespmem:s13+$0x1EA80];
	v17 =	vmax.f32 v17, v13;
	v18 =	vmin.f32 v18, v14;
	v19 =	vmax.f32 v19, v15  }
0x5fd: {  	v25 =	vld [tilespmem:s13+$0x1E780];
	v17 =	vsub.f32 v16, v17;
	v18 =	vsub.f32 v18, v19  }
0x5fe: {  	v16 =	vbroadcast v11, $0xB  }
0x5ff: {  	s6 =	simm.s32 $0x20;
	v22 =	vld [tilespmem:s13+$0x1EC00];
	v17 =	vmax.f32 v17, $0.0e+00;
	v18 =	vmax.f32 v18, $0.0e+00  }
0x600: {  	v19 =	vld [tilespmem:s6+$0x1E900];
	v26 =	vadd.f32 v20, v16;
	v17 =	vmul.f32 v18, v17  }
0x601: {  	v27 =	vmin.f32 v21, v12;
	v24 =	vmin.f32 v24, v14;
	v21 =	vld [tilespmem:s6+$0x1EA80]  }
0x602: {  	s7 =	simm.s32 $0x1;
	v25 =	vmax.f32 v25, v15;
	v20 =	vld [tilespmem:s6+$0x1E600];
	v28 =	vsub.f32 v26, v17;
	v26 =	vmax.f32 v23, v13  }
0x603: {  	s7 =	simm.s32 @!p1 $0x0;
	v25 =	vsub.f32 v24, v25;
	v23 =	vld [tilespmem:s6+$0x1E780];
	v26 =	vsub.f32 v27, v26  }
0x604: {  	s5 =	sadd.s32 s7, s5;
	s7 =	simm.s32 $0xC0;
	v18 =	vimm.f32 $-1.000000000e+00;
	v24 =	vmul.f32 $-5.000000000e-01, v28  }
.LBB2_102:
0x605: {  	v27 =	vld [tilespmem:s6+$0x1EC00];
	s6 =	sshra.s32 s7, $0x2;
	v26 =	vmax.f32 v26, $0.0e+00;
	v25 =	vmax.f32 v25, $0.0e+00;
	v28 =	vmov v19;
	p1 =	sne.s32 s7, $0x480  }
.Ltmp74:
0x606: {  	v22 =	vadd.f32 v22, v16;
	v19 =	vld [tilespmem:s6+$0x1E900];
	v24 =	vadd.f32 v24, v17;
	v17 =	vmul.f32 v25, v26;
	(pc) =	sbr.rel @p1 .LBB2_102-.Ltmp74, $4  }
0x607: {  	v25 =	vmin.f32 v28, v12;
	v26 =	vmax.f32 v20, v13;
	v20 =	vld [tilespmem:s6+$0x1E600];
	v28 =	vmin.f32 v21, v14  }
0x608: {  	s7 =	sadd.s32 $0x40, s7;
	v21 =	vld [tilespmem:s6+$0x1EA80];
	v29 =	vmax.f32 v23, v15;
	v30 =	vsub.f32 v22, v17;
	v18 =	vmax.f32 v18, v24  }
0x609: {  	v26 =	vsub.f32 v25, v26;
	v23 =	vld [tilespmem:s6+$0x1E780];
	v25 =	vsub.f32 v28, v29  }
0x60a: {  	v24 =	vmul.f32 $-5.000000000e-01, v30;
	v22 =	vmov v27  }
0x60b: {  	_ =	sdelay $0x1  }
0x60c: {  	v27 =	vld [tilespmem:s6+$0x1EC00];
	v19 =	vmin.f32 v19, v12  }
0x60d: {  	v20 =	vmax.f32 v20, v13;
	v21 =	vmin.f32 v21, v14;
	v23 =	vmax.f32 v23, v15  }
0x60e: {  	v19 =	vsub.f32 v19, v20;
	v20 =	vsub.f32 v21, v23  }
0x60f: {  	v26 =	vmax.f32 v26, $0.0e+00;
	v25 =	vmax.f32 v25, $0.0e+00;
	v22 =	vadd.f32 v22, v16  }
0x610: {  	v21 =	vmul.f32 v25, v26;
	v19 =	vmax.f32 v19, $0.0e+00;
	v20 =	vmax.f32 v20, $0.0e+00  }
0x611: {  	v19 =	vmul.f32 v20, v19;
	v20 =	vadd.f32 v27, v16  }
0x612: {  	v22 =	vsub.f32 v22, v21  }
0x613: {  	v20 =	vsub.f32 v20, v19  }
0x614: {  	v22 =	vmul.f32 $-5.000000000e-01, v22  }
0x615: {  	v17 =	vadd.f32 v24, v17;
	v20 =	vmul.f32 $-5.000000000e-01, v20  }
0x616: {  	v21 =	vadd.f32 v22, v21  }
0x617: {  	v17 =	vmax.f32 v18, v17;
	v18 =	vadd.f32 v20, v19  }
0x618: {  	v17 =	vmax.f32 v17, v21  }
0x619: {  	v17 =	vmax.f32 v17, v18  }
0x61a: {  	(xrf0) =	vmax.scan.msk.f32 $0xffff, v17;
	_ =	sdelay $0x5  }
0x61b: {  	v17, _, _ =	vpop (xrf0)  }
0x61c: {  	(v2sf) =	vpush v17, $0xF;
	_ =	sdelay $0xd  }
0x61d: {  	s11 =	sor.u32 $0xB, s1  }
0x61e: {  	p1 =	slt.s32 s5, $0x12C;
	p2 =	slt.s32 s11, s31;
	s7 =	spop (v2sf)  }
0x61f: {  	p1 =	por !p1, !p2;
	p3 =	sle.f32 s7, $0.0e+00  }
0x620: {  	p1 =	por !p1, !p1  }
0x621: {  	p1 =	por !p1, !p3  }
0x622: {  	vm2 =	vmmov vm0;
	p1 =	por !p1, !p1  }
0x623: {  	vm2 =	vmneg @p1 vm2  }
0x624: {  	vm2 =	vmand vm2, vm1  }
0x625: {  	v17 =	vmov s5;
	_ =	sdelay $0x4  }
0x626: {  	[tilespmem:v17+s22+$0x0] =	vst.idx.msk vm2, v13  }
0x627: {  	[tilespmem:v17+s23+$0x0] =	vst.idx.msk vm2, v15  }
0x628: {  	[tilespmem:v17+s24+$0x0] =	vst.idx.msk vm2, v12  }
0x629: {  	v12 =	vbroadcast v6, $0xB;
	[tilespmem:v17+s25+$0x0] =	vst.idx.msk vm2, v14  }
0x62a: {  	[tilespmem:v17+s26+$0x0] =	vst.idx.msk vm2, v16  }
0x62b: {  	[tilespmem:v17+s28+$0x0] =	vst.idx.msk vm2, v12  }
0x62c: {  	s12 =	simm.s32 $0x0;
	[tilespmem:v17+s29+$0x0] =	vst.idx.msk vm2, v12  }
0x62d: {  	v16 =	vld [tilespmem:s12+$0x1E900]  }
0x62e: {  	v17 =	vld [tilespmem:s12+$0x1E600]  }
0x62f: {  	v18 =	vld [tilespmem:s12+$0x1EA80]  }
0x630: {  	v19 =	vld [tilespmem:s12+$0x1E780];
	_ =	sdelay $0x1  }
0x631: {  	s13 =	simm.s32 $0x10;
	v13 =	vbroadcast v8, $0xC;
	v12 =	vbroadcast v10, $0xC;
	v20 =	vld [tilespmem:s12+$0x1EC00]  }
0x632: {  	v15 =	vbroadcast v7, $0xC;
	v14 =	vbroadcast v9, $0xC;
	v21 =	vld [tilespmem:s13+$0x1E900]  }
0x633: {  	v23 =	vld [tilespmem:s13+$0x1E600];
	v16 =	vmin.f32 v16, v12  }
0x634: {  	v24 =	vld [tilespmem:s13+$0x1EA80];
	v17 =	vmax.f32 v17, v13;
	v18 =	vmin.f32 v18, v14;
	v19 =	vmax.f32 v19, v15  }
0x635: {  	v25 =	vld [tilespmem:s13+$0x1E780];
	v17 =	vsub.f32 v16, v17;
	v18 =	vsub.f32 v18, v19  }
0x636: {  	v16 =	vbroadcast v11, $0xC  }
0x637: {  	s6 =	simm.s32 $0x20;
	v22 =	vld [tilespmem:s13+$0x1EC00];
	v17 =	vmax.f32 v17, $0.0e+00;
	v18 =	vmax.f32 v18, $0.0e+00  }
0x638: {  	v19 =	vld [tilespmem:s6+$0x1E900];
	v26 =	vadd.f32 v20, v16;
	v17 =	vmul.f32 v18, v17  }
0x639: {  	v27 =	vmin.f32 v21, v12;
	v24 =	vmin.f32 v24, v14;
	v21 =	vld [tilespmem:s6+$0x1EA80]  }
0x63a: {  	s7 =	simm.s32 $0x1;
	v25 =	vmax.f32 v25, v15;
	v20 =	vld [tilespmem:s6+$0x1E600];
	v28 =	vsub.f32 v26, v17;
	v26 =	vmax.f32 v23, v13  }
0x63b: {  	s7 =	simm.s32 @!p1 $0x0;
	v25 =	vsub.f32 v24, v25;
	v23 =	vld [tilespmem:s6+$0x1E780];
	v26 =	vsub.f32 v27, v26  }
0x63c: {  	s5 =	sadd.s32 s7, s5;
	s7 =	simm.s32 $0xC0;
	v18 =	vimm.f32 $-1.000000000e+00;
	v24 =	vmul.f32 $-5.000000000e-01, v28  }
.LBB2_104:
0x63d: {  	v27 =	vld [tilespmem:s6+$0x1EC00];
	s6 =	sshra.s32 s7, $0x2;
	v26 =	vmax.f32 v26, $0.0e+00;
	v25 =	vmax.f32 v25, $0.0e+00;
	v28 =	vmov v19;
	p1 =	sne.s32 s7, $0x480  }
.Ltmp75:
0x63e: {  	v22 =	vadd.f32 v22, v16;
	v19 =	vld [tilespmem:s6+$0x1E900];
	v24 =	vadd.f32 v24, v17;
	v17 =	vmul.f32 v25, v26;
	(pc) =	sbr.rel @p1 .LBB2_104-.Ltmp75, $4  }
0x63f: {  	v25 =	vmin.f32 v28, v12;
	v26 =	vmax.f32 v20, v13;
	v20 =	vld [tilespmem:s6+$0x1E600];
	v28 =	vmin.f32 v21, v14  }
0x640: {  	s7 =	sadd.s32 $0x40, s7;
	v21 =	vld [tilespmem:s6+$0x1EA80];
	v29 =	vmax.f32 v23, v15;
	v30 =	vsub.f32 v22, v17;
	v18 =	vmax.f32 v18, v24  }
0x641: {  	v26 =	vsub.f32 v25, v26;
	v23 =	vld [tilespmem:s6+$0x1E780];
	v25 =	vsub.f32 v28, v29  }
0x642: {  	v24 =	vmul.f32 $-5.000000000e-01, v30;
	v22 =	vmov v27  }
0x643: {  	_ =	sdelay $0x1  }
0x644: {  	v27 =	vld [tilespmem:s6+$0x1EC00];
	v19 =	vmin.f32 v19, v12  }
0x645: {  	v20 =	vmax.f32 v20, v13;
	v21 =	vmin.f32 v21, v14;
	v23 =	vmax.f32 v23, v15  }
0x646: {  	v19 =	vsub.f32 v19, v20;
	v20 =	vsub.f32 v21, v23  }
0x647: {  	v26 =	vmax.f32 v26, $0.0e+00;
	v25 =	vmax.f32 v25, $0.0e+00;
	v22 =	vadd.f32 v22, v16  }
0x648: {  	v21 =	vmul.f32 v25, v26;
	v19 =	vmax.f32 v19, $0.0e+00;
	v20 =	vmax.f32 v20, $0.0e+00  }
0x649: {  	v19 =	vmul.f32 v20, v19;
	v20 =	vadd.f32 v27, v16  }
0x64a: {  	v22 =	vsub.f32 v22, v21  }
0x64b: {  	v20 =	vsub.f32 v20, v19  }
0x64c: {  	v22 =	vmul.f32 $-5.000000000e-01, v22  }
0x64d: {  	v17 =	vadd.f32 v24, v17;
	v20 =	vmul.f32 $-5.000000000e-01, v20  }
0x64e: {  	v21 =	vadd.f32 v22, v21  }
0x64f: {  	v17 =	vmax.f32 v18, v17;
	v18 =	vadd.f32 v20, v19  }
0x650: {  	v17 =	vmax.f32 v17, v21  }
0x651: {  	v17 =	vmax.f32 v17, v18  }
0x652: {  	(xrf0) =	vmax.scan.msk.f32 $0xffff, v17;
	_ =	sdelay $0x5  }
0x653: {  	v17, _, _ =	vpop (xrf0)  }
0x654: {  	(v2sf) =	vpush v17, $0xF;
	_ =	sdelay $0xd  }
0x655: {  	s11 =	sor.u32 $0xC, s1  }
0x656: {  	p1 =	slt.s32 s5, $0x12C;
	p2 =	slt.s32 s11, s31;
	s7 =	spop (v2sf)  }
0x657: {  	p1 =	por !p1, !p2;
	p3 =	sle.f32 s7, $0.0e+00  }
0x658: {  	p1 =	por !p1, !p1  }
0x659: {  	p1 =	por !p1, !p3  }
0x65a: {  	vm2 =	vmmov vm0;
	p1 =	por !p1, !p1  }
0x65b: {  	vm2 =	vmneg @p1 vm2  }
0x65c: {  	vm2 =	vmand vm2, vm1  }
0x65d: {  	v17 =	vmov s5;
	_ =	sdelay $0x4  }
0x65e: {  	[tilespmem:v17+s22+$0x0] =	vst.idx.msk vm2, v13  }
0x65f: {  	[tilespmem:v17+s23+$0x0] =	vst.idx.msk vm2, v15  }
0x660: {  	[tilespmem:v17+s24+$0x0] =	vst.idx.msk vm2, v12  }
0x661: {  	v12 =	vbroadcast v6, $0xC;
	[tilespmem:v17+s25+$0x0] =	vst.idx.msk vm2, v14  }
0x662: {  	[tilespmem:v17+s26+$0x0] =	vst.idx.msk vm2, v16  }
0x663: {  	[tilespmem:v17+s28+$0x0] =	vst.idx.msk vm2, v12  }
0x664: {  	s12 =	simm.s32 $0x0;
	[tilespmem:v17+s29+$0x0] =	vst.idx.msk vm2, v12  }
0x665: {  	v16 =	vld [tilespmem:s12+$0x1E900]  }
0x666: {  	v17 =	vld [tilespmem:s12+$0x1E600]  }
0x667: {  	v18 =	vld [tilespmem:s12+$0x1EA80]  }
0x668: {  	v19 =	vld [tilespmem:s12+$0x1E780];
	_ =	sdelay $0x1  }
0x669: {  	s13 =	simm.s32 $0x10;
	v13 =	vbroadcast v8, $0xD;
	v12 =	vbroadcast v10, $0xD;
	v20 =	vld [tilespmem:s12+$0x1EC00]  }
0x66a: {  	v15 =	vbroadcast v7, $0xD;
	v14 =	vbroadcast v9, $0xD;
	v22 =	vld [tilespmem:s13+$0x1E900]  }
0x66b: {  	v23 =	vld [tilespmem:s13+$0x1E600];
	v16 =	vmin.f32 v16, v12  }
0x66c: {  	v24 =	vld [tilespmem:s13+$0x1EA80];
	v17 =	vmax.f32 v17, v13;
	v18 =	vmin.f32 v18, v14;
	v19 =	vmax.f32 v19, v15  }
0x66d: {  	v25 =	vld [tilespmem:s13+$0x1E780];
	v17 =	vsub.f32 v16, v17;
	v18 =	vsub.f32 v18, v19  }
0x66e: {  	v16 =	vbroadcast v11, $0xD  }
0x66f: {  	s6 =	simm.s32 $0x20;
	v21 =	vld [tilespmem:s13+$0x1EC00];
	v17 =	vmax.f32 v17, $0.0e+00;
	v18 =	vmax.f32 v18, $0.0e+00  }
0x670: {  	v19 =	vld [tilespmem:s6+$0x1E900];
	v26 =	vadd.f32 v20, v16;
	v17 =	vmul.f32 v18, v17  }
0x671: {  	s7 =	simm.s32 $0x1;
	v27 =	vmin.f32 v22, v12;
	v24 =	vmin.f32 v24, v14;
	v22 =	vld [tilespmem:s6+$0x1EA80]  }
0x672: {  	s7 =	simm.s32 @!p1 $0x0;
	v25 =	vmax.f32 v25, v15;
	v20 =	vld [tilespmem:s6+$0x1E600];
	v28 =	vsub.f32 v26, v17;
	v26 =	vmax.f32 v23, v13  }
0x673: {  	s5 =	sadd.s32 s7, s5;
	v25 =	vsub.f32 v24, v25;
	v23 =	vld [tilespmem:s6+$0x1E780];
	v26 =	vsub.f32 v27, v26  }
0x674: {  	s7 =	simm.s32 $0xC0;
	[smem:$0x0] =	sst s5;
	v18 =	vimm.f32 $-1.000000000e+00;
	v24 =	vmul.f32 $-5.000000000e-01, v28  }
.LBB2_106:
0x675: {  	v27 =	vld [tilespmem:s6+$0x1EC00];
	s6 =	sshra.s32 s7, $0x2;
	v26 =	vmax.f32 v26, $0.0e+00;
	v25 =	vmax.f32 v25, $0.0e+00;
	v28 =	vmov v19;
	p1 =	sne.s32 s7, $0x480  }
.Ltmp76:
0x676: {  	v21 =	vadd.f32 v21, v16;
	v19 =	vld [tilespmem:s6+$0x1E900];
	v24 =	vadd.f32 v24, v17;
	v17 =	vmul.f32 v25, v26;
	(pc) =	sbr.rel @p1 .LBB2_106-.Ltmp76, $4  }
0x677: {  	v25 =	vmin.f32 v28, v12;
	v26 =	vmax.f32 v20, v13;
	v20 =	vld [tilespmem:s6+$0x1E600];
	v28 =	vmin.f32 v22, v14  }
0x678: {  	s7 =	sadd.s32 $0x40, s7;
	v22 =	vld [tilespmem:s6+$0x1EA80];
	v29 =	vmax.f32 v23, v15;
	v30 =	vsub.f32 v21, v17;
	v18 =	vmax.f32 v18, v24  }
0x679: {  	v26 =	vsub.f32 v25, v26;
	v23 =	vld [tilespmem:s6+$0x1E780];
	v25 =	vsub.f32 v28, v29  }
0x67a: {  	v24 =	vmul.f32 $-5.000000000e-01, v30;
	v21 =	vmov v27  }
0x67b: {  	_ =	sdelay $0x1  }
0x67c: {  	v27 =	vld [tilespmem:s6+$0x1EC00];
	v19 =	vmin.f32 v19, v12  }
0x67d: {  	v20 =	vmax.f32 v20, v13;
	v22 =	vmin.f32 v22, v14;
	v23 =	vmax.f32 v23, v15  }
0x67e: {  	v19 =	vsub.f32 v19, v20;
	v20 =	vsub.f32 v22, v23  }
0x67f: {  	v26 =	vmax.f32 v26, $0.0e+00;
	v25 =	vmax.f32 v25, $0.0e+00;
	v21 =	vadd.f32 v21, v16  }
0x680: {  	v22 =	vmul.f32 v25, v26;
	v19 =	vmax.f32 v19, $0.0e+00;
	v20 =	vmax.f32 v20, $0.0e+00  }
0x681: {  	v19 =	vmul.f32 v20, v19;
	v20 =	vadd.f32 v27, v16  }
0x682: {  	v21 =	vsub.f32 v21, v22  }
0x683: {  	v20 =	vsub.f32 v20, v19  }
0x684: {  	v21 =	vmul.f32 $-5.000000000e-01, v21  }
0x685: {  	v17 =	vadd.f32 v24, v17;
	v20 =	vmul.f32 $-5.000000000e-01, v20  }
0x686: {  	v21 =	vadd.f32 v21, v22  }
0x687: {  	v17 =	vmax.f32 v18, v17;
	v18 =	vadd.f32 v20, v19  }
0x688: {  	v17 =	vmax.f32 v17, v21  }
0x689: {  	v17 =	vmax.f32 v17, v18  }
0x68a: {  	(xrf0) =	vmax.scan.msk.f32 $0xffff, v17;
	_ =	sdelay $0x5  }
0x68b: {  	v17, _, _ =	vpop (xrf0)  }
0x68c: {  	(v2sf) =	vpush v17, $0xF;
	_ =	sdelay $0xd  }
0x68d: {  	s11 =	sor.u32 $0xD, s1  }
0x68e: {  	p1 =	slt.s32 s5, $0x12C;
	p2 =	slt.s32 s11, s31;
	s7 =	spop (v2sf)  }
0x68f: {  	p1 =	por !p1, !p2;
	p3 =	sle.f32 s7, $0.0e+00  }
0x690: {  	p1 =	por !p1, !p1  }
0x691: {  	p1 =	por !p1, !p3  }
0x692: {  	vm2 =	vmmov vm0;
	p1 =	por !p1, !p1  }
0x693: {  	vm2 =	vmneg @p1 vm2  }
0x694: {  	vm2 =	vmand vm2, vm1  }
0x695: {  	v17 =	vmov s5;
	_ =	sdelay $0x4  }
0x696: {  	[tilespmem:v17+s22+$0x0] =	vst.idx.msk vm2, v13  }
0x697: {  	[tilespmem:v17+s23+$0x0] =	vst.idx.msk vm2, v15  }
0x698: {  	[tilespmem:v17+s24+$0x0] =	vst.idx.msk vm2, v12  }
0x699: {  	v12 =	vbroadcast v6, $0xD;
	[tilespmem:v17+s25+$0x0] =	vst.idx.msk vm2, v14  }
0x69a: {  	[tilespmem:v17+s26+$0x0] =	vst.idx.msk vm2, v16  }
0x69b: {  	[tilespmem:v17+s28+$0x0] =	vst.idx.msk vm2, v12  }
0x69c: {  	s12 =	simm.s32 $0x0;
	[tilespmem:v17+s29+$0x0] =	vst.idx.msk vm2, v12  }
0x69d: {  	v16 =	vld [tilespmem:s12+$0x1E900]  }
0x69e: {  	v17 =	vld [tilespmem:s12+$0x1E600]  }
0x69f: {  	v18 =	vld [tilespmem:s12+$0x1EA80]  }
0x6a0: {  	v19 =	vld [tilespmem:s12+$0x1E780];
	_ =	sdelay $0x1  }
0x6a1: {  	s13 =	simm.s32 $0x10;
	v13 =	vbroadcast v8, $0xE;
	v12 =	vbroadcast v10, $0xE;
	v20 =	vld [tilespmem:s12+$0x1EC00]  }
0x6a2: {  	v15 =	vbroadcast v7, $0xE;
	v14 =	vbroadcast v9, $0xE;
	v21 =	vld [tilespmem:s13+$0x1E900]  }
0x6a3: {  	v23 =	vld [tilespmem:s13+$0x1E600];
	v16 =	vmin.f32 v16, v12  }
0x6a4: {  	v24 =	vld [tilespmem:s13+$0x1EA80];
	v17 =	vmax.f32 v17, v13;
	v18 =	vmin.f32 v18, v14;
	v19 =	vmax.f32 v19, v15  }
0x6a5: {  	v25 =	vld [tilespmem:s13+$0x1E780];
	v17 =	vsub.f32 v16, v17;
	v18 =	vsub.f32 v18, v19  }
0x6a6: {  	v16 =	vbroadcast v11, $0xE  }
0x6a7: {  	s6 =	simm.s32 $0x20;
	v22 =	vld [tilespmem:s13+$0x1EC00];
	v17 =	vmax.f32 v17, $0.0e+00;
	v18 =	vmax.f32 v18, $0.0e+00  }
0x6a8: {  	v19 =	vld [tilespmem:s6+$0x1E900];
	v26 =	vadd.f32 v20, v16;
	v17 =	vmul.f32 v18, v17  }
0x6a9: {  	v27 =	vmin.f32 v21, v12;
	v24 =	vmin.f32 v24, v14;
	v21 =	vld [tilespmem:s6+$0x1EA80]  }
0x6aa: {  	s7 =	simm.s32 $0x1;
	v25 =	vmax.f32 v25, v15;
	v20 =	vld [tilespmem:s6+$0x1E600];
	v28 =	vsub.f32 v26, v17;
	v26 =	vmax.f32 v23, v13  }
0x6ab: {  	s7 =	simm.s32 @!p1 $0x0;
	v25 =	vsub.f32 v24, v25;
	v23 =	vld [tilespmem:s6+$0x1E780];
	v26 =	vsub.f32 v27, v26  }
0x6ac: {  	s5 =	sadd.s32 s7, s5;
	s7 =	simm.s32 $0xC0;
	v18 =	vimm.f32 $-1.000000000e+00;
	v24 =	vmul.f32 $-5.000000000e-01, v28  }
.LBB2_108:
0x6ad: {  	v27 =	vld [tilespmem:s6+$0x1EC00];
	s6 =	sshra.s32 s7, $0x2;
	v26 =	vmax.f32 v26, $0.0e+00;
	v25 =	vmax.f32 v25, $0.0e+00;
	v28 =	vmov v19;
	p1 =	sne.s32 s7, $0x480  }
.Ltmp77:
0x6ae: {  	v22 =	vadd.f32 v22, v16;
	v19 =	vld [tilespmem:s6+$0x1E900];
	v24 =	vadd.f32 v24, v17;
	v17 =	vmul.f32 v25, v26;
	(pc) =	sbr.rel @p1 .LBB2_108-.Ltmp77, $4  }
0x6af: {  	v25 =	vmin.f32 v28, v12;
	v26 =	vmax.f32 v20, v13;
	v20 =	vld [tilespmem:s6+$0x1E600];
	v28 =	vmin.f32 v21, v14  }
0x6b0: {  	s7 =	sadd.s32 $0x40, s7;
	v21 =	vld [tilespmem:s6+$0x1EA80];
	v29 =	vmax.f32 v23, v15;
	v30 =	vsub.f32 v22, v17;
	v18 =	vmax.f32 v18, v24  }
0x6b1: {  	v26 =	vsub.f32 v25, v26;
	v23 =	vld [tilespmem:s6+$0x1E780];
	v25 =	vsub.f32 v28, v29  }
0x6b2: {  	v24 =	vmul.f32 $-5.000000000e-01, v30;
	v22 =	vmov v27  }
0x6b3: {  	_ =	sdelay $0x1  }
0x6b4: {  	v27 =	vld [tilespmem:s6+$0x1EC00];
	v19 =	vmin.f32 v19, v12  }
0x6b5: {  	v20 =	vmax.f32 v20, v13;
	v21 =	vmin.f32 v21, v14;
	v23 =	vmax.f32 v23, v15  }
0x6b6: {  	v19 =	vsub.f32 v19, v20;
	v20 =	vsub.f32 v21, v23  }
0x6b7: {  	v26 =	vmax.f32 v26, $0.0e+00;
	v25 =	vmax.f32 v25, $0.0e+00;
	v22 =	vadd.f32 v22, v16  }
0x6b8: {  	v21 =	vmul.f32 v25, v26;
	v19 =	vmax.f32 v19, $0.0e+00;
	v20 =	vmax.f32 v20, $0.0e+00  }
0x6b9: {  	v19 =	vmul.f32 v20, v19;
	v20 =	vadd.f32 v27, v16  }
0x6ba: {  	v22 =	vsub.f32 v22, v21  }
0x6bb: {  	v20 =	vsub.f32 v20, v19  }
0x6bc: {  	v22 =	vmul.f32 $-5.000000000e-01, v22  }
0x6bd: {  	v17 =	vadd.f32 v24, v17;
	v20 =	vmul.f32 $-5.000000000e-01, v20  }
0x6be: {  	v21 =	vadd.f32 v22, v21  }
0x6bf: {  	v17 =	vmax.f32 v18, v17;
	v18 =	vadd.f32 v20, v19  }
0x6c0: {  	v17 =	vmax.f32 v17, v21  }
0x6c1: {  	v17 =	vmax.f32 v17, v18  }
0x6c2: {  	(xrf0) =	vmax.scan.msk.f32 $0xffff, v17;
	_ =	sdelay $0x5  }
0x6c3: {  	v17, _, _ =	vpop (xrf0)  }
0x6c4: {  	(v2sf) =	vpush v17, $0xF;
	_ =	sdelay $0xd  }
0x6c5: {  	s11 =	sor.u32 $0xE, s1  }
0x6c6: {  	p1 =	slt.s32 s5, $0x12C;
	p2 =	slt.s32 s11, s31;
	s7 =	spop (v2sf)  }
0x6c7: {  	p1 =	por !p1, !p2;
	p3 =	sle.f32 s7, $0.0e+00  }
0x6c8: {  	p1 =	por !p1, !p1  }
0x6c9: {  	p1 =	por !p1, !p3  }
0x6ca: {  	vm2 =	vmmov vm0;
	p1 =	por !p1, !p1  }
0x6cb: {  	vm2 =	vmneg @p1 vm2  }
0x6cc: {  	vm2 =	vmand vm2, vm1  }
0x6cd: {  	v17 =	vmov s5;
	_ =	sdelay $0x4  }
0x6ce: {  	[tilespmem:v17+s22+$0x0] =	vst.idx.msk vm2, v13  }
0x6cf: {  	[tilespmem:v17+s23+$0x0] =	vst.idx.msk vm2, v15  }
0x6d0: {  	[tilespmem:v17+s24+$0x0] =	vst.idx.msk vm2, v12  }
0x6d1: {  	v12 =	vbroadcast v6, $0xE;
	[tilespmem:v17+s25+$0x0] =	vst.idx.msk vm2, v14  }
0x6d2: {  	[tilespmem:v17+s26+$0x0] =	vst.idx.msk vm2, v16  }
0x6d3: {  	[tilespmem:v17+s28+$0x0] =	vst.idx.msk vm2, v12  }
0x6d4: {  	s12 =	simm.s32 $0x0;
	[tilespmem:v17+s29+$0x0] =	vst.idx.msk vm2, v12  }
0x6d5: {  	v13 =	vld [tilespmem:s12+$0x1E900]  }
0x6d6: {  	v14 =	vld [tilespmem:s12+$0x1E600]  }
0x6d7: {  	v15 =	vld [tilespmem:s12+$0x1EA80]  }
0x6d8: {  	v16 =	vld [tilespmem:s12+$0x1E780];
	_ =	sdelay $0x1  }
0x6d9: {  	s13 =	simm.s32 $0x10;
	v12 =	vbroadcast v8, $0xF;
	v8 =	vbroadcast v10, $0xF;
	v18 =	vld [tilespmem:s12+$0x1EC00]  }
0x6da: {  	v10 =	vbroadcast v7, $0xF;
	v7 =	vbroadcast v9, $0xF;
	v19 =	vld [tilespmem:s13+$0x1E900]  }
0x6db: {  	v20 =	vld [tilespmem:s13+$0x1E600];
	v9 =	vmin.f32 v13, v8  }
0x6dc: {  	v21 =	vld [tilespmem:s13+$0x1E780];
	v13 =	vmax.f32 v14, v12;
	v14 =	vmin.f32 v15, v7;
	v15 =	vmax.f32 v16, v10  }
0x6dd: {  	v16 =	vld [tilespmem:s13+$0x1EA80];
	v13 =	vsub.f32 v9, v13;
	v14 =	vsub.f32 v14, v15  }
0x6de: {  	v9 =	vbroadcast v11, $0xF  }
0x6df: {  	s6 =	simm.s32 $0x20;
	v17 =	vld [tilespmem:s13+$0x1EC00];
	v11 =	vmax.f32 v13, $0.0e+00;
	v13 =	vmax.f32 v14, $0.0e+00  }
0x6e0: {  	v18 =	vadd.f32 v18, v9;
	v14 =	vld [tilespmem:s6+$0x1E900];
	v11 =	vmul.f32 v13, v11  }
0x6e1: {  	v19 =	vmin.f32 v19, v8;
	v20 =	vmax.f32 v20, v12;
	v15 =	vld [tilespmem:s6+$0x1E600]  }
0x6e2: {  	s7 =	simm.s32 $0x1;
	v63 =	vmax.f32 v21, v10;
	v23 =	vmin.f32 v16, v7;
	v16 =	vld [tilespmem:s6+$0x1EA80];
	v22 =	vsub.f32 v18, v11  }
0x6e3: {  	s7 =	simm.s32 @!p1 $0x0;
	v21 =	vsub.f32 v19, v20;
	v18 =	vld [tilespmem:s6+$0x1E780];
	v20 =	vsub.f32 v23, v63  }
0x6e4: {  	s5 =	sadd.s32 s7, s5;
	s7 =	simm.s32 $0xC0;
	v13 =	vimm.f32 $-1.000000000e+00;
	v19 =	vmul.f32 $-5.000000000e-01, v22  }
.LBB2_110:
0x6e5: {  	v22 =	vld [tilespmem:s6+$0x1EC00];
	s6 =	sshra.s32 s7, $0x2;
	v21 =	vmax.f32 v21, $0.0e+00;
	v20 =	vmax.f32 v20, $0.0e+00;
	v23 =	vmov v14;
	p1 =	sne.s32 s7, $0x480  }
.Ltmp78:
0x6e6: {  	v17 =	vadd.f32 v17, v9;
	v14 =	vld [tilespmem:s6+$0x1E900];
	v19 =	vadd.f32 v19, v11;
	v11 =	vmul.f32 v20, v21;
	(pc) =	sbr.rel @p1 .LBB2_110-.Ltmp78, $4  }
0x6e7: {  	v20 =	vmin.f32 v23, v8;
	v21 =	vmax.f32 v15, v12;
	v15 =	vld [tilespmem:s6+$0x1E600];
	v23 =	vmin.f32 v16, v7  }
0x6e8: {  	s7 =	sadd.s32 $0x40, s7;
	v16 =	vld [tilespmem:s6+$0x1EA80];
	v24 =	vmax.f32 v18, v10;
	v25 =	vsub.f32 v17, v11;
	v13 =	vmax.f32 v13, v19  }
0x6e9: {  	v21 =	vsub.f32 v20, v21;
	v18 =	vld [tilespmem:s6+$0x1E780];
	v20 =	vsub.f32 v23, v24  }
0x6ea: {  	v19 =	vmul.f32 $-5.000000000e-01, v25;
	v17 =	vmov v22  }
0x6eb: {  	_ =	sdelay $0x1  }
0x6ec: {  	v22 =	vld [tilespmem:s6+$0x1EC00];
	v14 =	vmin.f32 v14, v8  }
0x6ed: {  	v15 =	vmax.f32 v15, v12;
	v16 =	vmin.f32 v16, v7;
	v18 =	vmax.f32 v18, v10  }
0x6ee: {  	v14 =	vsub.f32 v14, v15;
	v59 =	vsub.f32 v16, v18  }
0x6ef: {  	v21 =	vmax.f32 v21, $0.0e+00;
	v20 =	vmax.f32 v20, $0.0e+00;
	v17 =	vadd.f32 v17, v9  }
0x6f0: {  	v60 =	vmul.f32 v20, v21;
	v14 =	vmax.f32 v14, $0.0e+00;
	v15 =	vmax.f32 v59, $0.0e+00  }
0x6f1: {  	v61 =	vadd.f32 v22, v9;
	v14 =	vmul.f32 v15, v14  }
0x6f2: {  	v17 =	vsub.f32 v17, v60  }
0x6f3: {  	v15 =	vsub.f32 v61, v14  }
0x6f4: {  	v17 =	vmul.f32 $-5.000000000e-01, v17  }
0x6f5: {  	v11 =	vadd.f32 v19, v11;
	v15 =	vmul.f32 $-5.000000000e-01, v15  }
0x6f6: {  	v16 =	vadd.f32 v17, v60  }
0x6f7: {  	v11 =	vmax.f32 v13, v11;
	v62 =	vadd.f32 v15, v14  }
0x6f8: {  	v11 =	vmax.f32 v11, v16  }
0x6f9: {  	v11 =	vmax.f32 v11, v62  }
0x6fa: {  	(xrf0) =	vmax.scan.msk.f32 $0xffff, v11;
	_ =	sdelay $0x5  }
0x6fb: {  	v11, _, _ =	vpop (xrf0)  }
0x6fc: {  	(v2sf) =	vpush v11, $0xF;
	_ =	sdelay $0xd  }
0x6fd: {  	s1 =	sor.u32 $0xF, s1  }
0x6fe: {  	p1 =	slt.s32 s5, $0x12C;
	p2 =	slt.s32 s1, s31;
	s13 =	spop (v2sf)  }
0x6ff: {  	p1 =	por !p1, !p2;
	p3 =	sle.f32 s13, $0.0e+00  }
0x700: {  	p1 =	por !p1, !p1  }
0x701: {  	p1 =	por !p1, !p3  }
0x702: {  	vm2 =	vmmov vm0;
	p1 =	por !p1, !p1  }
0x703: {  	vm2 =	vmneg @p1 vm2  }
0x704: {  	vm2 =	vmand vm2, vm1  }
0x705: {  	v63 =	vmov s5;
	_ =	sdelay $0x4  }
0x706: {  	[tilespmem:v63+s22+$0x0] =	vst.idx.msk vm2, v12  }
0x707: {  	[tilespmem:v63+s23+$0x0] =	vst.idx.msk vm2, v10  }
.Ltmp79:
0x708: {  	[tilespmem:v63+s24+$0x0] =	vst.idx.msk vm2, v8;
	(pc) =	sbr.rel .LBB2_112-.Ltmp79, $4  }
0x709: {  	v6 =	vbroadcast v6, $0xF;
	s1 =	simm.s32 $0x1;
	[tilespmem:v63+s25+$0x0] =	vst.idx.msk vm2, v7  }
0x70a: {  	s1 =	simm.s32 @!p1 $0x0;
	[tilespmem:v63+s26+$0x0] =	vst.idx.msk vm2, v9  }
0x70b: {  	s5 =	sadd.s32 s1, s5;
	[tilespmem:v63+s28+$0x0] =	vst.idx.msk vm2, v6  }
0x70c: {  	[smem:$0x0] =	sst s5;
	[tilespmem:v63+s29+$0x0] =	vst.idx.msk vm2, v6  }
.LBB2_115:
0x70d: {  	_ =	sfence.sel $0x180000  }
0x70e: {  	[bflag:$0x0] =	sbarrier.arrive $0xFFFF  }
0x70f: {  	_ =	strace $0x90000047  }
0x710: {  	s0 =	stileid.u32;
	[bflag:$0x2] =	sbarrier.arrive $0xFFFF  }
0x711: {  	p0 =	sne.s32 s0, $0x0;
	s0 =	rddreg [dreg:$0x7]  }
0x712: {  	s0 =	sadd.s32 @!p0 $0x100000, s0  }
0x713: {  	[sflag:s0] =	ssyncadd.tile.s32 @!p0 $0x1;
	_ =	shalt  }
.Lfunc_end2:
_tile_overlayer_lowered:
.L_overlay_start_2:
0x714: {  	(tag) =	ssettag $0x2  }
0x715: {  	s0 =	rddreg [dreg:$0x0];
	s2 =	stileid.u32  }
0x716: {  	s1 =	rddreg [dreg:$0x1];
	p0 =	sne.s32 s2, $0x0  }
0x717: {  	s3 =	rddreg [dreg:$0x2];
	[bflag:$0x3] =	sbarrier.arrive $0xFFFF;
	s2 =	simm.s32 @!p0 $0x1C01  }
0x718: {  	[timem:s3], [sflag:s2] =	dma.local @!p0 [hbm:s0], s1  }
0x719: {  	s0 =	simm.s32 @!p0 $0x1  }
0x71a: {  	_ =	swait.ge @!p0 [sflag:s0], s1  }
0x71b: {  	s1 =	ssub.s32 @!p0 $0x0, s1;
	[sflag:s0] =	ssyncset.done @!p0 $0x0  }
0x71c: {  	[sflag:s0] =	ssyncadd.s32 @!p0 s1  }
0x71d: {  	[bflag:$0x3] =	sbarrier.arrive $0xFFFF  }
0x71e: {  	_ =	shalt  }

</sc_bundles>
